<compile_context>
chip_gen: v7x
topology: tpu7x:2x2x1
jax: 0.10.2.dev20260603
libtpu: 0.0.44.dev20260713+nightly
codegen_flags: <defaults>
</compile_context>

<pallas_src>
import functools

import jax
import jax.numpy as jnp
from jax import lax
from jax.experimental import pallas as pl
from jax.experimental.pallas import tpu as pltpu
from jax.experimental.pallas import tpu_sc as plsc

VOCAB = 1000
HIDDEN = 128
B = 16384
L = 200

_NC = 2
_NS = 16
_NW = _NC * _NS
_R = B // _NW
_NCHUNK = 4
_CC = _R // _NCHUNK
_VPAD = 1024


def _prep_body(wf_ref, win_t_ref, wc1_t_ref, wc2_ref, u_ref, vw_ref):
    wf_text = wf_ref[0:1, 0:HIDDEN]
    u = lax.dot_general(wf_text, win_t_ref[...],
                        (((1,), (1,)), ((), ())),
                        preferred_element_type=jnp.float32,
                        precision=lax.Precision.HIGHEST)
    u = jnp.concatenate([u, jnp.zeros((1, _VPAD - VOCAB), jnp.float32)],
                        axis=1)
    col = lax.broadcasted_iota(jnp.int32, (1, _VPAD), 1)
    u_ref[...] = jnp.where(col == 1, 0.0, u)
    v = lax.dot_general(wc2_ref[...], wc1_t_ref[...],
                        (((1,), (1,)), ((), ())),
                        preferred_element_type=jnp.float32,
                        precision=lax.Precision.HIGHEST)
    v = jnp.concatenate([v, jnp.zeros((1, HIDDEN - 10), jnp.float32)],
                        axis=1)
    colv = lax.broadcasted_iota(jnp.int32, (1, HIDDEN), 1)
    vm = jnp.where(colv == 1, 0.0, v)
    w2 = vm * wf_ref[0:1, HIDDEN:HIDDEN + 1]
    vw_ref[...] = jnp.concatenate([vm, w2], axis=0)


_prep = pl.pallas_call(
    _prep_body,
    out_shape=(
        jax.ShapeDtypeStruct((1, _VPAD), jnp.float32),
        jax.ShapeDtypeStruct((2, HIDDEN), jnp.float32),
    ),
)


def _sc_main_body(ids_hbm, cat_hbm, y_hbm, u_hbm, vw_hbm,
                  conf_hbm, fin_hbm, loss_hbm,
                  ids_a, ids_b, u_v, vw_v, cat_v, y_v, t_v, conf_v, fin_v,
                  loss_v, sem_a, sem_b):
    wid = lax.axis_index("s") * _NC + lax.axis_index("c")
    base = wid * _R

    bufs = [(ids_a, sem_a), (ids_b, sem_b)]
    copies = [None] * _NCHUNK
    copies[0] = pltpu.async_copy(ids_hbm.at[:, pl.ds(base, _CC)], ids_a, sem_a)
    pltpu.sync_copy(u_hbm, u_v)
    pltpu.sync_copy(vw_hbm, vw_v)
    pltpu.sync_copy(cat_hbm.at[pl.ds(base, _R)], cat_v)
    pltpu.sync_copy(y_hbm.at[pl.ds(base, _R)], y_v)

    zero16 = jnp.zeros((16,), jnp.float32)

    for chunk in range(_NCHUNK):
        ids_v, _ = bufs[chunk % 2]
        copies[chunk].wait()
        if chunk + 1 < _NCHUNK:
            nbuf, nsem = bufs[(chunk + 1) % 2]
            copies[chunk + 1] = pltpu.async_copy(
                ids_hbm.at[:, pl.ds(base + (chunk + 1) * _CC, _CC)],
                nbuf, nsem)

        for g in range(_CC // 16):
            col0 = g * 16

            def tok_body(t, accs, ids_v=ids_v, col0=col0):
                t4 = t * 4
                g0 = plsc.load_gather(u_v, [ids_v[t4, pl.ds(col0, 16)]])
                g1 = plsc.load_gather(u_v, [ids_v[t4 + 1, pl.ds(col0, 16)]])
                g2 = plsc.load_gather(u_v, [ids_v[t4 + 2, pl.ds(col0, 16)]])
                g3 = plsc.load_gather(u_v, [ids_v[t4 + 3, pl.ds(col0, 16)]])
                return (accs[0] + g0, accs[1] + g1,
                        accs[2] + g2, accs[3] + g3)

            a = lax.fori_loop(0, L // 4, tok_body,
                              (zero16, zero16, zero16, zero16), unroll=2)
            t_v[pl.ds(chunk * _CC + col0, 16)] = (a[0] + a[1]) + (a[2] + a[3])

    def ep_body(g, carry):
        lc, lf = carry
        t16 = t_v[pl.ds(g * 16, 16)]
        c16 = cat_v[pl.ds(g * 16, 16)]
        y16 = y_v[pl.ds(g * 16, 16)]
        cpv = plsc.load_gather(vw_v, [c16])
        w2v = plsc.load_gather(vw_v, [c16 + HIDDEN])
        fpv = t16 + w2v
        conf_v[pl.ds(g * 16, 16)] = cpv
        fin_v[pl.ds(g * 16, 16)] = fpv
        dc = cpv - y16
        df = fpv - y16
        return (lc + dc * dc, lf + df * df)

    lc, lf = lax.fori_loop(0, _R // 16, ep_body, (zero16, zero16),
                           unroll=False)
    loss_v[pl.ds(0, 16)] = lc
    loss_v[pl.ds(16, 16)] = lf

    pltpu.sync_copy(conf_v, conf_hbm.at[pl.ds(base, _R)])
    pltpu.sync_copy(fin_v, fin_hbm.at[pl.ds(base, _R)])
    pltpu.sync_copy(loss_v, loss_hbm.at[pl.ds(wid * 32, 32)])


@functools.cache
def _get_sc_main():
    mesh = plsc.VectorSubcoreMesh(core_axis_name="c", subcore_axis_name="s",
                                  num_cores=_NC, num_subcores=_NS)
    return pl.kernel(
        _sc_main_body,
        mesh=mesh,
        compiler_params=pltpu.CompilerParams(needs_layout_passes=False),
        out_type=(
            jax.ShapeDtypeStruct((B,), jnp.float32),
            jax.ShapeDtypeStruct((B,), jnp.float32),
            jax.ShapeDtypeStruct((_NW * 32,), jnp.float32),
        ),
        scratch_types=[
            pltpu.VMEM((L, _CC), jnp.int32),
            pltpu.VMEM((L, _CC), jnp.int32),
            pltpu.VMEM((_VPAD,), jnp.float32),
            pltpu.VMEM((2 * HIDDEN,), jnp.float32),
            pltpu.VMEM((_R,), jnp.int32),
            pltpu.VMEM((_R,), jnp.float32),
            pltpu.VMEM((_R,), jnp.float32),
            pltpu.VMEM((_R,), jnp.float32),
            pltpu.VMEM((_R,), jnp.float32),
            pltpu.VMEM((32,), jnp.float32),
            pltpu.SemaphoreType.DMA,
            pltpu.SemaphoreType.DMA,
        ],
    )


def kernel(input, confound_cat, outcome_y, W_in, Wc1, Wc2, Wf):
    u2d, vw2d = _prep(Wf, W_in.T, Wc1.T, Wc2)
    u_flat = u2d.reshape(_VPAD)
    vw_flat = vw2d.reshape(2 * HIDDEN)

    conf, fin, loss = _get_sc_main()(input.T, confound_cat, outcome_y,
                                     u_flat, vw_flat)

    confound_pred = conf[:, None]
    final_pred = fin[:, None]
    loss2 = loss.reshape(_NW, 32)
    confound_loss = jnp.sum(loss2[:, :16]) / B
    final_loss = jnp.sum(loss2[:, 16:]) / B
    return (confound_pred, confound_loss, final_pred, final_loss)

# --- scband reference (transcript-rebuilt; emitter-appended) ---
"""Pipeline reference for scband-directed-residualization-9723805958669 (READ-ONLY COPY).

The authoritative reference and input builder live on the scoring server;
editing this copy changes nothing except your own understanding.
"""

import jax, jax.numpy as jnp
import numpy as np

VOCAB = 1000
CONF_VOCAB = 10
HIDDEN = 128
B = 16384
L = 200

def _make_bow(ids, vocab_size, use_counts):
    ids2 = ids if ids.ndim == 2 else ids[:, None]
    n = ids2.shape[0]
    rows = jnp.arange(n)[:, None]
    vec = jnp.zeros((n, vocab_size), jnp.float32).at[rows, ids2].add(1.0)
    vec = vec.at[:, 1].set(0.0)
    if not use_counts:
        vec = (vec != 0).astype(jnp.float32)
    return vec

def setup_inputs(seed: int = 0):
    key = jax.random.key(seed)
    k1, k2, k3, k4, k5, k6, k7 = jax.random.split(key, 7)
    inp = jax.random.randint(k1, (B, L), 0, VOCAB)
    confound_cat = jax.random.randint(k2, (B,), 0, CONF_VOCAB)
    outcome_y = jax.random.normal(k3, (B,), jnp.float32)
    W_in = jax.random.normal(k4, (HIDDEN, VOCAB), jnp.float32) / np.sqrt(VOCAB)
    Wc1 = jax.random.normal(k5, (HIDDEN, CONF_VOCAB), jnp.float32) / np.sqrt(CONF_VOCAB)
    Wc2 = jax.random.normal(k6, (1, HIDDEN), jnp.float32) / np.sqrt(HIDDEN)
    Wf = jax.random.normal(k7, (1, HIDDEN + 1), jnp.float32) / np.sqrt(HIDDEN + 1)
    return {"input": inp, "confound_cat": confound_cat, "outcome_y": outcome_y,
            "W_in": W_in, "Wc1": Wc1, "Wc2": Wc2, "Wf": Wf}

def reference(input, confound_cat, outcome_y, W_in, Wc1, Wc2, Wf):
    # text BOW encoding: scatter-add counts into [B, VOCAB], column 1 zeroed (use_counts=True)
    text_bow = _make_bow(input, VOCAB, True)
    text_encoded = text_bow @ W_in.T
    # confound input: binary BOW of categorical confound (glue_dense_vectors path)
    conf_in = _make_bow(confound_cat, CONF_VOCAB, False)
    # confound predictor head: 2 bias-free linear layers (no nonlinearity, faithful to source)
    confound_pred = (conf_in @ Wc1.T) @ Wc2.T
    confound_loss = jnp.mean((confound_pred[:, 0] - outcome_y) ** 2)
    # final predictor: text encoding concat confound prediction -> 1 linear layer
    final_input = jnp.concatenate([text_encoded, confound_pred], axis=-1)
    final_pred = final_input @ Wf.T
    final_loss = jnp.mean((final_pred[:, 0] - outcome_y) ** 2)
    return (confound_pred, confound_loss, final_pred, final_loss)

if __name__ == "__main__":
    import jax
    _d = setup_inputs()
    print(jax.jit(kernel)(*tuple(_d.values())))

</pallas_src>

<mosaic_0001>
#map = affine_map<(d0, d1) -> (0, 0)>
#map1 = affine_map<(d0, d1) -> (0)>
module attributes {stable_mosaic.version = 14 : i64} {
  func.func @_sc_main_body(%arg0: i32, %arg1: i32, %arg2: memref<200x16384xi32, #tpu.memory_space<hbm>>, %arg3: memref<16384xi32, #tpu.memory_space<hbm>>, %arg4: memref<16384xf32, #tpu.memory_space<hbm>>, %arg5: memref<1024xf32, #tpu.memory_space<hbm>>, %arg6: memref<256xf32, #tpu.memory_space<hbm>>, %arg7: memref<16384xf32, #tpu.memory_space<hbm>>, %arg8: memref<16384xf32, #tpu.memory_space<hbm>>, %arg9: memref<1024xf32, #tpu.memory_space<hbm>>, %arg10: memref<200x128xi32, #tpu.memory_space<vmem>>, %arg11: memref<200x128xi32, #tpu.memory_space<vmem>>, %arg12: memref<1024xf32, #tpu.memory_space<vmem>>, %arg13: memref<256xf32, #tpu.memory_space<vmem>>, %arg14: memref<512xi32, #tpu.memory_space<vmem>>, %arg15: memref<512xf32, #tpu.memory_space<vmem>>, %arg16: memref<512xf32, #tpu.memory_space<vmem>>, %arg17: memref<512xf32, #tpu.memory_space<vmem>>, %arg18: memref<512xf32, #tpu.memory_space<vmem>>, %arg19: memref<32xf32, #tpu.memory_space<vmem>>, %arg20: memref<!tpu.dma_semaphore, #tpu.memory_space<semaphore_mem>>, %arg21: memref<!tpu.dma_semaphore, #tpu.memory_space<semaphore_mem>>) attributes {dimension_semantics = [#tpu.dimension_semantics<core_parallel>, #tpu.dimension_semantics<subcore_parallel>], iteration_bounds = array<i64: 2, 16>, scalar_prefetch = 0 : i64, scratch_operands = 12 : i64, tpu.core_type = #tpu.core_type<sc_vector_subcore>, window_params = [{transform_indices = #map}, {transform_indices = #map1}, {transform_indices = #map1}, {transform_indices = #map1}, {transform_indices = #map1}, {transform_indices = #map1}, {transform_indices = #map1}, {transform_indices = #map1}]} {
    %mul3A = arith.constant 2 : i32
    %mul3A_0 = arith.muli %arg1, %mul3A : i32
    %add3A = arith.addi %mul3A_0, %arg0 : i32
    %mul3A_1 = arith.constant 512 : i32
    %mul3A_2 = arith.muli %add3A, %mul3A_1 : i32
    %dma_start3A = arith.constant 0 : i32
    %dma_start3A_3 = tpu.memref_slice %arg2[%dma_start3A, %mul3A_2] : memref<200x16384xi32, #tpu.memory_space<hbm>> -> memref<200x128xi32, #tpu.memory_space<hbm>>
    %dma_start3A_4 = arith.constant 0 : i32
    %dma_start3A_5 = tpu.memref_slice %arg2[%dma_start3A_4, %mul3A_2] : memref<200x16384xi32, #tpu.memory_space<hbm>> -> memref<200x128xi32, #tpu.memory_space<hbm>>
    tpu.enqueue_dma source(%dma_start3A_5 : memref<200x128xi32, #tpu.memory_space<hbm>>) target(%arg10 : memref<200x128xi32, #tpu.memory_space<vmem>>) target_semaphore(%arg20 : memref<!tpu.dma_semaphore, #tpu.memory_space<semaphore_mem>>)
    "tpu.region"() ({
      %run_scoped3A = tpu.sem_alloc : memref<!tpu.dma_semaphore, #tpu.memory_space<semaphore_mem>>
      tpu.enqueue_dma source(%arg5 : memref<1024xf32, #tpu.memory_space<hbm>>) target(%arg12 : memref<1024xf32, #tpu.memory_space<vmem>>) target_semaphore(%run_scoped3A : memref<!tpu.dma_semaphore, #tpu.memory_space<semaphore_mem>>)
      tpu.wait_dma2 semaphore(%run_scoped3A : memref<!tpu.dma_semaphore, #tpu.memory_space<semaphore_mem>>) src(%arg5 : memref<1024xf32, #tpu.memory_space<hbm>>) dst(%arg12 : memref<1024xf32, #tpu.memory_space<vmem>>)
      tpu.yield
    }) : () -> ()
    "tpu.region"() ({
      %run_scoped3A = tpu.sem_alloc : memref<!tpu.dma_semaphore, #tpu.memory_space<semaphore_mem>>
      tpu.enqueue_dma source(%arg6 : memref<256xf32, #tpu.memory_space<hbm>>) target(%arg13 : memref<256xf32, #tpu.memory_space<vmem>>) target_semaphore(%run_scoped3A : memref<!tpu.dma_semaphore, #tpu.memory_space<semaphore_mem>>)
      tpu.wait_dma2 semaphore(%run_scoped3A : memref<!tpu.dma_semaphore, #tpu.memory_space<semaphore_mem>>) src(%arg6 : memref<256xf32, #tpu.memory_space<hbm>>) dst(%arg13 : memref<256xf32, #tpu.memory_space<vmem>>)
      tpu.yield
    }) : () -> ()
    "tpu.region"() ({
      %run_scoped3A = tpu.sem_alloc : memref<!tpu.dma_semaphore, #tpu.memory_space<semaphore_mem>>
      %dma_start3A_402 = tpu.memref_slice %arg3[%mul3A_2] : memref<16384xi32, #tpu.memory_space<hbm>> -> memref<512xi32, #tpu.memory_space<hbm>>
      %dma_start3A_403 = tpu.memref_slice %arg3[%mul3A_2] : memref<16384xi32, #tpu.memory_space<hbm>> -> memref<512xi32, #tpu.memory_space<hbm>>
      tpu.enqueue_dma source(%dma_start3A_403 : memref<512xi32, #tpu.memory_space<hbm>>) target(%arg14 : memref<512xi32, #tpu.memory_space<vmem>>) target_semaphore(%run_scoped3A : memref<!tpu.dma_semaphore, #tpu.memory_space<semaphore_mem>>)
      %dma_wait3A_404 = tpu.memref_slice %arg3[%mul3A_2] : memref<16384xi32, #tpu.memory_space<hbm>> -> memref<512xi32, #tpu.memory_space<hbm>>
      %dma_wait3A_405 = tpu.memref_slice %arg3[%mul3A_2] : memref<16384xi32, #tpu.memory_space<hbm>> -> memref<512xi32, #tpu.memory_space<hbm>>
      tpu.wait_dma2 semaphore(%run_scoped3A : memref<!tpu.dma_semaphore, #tpu.memory_space<semaphore_mem>>) src(%dma_wait3A_405 : memref<512xi32, #tpu.memory_space<hbm>>) dst(%arg14 : memref<512xi32, #tpu.memory_space<vmem>>)
      tpu.yield
    }) : () -> ()
    "tpu.region"() ({
      %run_scoped3A = tpu.sem_alloc : memref<!tpu.dma_semaphore, #tpu.memory_space<semaphore_mem>>
      %dma_start3A_402 = tpu.memref_slice %arg4[%mul3A_2] : memref<16384xf32, #tpu.memory_space<hbm>> -> memref<512xf32, #tpu.memory_space<hbm>>
      %dma_start3A_403 = tpu.memref_slice %arg4[%mul3A_2] : memref<16384xf32, #tpu.memory_space<hbm>> -> memref<512xf32, #tpu.memory_space<hbm>>
      tpu.enqueue_dma source(%dma_start3A_403 : memref<512xf32, #tpu.memory_space<hbm>>) target(%arg15 : memref<512xf32, #tpu.memory_space<vmem>>) target_semaphore(%run_scoped3A : memref<!tpu.dma_semaphore, #tpu.memory_space<semaphore_mem>>)
      %dma_wait3A_404 = tpu.memref_slice %arg4[%mul3A_2] : memref<16384xf32, #tpu.memory_space<hbm>> -> memref<512xf32, #tpu.memory_space<hbm>>
      %dma_wait3A_405 = tpu.memref_slice %arg4[%mul3A_2] : memref<16384xf32, #tpu.memory_space<hbm>> -> memref<512xf32, #tpu.memory_space<hbm>>
      tpu.wait_dma2 semaphore(%run_scoped3A : memref<!tpu.dma_semaphore, #tpu.memory_space<semaphore_mem>>) src(%dma_wait3A_405 : memref<512xf32, #tpu.memory_space<hbm>>) dst(%arg15 : memref<512xf32, #tpu.memory_space<vmem>>)
      tpu.yield
    }) : () -> ()
    %broadcast_in_dim3A = arith.constant 0.000000e+00 : f32
    %broadcast_in_dim3A_6 = vector.broadcast %broadcast_in_dim3A : f32 to vector<16xf32>
    %dma_wait3A = arith.constant 0 : i32
    %dma_wait3A_7 = tpu.memref_slice %arg2[%dma_wait3A, %mul3A_2] : memref<200x16384xi32, #tpu.memory_space<hbm>> -> memref<200x128xi32, #tpu.memory_space<hbm>>
    %dma_wait3A_8 = arith.constant 0 : i32
    %dma_wait3A_9 = tpu.memref_slice %arg2[%dma_wait3A_8, %mul3A_2] : memref<200x16384xi32, #tpu.memory_space<hbm>> -> memref<200x128xi32, #tpu.memory_space<hbm>>
    tpu.wait_dma2 semaphore(%arg20 : memref<!tpu.dma_semaphore, #tpu.memory_space<semaphore_mem>>) src(%dma_wait3A_9 : memref<200x128xi32, #tpu.memory_space<hbm>>) dst(%arg10 : memref<200x128xi32, #tpu.memory_space<vmem>>)
    %add3A_10 = arith.constant 128 : i32
    %add3A_11 = arith.addi %mul3A_2, %add3A_10 : i32
    %dma_start3A_12 = arith.constant 0 : i32
    %dma_start3A_13 = tpu.memref_slice %arg2[%dma_start3A_12, %add3A_11] : memref<200x16384xi32, #tpu.memory_space<hbm>> -> memref<200x128xi32, #tpu.memory_space<hbm>>
    %dma_start3A_14 = arith.constant 0 : i32
    %dma_start3A_15 = tpu.memref_slice %arg2[%dma_start3A_14, %add3A_11] : memref<200x16384xi32, #tpu.memory_space<hbm>> -> memref<200x128xi32, #tpu.memory_space<hbm>>
    tpu.enqueue_dma source(%dma_start3A_15 : memref<200x128xi32, #tpu.memory_space<hbm>>) target(%arg11 : memref<200x128xi32, #tpu.memory_space<vmem>>) target_semaphore(%arg21 : memref<!tpu.dma_semaphore, #tpu.memory_space<semaphore_mem>>)
    %scan3A = arith.constant 0 : i32
    %scan3A_16 = arith.constant 50 : i32
    %scan3A_17 = arith.addi %scan3A, %scan3A_16 : i32
    %scan3A_18 = arith.constant 2 : i32
    %scan3A_19:4 = scf.for %scan3A_402 = %scan3A to %scan3A_17 step %scan3A_18 iter_args(%scan3A_403 = %broadcast_in_dim3A_6, %scan3A_404 = %broadcast_in_dim3A_6, %scan3A_405 = %broadcast_in_dim3A_6, %scan3A_406 = %broadcast_in_dim3A_6) -> (vector<16xf32>, vector<16xf32>, vector<16xf32>, vector<16xf32>)  : i32 {
      %mul3A_407 = arith.constant 4 : i32
      %mul3A_408 = arith.muli %scan3A_402, %mul3A_407 : i32
      %get3A = arith.index_cast %mul3A_408 : i32 to index
      %get3A_409 = arith.constant 0 : index
      %get3A_410 = tpu.vector_load %arg10[%get3A, %get3A_409] {strides = array<i32>} : memref<200x128xi32, #tpu.memory_space<vmem>>, vector<16xi32>,
      %gather3A = tpu.vector_load_idx %arg12[%get3A_410] : memref<1024xf32, #tpu.memory_space<vmem>>[vector<16xi32>], vector<16xf32>,
      %add3A_411 = arith.constant 1 : i32
      %add3A_412 = arith.addi %mul3A_408, %add3A_411 : i32
      %get3A_413 = arith.index_cast %add3A_412 : i32 to index
      %get3A_414 = arith.constant 0 : index
      %get3A_415 = tpu.vector_load %arg10[%get3A_413, %get3A_414] {strides = array<i32>} : memref<200x128xi32, #tpu.memory_space<vmem>>, vector<16xi32>,
      %gather3A_416 = tpu.vector_load_idx %arg12[%get3A_415] : memref<1024xf32, #tpu.memory_space<vmem>>[vector<16xi32>], vector<16xf32>,
      %add3A_417 = arith.constant 2 : i32
      %add3A_418 = arith.addi %mul3A_408, %add3A_417 : i32
      %get3A_419 = arith.index_cast %add3A_418 : i32 to index
      %get3A_420 = arith.constant 0 : index
      %get3A_421 = tpu.vector_load %arg10[%get3A_419, %get3A_420] {strides = array<i32>} : memref<200x128xi32, #tpu.memory_space<vmem>>, vector<16xi32>,
      %gather3A_422 = tpu.vector_load_idx %arg12[%get3A_421] : memref<1024xf32, #tpu.memory_space<vmem>>[vector<16xi32>], vector<16xf32>,
      %add3A_423 = arith.constant 3 : i32
      %add3A_424 = arith.addi %mul3A_408, %add3A_423 : i32
      %get3A_425 = arith.index_cast %add3A_424 : i32 to index
      %get3A_426 = arith.constant 0 : index
      %get3A_427 = tpu.vector_load %arg10[%get3A_425, %get3A_426] {strides = array<i32>} : memref<200x128xi32, #tpu.memory_space<vmem>>, vector<16xi32>,
      %gather3A_428 = tpu.vector_load_idx %arg12[%get3A_427] : memref<1024xf32, #tpu.memory_space<vmem>>[vector<16xi32>], vector<16xf32>,
      %add3A_429 = arith.addf %scan3A_403, %gather3A : vector<16xf32>
      %add3A_430 = arith.addf %scan3A_404, %gather3A_416 : vector<16xf32>
      %add3A_431 = arith.addf %scan3A_405, %gather3A_422 : vector<16xf32>
      %add3A_432 = arith.addf %scan3A_406, %gather3A_428 : vector<16xf32>
      %scan3A_433 = arith.constant 1 : i32
      %scan3A_434 = arith.addi %scan3A_402, %scan3A_433 : i32
      %mul3A_435 = arith.constant 4 : i32
      %mul3A_436 = arith.muli %scan3A_434, %mul3A_435 : i32
      %get3A_437 = arith.index_cast %mul3A_436 : i32 to index
      %get3A_438 = arith.constant 0 : index
      %get3A_439 = tpu.vector_load %arg10[%get3A_437, %get3A_438] {strides = array<i32>} : memref<200x128xi32, #tpu.memory_space<vmem>>, vector<16xi32>,
      %gather3A_440 = tpu.vector_load_idx %arg12[%get3A_439] : memref<1024xf32, #tpu.memory_space<vmem>>[vector<16xi32>], vector<16xf32>,
      %add3A_441 = arith.constant 1 : i32
      %add3A_442 = arith.addi %mul3A_436, %add3A_441 : i32
      %get3A_443 = arith.index_cast %add3A_442 : i32 to index
      %get3A_444 = arith.constant 0 : index
      %get3A_445 = tpu.vector_load %arg10[%get3A_443, %get3A_444] {strides = array<i32>} : memref<200x128xi32, #tpu.memory_space<vmem>>, vector<16xi32>,
      %gather3A_446 = tpu.vector_load_idx %arg12[%get3A_445] : memref<1024xf32, #tpu.memory_space<vmem>>[vector<16xi32>], vector<16xf32>,
      %add3A_447 = arith.constant 2 : i32
      %add3A_448 = arith.addi %mul3A_436, %add3A_447 : i32
      %get3A_449 = arith.index_cast %add3A_448 : i32 to index
      %get3A_450 = arith.constant 0 : index
      %get3A_451 = tpu.vector_load %arg10[%get3A_449, %get3A_450] {strides = array<i32>} : memref<200x128xi32, #tpu.memory_space<vmem>>, vector<16xi32>,
      %gather3A_452 = tpu.vector_load_idx %arg12[%get3A_451] : memref<1024xf32, #tpu.memory_space<vmem>>[vector<16xi32>], vector<16xf32>,
      %add3A_453 = arith.constant 3 : i32
      %add3A_454 = arith.addi %mul3A_436, %add3A_453 : i32
      %get3A_455 = arith.index_cast %add3A_454 : i32 to index
      %get3A_456 = arith.constant 0 : index
      %get3A_457 = tpu.vector_load %arg10[%get3A_455, %get3A_456] {strides = array<i32>} : memref<200x128xi32, #tpu.memory_space<vmem>>, vector<16xi32>,
      %gather3A_458 = tpu.vector_load_idx %arg12[%get3A_457] : memref<1024xf32, #tpu.memory_space<vmem>>[vector<16xi32>], vector<16xf32>,
      %add3A_459 = arith.addf %add3A_429, %gather3A_440 : vector<16xf32>
      %add3A_460 = arith.addf %add3A_430, %gather3A_446 : vector<16xf32>
      %add3A_461 = arith.addf %add3A_431, %gather3A_452 : vector<16xf32>
      %add3A_462 = arith.addf %add3A_432, %gather3A_458 : vector<16xf32>
      scf.yield %add3A_459, %add3A_460, %add3A_461, %add3A_462 : vector<16xf32>, vector<16xf32>, vector<16xf32>, vector<16xf32>
    }
    %scan3A_20 = arith.constant 50 : i32
    %add3A_21 = arith.addf %scan3A_19#0, %scan3A_19#1 : vector<16xf32>
    %add3A_22 = arith.addf %scan3A_19#2, %scan3A_19#3 : vector<16xf32>
    %add3A_23 = arith.addf %add3A_21, %add3A_22 : vector<16xf32>
    %swap3A = arith.constant 0 : index
    %swap3A_24 = tpu.vector_load %arg16[%swap3A] {strides = array<i32>} : memref<512xf32, #tpu.memory_space<vmem>>, vector<16xf32>,
    tpu.vector_store %arg16[%swap3A], %add3A_23 {strides = array<i32>} : memref<512xf32, #tpu.memory_space<vmem>>, vector<16xf32>,
    %scan3A_25 = arith.constant 0 : i32
    %scan3A_26 = arith.constant 50 : i32
    %scan3A_27 = arith.addi %scan3A_25, %scan3A_26 : i32
    %scan3A_28 = arith.constant 2 : i32
    %scan3A_29:4 = scf.for %scan3A_402 = %scan3A_25 to %scan3A_27 step %scan3A_28 iter_args(%scan3A_403 = %broadcast_in_dim3A_6, %scan3A_404 = %broadcast_in_dim3A_6, %scan3A_405 = %broadcast_in_dim3A_6, %scan3A_406 = %broadcast_in_dim3A_6) -> (vector<16xf32>, vector<16xf32>, vector<16xf32>, vector<16xf32>)  : i32 {
      %mul3A_407 = arith.constant 4 : i32
      %mul3A_408 = arith.muli %scan3A_402, %mul3A_407 : i32
      %get3A = arith.index_cast %mul3A_408 : i32 to index
      %get3A_409 = arith.constant 16 : index
      %get3A_410 = tpu.vector_load %arg10[%get3A, %get3A_409] {strides = array<i32>} : memref<200x128xi32, #tpu.memory_space<vmem>>, vector<16xi32>,
      %gather3A = tpu.vector_load_idx %arg12[%get3A_410] : memref<1024xf32, #tpu.memory_space<vmem>>[vector<16xi32>], vector<16xf32>,
      %add3A_411 = arith.constant 1 : i32
      %add3A_412 = arith.addi %mul3A_408, %add3A_411 : i32
      %get3A_413 = arith.index_cast %add3A_412 : i32 to index
      %get3A_414 = arith.constant 16 : index
      %get3A_415 = tpu.vector_load %arg10[%get3A_413, %get3A_414] {strides = array<i32>} : memref<200x128xi32, #tpu.memory_space<vmem>>, vector<16xi32>,
      %gather3A_416 = tpu.vector_load_idx %arg12[%get3A_415] : memref<1024xf32, #tpu.memory_space<vmem>>[vector<16xi32>], vector<16xf32>,
      %add3A_417 = arith.constant 2 : i32
      %add3A_418 = arith.addi %mul3A_408, %add3A_417 : i32
      %get3A_419 = arith.index_cast %add3A_418 : i32 to index
      %get3A_420 = arith.constant 16 : index
      %get3A_421 = tpu.vector_load %arg10[%get3A_419, %get3A_420] {strides = array<i32>} : memref<200x128xi32, #tpu.memory_space<vmem>>, vector<16xi32>,
      %gather3A_422 = tpu.vector_load_idx %arg12[%get3A_421] : memref<1024xf32, #tpu.memory_space<vmem>>[vector<16xi32>], vector<16xf32>,
      %add3A_423 = arith.constant 3 : i32
      %add3A_424 = arith.addi %mul3A_408, %add3A_423 : i32
      %get3A_425 = arith.index_cast %add3A_424 : i32 to index
      %get3A_426 = arith.constant 16 : index
      %get3A_427 = tpu.vector_load %arg10[%get3A_425, %get3A_426] {strides = array<i32>} : memref<200x128xi32, #tpu.memory_space<vmem>>, vector<16xi32>,
      %gather3A_428 = tpu.vector_load_idx %arg12[%get3A_427] : memref<1024xf32, #tpu.memory_space<vmem>>[vector<16xi32>], vector<16xf32>,
      %add3A_429 = arith.addf %scan3A_403, %gather3A : vector<16xf32>
      %add3A_430 = arith.addf %scan3A_404, %gather3A_416 : vector<16xf32>
      %add3A_431 = arith.addf %scan3A_405, %gather3A_422 : vector<16xf32>
      %add3A_432 = arith.addf %scan3A_406, %gather3A_428 : vector<16xf32>
      %scan3A_433 = arith.constant 1 : i32
      %scan3A_434 = arith.addi %scan3A_402, %scan3A_433 : i32
      %mul3A_435 = arith.constant 4 : i32
      %mul3A_436 = arith.muli %scan3A_434, %mul3A_435 : i32
      %get3A_437 = arith.index_cast %mul3A_436 : i32 to index
      %get3A_438 = arith.constant 16 : index
      %get3A_439 = tpu.vector_load %arg10[%get3A_437, %get3A_438] {strides = array<i32>} : memref<200x128xi32, #tpu.memory_space<vmem>>, vector<16xi32>,
      %gather3A_440 = tpu.vector_load_idx %arg12[%get3A_439] : memref<1024xf32, #tpu.memory_space<vmem>>[vector<16xi32>], vector<16xf32>,
      %add3A_441 = arith.constant 1 : i32
      %add3A_442 = arith.addi %mul3A_436, %add3A_441 : i32
      %get3A_443 = arith.index_cast %add3A_442 : i32 to index
      %get3A_444 = arith.constant 16 : index
      %get3A_445 = tpu.vector_load %arg10[%get3A_443, %get3A_444] {strides = array<i32>} : memref<200x128xi32, #tpu.memory_space<vmem>>, vector<16xi32>,
      %gather3A_446 = tpu.vector_load_idx %arg12[%get3A_445] : memref<1024xf32, #tpu.memory_space<vmem>>[vector<16xi32>], vector<16xf32>,
      %add3A_447 = arith.constant 2 : i32
      %add3A_448 = arith.addi %mul3A_436, %add3A_447 : i32
      %get3A_449 = arith.index_cast %add3A_448 : i32 to index
      %get3A_450 = arith.constant 16 : index
      %get3A_451 = tpu.vector_load %arg10[%get3A_449, %get3A_450] {strides = array<i32>} : memref<200x128xi32, #tpu.memory_space<vmem>>, vector<16xi32>,
      %gather3A_452 = tpu.vector_load_idx %arg12[%get3A_451] : memref<1024xf32, #tpu.memory_space<vmem>>[vector<16xi32>], vector<16xf32>,
      %add3A_453 = arith.constant 3 : i32
      %add3A_454 = arith.addi %mul3A_436, %add3A_453 : i32
      %get3A_455 = arith.index_cast %add3A_454 : i32 to index
      %get3A_456 = arith.constant 16 : index
      %get3A_457 = tpu.vector_load %arg10[%get3A_455, %get3A_456] {strides = array<i32>} : memref<200x128xi32, #tpu.memory_space<vmem>>, vector<16xi32>,
      %gather3A_458 = tpu.vector_load_idx %arg12[%get3A_457] : memref<1024xf32, #tpu.memory_space<vmem>>[vector<16xi32>], vector<16xf32>,
      %add3A_459 = arith.addf %add3A_429, %gather3A_440 : vector<16xf32>
      %add3A_460 = arith.addf %add3A_430, %gather3A_446 : vector<16xf32>
      %add3A_461 = arith.addf %add3A_431, %gather3A_452 : vector<16xf32>
      %add3A_462 = arith.addf %add3A_432, %gather3A_458 : vector<16xf32>
      scf.yield %add3A_459, %add3A_460, %add3A_461, %add3A_462 : vector<16xf32>, vector<16xf32>, vector<16xf32>, vector<16xf32>
    }
    %scan3A_30 = arith.constant 50 : i32
    %add3A_31 = arith.addf %scan3A_29#0, %scan3A_29#1 : vector<16xf32>
    %add3A_32 = arith.addf %scan3A_29#2, %scan3A_29#3 : vector<16xf32>
    %add3A_33 = arith.addf %add3A_31, %add3A_32 : vector<16xf32>
    %swap3A_34 = arith.constant 16 : index
    %swap3A_35 = tpu.vector_load %arg16[%swap3A_34] {strides = array<i32>} : memref<512xf32, #tpu.memory_space<vmem>>, vector<16xf32>,
    tpu.vector_store %arg16[%swap3A_34], %add3A_33 {strides = array<i32>} : memref<512xf32, #tpu.memory_space<vmem>>, vector<16xf32>,
    %scan3A_36 = arith.constant 0 : i32
    %scan3A_37 = arith.constant 50 : i32
    %scan3A_38 = arith.addi %scan3A_36, %scan3A_37 : i32
    %scan3A_39 = arith.constant 2 : i32
    %scan3A_40:4 = scf.for %scan3A_402 = %scan3A_36 to %scan3A_38 step %scan3A_39 iter_args(%scan3A_403 = %broadcast_in_dim3A_6, %scan3A_404 = %broadcast_in_dim3A_6, %scan3A_405 = %broadcast_in_dim3A_6, %scan3A_406 = %broadcast_in_dim3A_6) -> (vector<16xf32>, vector<16xf32>, vector<16xf32>, vector<16xf32>)  : i32 {
      %mul3A_407 = arith.constant 4 : i32
      %mul3A_408 = arith.muli %scan3A_402, %mul3A_407 : i32
      %get3A = arith.index_cast %mul3A_408 : i32 to index
      %get3A_409 = arith.constant 32 : index
      %get3A_410 = tpu.vector_load %arg10[%get3A, %get3A_409] {strides = array<i32>} : memref<200x128xi32, #tpu.memory_space<vmem>>, vector<16xi32>,
      %gather3A = tpu.vector_load_idx %arg12[%get3A_410] : memref<1024xf32, #tpu.memory_space<vmem>>[vector<16xi32>], vector<16xf32>,
      %add3A_411 = arith.constant 1 : i32
      %add3A_412 = arith.addi %mul3A_408, %add3A_411 : i32
      %get3A_413 = arith.index_cast %add3A_412 : i32 to index
      %get3A_414 = arith.constant 32 : index
      %get3A_415 = tpu.vector_load %arg10[%get3A_413, %get3A_414] {strides = array<i32>} : memref<200x128xi32, #tpu.memory_space<vmem>>, vector<16xi32>,
      %gather3A_416 = tpu.vector_load_idx %arg12[%get3A_415] : memref<1024xf32, #tpu.memory_space<vmem>>[vector<16xi32>], vector<16xf32>,
      %add3A_417 = arith.constant 2 : i32
      %add3A_418 = arith.addi %mul3A_408, %add3A_417 : i32
      %get3A_419 = arith.index_cast %add3A_418 : i32 to index
      %get3A_420 = arith.constant 32 : index
      %get3A_421 = tpu.vector_load %arg10[%get3A_419, %get3A_420] {strides = array<i32>} : memref<200x128xi32, #tpu.memory_space<vmem>>, vector<16xi32>,
      %gather3A_422 = tpu.vector_load_idx %arg12[%get3A_421] : memref<1024xf32, #tpu.memory_space<vmem>>[vector<16xi32>], vector<16xf32>,
      %add3A_423 = arith.constant 3 : i32
      %add3A_424 = arith.addi %mul3A_408, %add3A_423 : i32
      %get3A_425 = arith.index_cast %add3A_424 : i32 to index
      %get3A_426 = arith.constant 32 : index
      %get3A_427 = tpu.vector_load %arg10[%get3A_425, %get3A_426] {strides = array<i32>} : memref<200x128xi32, #tpu.memory_space<vmem>>, vector<16xi32>,
      %gather3A_428 = tpu.vector_load_idx %arg12[%get3A_427] : memref<1024xf32, #tpu.memory_space<vmem>>[vector<16xi32>], vector<16xf32>,
      %add3A_429 = arith.addf %scan3A_403, %gather3A : vector<16xf32>
      %add3A_430 = arith.addf %scan3A_404, %gather3A_416 : vector<16xf32>
      %add3A_431 = arith.addf %scan3A_405, %gather3A_422 : vector<16xf32>
      %add3A_432 = arith.addf %scan3A_406, %gather3A_428 : vector<16xf32>
      %scan3A_433 = arith.constant 1 : i32
      %scan3A_434 = arith.addi %scan3A_402, %scan3A_433 : i32
      %mul3A_435 = arith.constant 4 : i32
      %mul3A_436 = arith.muli %scan3A_434, %mul3A_435 : i32
      %get3A_437 = arith.index_cast %mul3A_436 : i32 to index
      %get3A_438 = arith.constant 32 : index
      %get3A_439 = tpu.vector_load %arg10[%get3A_437, %get3A_438] {strides = array<i32>} : memref<200x128xi32, #tpu.memory_space<vmem>>, vector<16xi32>,
      %gather3A_440 = tpu.vector_load_idx %arg12[%get3A_439] : memref<1024xf32, #tpu.memory_space<vmem>>[vector<16xi32>], vector<16xf32>,
      %add3A_441 = arith.constant 1 : i32
      %add3A_442 = arith.addi %mul3A_436, %add3A_441 : i32
      %get3A_443 = arith.index_cast %add3A_442 : i32 to index
      %get3A_444 = arith.constant 32 : index
      %get3A_445 = tpu.vector_load %arg10[%get3A_443, %get3A_444] {strides = array<i32>} : memref<200x128xi32, #tpu.memory_space<vmem>>, vector<16xi32>,
      %gather3A_446 = tpu.vector_load_idx %arg12[%get3A_445] : memref<1024xf32, #tpu.memory_space<vmem>>[vector<16xi32>], vector<16xf32>,
      %add3A_447 = arith.constant 2 : i32
      %add3A_448 = arith.addi %mul3A_436, %add3A_447 : i32
      %get3A_449 = arith.index_cast %add3A_448 : i32 to index
      %get3A_450 = arith.constant 32 : index
      %get3A_451 = tpu.vector_load %arg10[%get3A_449, %get3A_450] {strides = array<i32>} : memref<200x128xi32, #tpu.memory_space<vmem>>, vector<16xi32>,
      %gather3A_452 = tpu.vector_load_idx %arg12[%get3A_451] : memref<1024xf32, #tpu.memory_space<vmem>>[vector<16xi32>], vector<16xf32>,
      %add3A_453 = arith.constant 3 : i32
      %add3A_454 = arith.addi %mul3A_436, %add3A_453 : i32
      %get3A_455 = arith.index_cast %add3A_454 : i32 to index
      %get3A_456 = arith.constant 32 : index
      %get3A_457 = tpu.vector_load %arg10[%get3A_455, %get3A_456] {strides = array<i32>} : memref<200x128xi32, #tpu.memory_space<vmem>>, vector<16xi32>,
      %gather3A_458 = tpu.vector_load_idx %arg12[%get3A_457] : memref<1024xf32, #tpu.memory_space<vmem>>[vector<16xi32>], vector<16xf32>,
      %add3A_459 = arith.addf %add3A_429, %gather3A_440 : vector<16xf32>
      %add3A_460 = arith.addf %add3A_430, %gather3A_446 : vector<16xf32>
      %add3A_461 = arith.addf %add3A_431, %gather3A_452 : vector<16xf32>
      %add3A_462 = arith.addf %add3A_432, %gather3A_458 : vector<16xf32>
      scf.yield %add3A_459, %add3A_460, %add3A_461, %add3A_462 : vector<16xf32>, vector<16xf32>, vector<16xf32>, vector<16xf32>
    }
    %scan3A_41 = arith.constant 50 : i32
    %add3A_42 = arith.addf %scan3A_40#0, %scan3A_40#1 : vector<16xf32>
    %add3A_43 = arith.addf %scan3A_40#2, %scan3A_40#3 : vector<16xf32>
    %add3A_44 = arith.addf %add3A_42, %add3A_43 : vector<16xf32>
    %swap3A_45 = arith.constant 32 : index
    %swap3A_46 = tpu.vector_load %arg16[%swap3A_45] {strides = array<i32>} : memref<512xf32, #tpu.memory_space<vmem>>, vector<16xf32>,
    tpu.vector_store %arg16[%swap3A_45], %add3A_44 {strides = array<i32>} : memref<512xf32, #tpu.memory_space<vmem>>, vector<16xf32>,
    %scan3A_47 = arith.constant 0 : i32
    %scan3A_48 = arith.constant 50 : i32
    %scan3A_49 = arith.addi %scan3A_47, %scan3A_48 : i32
    %scan3A_50 = arith.constant 2 : i32
    %scan3A_51:4 = scf.for %scan3A_402 = %scan3A_47 to %scan3A_49 step %scan3A_50 iter_args(%scan3A_403 = %broadcast_in_dim3A_6, %scan3A_404 = %broadcast_in_dim3A_6, %scan3A_405 = %broadcast_in_dim3A_6, %scan3A_406 = %broadcast_in_dim3A_6) -> (vector<16xf32>, vector<16xf32>, vector<16xf32>, vector<16xf32>)  : i32 {
      %mul3A_407 = arith.constant 4 : i32
      %mul3A_408 = arith.muli %scan3A_402, %mul3A_407 : i32
      %get3A = arith.index_cast %mul3A_408 : i32 to index
      %get3A_409 = arith.constant 48 : index
      %get3A_410 = tpu.vector_load %arg10[%get3A, %get3A_409] {strides = array<i32>} : memref<200x128xi32, #tpu.memory_space<vmem>>, vector<16xi32>,
      %gather3A = tpu.vector_load_idx %arg12[%get3A_410] : memref<1024xf32, #tpu.memory_space<vmem>>[vector<16xi32>], vector<16xf32>,
      %add3A_411 = arith.constant 1 : i32
      %add3A_412 = arith.addi %mul3A_408, %add3A_411 : i32
      %get3A_413 = arith.index_cast %add3A_412 : i32 to index
      %get3A_414 = arith.constant 48 : index
      %get3A_415 = tpu.vector_load %arg10[%get3A_413, %get3A_414] {strides = array<i32>} : memref<200x128xi32, #tpu.memory_space<vmem>>, vector<16xi32>,
      %gather3A_416 = tpu.vector_load_idx %arg12[%get3A_415] : memref<1024xf32, #tpu.memory_space<vmem>>[vector<16xi32>], vector<16xf32>,
      %add3A_417 = arith.constant 2 : i32
      %add3A_418 = arith.addi %mul3A_408, %add3A_417 : i32
      %get3A_419 = arith.index_cast %add3A_418 : i32 to index
      %get3A_420 = arith.constant 48 : index
      %get3A_421 = tpu.vector_load %arg10[%get3A_419, %get3A_420] {strides = array<i32>} : memref<200x128xi32, #tpu.memory_space<vmem>>, vector<16xi32>,
      %gather3A_422 = tpu.vector_load_idx %arg12[%get3A_421] : memref<1024xf32, #tpu.memory_space<vmem>>[vector<16xi32>], vector<16xf32>,
      %add3A_423 = arith.constant 3 : i32
      %add3A_424 = arith.addi %mul3A_408, %add3A_423 : i32
      %get3A_425 = arith.index_cast %add3A_424 : i32 to index
      %get3A_426 = arith.constant 48 : index
      %get3A_427 = tpu.vector_load %arg10[%get3A_425, %get3A_426] {strides = array<i32>} : memref<200x128xi32, #tpu.memory_space<vmem>>, vector<16xi32>,
      %gather3A_428 = tpu.vector_load_idx %arg12[%get3A_427] : memref<1024xf32, #tpu.memory_space<vmem>>[vector<16xi32>], vector<16xf32>,
      %add3A_429 = arith.addf %scan3A_403, %gather3A : vector<16xf32>
      %add3A_430 = arith.addf %scan3A_404, %gather3A_416 : vector<16xf32>
      %add3A_431 = arith.addf %scan3A_405, %gather3A_422 : vector<16xf32>
      %add3A_432 = arith.addf %scan3A_406, %gather3A_428 : vector<16xf32>
      %scan3A_433 = arith.constant 1 : i32
      %scan3A_434 = arith.addi %scan3A_402, %scan3A_433 : i32
      %mul3A_435 = arith.constant 4 : i32
      %mul3A_436 = arith.muli %scan3A_434, %mul3A_435 : i32
      %get3A_437 = arith.index_cast %mul3A_436 : i32 to index
      %get3A_438 = arith.constant 48 : index
      %get3A_439 = tpu.vector_load %arg10[%get3A_437, %get3A_438] {strides = array<i32>} : memref<200x128xi32, #tpu.memory_space<vmem>>, vector<16xi32>,
      %gather3A_440 = tpu.vector_load_idx %arg12[%get3A_439] : memref<1024xf32, #tpu.memory_space<vmem>>[vector<16xi32>], vector<16xf32>,
      %add3A_441 = arith.constant 1 : i32
      %add3A_442 = arith.addi %mul3A_436, %add3A_441 : i32
      %get3A_443 = arith.index_cast %add3A_442 : i32 to index
      %get3A_444 = arith.constant 48 : index
      %get3A_445 = tpu.vector_load %arg10[%get3A_443, %get3A_444] {strides = array<i32>} : memref<200x128xi32, #tpu.memory_space<vmem>>, vector<16xi32>,
      %gather3A_446 = tpu.vector_load_idx %arg12[%get3A_445] : memref<1024xf32, #tpu.memory_space<vmem>>[vector<16xi32>], vector<16xf32>,
      %add3A_447 = arith.constant 2 : i32
      %add3A_448 = arith.addi %mul3A_436, %add3A_447 : i32
      %get3A_449 = arith.index_cast %add3A_448 : i32 to index
      %get3A_450 = arith.constant 48 : index
      %get3A_451 = tpu.vector_load %arg10[%get3A_449, %get3A_450] {strides = array<i32>} : memref<200x128xi32, #tpu.memory_space<vmem>>, vector<16xi32>,
      %gather3A_452 = tpu.vector_load_idx %arg12[%get3A_451] : memref<1024xf32, #tpu.memory_space<vmem>>[vector<16xi32>], vector<16xf32>,
      %add3A_453 = arith.constant 3 : i32
      %add3A_454 = arith.addi %mul3A_436, %add3A_453 : i32
      %get3A_455 = arith.index_cast %add3A_454 : i32 to index
      %get3A_456 = arith.constant 48 : index
      %get3A_457 = tpu.vector_load %arg10[%get3A_455, %get3A_456] {strides = array<i32>} : memref<200x128xi32, #tpu.memory_space<vmem>>, vector<16xi32>,
      %gather3A_458 = tpu.vector_load_idx %arg12[%get3A_457] : memref<1024xf32, #tpu.memory_space<vmem>>[vector<16xi32>], vector<16xf32>,
      %add3A_459 = arith.addf %add3A_429, %gather3A_440 : vector<16xf32>
      %add3A_460 = arith.addf %add3A_430, %gather3A_446 : vector<16xf32>
      %add3A_461 = arith.addf %add3A_431, %gather3A_452 : vector<16xf32>
      %add3A_462 = arith.addf %add3A_432, %gather3A_458 : vector<16xf32>
      scf.yield %add3A_459, %add3A_460, %add3A_461, %add3A_462 : vector<16xf32>, vector<16xf32>, vector<16xf32>, vector<16xf32>
    }
    %scan3A_52 = arith.constant 50 : i32
    %add3A_53 = arith.addf %scan3A_51#0, %scan3A_51#1 : vector<16xf32>
    %add3A_54 = arith.addf %scan3A_51#2, %scan3A_51#3 : vector<16xf32>
    %add3A_55 = arith.addf %add3A_53, %add3A_54 : vector<16xf32>
    %swap3A_56 = arith.constant 48 : index
    %swap3A_57 = tpu.vector_load %arg16[%swap3A_56] {strides = array<i32>} : memref<512xf32, #tpu.memory_space<vmem>>, vector<16xf32>,
    tpu.vector_store %arg16[%swap3A_56], %add3A_55 {strides = array<i32>} : memref<512xf32, #tpu.memory_space<vmem>>, vector<16xf32>,
    %scan3A_58 = arith.constant 0 : i32
    %scan3A_59 = arith.constant 50 : i32
    %scan3A_60 = arith.addi %scan3A_58, %scan3A_59 : i32
    %scan3A_61 = arith.constant 2 : i32
    %scan3A_62:4 = scf.for %scan3A_402 = %scan3A_58 to %scan3A_60 step %scan3A_61 iter_args(%scan3A_403 = %broadcast_in_dim3A_6, %scan3A_404 = %broadcast_in_dim3A_6, %scan3A_405 = %broadcast_in_dim3A_6, %scan3A_406 = %broadcast_in_dim3A_6) -> (vector<16xf32>, vector<16xf32>, vector<16xf32>, vector<16xf32>)  : i32 {
      %mul3A_407 = arith.constant 4 : i32
      %mul3A_408 = arith.muli %scan3A_402, %mul3A_407 : i32
      %get3A = arith.index_cast %mul3A_408 : i32 to index
      %get3A_409 = arith.constant 64 : index
      %get3A_410 = tpu.vector_load %arg10[%get3A, %get3A_409] {strides = array<i32>} : memref<200x128xi32, #tpu.memory_space<vmem>>, vector<16xi32>,
      %gather3A = tpu.vector_load_idx %arg12[%get3A_410] : memref<1024xf32, #tpu.memory_space<vmem>>[vector<16xi32>], vector<16xf32>,
      %add3A_411 = arith.constant 1 : i32
      %add3A_412 = arith.addi %mul3A_408, %add3A_411 : i32
      %get3A_413 = arith.index_cast %add3A_412 : i32 to index
      %get3A_414 = arith.constant 64 : index
      %get3A_415 = tpu.vector_load %arg10[%get3A_413, %get3A_414] {strides = array<i32>} : memref<200x128xi32, #tpu.memory_space<vmem>>, vector<16xi32>,
      %gather3A_416 = tpu.vector_load_idx %arg12[%get3A_415] : memref<1024xf32, #tpu.memory_space<vmem>>[vector<16xi32>], vector<16xf32>,
      %add3A_417 = arith.constant 2 : i32
      %add3A_418 = arith.addi %mul3A_408, %add3A_417 : i32
      %get3A_419 = arith.index_cast %add3A_418 : i32 to index
      %get3A_420 = arith.constant 64 : index
      %get3A_421 = tpu.vector_load %arg10[%get3A_419, %get3A_420] {strides = array<i32>} : memref<200x128xi32, #tpu.memory_space<vmem>>, vector<16xi32>,
      %gather3A_422 = tpu.vector_load_idx %arg12[%get3A_421] : memref<1024xf32, #tpu.memory_space<vmem>>[vector<16xi32>], vector<16xf32>,
      %add3A_423 = arith.constant 3 : i32
      %add3A_424 = arith.addi %mul3A_408, %add3A_423 : i32
      %get3A_425 = arith.index_cast %add3A_424 : i32 to index
      %get3A_426 = arith.constant 64 : index
      %get3A_427 = tpu.vector_load %arg10[%get3A_425, %get3A_426] {strides = array<i32>} : memref<200x128xi32, #tpu.memory_space<vmem>>, vector<16xi32>,
      %gather3A_428 = tpu.vector_load_idx %arg12[%get3A_427] : memref<1024xf32, #tpu.memory_space<vmem>>[vector<16xi32>], vector<16xf32>,
      %add3A_429 = arith.addf %scan3A_403, %gather3A : vector<16xf32>
      %add3A_430 = arith.addf %scan3A_404, %gather3A_416 : vector<16xf32>
      %add3A_431 = arith.addf %scan3A_405, %gather3A_422 : vector<16xf32>
      %add3A_432 = arith.addf %scan3A_406, %gather3A_428 : vector<16xf32>
      %scan3A_433 = arith.constant 1 : i32
      %scan3A_434 = arith.addi %scan3A_402, %scan3A_433 : i32
      %mul3A_435 = arith.constant 4 : i32
      %mul3A_436 = arith.muli %scan3A_434, %mul3A_435 : i32
      %get3A_437 = arith.index_cast %mul3A_436 : i32 to index
      %get3A_438 = arith.constant 64 : index
      %get3A_439 = tpu.vector_load %arg10[%get3A_437, %get3A_438] {strides = array<i32>} : memref<200x128xi32, #tpu.memory_space<vmem>>, vector<16xi32>,
      %gather3A_440 = tpu.vector_load_idx %arg12[%get3A_439] : memref<1024xf32, #tpu.memory_space<vmem>>[vector<16xi32>], vector<16xf32>,
      %add3A_441 = arith.constant 1 : i32
      %add3A_442 = arith.addi %mul3A_436, %add3A_441 : i32
      %get3A_443 = arith.index_cast %add3A_442 : i32 to index
      %get3A_444 = arith.constant 64 : index
      %get3A_445 = tpu.vector_load %arg10[%get3A_443, %get3A_444] {strides = array<i32>} : memref<200x128xi32, #tpu.memory_space<vmem>>, vector<16xi32>,
      %gather3A_446 = tpu.vector_load_idx %arg12[%get3A_445] : memref<1024xf32, #tpu.memory_space<vmem>>[vector<16xi32>], vector<16xf32>,
      %add3A_447 = arith.constant 2 : i32
      %add3A_448 = arith.addi %mul3A_436, %add3A_447 : i32
      %get3A_449 = arith.index_cast %add3A_448 : i32 to index
      %get3A_450 = arith.constant 64 : index
      %get3A_451 = tpu.vector_load %arg10[%get3A_449, %get3A_450] {strides = array<i32>} : memref<200x128xi32, #tpu.memory_space<vmem>>, vector<16xi32>,
      %gather3A_452 = tpu.vector_load_idx %arg12[%get3A_451] : memref<1024xf32, #tpu.memory_space<vmem>>[vector<16xi32>], vector<16xf32>,
      %add3A_453 = arith.constant 3 : i32
      %add3A_454 = arith.addi %mul3A_436, %add3A_453 : i32
      %get3A_455 = arith.index_cast %add3A_454 : i32 to index
      %get3A_456 = arith.constant 64 : index
      %get3A_457 = tpu.vector_load %arg10[%get3A_455, %get3A_456] {strides = array<i32>} : memref<200x128xi32, #tpu.memory_space<vmem>>, vector<16xi32>,
      %gather3A_458 = tpu.vector_load_idx %arg12[%get3A_457] : memref<1024xf32, #tpu.memory_space<vmem>>[vector<16xi32>], vector<16xf32>,
      %add3A_459 = arith.addf %add3A_429, %gather3A_440 : vector<16xf32>
      %add3A_460 = arith.addf %add3A_430, %gather3A_446 : vector<16xf32>
      %add3A_461 = arith.addf %add3A_431, %gather3A_452 : vector<16xf32>
      %add3A_462 = arith.addf %add3A_432, %gather3A_458 : vector<16xf32>
      scf.yield %add3A_459, %add3A_460, %add3A_461, %add3A_462 : vector<16xf32>, vector<16xf32>, vector<16xf32>, vector<16xf32>
    }
    %scan3A_63 = arith.constant 50 : i32
    %add3A_64 = arith.addf %scan3A_62#0, %scan3A_62#1 : vector<16xf32>
    %add3A_65 = arith.addf %scan3A_62#2, %scan3A_62#3 : vector<16xf32>
    %add3A_66 = arith.addf %add3A_64, %add3A_65 : vector<16xf32>
    %swap3A_67 = arith.constant 64 : index
    %swap3A_68 = tpu.vector_load %arg16[%swap3A_67] {strides = array<i32>} : memref<512xf32, #tpu.memory_space<vmem>>, vector<16xf32>,
    tpu.vector_store %arg16[%swap3A_67], %add3A_66 {strides = array<i32>} : memref<512xf32, #tpu.memory_space<vmem>>, vector<16xf32>,
    %scan3A_69 = arith.constant 0 : i32
    %scan3A_70 = arith.constant 50 : i32
    %scan3A_71 = arith.addi %scan3A_69, %scan3A_70 : i32
    %scan3A_72 = arith.constant 2 : i32
    %scan3A_73:4 = scf.for %scan3A_402 = %scan3A_69 to %scan3A_71 step %scan3A_72 iter_args(%scan3A_403 = %broadcast_in_dim3A_6, %scan3A_404 = %broadcast_in_dim3A_6, %scan3A_405 = %broadcast_in_dim3A_6, %scan3A_406 = %broadcast_in_dim3A_6) -> (vector<16xf32>, vector<16xf32>, vector<16xf32>, vector<16xf32>)  : i32 {
      %mul3A_407 = arith.constant 4 : i32
      %mul3A_408 = arith.muli %scan3A_402, %mul3A_407 : i32
      %get3A = arith.index_cast %mul3A_408 : i32 to index
      %get3A_409 = arith.constant 80 : index
      %get3A_410 = tpu.vector_load %arg10[%get3A, %get3A_409] {strides = array<i32>} : memref<200x128xi32, #tpu.memory_space<vmem>>, vector<16xi32>,
      %gather3A = tpu.vector_load_idx %arg12[%get3A_410] : memref<1024xf32, #tpu.memory_space<vmem>>[vector<16xi32>], vector<16xf32>,
      %add3A_411 = arith.constant 1 : i32
      %add3A_412 = arith.addi %mul3A_408, %add3A_411 : i32
      %get3A_413 = arith.index_cast %add3A_412 : i32 to index
      %get3A_414 = arith.constant 80 : index
      %get3A_415 = tpu.vector_load %arg10[%get3A_413, %get3A_414] {strides = array<i32>} : memref<200x128xi32, #tpu.memory_space<vmem>>, vector<16xi32>,
      %gather3A_416 = tpu.vector_load_idx %arg12[%get3A_415] : memref<1024xf32, #tpu.memory_space<vmem>>[vector<16xi32>], vector<16xf32>,
      %add3A_417 = arith.constant 2 : i32
      %add3A_418 = arith.addi %mul3A_408, %add3A_417 : i32
      %get3A_419 = arith.index_cast %add3A_418 : i32 to index
      %get3A_420 = arith.constant 80 : index
      %get3A_421 = tpu.vector_load %arg10[%get3A_419, %get3A_420] {strides = array<i32>} : memref<200x128xi32, #tpu.memory_space<vmem>>, vector<16xi32>,
      %gather3A_422 = tpu.vector_load_idx %arg12[%get3A_421] : memref<1024xf32, #tpu.memory_space<vmem>>[vector<16xi32>], vector<16xf32>,
      %add3A_423 = arith.constant 3 : i32
      %add3A_424 = arith.addi %mul3A_408, %add3A_423 : i32
      %get3A_425 = arith.index_cast %add3A_424 : i32 to index
      %get3A_426 = arith.constant 80 : index
      %get3A_427 = tpu.vector_load %arg10[%get3A_425, %get3A_426] {strides = array<i32>} : memref<200x128xi32, #tpu.memory_space<vmem>>, vector<16xi32>,
      %gather3A_428 = tpu.vector_load_idx %arg12[%get3A_427] : memref<1024xf32, #tpu.memory_space<vmem>>[vector<16xi32>], vector<16xf32>,
      %add3A_429 = arith.addf %scan3A_403, %gather3A : vector<16xf32>
      %add3A_430 = arith.addf %scan3A_404, %gather3A_416 : vector<16xf32>
      %add3A_431 = arith.addf %scan3A_405, %gather3A_422 : vector<16xf32>
      %add3A_432 = arith.addf %scan3A_406, %gather3A_428 : vector<16xf32>
      %scan3A_433 = arith.constant 1 : i32
      %scan3A_434 = arith.addi %scan3A_402, %scan3A_433 : i32
      %mul3A_435 = arith.constant 4 : i32
      %mul3A_436 = arith.muli %scan3A_434, %mul3A_435 : i32
      %get3A_437 = arith.index_cast %mul3A_436 : i32 to index
      %get3A_438 = arith.constant 80 : index
      %get3A_439 = tpu.vector_load %arg10[%get3A_437, %get3A_438] {strides = array<i32>} : memref<200x128xi32, #tpu.memory_space<vmem>>, vector<16xi32>,
      %gather3A_440 = tpu.vector_load_idx %arg12[%get3A_439] : memref<1024xf32, #tpu.memory_space<vmem>>[vector<16xi32>], vector<16xf32>,
      %add3A_441 = arith.constant 1 : i32
      %add3A_442 = arith.addi %mul3A_436, %add3A_441 : i32
      %get3A_443 = arith.index_cast %add3A_442 : i32 to index
      %get3A_444 = arith.constant 80 : index
      %get3A_445 = tpu.vector_load %arg10[%get3A_443, %get3A_444] {strides = array<i32>} : memref<200x128xi32, #tpu.memory_space<vmem>>, vector<16xi32>,
      %gather3A_446 = tpu.vector_load_idx %arg12[%get3A_445] : memref<1024xf32, #tpu.memory_space<vmem>>[vector<16xi32>], vector<16xf32>,
      %add3A_447 = arith.constant 2 : i32
      %add3A_448 = arith.addi %mul3A_436, %add3A_447 : i32
      %get3A_449 = arith.index_cast %add3A_448 : i32 to index
      %get3A_450 = arith.constant 80 : index
      %get3A_451 = tpu.vector_load %arg10[%get3A_449, %get3A_450] {strides = array<i32>} : memref<200x128xi32, #tpu.memory_space<vmem>>, vector<16xi32>,
      %gather3A_452 = tpu.vector_load_idx %arg12[%get3A_451] : memref<1024xf32, #tpu.memory_space<vmem>>[vector<16xi32>], vector<16xf32>,
      %add3A_453 = arith.constant 3 : i32
      %add3A_454 = arith.addi %mul3A_436, %add3A_453 : i32
      %get3A_455 = arith.index_cast %add3A_454 : i32 to index
      %get3A_456 = arith.constant 80 : index
      %get3A_457 = tpu.vector_load %arg10[%get3A_455, %get3A_456] {strides = array<i32>} : memref<200x128xi32, #tpu.memory_space<vmem>>, vector<16xi32>,
      %gather3A_458 = tpu.vector_load_idx %arg12[%get3A_457] : memref<1024xf32, #tpu.memory_space<vmem>>[vector<16xi32>], vector<16xf32>,
      %add3A_459 = arith.addf %add3A_429, %gather3A_440 : vector<16xf32>
      %add3A_460 = arith.addf %add3A_430, %gather3A_446 : vector<16xf32>
      %add3A_461 = arith.addf %add3A_431, %gather3A_452 : vector<16xf32>
      %add3A_462 = arith.addf %add3A_432, %gather3A_458 : vector<16xf32>
      scf.yield %add3A_459, %add3A_460, %add3A_461, %add3A_462 : vector<16xf32>, vector<16xf32>, vector<16xf32>, vector<16xf32>
    }
    %scan3A_74 = arith.constant 50 : i32
    %add3A_75 = arith.addf %scan3A_73#0, %scan3A_73#1 : vector<16xf32>
    %add3A_76 = arith.addf %scan3A_73#2, %scan3A_73#3 : vector<16xf32>
    %add3A_77 = arith.addf %add3A_75, %add3A_76 : vector<16xf32>
    %swap3A_78 = arith.constant 80 : index
    %swap3A_79 = tpu.vector_load %arg16[%swap3A_78] {strides = array<i32>} : memref<512xf32, #tpu.memory_space<vmem>>, vector<16xf32>,
    tpu.vector_store %arg16[%swap3A_78], %add3A_77 {strides = array<i32>} : memref<512xf32, #tpu.memory_space<vmem>>, vector<16xf32>,
    %scan3A_80 = arith.constant 0 : i32
    %scan3A_81 = arith.constant 50 : i32
    %scan3A_82 = arith.addi %scan3A_80, %scan3A_81 : i32
    %scan3A_83 = arith.constant 2 : i32
    %scan3A_84:4 = scf.for %scan3A_402 = %scan3A_80 to %scan3A_82 step %scan3A_83 iter_args(%scan3A_403 = %broadcast_in_dim3A_6, %scan3A_404 = %broadcast_in_dim3A_6, %scan3A_405 = %broadcast_in_dim3A_6, %scan3A_406 = %broadcast_in_dim3A_6) -> (vector<16xf32>, vector<16xf32>, vector<16xf32>, vector<16xf32>)  : i32 {
      %mul3A_407 = arith.constant 4 : i32
      %mul3A_408 = arith.muli %scan3A_402, %mul3A_407 : i32
      %get3A = arith.index_cast %mul3A_408 : i32 to index
      %get3A_409 = arith.constant 96 : index
      %get3A_410 = tpu.vector_load %arg10[%get3A, %get3A_409] {strides = array<i32>} : memref<200x128xi32, #tpu.memory_space<vmem>>, vector<16xi32>,
      %gather3A = tpu.vector_load_idx %arg12[%get3A_410] : memref<1024xf32, #tpu.memory_space<vmem>>[vector<16xi32>], vector<16xf32>,
      %add3A_411 = arith.constant 1 : i32
      %add3A_412 = arith.addi %mul3A_408, %add3A_411 : i32
      %get3A_413 = arith.index_cast %add3A_412 : i32 to index
      %get3A_414 = arith.constant 96 : index
      %get3A_415 = tpu.vector_load %arg10[%get3A_413, %get3A_414] {strides = array<i32>} : memref<200x128xi32, #tpu.memory_space<vmem>>, vector<16xi32>,
      %gather3A_416 = tpu.vector_load_idx %arg12[%get3A_415] : memref<1024xf32, #tpu.memory_space<vmem>>[vector<16xi32>], vector<16xf32>,
      %add3A_417 = arith.constant 2 : i32
      %add3A_418 = arith.addi %mul3A_408, %add3A_417 : i32
      %get3A_419 = arith.index_cast %add3A_418 : i32 to index
      %get3A_420 = arith.constant 96 : index
      %get3A_421 = tpu.vector_load %arg10[%get3A_419, %get3A_420] {strides = array<i32>} : memref<200x128xi32, #tpu.memory_space<vmem>>, vector<16xi32>,
      %gather3A_422 = tpu.vector_load_idx %arg12[%get3A_421] : memref<1024xf32, #tpu.memory_space<vmem>>[vector<16xi32>], vector<16xf32>,
      %add3A_423 = arith.constant 3 : i32
      %add3A_424 = arith.addi %mul3A_408, %add3A_423 : i32
      %get3A_425 = arith.index_cast %add3A_424 : i32 to index
      %get3A_426 = arith.constant 96 : index
      %get3A_427 = tpu.vector_load %arg10[%get3A_425, %get3A_426] {strides = array<i32>} : memref<200x128xi32, #tpu.memory_space<vmem>>, vector<16xi32>,
      %gather3A_428 = tpu.vector_load_idx %arg12[%get3A_427] : memref<1024xf32, #tpu.memory_space<vmem>>[vector<16xi32>], vector<16xf32>,
      %add3A_429 = arith.addf %scan3A_403, %gather3A : vector<16xf32>
      %add3A_430 = arith.addf %scan3A_404, %gather3A_416 : vector<16xf32>
      %add3A_431 = arith.addf %scan3A_405, %gather3A_422 : vector<16xf32>
      %add3A_432 = arith.addf %scan3A_406, %gather3A_428 : vector<16xf32>
      %scan3A_433 = arith.constant 1 : i32
      %scan3A_434 = arith.addi %scan3A_402, %scan3A_433 : i32
      %mul3A_435 = arith.constant 4 : i32
      %mul3A_436 = arith.muli %scan3A_434, %mul3A_435 : i32
      %get3A_437 = arith.index_cast %mul3A_436 : i32 to index
      %get3A_438 = arith.constant 96 : index
      %get3A_439 = tpu.vector_load %arg10[%get3A_437, %get3A_438] {strides = array<i32>} : memref<200x128xi32, #tpu.memory_space<vmem>>, vector<16xi32>,
      %gather3A_440 = tpu.vector_load_idx %arg12[%get3A_439] : memref<1024xf32, #tpu.memory_space<vmem>>[vector<16xi32>], vector<16xf32>,
      %add3A_441 = arith.constant 1 : i32
      %add3A_442 = arith.addi %mul3A_436, %add3A_441 : i32
      %get3A_443 = arith.index_cast %add3A_442 : i32 to index
      %get3A_444 = arith.constant 96 : index
      %get3A_445 = tpu.vector_load %arg10[%get3A_443, %get3A_444] {strides = array<i32>} : memref<200x128xi32, #tpu.memory_space<vmem>>, vector<16xi32>,
      %gather3A_446 = tpu.vector_load_idx %arg12[%get3A_445] : memref<1024xf32, #tpu.memory_space<vmem>>[vector<16xi32>], vector<16xf32>,
      %add3A_447 = arith.constant 2 : i32
      %add3A_448 = arith.addi %mul3A_436, %add3A_447 : i32
      %get3A_449 = arith.index_cast %add3A_448 : i32 to index
      %get3A_450 = arith.constant 96 : index
      %get3A_451 = tpu.vector_load %arg10[%get3A_449, %get3A_450] {strides = array<i32>} : memref<200x128xi32, #tpu.memory_space<vmem>>, vector<16xi32>,
      %gather3A_452 = tpu.vector_load_idx %arg12[%get3A_451] : memref<1024xf32, #tpu.memory_space<vmem>>[vector<16xi32>], vector<16xf32>,
      %add3A_453 = arith.constant 3 : i32
      %add3A_454 = arith.addi %mul3A_436, %add3A_453 : i32
      %get3A_455 = arith.index_cast %add3A_454 : i32 to index
      %get3A_456 = arith.constant 96 : index
      %get3A_457 = tpu.vector_load %arg10[%get3A_455, %get3A_456] {strides = array<i32>} : memref<200x128xi32, #tpu.memory_space<vmem>>, vector<16xi32>,
      %gather3A_458 = tpu.vector_load_idx %arg12[%get3A_457] : memref<1024xf32, #tpu.memory_space<vmem>>[vector<16xi32>], vector<16xf32>,
      %add3A_459 = arith.addf %add3A_429, %gather3A_440 : vector<16xf32>
      %add3A_460 = arith.addf %add3A_430, %gather3A_446 : vector<16xf32>
      %add3A_461 = arith.addf %add3A_431, %gather3A_452 : vector<16xf32>
      %add3A_462 = arith.addf %add3A_432, %gather3A_458 : vector<16xf32>
      scf.yield %add3A_459, %add3A_460, %add3A_461, %add3A_462 : vector<16xf32>, vector<16xf32>, vector<16xf32>, vector<16xf32>
    }
    %scan3A_85 = arith.constant 50 : i32
    %add3A_86 = arith.addf %scan3A_84#0, %scan3A_84#1 : vector<16xf32>
    %add3A_87 = arith.addf %scan3A_84#2, %scan3A_84#3 : vector<16xf32>
    %add3A_88 = arith.addf %add3A_86, %add3A_87 : vector<16xf32>
    %swap3A_89 = arith.constant 96 : index
    %swap3A_90 = tpu.vector_load %arg16[%swap3A_89] {strides = array<i32>} : memref<512xf32, #tpu.memory_space<vmem>>, vector<16xf32>,
    tpu.vector_store %arg16[%swap3A_89], %add3A_88 {strides = array<i32>} : memref<512xf32, #tpu.memory_space<vmem>>, vector<16xf32>,
    %scan3A_91 = arith.constant 0 : i32
    %scan3A_92 = arith.constant 50 : i32
    %scan3A_93 = arith.addi %scan3A_91, %scan3A_92 : i32
    %scan3A_94 = arith.constant 2 : i32
    %scan3A_95:4 = scf.for %scan3A_402 = %scan3A_91 to %scan3A_93 step %scan3A_94 iter_args(%scan3A_403 = %broadcast_in_dim3A_6, %scan3A_404 = %broadcast_in_dim3A_6, %scan3A_405 = %broadcast_in_dim3A_6, %scan3A_406 = %broadcast_in_dim3A_6) -> (vector<16xf32>, vector<16xf32>, vector<16xf32>, vector<16xf32>)  : i32 {
      %mul3A_407 = arith.constant 4 : i32
      %mul3A_408 = arith.muli %scan3A_402, %mul3A_407 : i32
      %get3A = arith.index_cast %mul3A_408 : i32 to index
      %get3A_409 = arith.constant 112 : index
      %get3A_410 = tpu.vector_load %arg10[%get3A, %get3A_409] {strides = array<i32>} : memref<200x128xi32, #tpu.memory_space<vmem>>, vector<16xi32>,
      %gather3A = tpu.vector_load_idx %arg12[%get3A_410] : memref<1024xf32, #tpu.memory_space<vmem>>[vector<16xi32>], vector<16xf32>,
      %add3A_411 = arith.constant 1 : i32
      %add3A_412 = arith.addi %mul3A_408, %add3A_411 : i32
      %get3A_413 = arith.index_cast %add3A_412 : i32 to index
      %get3A_414 = arith.constant 112 : index
      %get3A_415 = tpu.vector_load %arg10[%get3A_413, %get3A_414] {strides = array<i32>} : memref<200x128xi32, #tpu.memory_space<vmem>>, vector<16xi32>,
      %gather3A_416 = tpu.vector_load_idx %arg12[%get3A_415] : memref<1024xf32, #tpu.memory_space<vmem>>[vector<16xi32>], vector<16xf32>,
      %add3A_417 = arith.constant 2 : i32
      %add3A_418 = arith.addi %mul3A_408, %add3A_417 : i32
      %get3A_419 = arith.index_cast %add3A_418 : i32 to index
      %get3A_420 = arith.constant 112 : index
      %get3A_421 = tpu.vector_load %arg10[%get3A_419, %get3A_420] {strides = array<i32>} : memref<200x128xi32, #tpu.memory_space<vmem>>, vector<16xi32>,
      %gather3A_422 = tpu.vector_load_idx %arg12[%get3A_421] : memref<1024xf32, #tpu.memory_space<vmem>>[vector<16xi32>], vector<16xf32>,
      %add3A_423 = arith.constant 3 : i32
      %add3A_424 = arith.addi %mul3A_408, %add3A_423 : i32
      %get3A_425 = arith.index_cast %add3A_424 : i32 to index
      %get3A_426 = arith.constant 112 : index
      %get3A_427 = tpu.vector_load %arg10[%get3A_425, %get3A_426] {strides = array<i32>} : memref<200x128xi32, #tpu.memory_space<vmem>>, vector<16xi32>,
      %gather3A_428 = tpu.vector_load_idx %arg12[%get3A_427] : memref<1024xf32, #tpu.memory_space<vmem>>[vector<16xi32>], vector<16xf32>,
      %add3A_429 = arith.addf %scan3A_403, %gather3A : vector<16xf32>
      %add3A_430 = arith.addf %scan3A_404, %gather3A_416 : vector<16xf32>
      %add3A_431 = arith.addf %scan3A_405, %gather3A_422 : vector<16xf32>
      %add3A_432 = arith.addf %scan3A_406, %gather3A_428 : vector<16xf32>
      %scan3A_433 = arith.constant 1 : i32
      %scan3A_434 = arith.addi %scan3A_402, %scan3A_433 : i32
      %mul3A_435 = arith.constant 4 : i32
      %mul3A_436 = arith.muli %scan3A_434, %mul3A_435 : i32
      %get3A_437 = arith.index_cast %mul3A_436 : i32 to index
      %get3A_438 = arith.constant 112 : index
      %get3A_439 = tpu.vector_load %arg10[%get3A_437, %get3A_438] {strides = array<i32>} : memref<200x128xi32, #tpu.memory_space<vmem>>, vector<16xi32>,
      %gather3A_440 = tpu.vector_load_idx %arg12[%get3A_439] : memref<1024xf32, #tpu.memory_space<vmem>>[vector<16xi32>], vector<16xf32>,
      %add3A_441 = arith.constant 1 : i32
      %add3A_442 = arith.addi %mul3A_436, %add3A_441 : i32
      %get3A_443 = arith.index_cast %add3A_442 : i32 to index
      %get3A_444 = arith.constant 112 : index
      %get3A_445 = tpu.vector_load %arg10[%get3A_443, %get3A_444] {strides = array<i32>} : memref<200x128xi32, #tpu.memory_space<vmem>>, vector<16xi32>,
      %gather3A_446 = tpu.vector_load_idx %arg12[%get3A_445] : memref<1024xf32, #tpu.memory_space<vmem>>[vector<16xi32>], vector<16xf32>,
      %add3A_447 = arith.constant 2 : i32
      %add3A_448 = arith.addi %mul3A_436, %add3A_447 : i32
      %get3A_449 = arith.index_cast %add3A_448 : i32 to index
      %get3A_450 = arith.constant 112 : index
      %get3A_451 = tpu.vector_load %arg10[%get3A_449, %get3A_450] {strides = array<i32>} : memref<200x128xi32, #tpu.memory_space<vmem>>, vector<16xi32>,
      %gather3A_452 = tpu.vector_load_idx %arg12[%get3A_451] : memref<1024xf32, #tpu.memory_space<vmem>>[vector<16xi32>], vector<16xf32>,
      %add3A_453 = arith.constant 3 : i32
      %add3A_454 = arith.addi %mul3A_436, %add3A_453 : i32
      %get3A_455 = arith.index_cast %add3A_454 : i32 to index
      %get3A_456 = arith.constant 112 : index
      %get3A_457 = tpu.vector_load %arg10[%get3A_455, %get3A_456] {strides = array<i32>} : memref<200x128xi32, #tpu.memory_space<vmem>>, vector<16xi32>,
      %gather3A_458 = tpu.vector_load_idx %arg12[%get3A_457] : memref<1024xf32, #tpu.memory_space<vmem>>[vector<16xi32>], vector<16xf32>,
      %add3A_459 = arith.addf %add3A_429, %gather3A_440 : vector<16xf32>
      %add3A_460 = arith.addf %add3A_430, %gather3A_446 : vector<16xf32>
      %add3A_461 = arith.addf %add3A_431, %gather3A_452 : vector<16xf32>
      %add3A_462 = arith.addf %add3A_432, %gather3A_458 : vector<16xf32>
      scf.yield %add3A_459, %add3A_460, %add3A_461, %add3A_462 : vector<16xf32>, vector<16xf32>, vector<16xf32>, vector<16xf32>
    }
    %scan3A_96 = arith.constant 50 : i32
    %add3A_97 = arith.addf %scan3A_95#0, %scan3A_95#1 : vector<16xf32>
    %add3A_98 = arith.addf %scan3A_95#2, %scan3A_95#3 : vector<16xf32>
    %add3A_99 = arith.addf %add3A_97, %add3A_98 : vector<16xf32>
    %swap3A_100 = arith.constant 112 : index
    %swap3A_101 = tpu.vector_load %arg16[%swap3A_100] {strides = array<i32>} : memref<512xf32, #tpu.memory_space<vmem>>, vector<16xf32>,
    tpu.vector_store %arg16[%swap3A_100], %add3A_99 {strides = array<i32>} : memref<512xf32, #tpu.memory_space<vmem>>, vector<16xf32>,
    %dma_wait3A_102 = arith.constant 0 : i32
    %dma_wait3A_103 = tpu.memref_slice %arg2[%dma_wait3A_102, %add3A_11] : memref<200x16384xi32, #tpu.memory_space<hbm>> -> memref<200x128xi32, #tpu.memory_space<hbm>>
    %dma_wait3A_104 = arith.constant 0 : i32
    %dma_wait3A_105 = tpu.memref_slice %arg2[%dma_wait3A_104, %add3A_11] : memref<200x16384xi32, #tpu.memory_space<hbm>> -> memref<200x128xi32, #tpu.memory_space<hbm>>
    tpu.wait_dma2 semaphore(%arg21 : memref<!tpu.dma_semaphore, #tpu.memory_space<semaphore_mem>>) src(%dma_wait3A_105 : memref<200x128xi32, #tpu.memory_space<hbm>>) dst(%arg11 : memref<200x128xi32, #tpu.memory_space<vmem>>)
    %add3A_106 = arith.constant 256 : i32
    %add3A_107 = arith.addi %mul3A_2, %add3A_106 : i32
    %dma_start3A_108 = arith.constant 0 : i32
    %dma_start3A_109 = tpu.memref_slice %arg2[%dma_start3A_108, %add3A_107] : memref<200x16384xi32, #tpu.memory_space<hbm>> -> memref<200x128xi32, #tpu.memory_space<hbm>>
    %dma_start3A_110 = arith.constant 0 : i32
    %dma_start3A_111 = tpu.memref_slice %arg2[%dma_start3A_110, %add3A_107] : memref<200x16384xi32, #tpu.memory_space<hbm>> -> memref<200x128xi32, #tpu.memory_space<hbm>>
    tpu.enqueue_dma source(%dma_start3A_111 : memref<200x128xi32, #tpu.memory_space<hbm>>) target(%arg10 : memref<200x128xi32, #tpu.memory_space<vmem>>) target_semaphore(%arg20 : memref<!tpu.dma_semaphore, #tpu.memory_space<semaphore_mem>>)
    %scan3A_112 = arith.constant 0 : i32
    %scan3A_113 = arith.constant 50 : i32
    %scan3A_114 = arith.addi %scan3A_112, %scan3A_113 : i32
    %scan3A_115 = arith.constant 2 : i32
    %scan3A_116:4 = scf.for %scan3A_402 = %scan3A_112 to %scan3A_114 step %scan3A_115 iter_args(%scan3A_403 = %broadcast_in_dim3A_6, %scan3A_404 = %broadcast_in_dim3A_6, %scan3A_405 = %broadcast_in_dim3A_6, %scan3A_406 = %broadcast_in_dim3A_6) -> (vector<16xf32>, vector<16xf32>, vector<16xf32>, vector<16xf32>)  : i32 {
      %mul3A_407 = arith.constant 4 : i32
      %mul3A_408 = arith.muli %scan3A_402, %mul3A_407 : i32
      %get3A = arith.index_cast %mul3A_408 : i32 to index
      %get3A_409 = arith.constant 0 : index
      %get3A_410 = tpu.vector_load %arg11[%get3A, %get3A_409] {strides = array<i32>} : memref<200x128xi32, #tpu.memory_space<vmem>>, vector<16xi32>,
      %gather3A = tpu.vector_load_idx %arg12[%get3A_410] : memref<1024xf32, #tpu.memory_space<vmem>>[vector<16xi32>], vector<16xf32>,
      %add3A_411 = arith.constant 1 : i32
      %add3A_412 = arith.addi %mul3A_408, %add3A_411 : i32
      %get3A_413 = arith.index_cast %add3A_412 : i32 to index
      %get3A_414 = arith.constant 0 : index
      %get3A_415 = tpu.vector_load %arg11[%get3A_413, %get3A_414] {strides = array<i32>} : memref<200x128xi32, #tpu.memory_space<vmem>>, vector<16xi32>,
      %gather3A_416 = tpu.vector_load_idx %arg12[%get3A_415] : memref<1024xf32, #tpu.memory_space<vmem>>[vector<16xi32>], vector<16xf32>,
      %add3A_417 = arith.constant 2 : i32
      %add3A_418 = arith.addi %mul3A_408, %add3A_417 : i32
      %get3A_419 = arith.index_cast %add3A_418 : i32 to index
      %get3A_420 = arith.constant 0 : index
      %get3A_421 = tpu.vector_load %arg11[%get3A_419, %get3A_420] {strides = array<i32>} : memref<200x128xi32, #tpu.memory_space<vmem>>, vector<16xi32>,
      %gather3A_422 = tpu.vector_load_idx %arg12[%get3A_421] : memref<1024xf32, #tpu.memory_space<vmem>>[vector<16xi32>], vector<16xf32>,
      %add3A_423 = arith.constant 3 : i32
      %add3A_424 = arith.addi %mul3A_408, %add3A_423 : i32
      %get3A_425 = arith.index_cast %add3A_424 : i32 to index
      %get3A_426 = arith.constant 0 : index
      %get3A_427 = tpu.vector_load %arg11[%get3A_425, %get3A_426] {strides = array<i32>} : memref<200x128xi32, #tpu.memory_space<vmem>>, vector<16xi32>,
      %gather3A_428 = tpu.vector_load_idx %arg12[%get3A_427] : memref<1024xf32, #tpu.memory_space<vmem>>[vector<16xi32>], vector<16xf32>,
      %add3A_429 = arith.addf %scan3A_403, %gather3A : vector<16xf32>
      %add3A_430 = arith.addf %scan3A_404, %gather3A_416 : vector<16xf32>
      %add3A_431 = arith.addf %scan3A_405, %gather3A_422 : vector<16xf32>
      %add3A_432 = arith.addf %scan3A_406, %gather3A_428 : vector<16xf32>
      %scan3A_433 = arith.constant 1 : i32
      %scan3A_434 = arith.addi %scan3A_402, %scan3A_433 : i32
      %mul3A_435 = arith.constant 4 : i32
      %mul3A_436 = arith.muli %scan3A_434, %mul3A_435 : i32
      %get3A_437 = arith.index_cast %mul3A_436 : i32 to index
      %get3A_438 = arith.constant 0 : index
      %get3A_439 = tpu.vector_load %arg11[%get3A_437, %get3A_438] {strides = array<i32>} : memref<200x128xi32, #tpu.memory_space<vmem>>, vector<16xi32>,
      %gather3A_440 = tpu.vector_load_idx %arg12[%get3A_439] : memref<1024xf32, #tpu.memory_space<vmem>>[vector<16xi32>], vector<16xf32>,
      %add3A_441 = arith.constant 1 : i32
      %add3A_442 = arith.addi %mul3A_436, %add3A_441 : i32
      %get3A_443 = arith.index_cast %add3A_442 : i32 to index
      %get3A_444 = arith.constant 0 : index
      %get3A_445 = tpu.vector_load %arg11[%get3A_443, %get3A_444] {strides = array<i32>} : memref<200x128xi32, #tpu.memory_space<vmem>>, vector<16xi32>,
      %gather3A_446 = tpu.vector_load_idx %arg12[%get3A_445] : memref<1024xf32, #tpu.memory_space<vmem>>[vector<16xi32>], vector<16xf32>,
      %add3A_447 = arith.constant 2 : i32
      %add3A_448 = arith.addi %mul3A_436, %add3A_447 : i32
      %get3A_449 = arith.index_cast %add3A_448 : i32 to index
      %get3A_450 = arith.constant 0 : index
      %get3A_451 = tpu.vector_load %arg11[%get3A_449, %get3A_450] {strides = array<i32>} : memref<200x128xi32, #tpu.memory_space<vmem>>, vector<16xi32>,
      %gather3A_452 = tpu.vector_load_idx %arg12[%get3A_451] : memref<1024xf32, #tpu.memory_space<vmem>>[vector<16xi32>], vector<16xf32>,
      %add3A_453 = arith.constant 3 : i32
      %add3A_454 = arith.addi %mul3A_436, %add3A_453 : i32
      %get3A_455 = arith.index_cast %add3A_454 : i32 to index
      %get3A_456 = arith.constant 0 : index
      %get3A_457 = tpu.vector_load %arg11[%get3A_455, %get3A_456] {strides = array<i32>} : memref<200x128xi32, #tpu.memory_space<vmem>>, vector<16xi32>,
      %gather3A_458 = tpu.vector_load_idx %arg12[%get3A_457] : memref<1024xf32, #tpu.memory_space<vmem>>[vector<16xi32>], vector<16xf32>,
      %add3A_459 = arith.addf %add3A_429, %gather3A_440 : vector<16xf32>
      %add3A_460 = arith.addf %add3A_430, %gather3A_446 : vector<16xf32>
      %add3A_461 = arith.addf %add3A_431, %gather3A_452 : vector<16xf32>
      %add3A_462 = arith.addf %add3A_432, %gather3A_458 : vector<16xf32>
      scf.yield %add3A_459, %add3A_460, %add3A_461, %add3A_462 : vector<16xf32>, vector<16xf32>, vector<16xf32>, vector<16xf32>
    }
    %scan3A_117 = arith.constant 50 : i32
    %add3A_118 = arith.addf %scan3A_116#0, %scan3A_116#1 : vector<16xf32>
    %add3A_119 = arith.addf %scan3A_116#2, %scan3A_116#3 : vector<16xf32>
    %add3A_120 = arith.addf %add3A_118, %add3A_119 : vector<16xf32>
    %swap3A_121 = arith.constant 128 : index
    %swap3A_122 = tpu.vector_load %arg16[%swap3A_121] {strides = array<i32>} : memref<512xf32, #tpu.memory_space<vmem>>, vector<16xf32>,
    tpu.vector_store %arg16[%swap3A_121], %add3A_120 {strides = array<i32>} : memref<512xf32, #tpu.memory_space<vmem>>, vector<16xf32>,
    %scan3A_123 = arith.constant 0 : i32
    %scan3A_124 = arith.constant 50 : i32
    %scan3A_125 = arith.addi %scan3A_123, %scan3A_124 : i32
    %scan3A_126 = arith.constant 2 : i32
    %scan3A_127:4 = scf.for %scan3A_402 = %scan3A_123 to %scan3A_125 step %scan3A_126 iter_args(%scan3A_403 = %broadcast_in_dim3A_6, %scan3A_404 = %broadcast_in_dim3A_6, %scan3A_405 = %broadcast_in_dim3A_6, %scan3A_406 = %broadcast_in_dim3A_6) -> (vector<16xf32>, vector<16xf32>, vector<16xf32>, vector<16xf32>)  : i32 {
      %mul3A_407 = arith.constant 4 : i32
      %mul3A_408 = arith.muli %scan3A_402, %mul3A_407 : i32
      %get3A = arith.index_cast %mul3A_408 : i32 to index
      %get3A_409 = arith.constant 16 : index
      %get3A_410 = tpu.vector_load %arg11[%get3A, %get3A_409] {strides = array<i32>} : memref<200x128xi32, #tpu.memory_space<vmem>>, vector<16xi32>,
      %gather3A = tpu.vector_load_idx %arg12[%get3A_410] : memref<1024xf32, #tpu.memory_space<vmem>>[vector<16xi32>], vector<16xf32>,
      %add3A_411 = arith.constant 1 : i32
      %add3A_412 = arith.addi %mul3A_408, %add3A_411 : i32
      %get3A_413 = arith.index_cast %add3A_412 : i32 to index
      %get3A_414 = arith.constant 16 : index
      %get3A_415 = tpu.vector_load %arg11[%get3A_413, %get3A_414] {strides = array<i32>} : memref<200x128xi32, #tpu.memory_space<vmem>>, vector<16xi32>,
      %gather3A_416 = tpu.vector_load_idx %arg12[%get3A_415] : memref<1024xf32, #tpu.memory_space<vmem>>[vector<16xi32>], vector<16xf32>,
      %add3A_417 = arith.constant 2 : i32
      %add3A_418 = arith.addi %mul3A_408, %add3A_417 : i32
      %get3A_419 = arith.index_cast %add3A_418 : i32 to index
      %get3A_420 = arith.constant 16 : index
      %get3A_421 = tpu.vector_load %arg11[%get3A_419, %get3A_420] {strides = array<i32>} : memref<200x128xi32, #tpu.memory_space<vmem>>, vector<16xi32>,
      %gather3A_422 = tpu.vector_load_idx %arg12[%get3A_421] : memref<1024xf32, #tpu.memory_space<vmem>>[vector<16xi32>], vector<16xf32>,
      %add3A_423 = arith.constant 3 : i32
      %add3A_424 = arith.addi %mul3A_408, %add3A_423 : i32
      %get3A_425 = arith.index_cast %add3A_424 : i32 to index
      %get3A_426 = arith.constant 16 : index
      %get3A_427 = tpu.vector_load %arg11[%get3A_425, %get3A_426] {strides = array<i32>} : memref<200x128xi32, #tpu.memory_space<vmem>>, vector<16xi32>,
      %gather3A_428 = tpu.vector_load_idx %arg12[%get3A_427] : memref<1024xf32, #tpu.memory_space<vmem>>[vector<16xi32>], vector<16xf32>,
      %add3A_429 = arith.addf %scan3A_403, %gather3A : vector<16xf32>
      %add3A_430 = arith.addf %scan3A_404, %gather3A_416 : vector<16xf32>
      %add3A_431 = arith.addf %scan3A_405, %gather3A_422 : vector<16xf32>
      %add3A_432 = arith.addf %scan3A_406, %gather3A_428 : vector<16xf32>
      %scan3A_433 = arith.constant 1 : i32
      %scan3A_434 = arith.addi %scan3A_402, %scan3A_433 : i32
      %mul3A_435 = arith.constant 4 : i32
      %mul3A_436 = arith.muli %scan3A_434, %mul3A_435 : i32
      %get3A_437 = arith.index_cast %mul3A_436 : i32 to index
      %get3A_438 = arith.constant 16 : index
      %get3A_439 = tpu.vector_load %arg11[%get3A_437, %get3A_438] {strides = array<i32>} : memref<200x128xi32, #tpu.memory_space<vmem>>, vector<16xi32>,
      %gather3A_440 = tpu.vector_load_idx %arg12[%get3A_439] : memref<1024xf32, #tpu.memory_space<vmem>>[vector<16xi32>], vector<16xf32>,
      %add3A_441 = arith.constant 1 : i32
      %add3A_442 = arith.addi %mul3A_436, %add3A_441 : i32
      %get3A_443 = arith.index_cast %add3A_442 : i32 to index
      %get3A_444 = arith.constant 16 : index
      %get3A_445 = tpu.vector_load %arg11[%get3A_443, %get3A_444] {strides = array<i32>} : memref<200x128xi32, #tpu.memory_space<vmem>>, vector<16xi32>,
      %gather3A_446 = tpu.vector_load_idx %arg12[%get3A_445] : memref<1024xf32, #tpu.memory_space<vmem>>[vector<16xi32>], vector<16xf32>,
      %add3A_447 = arith.constant 2 : i32
      %add3A_448 = arith.addi %mul3A_436, %add3A_447 : i32
      %get3A_449 = arith.index_cast %add3A_448 : i32 to index
      %get3A_450 = arith.constant 16 : index
      %get3A_451 = tpu.vector_load %arg11[%get3A_449, %get3A_450] {strides = array<i32>} : memref<200x128xi32, #tpu.memory_space<vmem>>, vector<16xi32>,
      %gather3A_452 = tpu.vector_load_idx %arg12[%get3A_451] : memref<1024xf32, #tpu.memory_space<vmem>>[vector<16xi32>], vector<16xf32>,
      %add3A_453 = arith.constant 3 : i32
      %add3A_454 = arith.addi %mul3A_436, %add3A_453 : i32
      %get3A_455 = arith.index_cast %add3A_454 : i32 to index
      %get3A_456 = arith.constant 16 : index
      %get3A_457 = tpu.vector_load %arg11[%get3A_455, %get3A_456] {strides = array<i32>} : memref<200x128xi32, #tpu.memory_space<vmem>>, vector<16xi32>,
      %gather3A_458 = tpu.vector_load_idx %arg12[%get3A_457] : memref<1024xf32, #tpu.memory_space<vmem>>[vector<16xi32>], vector<16xf32>,
      %add3A_459 = arith.addf %add3A_429, %gather3A_440 : vector<16xf32>
      %add3A_460 = arith.addf %add3A_430, %gather3A_446 : vector<16xf32>
      %add3A_461 = arith.addf %add3A_431, %gather3A_452 : vector<16xf32>
      %add3A_462 = arith.addf %add3A_432, %gather3A_458 : vector<16xf32>
      scf.yield %add3A_459, %add3A_460, %add3A_461, %add3A_462 : vector<16xf32>, vector<16xf32>, vector<16xf32>, vector<16xf32>
    }
    %scan3A_128 = arith.constant 50 : i32
    %add3A_129 = arith.addf %scan3A_127#0, %scan3A_127#1 : vector<16xf32>
    %add3A_130 = arith.addf %scan3A_127#2, %scan3A_127#3 : vector<16xf32>
    %add3A_131 = arith.addf %add3A_129, %add3A_130 : vector<16xf32>
    %swap3A_132 = arith.constant 144 : index
    %swap3A_133 = tpu.vector_load %arg16[%swap3A_132] {strides = array<i32>} : memref<512xf32, #tpu.memory_space<vmem>>, vector<16xf32>,
    tpu.vector_store %arg16[%swap3A_132], %add3A_131 {strides = array<i32>} : memref<512xf32, #tpu.memory_space<vmem>>, vector<16xf32>,
    %scan3A_134 = arith.constant 0 : i32
    %scan3A_135 = arith.constant 50 : i32
    %scan3A_136 = arith.addi %scan3A_134, %scan3A_135 : i32
    %scan3A_137 = arith.constant 2 : i32
    %scan3A_138:4 = scf.for %scan3A_402 = %scan3A_134 to %scan3A_136 step %scan3A_137 iter_args(%scan3A_403 = %broadcast_in_dim3A_6, %scan3A_404 = %broadcast_in_dim3A_6, %scan3A_405 = %broadcast_in_dim3A_6, %scan3A_406 = %broadcast_in_dim3A_6) -> (vector<16xf32>, vector<16xf32>, vector<16xf32>, vector<16xf32>)  : i32 {
      %mul3A_407 = arith.constant 4 : i32
      %mul3A_408 = arith.muli %scan3A_402, %mul3A_407 : i32
      %get3A = arith.index_cast %mul3A_408 : i32 to index
      %get3A_409 = arith.constant 32 : index
      %get3A_410 = tpu.vector_load %arg11[%get3A, %get3A_409] {strides = array<i32>} : memref<200x128xi32, #tpu.memory_space<vmem>>, vector<16xi32>,
      %gather3A = tpu.vector_load_idx %arg12[%get3A_410] : memref<1024xf32, #tpu.memory_space<vmem>>[vector<16xi32>], vector<16xf32>,
      %add3A_411 = arith.constant 1 : i32
      %add3A_412 = arith.addi %mul3A_408, %add3A_411 : i32
      %get3A_413 = arith.index_cast %add3A_412 : i32 to index
      %get3A_414 = arith.constant 32 : index
      %get3A_415 = tpu.vector_load %arg11[%get3A_413, %get3A_414] {strides = array<i32>} : memref<200x128xi32, #tpu.memory_space<vmem>>, vector<16xi32>,
      %gather3A_416 = tpu.vector_load_idx %arg12[%get3A_415] : memref<1024xf32, #tpu.memory_space<vmem>>[vector<16xi32>], vector<16xf32>,
      %add3A_417 = arith.constant 2 : i32
      %add3A_418 = arith.addi %mul3A_408, %add3A_417 : i32
      %get3A_419 = arith.index_cast %add3A_418 : i32 to index
      %get3A_420 = arith.constant 32 : index
      %get3A_421 = tpu.vector_load %arg11[%get3A_419, %get3A_420] {strides = array<i32>} : memref<200x128xi32, #tpu.memory_space<vmem>>, vector<16xi32>,
      %gather3A_422 = tpu.vector_load_idx %arg12[%get3A_421] : memref<1024xf32, #tpu.memory_space<vmem>>[vector<16xi32>], vector<16xf32>,
      %add3A_423 = arith.constant 3 : i32
      %add3A_424 = arith.addi %mul3A_408, %add3A_423 : i32
      %get3A_425 = arith.index_cast %add3A_424 : i32 to index
      %get3A_426 = arith.constant 32 : index
      %get3A_427 = tpu.vector_load %arg11[%get3A_425, %get3A_426] {strides = array<i32>} : memref<200x128xi32, #tpu.memory_space<vmem>>, vector<16xi32>,
      %gather3A_428 = tpu.vector_load_idx %arg12[%get3A_427] : memref<1024xf32, #tpu.memory_space<vmem>>[vector<16xi32>], vector<16xf32>,
      %add3A_429 = arith.addf %scan3A_403, %gather3A : vector<16xf32>
      %add3A_430 = arith.addf %scan3A_404, %gather3A_416 : vector<16xf32>
      %add3A_431 = arith.addf %scan3A_405, %gather3A_422 : vector<16xf32>
      %add3A_432 = arith.addf %scan3A_406, %gather3A_428 : vector<16xf32>
      %scan3A_433 = arith.constant 1 : i32
      %scan3A_434 = arith.addi %scan3A_402, %scan3A_433 : i32
      %mul3A_435 = arith.constant 4 : i32
      %mul3A_436 = arith.muli %scan3A_434, %mul3A_435 : i32
      %get3A_437 = arith.index_cast %mul3A_436 : i32 to index
      %get3A_438 = arith.constant 32 : index
      %get3A_439 = tpu.vector_load %arg11[%get3A_437, %get3A_438] {strides = array<i32>} : memref<200x128xi32, #tpu.memory_space<vmem>>, vector<16xi32>,
      %gather3A_440 = tpu.vector_load_idx %arg12[%get3A_439] : memref<1024xf32, #tpu.memory_space<vmem>>[vector<16xi32>], vector<16xf32>,
      %add3A_441 = arith.constant 1 : i32
      %add3A_442 = arith.addi %mul3A_436, %add3A_441 : i32
      %get3A_443 = arith.index_cast %add3A_442 : i32 to index
      %get3A_444 = arith.constant 32 : index
      %get3A_445 = tpu.vector_load %arg11[%get3A_443, %get3A_444] {strides = array<i32>} : memref<200x128xi32, #tpu.memory_space<vmem>>, vector<16xi32>,
      %gather3A_446 = tpu.vector_load_idx %arg12[%get3A_445] : memref<1024xf32, #tpu.memory_space<vmem>>[vector<16xi32>], vector<16xf32>,
      %add3A_447 = arith.constant 2 : i32
      %add3A_448 = arith.addi %mul3A_436, %add3A_447 : i32
      %get3A_449 = arith.index_cast %add3A_448 : i32 to index
      %get3A_450 = arith.constant 32 : index
      %get3A_451 = tpu.vector_load %arg11[%get3A_449, %get3A_450] {strides = array<i32>} : memref<200x128xi32, #tpu.memory_space<vmem>>, vector<16xi32>,
      %gather3A_452 = tpu.vector_load_idx %arg12[%get3A_451] : memref<1024xf32, #tpu.memory_space<vmem>>[vector<16xi32>], vector<16xf32>,
      %add3A_453 = arith.constant 3 : i32
      %add3A_454 = arith.addi %mul3A_436, %add3A_453 : i32
      %get3A_455 = arith.index_cast %add3A_454 : i32 to index
      %get3A_456 = arith.constant 32 : index
      %get3A_457 = tpu.vector_load %arg11[%get3A_455, %get3A_456] {strides = array<i32>} : memref<200x128xi32, #tpu.memory_space<vmem>>, vector<16xi32>,
      %gather3A_458 = tpu.vector_load_idx %arg12[%get3A_457] : memref<1024xf32, #tpu.memory_space<vmem>>[vector<16xi32>], vector<16xf32>,
      %add3A_459 = arith.addf %add3A_429, %gather3A_440 : vector<16xf32>
      %add3A_460 = arith.addf %add3A_430, %gather3A_446 : vector<16xf32>
      %add3A_461 = arith.addf %add3A_431, %gather3A_452 : vector<16xf32>
      %add3A_462 = arith.addf %add3A_432, %gather3A_458 : vector<16xf32>
      scf.yield %add3A_459, %add3A_460, %add3A_461, %add3A_462 : vector<16xf32>, vector<16xf32>, vector<16xf32>, vector<16xf32>
    }
    %scan3A_139 = arith.constant 50 : i32
    %add3A_140 = arith.addf %scan3A_138#0, %scan3A_138#1 : vector<16xf32>
    %add3A_141 = arith.addf %scan3A_138#2, %scan3A_138#3 : vector<16xf32>
    %add3A_142 = arith.addf %add3A_140, %add3A_141 : vector<16xf32>
    %swap3A_143 = arith.constant 160 : index
    %swap3A_144 = tpu.vector_load %arg16[%swap3A_143] {strides = array<i32>} : memref<512xf32, #tpu.memory_space<vmem>>, vector<16xf32>,
    tpu.vector_store %arg16[%swap3A_143], %add3A_142 {strides = array<i32>} : memref<512xf32, #tpu.memory_space<vmem>>, vector<16xf32>,
    %scan3A_145 = arith.constant 0 : i32
    %scan3A_146 = arith.constant 50 : i32
    %scan3A_147 = arith.addi %scan3A_145, %scan3A_146 : i32
    %scan3A_148 = arith.constant 2 : i32
    %scan3A_149:4 = scf.for %scan3A_402 = %scan3A_145 to %scan3A_147 step %scan3A_148 iter_args(%scan3A_403 = %broadcast_in_dim3A_6, %scan3A_404 = %broadcast_in_dim3A_6, %scan3A_405 = %broadcast_in_dim3A_6, %scan3A_406 = %broadcast_in_dim3A_6) -> (vector<16xf32>, vector<16xf32>, vector<16xf32>, vector<16xf32>)  : i32 {
      %mul3A_407 = arith.constant 4 : i32
      %mul3A_408 = arith.muli %scan3A_402, %mul3A_407 : i32
      %get3A = arith.index_cast %mul3A_408 : i32 to index
      %get3A_409 = arith.constant 48 : index
      %get3A_410 = tpu.vector_load %arg11[%get3A, %get3A_409] {strides = array<i32>} : memref<200x128xi32, #tpu.memory_space<vmem>>, vector<16xi32>,
      %gather3A = tpu.vector_load_idx %arg12[%get3A_410] : memref<1024xf32, #tpu.memory_space<vmem>>[vector<16xi32>], vector<16xf32>,
      %add3A_411 = arith.constant 1 : i32
      %add3A_412 = arith.addi %mul3A_408, %add3A_411 : i32
      %get3A_413 = arith.index_cast %add3A_412 : i32 to index
      %get3A_414 = arith.constant 48 : index
      %get3A_415 = tpu.vector_load %arg11[%get3A_413, %get3A_414] {strides = array<i32>} : memref<200x128xi32, #tpu.memory_space<vmem>>, vector<16xi32>,
      %gather3A_416 = tpu.vector_load_idx %arg12[%get3A_415] : memref<1024xf32, #tpu.memory_space<vmem>>[vector<16xi32>], vector<16xf32>,
      %add3A_417 = arith.constant 2 : i32
      %add3A_418 = arith.addi %mul3A_408, %add3A_417 : i32
      %get3A_419 = arith.index_cast %add3A_418 : i32 to index
      %get3A_420 = arith.constant 48 : index
      %get3A_421 = tpu.vector_load %arg11[%get3A_419, %get3A_420] {strides = array<i32>} : memref<200x128xi32, #tpu.memory_space<vmem>>, vector<16xi32>,
      %gather3A_422 = tpu.vector_load_idx %arg12[%get3A_421] : memref<1024xf32, #tpu.memory_space<vmem>>[vector<16xi32>], vector<16xf32>,
      %add3A_423 = arith.constant 3 : i32
      %add3A_424 = arith.addi %mul3A_408, %add3A_423 : i32
      %get3A_425 = arith.index_cast %add3A_424 : i32 to index
      %get3A_426 = arith.constant 48 : index
      %get3A_427 = tpu.vector_load %arg11[%get3A_425, %get3A_426] {strides = array<i32>} : memref<200x128xi32, #tpu.memory_space<vmem>>, vector<16xi32>,
      %gather3A_428 = tpu.vector_load_idx %arg12[%get3A_427] : memref<1024xf32, #tpu.memory_space<vmem>>[vector<16xi32>], vector<16xf32>,
      %add3A_429 = arith.addf %scan3A_403, %gather3A : vector<16xf32>
      %add3A_430 = arith.addf %scan3A_404, %gather3A_416 : vector<16xf32>
      %add3A_431 = arith.addf %scan3A_405, %gather3A_422 : vector<16xf32>
      %add3A_432 = arith.addf %scan3A_406, %gather3A_428 : vector<16xf32>
      %scan3A_433 = arith.constant 1 : i32
      %scan3A_434 = arith.addi %scan3A_402, %scan3A_433 : i32
      %mul3A_435 = arith.constant 4 : i32
      %mul3A_436 = arith.muli %scan3A_434, %mul3A_435 : i32
      %get3A_437 = arith.index_cast %mul3A_436 : i32 to index
      %get3A_438 = arith.constant 48 : index
      %get3A_439 = tpu.vector_load %arg11[%get3A_437, %get3A_438] {strides = array<i32>} : memref<200x128xi32, #tpu.memory_space<vmem>>, vector<16xi32>,
      %gather3A_440 = tpu.vector_load_idx %arg12[%get3A_439] : memref<1024xf32, #tpu.memory_space<vmem>>[vector<16xi32>], vector<16xf32>,
      %add3A_441 = arith.constant 1 : i32
      %add3A_442 = arith.addi %mul3A_436, %add3A_441 : i32
      %get3A_443 = arith.index_cast %add3A_442 : i32 to index
      %get3A_444 = arith.constant 48 : index
      %get3A_445 = tpu.vector_load %arg11[%get3A_443, %get3A_444] {strides = array<i32>} : memref<200x128xi32, #tpu.memory_space<vmem>>, vector<16xi32>,
      %gather3A_446 = tpu.vector_load_idx %arg12[%get3A_445] : memref<1024xf32, #tpu.memory_space<vmem>>[vector<16xi32>], vector<16xf32>,
      %add3A_447 = arith.constant 2 : i32
      %add3A_448 = arith.addi %mul3A_436, %add3A_447 : i32
      %get3A_449 = arith.index_cast %add3A_448 : i32 to index
      %get3A_450 = arith.constant 48 : index
      %get3A_451 = tpu.vector_load %arg11[%get3A_449, %get3A_450] {strides = array<i32>} : memref<200x128xi32, #tpu.memory_space<vmem>>, vector<16xi32>,
      %gather3A_452 = tpu.vector_load_idx %arg12[%get3A_451] : memref<1024xf32, #tpu.memory_space<vmem>>[vector<16xi32>], vector<16xf32>,
      %add3A_453 = arith.constant 3 : i32
      %add3A_454 = arith.addi %mul3A_436, %add3A_453 : i32
      %get3A_455 = arith.index_cast %add3A_454 : i32 to index
      %get3A_456 = arith.constant 48 : index
      %get3A_457 = tpu.vector_load %arg11[%get3A_455, %get3A_456] {strides = array<i32>} : memref<200x128xi32, #tpu.memory_space<vmem>>, vector<16xi32>,
      %gather3A_458 = tpu.vector_load_idx %arg12[%get3A_457] : memref<1024xf32, #tpu.memory_space<vmem>>[vector<16xi32>], vector<16xf32>,
      %add3A_459 = arith.addf %add3A_429, %gather3A_440 : vector<16xf32>
      %add3A_460 = arith.addf %add3A_430, %gather3A_446 : vector<16xf32>
      %add3A_461 = arith.addf %add3A_431, %gather3A_452 : vector<16xf32>
      %add3A_462 = arith.addf %add3A_432, %gather3A_458 : vector<16xf32>
      scf.yield %add3A_459, %add3A_460, %add3A_461, %add3A_462 : vector<16xf32>, vector<16xf32>, vector<16xf32>, vector<16xf32>
    }
    %scan3A_150 = arith.constant 50 : i32
    %add3A_151 = arith.addf %scan3A_149#0, %scan3A_149#1 : vector<16xf32>
    %add3A_152 = arith.addf %scan3A_149#2, %scan3A_149#3 : vector<16xf32>
    %add3A_153 = arith.addf %add3A_151, %add3A_152 : vector<16xf32>
    %swap3A_154 = arith.constant 176 : index
    %swap3A_155 = tpu.vector_load %arg16[%swap3A_154] {strides = array<i32>} : memref<512xf32, #tpu.memory_space<vmem>>, vector<16xf32>,
    tpu.vector_store %arg16[%swap3A_154], %add3A_153 {strides = array<i32>} : memref<512xf32, #tpu.memory_space<vmem>>, vector<16xf32>,
    %scan3A_156 = arith.constant 0 : i32
    %scan3A_157 = arith.constant 50 : i32
    %scan3A_158 = arith.addi %scan3A_156, %scan3A_157 : i32
    %scan3A_159 = arith.constant 2 : i32
    %scan3A_160:4 = scf.for %scan3A_402 = %scan3A_156 to %scan3A_158 step %scan3A_159 iter_args(%scan3A_403 = %broadcast_in_dim3A_6, %scan3A_404 = %broadcast_in_dim3A_6, %scan3A_405 = %broadcast_in_dim3A_6, %scan3A_406 = %broadcast_in_dim3A_6) -> (vector<16xf32>, vector<16xf32>, vector<16xf32>, vector<16xf32>)  : i32 {
      %mul3A_407 = arith.constant 4 : i32
      %mul3A_408 = arith.muli %scan3A_402, %mul3A_407 : i32
      %get3A = arith.index_cast %mul3A_408 : i32 to index
      %get3A_409 = arith.constant 64 : index
      %get3A_410 = tpu.vector_load %arg11[%get3A, %get3A_409] {strides = array<i32>} : memref<200x128xi32, #tpu.memory_space<vmem>>, vector<16xi32>,
      %gather3A = tpu.vector_load_idx %arg12[%get3A_410] : memref<1024xf32, #tpu.memory_space<vmem>>[vector<16xi32>], vector<16xf32>,
      %add3A_411 = arith.constant 1 : i32
      %add3A_412 = arith.addi %mul3A_408, %add3A_411 : i32
      %get3A_413 = arith.index_cast %add3A_412 : i32 to index
      %get3A_414 = arith.constant 64 : index
      %get3A_415 = tpu.vector_load %arg11[%get3A_413, %get3A_414] {strides = array<i32>} : memref<200x128xi32, #tpu.memory_space<vmem>>, vector<16xi32>,
      %gather3A_416 = tpu.vector_load_idx %arg12[%get3A_415] : memref<1024xf32, #tpu.memory_space<vmem>>[vector<16xi32>], vector<16xf32>,
      %add3A_417 = arith.constant 2 : i32
      %add3A_418 = arith.addi %mul3A_408, %add3A_417 : i32
      %get3A_419 = arith.index_cast %add3A_418 : i32 to index
      %get3A_420 = arith.constant 64 : index
      %get3A_421 = tpu.vector_load %arg11[%get3A_419, %get3A_420] {strides = array<i32>} : memref<200x128xi32, #tpu.memory_space<vmem>>, vector<16xi32>,
      %gather3A_422 = tpu.vector_load_idx %arg12[%get3A_421] : memref<1024xf32, #tpu.memory_space<vmem>>[vector<16xi32>], vector<16xf32>,
      %add3A_423 = arith.constant 3 : i32
      %add3A_424 = arith.addi %mul3A_408, %add3A_423 : i32
      %get3A_425 = arith.index_cast %add3A_424 : i32 to index
      %get3A_426 = arith.constant 64 : index
      %get3A_427 = tpu.vector_load %arg11[%get3A_425, %get3A_426] {strides = array<i32>} : memref<200x128xi32, #tpu.memory_space<vmem>>, vector<16xi32>,
      %gather3A_428 = tpu.vector_load_idx %arg12[%get3A_427] : memref<1024xf32, #tpu.memory_space<vmem>>[vector<16xi32>], vector<16xf32>,
      %add3A_429 = arith.addf %scan3A_403, %gather3A : vector<16xf32>
      %add3A_430 = arith.addf %scan3A_404, %gather3A_416 : vector<16xf32>
      %add3A_431 = arith.addf %scan3A_405, %gather3A_422 : vector<16xf32>
      %add3A_432 = arith.addf %scan3A_406, %gather3A_428 : vector<16xf32>
      %scan3A_433 = arith.constant 1 : i32
      %scan3A_434 = arith.addi %scan3A_402, %scan3A_433 : i32
      %mul3A_435 = arith.constant 4 : i32
      %mul3A_436 = arith.muli %scan3A_434, %mul3A_435 : i32
      %get3A_437 = arith.index_cast %mul3A_436 : i32 to index
      %get3A_438 = arith.constant 64 : index
      %get3A_439 = tpu.vector_load %arg11[%get3A_437, %get3A_438] {strides = array<i32>} : memref<200x128xi32, #tpu.memory_space<vmem>>, vector<16xi32>,
      %gather3A_440 = tpu.vector_load_idx %arg12[%get3A_439] : memref<1024xf32, #tpu.memory_space<vmem>>[vector<16xi32>], vector<16xf32>,
      %add3A_441 = arith.constant 1 : i32
      %add3A_442 = arith.addi %mul3A_436, %add3A_441 : i32
      %get3A_443 = arith.index_cast %add3A_442 : i32 to index
      %get3A_444 = arith.constant 64 : index
      %get3A_445 = tpu.vector_load %arg11[%get3A_443, %get3A_444] {strides = array<i32>} : memref<200x128xi32, #tpu.memory_space<vmem>>, vector<16xi32>,
      %gather3A_446 = tpu.vector_load_idx %arg12[%get3A_445] : memref<1024xf32, #tpu.memory_space<vmem>>[vector<16xi32>], vector<16xf32>,
      %add3A_447 = arith.constant 2 : i32
      %add3A_448 = arith.addi %mul3A_436, %add3A_447 : i32
      %get3A_449 = arith.index_cast %add3A_448 : i32 to index
      %get3A_450 = arith.constant 64 : index
      %get3A_451 = tpu.vector_load %arg11[%get3A_449, %get3A_450] {strides = array<i32>} : memref<200x128xi32, #tpu.memory_space<vmem>>, vector<16xi32>,
      %gather3A_452 = tpu.vector_load_idx %arg12[%get3A_451] : memref<1024xf32, #tpu.memory_space<vmem>>[vector<16xi32>], vector<16xf32>,
      %add3A_453 = arith.constant 3 : i32
      %add3A_454 = arith.addi %mul3A_436, %add3A_453 : i32
      %get3A_455 = arith.index_cast %add3A_454 : i32 to index
      %get3A_456 = arith.constant 64 : index
      %get3A_457 = tpu.vector_load %arg11[%get3A_455, %get3A_456] {strides = array<i32>} : memref<200x128xi32, #tpu.memory_space<vmem>>, vector<16xi32>,
      %gather3A_458 = tpu.vector_load_idx %arg12[%get3A_457] : memref<1024xf32, #tpu.memory_space<vmem>>[vector<16xi32>], vector<16xf32>,
      %add3A_459 = arith.addf %add3A_429, %gather3A_440 : vector<16xf32>
      %add3A_460 = arith.addf %add3A_430, %gather3A_446 : vector<16xf32>
      %add3A_461 = arith.addf %add3A_431, %gather3A_452 : vector<16xf32>
      %add3A_462 = arith.addf %add3A_432, %gather3A_458 : vector<16xf32>
      scf.yield %add3A_459, %add3A_460, %add3A_461, %add3A_462 : vector<16xf32>, vector<16xf32>, vector<16xf32>, vector<16xf32>
    }
    %scan3A_161 = arith.constant 50 : i32
    %add3A_162 = arith.addf %scan3A_160#0, %scan3A_160#1 : vector<16xf32>
    %add3A_163 = arith.addf %scan3A_160#2, %scan3A_160#3 : vector<16xf32>
    %add3A_164 = arith.addf %add3A_162, %add3A_163 : vector<16xf32>
    %swap3A_165 = arith.constant 192 : index
    %swap3A_166 = tpu.vector_load %arg16[%swap3A_165] {strides = array<i32>} : memref<512xf32, #tpu.memory_space<vmem>>, vector<16xf32>,
    tpu.vector_store %arg16[%swap3A_165], %add3A_164 {strides = array<i32>} : memref<512xf32, #tpu.memory_space<vmem>>, vector<16xf32>,
    %scan3A_167 = arith.constant 0 : i32
    %scan3A_168 = arith.constant 50 : i32
    %scan3A_169 = arith.addi %scan3A_167, %scan3A_168 : i32
    %scan3A_170 = arith.constant 2 : i32
    %scan3A_171:4 = scf.for %scan3A_402 = %scan3A_167 to %scan3A_169 step %scan3A_170 iter_args(%scan3A_403 = %broadcast_in_dim3A_6, %scan3A_404 = %broadcast_in_dim3A_6, %scan3A_405 = %broadcast_in_dim3A_6, %scan3A_406 = %broadcast_in_dim3A_6) -> (vector<16xf32>, vector<16xf32>, vector<16xf32>, vector<16xf32>)  : i32 {
      %mul3A_407 = arith.constant 4 : i32
      %mul3A_408 = arith.muli %scan3A_402, %mul3A_407 : i32
      %get3A = arith.index_cast %mul3A_408 : i32 to index
      %get3A_409 = arith.constant 80 : index
      %get3A_410 = tpu.vector_load %arg11[%get3A, %get3A_409] {strides = array<i32>} : memref<200x128xi32, #tpu.memory_space<vmem>>, vector<16xi32>,
      %gather3A = tpu.vector_load_idx %arg12[%get3A_410] : memref<1024xf32, #tpu.memory_space<vmem>>[vector<16xi32>], vector<16xf32>,
      %add3A_411 = arith.constant 1 : i32
      %add3A_412 = arith.addi %mul3A_408, %add3A_411 : i32
      %get3A_413 = arith.index_cast %add3A_412 : i32 to index
      %get3A_414 = arith.constant 80 : index
      %get3A_415 = tpu.vector_load %arg11[%get3A_413, %get3A_414] {strides = array<i32>} : memref<200x128xi32, #tpu.memory_space<vmem>>, vector<16xi32>,
      %gather3A_416 = tpu.vector_load_idx %arg12[%get3A_415] : memref<1024xf32, #tpu.memory_space<vmem>>[vector<16xi32>], vector<16xf32>,
      %add3A_417 = arith.constant 2 : i32
      %add3A_418 = arith.addi %mul3A_408, %add3A_417 : i32
      %get3A_419 = arith.index_cast %add3A_418 : i32 to index
      %get3A_420 = arith.constant 80 : index
      %get3A_421 = tpu.vector_load %arg11[%get3A_419, %get3A_420] {strides = array<i32>} : memref<200x128xi32, #tpu.memory_space<vmem>>, vector<16xi32>,
      %gather3A_422 = tpu.vector_load_idx %arg12[%get3A_421] : memref<1024xf32, #tpu.memory_space<vmem>>[vector<16xi32>], vector<16xf32>,
      %add3A_423 = arith.constant 3 : i32
      %add3A_424 = arith.addi %mul3A_408, %add3A_423 : i32
      %get3A_425 = arith.index_cast %add3A_424 : i32 to index
      %get3A_426 = arith.constant 80 : index
      %get3A_427 = tpu.vector_load %arg11[%get3A_425, %get3A_426] {strides = array<i32>} : memref<200x128xi32, #tpu.memory_space<vmem>>, vector<16xi32>,
      %gather3A_428 = tpu.vector_load_idx %arg12[%get3A_427] : memref<1024xf32, #tpu.memory_space<vmem>>[vector<16xi32>], vector<16xf32>,
      %add3A_429 = arith.addf %scan3A_403, %gather3A : vector<16xf32>
      %add3A_430 = arith.addf %scan3A_404, %gather3A_416 : vector<16xf32>
      %add3A_431 = arith.addf %scan3A_405, %gather3A_422 : vector<16xf32>
      %add3A_432 = arith.addf %scan3A_406, %gather3A_428 : vector<16xf32>
      %scan3A_433 = arith.constant 1 : i32
      %scan3A_434 = arith.addi %scan3A_402, %scan3A_433 : i32
      %mul3A_435 = arith.constant 4 : i32
      %mul3A_436 = arith.muli %scan3A_434, %mul3A_435 : i32
      %get3A_437 = arith.index_cast %mul3A_436 : i32 to index
      %get3A_438 = arith.constant 80 : index
      %get3A_439 = tpu.vector_load %arg11[%get3A_437, %get3A_438] {strides = array<i32>} : memref<200x128xi32, #tpu.memory_space<vmem>>, vector<16xi32>,
      %gather3A_440 = tpu.vector_load_idx %arg12[%get3A_439] : memref<1024xf32, #tpu.memory_space<vmem>>[vector<16xi32>], vector<16xf32>,
      %add3A_441 = arith.constant 1 : i32
      %add3A_442 = arith.addi %mul3A_436, %add3A_441 : i32
      %get3A_443 = arith.index_cast %add3A_442 : i32 to index
      %get3A_444 = arith.constant 80 : index
      %get3A_445 = tpu.vector_load %arg11[%get3A_443, %get3A_444] {strides = array<i32>} : memref<200x128xi32, #tpu.memory_space<vmem>>, vector<16xi32>,
      %gather3A_446 = tpu.vector_load_idx %arg12[%get3A_445] : memref<1024xf32, #tpu.memory_space<vmem>>[vector<16xi32>], vector<16xf32>,
      %add3A_447 = arith.constant 2 : i32
      %add3A_448 = arith.addi %mul3A_436, %add3A_447 : i32
      %get3A_449 = arith.index_cast %add3A_448 : i32 to index
      %get3A_450 = arith.constant 80 : index
      %get3A_451 = tpu.vector_load %arg11[%get3A_449, %get3A_450] {strides = array<i32>} : memref<200x128xi32, #tpu.memory_space<vmem>>, vector<16xi32>,
      %gather3A_452 = tpu.vector_load_idx %arg12[%get3A_451] : memref<1024xf32, #tpu.memory_space<vmem>>[vector<16xi32>], vector<16xf32>,
      %add3A_453 = arith.constant 3 : i32
      %add3A_454 = arith.addi %mul3A_436, %add3A_453 : i32
      %get3A_455 = arith.index_cast %add3A_454 : i32 to index
      %get3A_456 = arith.constant 80 : index
      %get3A_457 = tpu.vector_load %arg11[%get3A_455, %get3A_456] {strides = array<i32>} : memref<200x128xi32, #tpu.memory_space<vmem>>, vector<16xi32>,
      %gather3A_458 = tpu.vector_load_idx %arg12[%get3A_457] : memref<1024xf32, #tpu.memory_space<vmem>>[vector<16xi32>], vector<16xf32>,
      %add3A_459 = arith.addf %add3A_429, %gather3A_440 : vector<16xf32>
      %add3A_460 = arith.addf %add3A_430, %gather3A_446 : vector<16xf32>
      %add3A_461 = arith.addf %add3A_431, %gather3A_452 : vector<16xf32>
      %add3A_462 = arith.addf %add3A_432, %gather3A_458 : vector<16xf32>
      scf.yield %add3A_459, %add3A_460, %add3A_461, %add3A_462 : vector<16xf32>, vector<16xf32>, vector<16xf32>, vector<16xf32>
    }
    %scan3A_172 = arith.constant 50 : i32
    %add3A_173 = arith.addf %scan3A_171#0, %scan3A_171#1 : vector<16xf32>
    %add3A_174 = arith.addf %scan3A_171#2, %scan3A_171#3 : vector<16xf32>
    %add3A_175 = arith.addf %add3A_173, %add3A_174 : vector<16xf32>
    %swap3A_176 = arith.constant 208 : index
    %swap3A_177 = tpu.vector_load %arg16[%swap3A_176] {strides = array<i32>} : memref<512xf32, #tpu.memory_space<vmem>>, vector<16xf32>,
    tpu.vector_store %arg16[%swap3A_176], %add3A_175 {strides = array<i32>} : memref<512xf32, #tpu.memory_space<vmem>>, vector<16xf32>,
    %scan3A_178 = arith.constant 0 : i32
    %scan3A_179 = arith.constant 50 : i32
    %scan3A_180 = arith.addi %scan3A_178, %scan3A_179 : i32
    %scan3A_181 = arith.constant 2 : i32
    %scan3A_182:4 = scf.for %scan3A_402 = %scan3A_178 to %scan3A_180 step %scan3A_181 iter_args(%scan3A_403 = %broadcast_in_dim3A_6, %scan3A_404 = %broadcast_in_dim3A_6, %scan3A_405 = %broadcast_in_dim3A_6, %scan3A_406 = %broadcast_in_dim3A_6) -> (vector<16xf32>, vector<16xf32>, vector<16xf32>, vector<16xf32>)  : i32 {
      %mul3A_407 = arith.constant 4 : i32
      %mul3A_408 = arith.muli %scan3A_402, %mul3A_407 : i32
      %get3A = arith.index_cast %mul3A_408 : i32 to index
      %get3A_409 = arith.constant 96 : index
      %get3A_410 = tpu.vector_load %arg11[%get3A, %get3A_409] {strides = array<i32>} : memref<200x128xi32, #tpu.memory_space<vmem>>, vector<16xi32>,
      %gather3A = tpu.vector_load_idx %arg12[%get3A_410] : memref<1024xf32, #tpu.memory_space<vmem>>[vector<16xi32>], vector<16xf32>,
      %add3A_411 = arith.constant 1 : i32
      %add3A_412 = arith.addi %mul3A_408, %add3A_411 : i32
      %get3A_413 = arith.index_cast %add3A_412 : i32 to index
      %get3A_414 = arith.constant 96 : index
      %get3A_415 = tpu.vector_load %arg11[%get3A_413, %get3A_414] {strides = array<i32>} : memref<200x128xi32, #tpu.memory_space<vmem>>, vector<16xi32>,
      %gather3A_416 = tpu.vector_load_idx %arg12[%get3A_415] : memref<1024xf32, #tpu.memory_space<vmem>>[vector<16xi32>], vector<16xf32>,
      %add3A_417 = arith.constant 2 : i32
      %add3A_418 = arith.addi %mul3A_408, %add3A_417 : i32
      %get3A_419 = arith.index_cast %add3A_418 : i32 to index
      %get3A_420 = arith.constant 96 : index
      %get3A_421 = tpu.vector_load %arg11[%get3A_419, %get3A_420] {strides = array<i32>} : memref<200x128xi32, #tpu.memory_space<vmem>>, vector<16xi32>,
      %gather3A_422 = tpu.vector_load_idx %arg12[%get3A_421] : memref<1024xf32, #tpu.memory_space<vmem>>[vector<16xi32>], vector<16xf32>,
      %add3A_423 = arith.constant 3 : i32
      %add3A_424 = arith.addi %mul3A_408, %add3A_423 : i32
      %get3A_425 = arith.index_cast %add3A_424 : i32 to index
      %get3A_426 = arith.constant 96 : index
      %get3A_427 = tpu.vector_load %arg11[%get3A_425, %get3A_426] {strides = array<i32>} : memref<200x128xi32, #tpu.memory_space<vmem>>, vector<16xi32>,
      %gather3A_428 = tpu.vector_load_idx %arg12[%get3A_427] : memref<1024xf32, #tpu.memory_space<vmem>>[vector<16xi32>], vector<16xf32>,
      %add3A_429 = arith.addf %scan3A_403, %gather3A : vector<16xf32>
      %add3A_430 = arith.addf %scan3A_404, %gather3A_416 : vector<16xf32>
      %add3A_431 = arith.addf %scan3A_405, %gather3A_422 : vector<16xf32>
      %add3A_432 = arith.addf %scan3A_406, %gather3A_428 : vector<16xf32>
      %scan3A_433 = arith.constant 1 : i32
      %scan3A_434 = arith.addi %scan3A_402, %scan3A_433 : i32
      %mul3A_435 = arith.constant 4 : i32
      %mul3A_436 = arith.muli %scan3A_434, %mul3A_435 : i32
      %get3A_437 = arith.index_cast %mul3A_436 : i32 to index
      %get3A_438 = arith.constant 96 : index
      %get3A_439 = tpu.vector_load %arg11[%get3A_437, %get3A_438] {strides = array<i32>} : memref<200x128xi32, #tpu.memory_space<vmem>>, vector<16xi32>,
      %gather3A_440 = tpu.vector_load_idx %arg12[%get3A_439] : memref<1024xf32, #tpu.memory_space<vmem>>[vector<16xi32>], vector<16xf32>,
      %add3A_441 = arith.constant 1 : i32
      %add3A_442 = arith.addi %mul3A_436, %add3A_441 : i32
      %get3A_443 = arith.index_cast %add3A_442 : i32 to index
      %get3A_444 = arith.constant 96 : index
      %get3A_445 = tpu.vector_load %arg11[%get3A_443, %get3A_444] {strides = array<i32>} : memref<200x128xi32, #tpu.memory_space<vmem>>, vector<16xi32>,
      %gather3A_446 = tpu.vector_load_idx %arg12[%get3A_445] : memref<1024xf32, #tpu.memory_space<vmem>>[vector<16xi32>], vector<16xf32>,
      %add3A_447 = arith.constant 2 : i32
      %add3A_448 = arith.addi %mul3A_436, %add3A_447 : i32
      %get3A_449 = arith.index_cast %add3A_448 : i32 to index
      %get3A_450 = arith.constant 96 : index
      %get3A_451 = tpu.vector_load %arg11[%get3A_449, %get3A_450] {strides = array<i32>} : memref<200x128xi32, #tpu.memory_space<vmem>>, vector<16xi32>,
      %gather3A_452 = tpu.vector_load_idx %arg12[%get3A_451] : memref<1024xf32, #tpu.memory_space<vmem>>[vector<16xi32>], vector<16xf32>,
      %add3A_453 = arith.constant 3 : i32
      %add3A_454 = arith.addi %mul3A_436, %add3A_453 : i32
      %get3A_455 = arith.index_cast %add3A_454 : i32 to index
      %get3A_456 = arith.constant 96 : index
      %get3A_457 = tpu.vector_load %arg11[%get3A_455, %get3A_456] {strides = array<i32>} : memref<200x128xi32, #tpu.memory_space<vmem>>, vector<16xi32>,
      %gather3A_458 = tpu.vector_load_idx %arg12[%get3A_457] : memref<1024xf32, #tpu.memory_space<vmem>>[vector<16xi32>], vector<16xf32>,
      %add3A_459 = arith.addf %add3A_429, %gather3A_440 : vector<16xf32>
      %add3A_460 = arith.addf %add3A_430, %gather3A_446 : vector<16xf32>
      %add3A_461 = arith.addf %add3A_431, %gather3A_452 : vector<16xf32>
      %add3A_462 = arith.addf %add3A_432, %gather3A_458 : vector<16xf32>
      scf.yield %add3A_459, %add3A_460, %add3A_461, %add3A_462 : vector<16xf32>, vector<16xf32>, vector<16xf32>, vector<16xf32>
    }
    %scan3A_183 = arith.constant 50 : i32
    %add3A_184 = arith.addf %scan3A_182#0, %scan3A_182#1 : vector<16xf32>
    %add3A_185 = arith.addf %scan3A_182#2, %scan3A_182#3 : vector<16xf32>
    %add3A_186 = arith.addf %add3A_184, %add3A_185 : vector<16xf32>
    %swap3A_187 = arith.constant 224 : index
    %swap3A_188 = tpu.vector_load %arg16[%swap3A_187] {strides = array<i32>} : memref<512xf32, #tpu.memory_space<vmem>>, vector<16xf32>,
    tpu.vector_store %arg16[%swap3A_187], %add3A_186 {strides = array<i32>} : memref<512xf32, #tpu.memory_space<vmem>>, vector<16xf32>,
    %scan3A_189 = arith.constant 0 : i32
    %scan3A_190 = arith.constant 50 : i32
    %scan3A_191 = arith.addi %scan3A_189, %scan3A_190 : i32
    %scan3A_192 = arith.constant 2 : i32
    %scan3A_193:4 = scf.for %scan3A_402 = %scan3A_189 to %scan3A_191 step %scan3A_192 iter_args(%scan3A_403 = %broadcast_in_dim3A_6, %scan3A_404 = %broadcast_in_dim3A_6, %scan3A_405 = %broadcast_in_dim3A_6, %scan3A_406 = %broadcast_in_dim3A_6) -> (vector<16xf32>, vector<16xf32>, vector<16xf32>, vector<16xf32>)  : i32 {
      %mul3A_407 = arith.constant 4 : i32
      %mul3A_408 = arith.muli %scan3A_402, %mul3A_407 : i32
      %get3A = arith.index_cast %mul3A_408 : i32 to index
      %get3A_409 = arith.constant 112 : index
      %get3A_410 = tpu.vector_load %arg11[%get3A, %get3A_409] {strides = array<i32>} : memref<200x128xi32, #tpu.memory_space<vmem>>, vector<16xi32>,
      %gather3A = tpu.vector_load_idx %arg12[%get3A_410] : memref<1024xf32, #tpu.memory_space<vmem>>[vector<16xi32>], vector<16xf32>,
      %add3A_411 = arith.constant 1 : i32
      %add3A_412 = arith.addi %mul3A_408, %add3A_411 : i32
      %get3A_413 = arith.index_cast %add3A_412 : i32 to index
      %get3A_414 = arith.constant 112 : index
      %get3A_415 = tpu.vector_load %arg11[%get3A_413, %get3A_414] {strides = array<i32>} : memref<200x128xi32, #tpu.memory_space<vmem>>, vector<16xi32>,
      %gather3A_416 = tpu.vector_load_idx %arg12[%get3A_415] : memref<1024xf32, #tpu.memory_space<vmem>>[vector<16xi32>], vector<16xf32>,
      %add3A_417 = arith.constant 2 : i32
      %add3A_418 = arith.addi %mul3A_408, %add3A_417 : i32
      %get3A_419 = arith.index_cast %add3A_418 : i32 to index
      %get3A_420 = arith.constant 112 : index
      %get3A_421 = tpu.vector_load %arg11[%get3A_419, %get3A_420] {strides = array<i32>} : memref<200x128xi32, #tpu.memory_space<vmem>>, vector<16xi32>,
      %gather3A_422 = tpu.vector_load_idx %arg12[%get3A_421] : memref<1024xf32, #tpu.memory_space<vmem>>[vector<16xi32>], vector<16xf32>,
      %add3A_423 = arith.constant 3 : i32
      %add3A_424 = arith.addi %mul3A_408, %add3A_423 : i32
      %get3A_425 = arith.index_cast %add3A_424 : i32 to index
      %get3A_426 = arith.constant 112 : index
      %get3A_427 = tpu.vector_load %arg11[%get3A_425, %get3A_426] {strides = array<i32>} : memref<200x128xi32, #tpu.memory_space<vmem>>, vector<16xi32>,
      %gather3A_428 = tpu.vector_load_idx %arg12[%get3A_427] : memref<1024xf32, #tpu.memory_space<vmem>>[vector<16xi32>], vector<16xf32>,
      %add3A_429 = arith.addf %scan3A_403, %gather3A : vector<16xf32>
      %add3A_430 = arith.addf %scan3A_404, %gather3A_416 : vector<16xf32>
      %add3A_431 = arith.addf %scan3A_405, %gather3A_422 : vector<16xf32>
      %add3A_432 = arith.addf %scan3A_406, %gather3A_428 : vector<16xf32>
      %scan3A_433 = arith.constant 1 : i32
      %scan3A_434 = arith.addi %scan3A_402, %scan3A_433 : i32
      %mul3A_435 = arith.constant 4 : i32
      %mul3A_436 = arith.muli %scan3A_434, %mul3A_435 : i32
      %get3A_437 = arith.index_cast %mul3A_436 : i32 to index
      %get3A_438 = arith.constant 112 : index
      %get3A_439 = tpu.vector_load %arg11[%get3A_437, %get3A_438] {strides = array<i32>} : memref<200x128xi32, #tpu.memory_space<vmem>>, vector<16xi32>,
      %gather3A_440 = tpu.vector_load_idx %arg12[%get3A_439] : memref<1024xf32, #tpu.memory_space<vmem>>[vector<16xi32>], vector<16xf32>,
      %add3A_441 = arith.constant 1 : i32
      %add3A_442 = arith.addi %mul3A_436, %add3A_441 : i32
      %get3A_443 = arith.index_cast %add3A_442 : i32 to index
      %get3A_444 = arith.constant 112 : index
      %get3A_445 = tpu.vector_load %arg11[%get3A_443, %get3A_444] {strides = array<i32>} : memref<200x128xi32, #tpu.memory_space<vmem>>, vector<16xi32>,
      %gather3A_446 = tpu.vector_load_idx %arg12[%get3A_445] : memref<1024xf32, #tpu.memory_space<vmem>>[vector<16xi32>], vector<16xf32>,
      %add3A_447 = arith.constant 2 : i32
      %add3A_448 = arith.addi %mul3A_436, %add3A_447 : i32
      %get3A_449 = arith.index_cast %add3A_448 : i32 to index
      %get3A_450 = arith.constant 112 : index
      %get3A_451 = tpu.vector_load %arg11[%get3A_449, %get3A_450] {strides = array<i32>} : memref<200x128xi32, #tpu.memory_space<vmem>>, vector<16xi32>,
      %gather3A_452 = tpu.vector_load_idx %arg12[%get3A_451] : memref<1024xf32, #tpu.memory_space<vmem>>[vector<16xi32>], vector<16xf32>,
      %add3A_453 = arith.constant 3 : i32
      %add3A_454 = arith.addi %mul3A_436, %add3A_453 : i32
      %get3A_455 = arith.index_cast %add3A_454 : i32 to index
      %get3A_456 = arith.constant 112 : index
      %get3A_457 = tpu.vector_load %arg11[%get3A_455, %get3A_456] {strides = array<i32>} : memref<200x128xi32, #tpu.memory_space<vmem>>, vector<16xi32>,
      %gather3A_458 = tpu.vector_load_idx %arg12[%get3A_457] : memref<1024xf32, #tpu.memory_space<vmem>>[vector<16xi32>], vector<16xf32>,
      %add3A_459 = arith.addf %add3A_429, %gather3A_440 : vector<16xf32>
      %add3A_460 = arith.addf %add3A_430, %gather3A_446 : vector<16xf32>
      %add3A_461 = arith.addf %add3A_431, %gather3A_452 : vector<16xf32>
      %add3A_462 = arith.addf %add3A_432, %gather3A_458 : vector<16xf32>
      scf.yield %add3A_459, %add3A_460, %add3A_461, %add3A_462 : vector<16xf32>, vector<16xf32>, vector<16xf32>, vector<16xf32>
    }
    %scan3A_194 = arith.constant 50 : i32
    %add3A_195 = arith.addf %scan3A_193#0, %scan3A_193#1 : vector<16xf32>
    %add3A_196 = arith.addf %scan3A_193#2, %scan3A_193#3 : vector<16xf32>
    %add3A_197 = arith.addf %add3A_195, %add3A_196 : vector<16xf32>
    %swap3A_198 = arith.constant 240 : index
    %swap3A_199 = tpu.vector_load %arg16[%swap3A_198] {strides = array<i32>} : memref<512xf32, #tpu.memory_space<vmem>>, vector<16xf32>,
    tpu.vector_store %arg16[%swap3A_198], %add3A_197 {strides = array<i32>} : memref<512xf32, #tpu.memory_space<vmem>>, vector<16xf32>,
    %dma_wait3A_200 = arith.constant 0 : i32
    %dma_wait3A_201 = tpu.memref_slice %arg2[%dma_wait3A_200, %add3A_107] : memref<200x16384xi32, #tpu.memory_space<hbm>> -> memref<200x128xi32, #tpu.memory_space<hbm>>
    %dma_wait3A_202 = arith.constant 0 : i32
    %dma_wait3A_203 = tpu.memref_slice %arg2[%dma_wait3A_202, %add3A_107] : memref<200x16384xi32, #tpu.memory_space<hbm>> -> memref<200x128xi32, #tpu.memory_space<hbm>>
    tpu.wait_dma2 semaphore(%arg20 : memref<!tpu.dma_semaphore, #tpu.memory_space<semaphore_mem>>) src(%dma_wait3A_203 : memref<200x128xi32, #tpu.memory_space<hbm>>) dst(%arg10 : memref<200x128xi32, #tpu.memory_space<vmem>>)
    %add3A_204 = arith.constant 384 : i32
    %add3A_205 = arith.addi %mul3A_2, %add3A_204 : i32
    %dma_start3A_206 = arith.constant 0 : i32
    %dma_start3A_207 = tpu.memref_slice %arg2[%dma_start3A_206, %add3A_205] : memref<200x16384xi32, #tpu.memory_space<hbm>> -> memref<200x128xi32, #tpu.memory_space<hbm>>
    %dma_start3A_208 = arith.constant 0 : i32
    %dma_start3A_209 = tpu.memref_slice %arg2[%dma_start3A_208, %add3A_205] : memref<200x16384xi32, #tpu.memory_space<hbm>> -> memref<200x128xi32, #tpu.memory_space<hbm>>
    tpu.enqueue_dma source(%dma_start3A_209 : memref<200x128xi32, #tpu.memory_space<hbm>>) target(%arg11 : memref<200x128xi32, #tpu.memory_space<vmem>>) target_semaphore(%arg21 : memref<!tpu.dma_semaphore, #tpu.memory_space<semaphore_mem>>)
    %scan3A_210 = arith.constant 0 : i32
    %scan3A_211 = arith.constant 50 : i32
    %scan3A_212 = arith.addi %scan3A_210, %scan3A_211 : i32
    %scan3A_213 = arith.constant 2 : i32
    %scan3A_214:4 = scf.for %scan3A_402 = %scan3A_210 to %scan3A_212 step %scan3A_213 iter_args(%scan3A_403 = %broadcast_in_dim3A_6, %scan3A_404 = %broadcast_in_dim3A_6, %scan3A_405 = %broadcast_in_dim3A_6, %scan3A_406 = %broadcast_in_dim3A_6) -> (vector<16xf32>, vector<16xf32>, vector<16xf32>, vector<16xf32>)  : i32 {
      %mul3A_407 = arith.constant 4 : i32
      %mul3A_408 = arith.muli %scan3A_402, %mul3A_407 : i32
      %get3A = arith.index_cast %mul3A_408 : i32 to index
      %get3A_409 = arith.constant 0 : index
      %get3A_410 = tpu.vector_load %arg10[%get3A, %get3A_409] {strides = array<i32>} : memref<200x128xi32, #tpu.memory_space<vmem>>, vector<16xi32>,
      %gather3A = tpu.vector_load_idx %arg12[%get3A_410] : memref<1024xf32, #tpu.memory_space<vmem>>[vector<16xi32>], vector<16xf32>,
      %add3A_411 = arith.constant 1 : i32
      %add3A_412 = arith.addi %mul3A_408, %add3A_411 : i32
      %get3A_413 = arith.index_cast %add3A_412 : i32 to index
      %get3A_414 = arith.constant 0 : index
      %get3A_415 = tpu.vector_load %arg10[%get3A_413, %get3A_414] {strides = array<i32>} : memref<200x128xi32, #tpu.memory_space<vmem>>, vector<16xi32>,
      %gather3A_416 = tpu.vector_load_idx %arg12[%get3A_415] : memref<1024xf32, #tpu.memory_space<vmem>>[vector<16xi32>], vector<16xf32>,
      %add3A_417 = arith.constant 2 : i32
      %add3A_418 = arith.addi %mul3A_408, %add3A_417 : i32
      %get3A_419 = arith.index_cast %add3A_418 : i32 to index
      %get3A_420 = arith.constant 0 : index
      %get3A_421 = tpu.vector_load %arg10[%get3A_419, %get3A_420] {strides = array<i32>} : memref<200x128xi32, #tpu.memory_space<vmem>>, vector<16xi32>,
      %gather3A_422 = tpu.vector_load_idx %arg12[%get3A_421] : memref<1024xf32, #tpu.memory_space<vmem>>[vector<16xi32>], vector<16xf32>,
      %add3A_423 = arith.constant 3 : i32
      %add3A_424 = arith.addi %mul3A_408, %add3A_423 : i32
      %get3A_425 = arith.index_cast %add3A_424 : i32 to index
      %get3A_426 = arith.constant 0 : index
      %get3A_427 = tpu.vector_load %arg10[%get3A_425, %get3A_426] {strides = array<i32>} : memref<200x128xi32, #tpu.memory_space<vmem>>, vector<16xi32>,
      %gather3A_428 = tpu.vector_load_idx %arg12[%get3A_427] : memref<1024xf32, #tpu.memory_space<vmem>>[vector<16xi32>], vector<16xf32>,
      %add3A_429 = arith.addf %scan3A_403, %gather3A : vector<16xf32>
      %add3A_430 = arith.addf %scan3A_404, %gather3A_416 : vector<16xf32>
      %add3A_431 = arith.addf %scan3A_405, %gather3A_422 : vector<16xf32>
      %add3A_432 = arith.addf %scan3A_406, %gather3A_428 : vector<16xf32>
      %scan3A_433 = arith.constant 1 : i32
      %scan3A_434 = arith.addi %scan3A_402, %scan3A_433 : i32
      %mul3A_435 = arith.constant 4 : i32
      %mul3A_436 = arith.muli %scan3A_434, %mul3A_435 : i32
      %get3A_437 = arith.index_cast %mul3A_436 : i32 to index
      %get3A_438 = arith.constant 0 : index
      %get3A_439 = tpu.vector_load %arg10[%get3A_437, %get3A_438] {strides = array<i32>} : memref<200x128xi32, #tpu.memory_space<vmem>>, vector<16xi32>,
      %gather3A_440 = tpu.vector_load_idx %arg12[%get3A_439] : memref<1024xf32, #tpu.memory_space<vmem>>[vector<16xi32>], vector<16xf32>,
      %add3A_441 = arith.constant 1 : i32
      %add3A_442 = arith.addi %mul3A_436, %add3A_441 : i32
      %get3A_443 = arith.index_cast %add3A_442 : i32 to index
      %get3A_444 = arith.constant 0 : index
      %get3A_445 = tpu.vector_load %arg10[%get3A_443, %get3A_444] {strides = array<i32>} : memref<200x128xi32, #tpu.memory_space<vmem>>, vector<16xi32>,
      %gather3A_446 = tpu.vector_load_idx %arg12[%get3A_445] : memref<1024xf32, #tpu.memory_space<vmem>>[vector<16xi32>], vector<16xf32>,
      %add3A_447 = arith.constant 2 : i32
      %add3A_448 = arith.addi %mul3A_436, %add3A_447 : i32
      %get3A_449 = arith.index_cast %add3A_448 : i32 to index
      %get3A_450 = arith.constant 0 : index
      %get3A_451 = tpu.vector_load %arg10[%get3A_449, %get3A_450] {strides = array<i32>} : memref<200x128xi32, #tpu.memory_space<vmem>>, vector<16xi32>,
      %gather3A_452 = tpu.vector_load_idx %arg12[%get3A_451] : memref<1024xf32, #tpu.memory_space<vmem>>[vector<16xi32>], vector<16xf32>,
      %add3A_453 = arith.constant 3 : i32
      %add3A_454 = arith.addi %mul3A_436, %add3A_453 : i32
      %get3A_455 = arith.index_cast %add3A_454 : i32 to index
      %get3A_456 = arith.constant 0 : index
      %get3A_457 = tpu.vector_load %arg10[%get3A_455, %get3A_456] {strides = array<i32>} : memref<200x128xi32, #tpu.memory_space<vmem>>, vector<16xi32>,
      %gather3A_458 = tpu.vector_load_idx %arg12[%get3A_457] : memref<1024xf32, #tpu.memory_space<vmem>>[vector<16xi32>], vector<16xf32>,
      %add3A_459 = arith.addf %add3A_429, %gather3A_440 : vector<16xf32>
      %add3A_460 = arith.addf %add3A_430, %gather3A_446 : vector<16xf32>
      %add3A_461 = arith.addf %add3A_431, %gather3A_452 : vector<16xf32>
      %add3A_462 = arith.addf %add3A_432, %gather3A_458 : vector<16xf32>
      scf.yield %add3A_459, %add3A_460, %add3A_461, %add3A_462 : vector<16xf32>, vector<16xf32>, vector<16xf32>, vector<16xf32>
    }
    %scan3A_215 = arith.constant 50 : i32
    %add3A_216 = arith.addf %scan3A_214#0, %scan3A_214#1 : vector<16xf32>
    %add3A_217 = arith.addf %scan3A_214#2, %scan3A_214#3 : vector<16xf32>
    %add3A_218 = arith.addf %add3A_216, %add3A_217 : vector<16xf32>
    %swap3A_219 = arith.constant 256 : index
    %swap3A_220 = tpu.vector_load %arg16[%swap3A_219] {strides = array<i32>} : memref<512xf32, #tpu.memory_space<vmem>>, vector<16xf32>,
    tpu.vector_store %arg16[%swap3A_219], %add3A_218 {strides = array<i32>} : memref<512xf32, #tpu.memory_space<vmem>>, vector<16xf32>,
    %scan3A_221 = arith.constant 0 : i32
    %scan3A_222 = arith.constant 50 : i32
    %scan3A_223 = arith.addi %scan3A_221, %scan3A_222 : i32
    %scan3A_224 = arith.constant 2 : i32
    %scan3A_225:4 = scf.for %scan3A_402 = %scan3A_221 to %scan3A_223 step %scan3A_224 iter_args(%scan3A_403 = %broadcast_in_dim3A_6, %scan3A_404 = %broadcast_in_dim3A_6, %scan3A_405 = %broadcast_in_dim3A_6, %scan3A_406 = %broadcast_in_dim3A_6) -> (vector<16xf32>, vector<16xf32>, vector<16xf32>, vector<16xf32>)  : i32 {
      %mul3A_407 = arith.constant 4 : i32
      %mul3A_408 = arith.muli %scan3A_402, %mul3A_407 : i32
      %get3A = arith.index_cast %mul3A_408 : i32 to index
      %get3A_409 = arith.constant 16 : index
      %get3A_410 = tpu.vector_load %arg10[%get3A, %get3A_409] {strides = array<i32>} : memref<200x128xi32, #tpu.memory_space<vmem>>, vector<16xi32>,
      %gather3A = tpu.vector_load_idx %arg12[%get3A_410] : memref<1024xf32, #tpu.memory_space<vmem>>[vector<16xi32>], vector<16xf32>,
      %add3A_411 = arith.constant 1 : i32
      %add3A_412 = arith.addi %mul3A_408, %add3A_411 : i32
      %get3A_413 = arith.index_cast %add3A_412 : i32 to index
      %get3A_414 = arith.constant 16 : index
      %get3A_415 = tpu.vector_load %arg10[%get3A_413, %get3A_414] {strides = array<i32>} : memref<200x128xi32, #tpu.memory_space<vmem>>, vector<16xi32>,
      %gather3A_416 = tpu.vector_load_idx %arg12[%get3A_415] : memref<1024xf32, #tpu.memory_space<vmem>>[vector<16xi32>], vector<16xf32>,
      %add3A_417 = arith.constant 2 : i32
      %add3A_418 = arith.addi %mul3A_408, %add3A_417 : i32
      %get3A_419 = arith.index_cast %add3A_418 : i32 to index
      %get3A_420 = arith.constant 16 : index
      %get3A_421 = tpu.vector_load %arg10[%get3A_419, %get3A_420] {strides = array<i32>} : memref<200x128xi32, #tpu.memory_space<vmem>>, vector<16xi32>,
      %gather3A_422 = tpu.vector_load_idx %arg12[%get3A_421] : memref<1024xf32, #tpu.memory_space<vmem>>[vector<16xi32>], vector<16xf32>,
      %add3A_423 = arith.constant 3 : i32
      %add3A_424 = arith.addi %mul3A_408, %add3A_423 : i32
      %get3A_425 = arith.index_cast %add3A_424 : i32 to index
      %get3A_426 = arith.constant 16 : index
      %get3A_427 = tpu.vector_load %arg10[%get3A_425, %get3A_426] {strides = array<i32>} : memref<200x128xi32, #tpu.memory_space<vmem>>, vector<16xi32>,
      %gather3A_428 = tpu.vector_load_idx %arg12[%get3A_427] : memref<1024xf32, #tpu.memory_space<vmem>>[vector<16xi32>], vector<16xf32>,
      %add3A_429 = arith.addf %scan3A_403, %gather3A : vector<16xf32>
      %add3A_430 = arith.addf %scan3A_404, %gather3A_416 : vector<16xf32>
      %add3A_431 = arith.addf %scan3A_405, %gather3A_422 : vector<16xf32>
      %add3A_432 = arith.addf %scan3A_406, %gather3A_428 : vector<16xf32>
      %scan3A_433 = arith.constant 1 : i32
      %scan3A_434 = arith.addi %scan3A_402, %scan3A_433 : i32
      %mul3A_435 = arith.constant 4 : i32
      %mul3A_436 = arith.muli %scan3A_434, %mul3A_435 : i32
      %get3A_437 = arith.index_cast %mul3A_436 : i32 to index
      %get3A_438 = arith.constant 16 : index
      %get3A_439 = tpu.vector_load %arg10[%get3A_437, %get3A_438] {strides = array<i32>} : memref<200x128xi32, #tpu.memory_space<vmem>>, vector<16xi32>,
      %gather3A_440 = tpu.vector_load_idx %arg12[%get3A_439] : memref<1024xf32, #tpu.memory_space<vmem>>[vector<16xi32>], vector<16xf32>,
      %add3A_441 = arith.constant 1 : i32
      %add3A_442 = arith.addi %mul3A_436, %add3A_441 : i32
      %get3A_443 = arith.index_cast %add3A_442 : i32 to index
      %get3A_444 = arith.constant 16 : index
      %get3A_445 = tpu.vector_load %arg10[%get3A_443, %get3A_444] {strides = array<i32>} : memref<200x128xi32, #tpu.memory_space<vmem>>, vector<16xi32>,
      %gather3A_446 = tpu.vector_load_idx %arg12[%get3A_445] : memref<1024xf32, #tpu.memory_space<vmem>>[vector<16xi32>], vector<16xf32>,
      %add3A_447 = arith.constant 2 : i32
      %add3A_448 = arith.addi %mul3A_436, %add3A_447 : i32
      %get3A_449 = arith.index_cast %add3A_448 : i32 to index
      %get3A_450 = arith.constant 16 : index
      %get3A_451 = tpu.vector_load %arg10[%get3A_449, %get3A_450] {strides = array<i32>} : memref<200x128xi32, #tpu.memory_space<vmem>>, vector<16xi32>,
      %gather3A_452 = tpu.vector_load_idx %arg12[%get3A_451] : memref<1024xf32, #tpu.memory_space<vmem>>[vector<16xi32>], vector<16xf32>,
      %add3A_453 = arith.constant 3 : i32
      %add3A_454 = arith.addi %mul3A_436, %add3A_453 : i32
      %get3A_455 = arith.index_cast %add3A_454 : i32 to index
      %get3A_456 = arith.constant 16 : index
      %get3A_457 = tpu.vector_load %arg10[%get3A_455, %get3A_456] {strides = array<i32>} : memref<200x128xi32, #tpu.memory_space<vmem>>, vector<16xi32>,
      %gather3A_458 = tpu.vector_load_idx %arg12[%get3A_457] : memref<1024xf32, #tpu.memory_space<vmem>>[vector<16xi32>], vector<16xf32>,
      %add3A_459 = arith.addf %add3A_429, %gather3A_440 : vector<16xf32>
      %add3A_460 = arith.addf %add3A_430, %gather3A_446 : vector<16xf32>
      %add3A_461 = arith.addf %add3A_431, %gather3A_452 : vector<16xf32>
      %add3A_462 = arith.addf %add3A_432, %gather3A_458 : vector<16xf32>
      scf.yield %add3A_459, %add3A_460, %add3A_461, %add3A_462 : vector<16xf32>, vector<16xf32>, vector<16xf32>, vector<16xf32>
    }
    %scan3A_226 = arith.constant 50 : i32
    %add3A_227 = arith.addf %scan3A_225#0, %scan3A_225#1 : vector<16xf32>
    %add3A_228 = arith.addf %scan3A_225#2, %scan3A_225#3 : vector<16xf32>
    %add3A_229 = arith.addf %add3A_227, %add3A_228 : vector<16xf32>
    %swap3A_230 = arith.constant 272 : index
    %swap3A_231 = tpu.vector_load %arg16[%swap3A_230] {strides = array<i32>} : memref<512xf32, #tpu.memory_space<vmem>>, vector<16xf32>,
    tpu.vector_store %arg16[%swap3A_230], %add3A_229 {strides = array<i32>} : memref<512xf32, #tpu.memory_space<vmem>>, vector<16xf32>,
    %scan3A_232 = arith.constant 0 : i32
    %scan3A_233 = arith.constant 50 : i32
    %scan3A_234 = arith.addi %scan3A_232, %scan3A_233 : i32
    %scan3A_235 = arith.constant 2 : i32
    %scan3A_236:4 = scf.for %scan3A_402 = %scan3A_232 to %scan3A_234 step %scan3A_235 iter_args(%scan3A_403 = %broadcast_in_dim3A_6, %scan3A_404 = %broadcast_in_dim3A_6, %scan3A_405 = %broadcast_in_dim3A_6, %scan3A_406 = %broadcast_in_dim3A_6) -> (vector<16xf32>, vector<16xf32>, vector<16xf32>, vector<16xf32>)  : i32 {
      %mul3A_407 = arith.constant 4 : i32
      %mul3A_408 = arith.muli %scan3A_402, %mul3A_407 : i32
      %get3A = arith.index_cast %mul3A_408 : i32 to index
      %get3A_409 = arith.constant 32 : index
      %get3A_410 = tpu.vector_load %arg10[%get3A, %get3A_409] {strides = array<i32>} : memref<200x128xi32, #tpu.memory_space<vmem>>, vector<16xi32>,
      %gather3A = tpu.vector_load_idx %arg12[%get3A_410] : memref<1024xf32, #tpu.memory_space<vmem>>[vector<16xi32>], vector<16xf32>,
      %add3A_411 = arith.constant 1 : i32
      %add3A_412 = arith.addi %mul3A_408, %add3A_411 : i32
      %get3A_413 = arith.index_cast %add3A_412 : i32 to index
      %get3A_414 = arith.constant 32 : index
      %get3A_415 = tpu.vector_load %arg10[%get3A_413, %get3A_414] {strides = array<i32>} : memref<200x128xi32, #tpu.memory_space<vmem>>, vector<16xi32>,
      %gather3A_416 = tpu.vector_load_idx %arg12[%get3A_415] : memref<1024xf32, #tpu.memory_space<vmem>>[vector<16xi32>], vector<16xf32>,
      %add3A_417 = arith.constant 2 : i32
      %add3A_418 = arith.addi %mul3A_408, %add3A_417 : i32
      %get3A_419 = arith.index_cast %add3A_418 : i32 to index
      %get3A_420 = arith.constant 32 : index
      %get3A_421 = tpu.vector_load %arg10[%get3A_419, %get3A_420] {strides = array<i32>} : memref<200x128xi32, #tpu.memory_space<vmem>>, vector<16xi32>,
      %gather3A_422 = tpu.vector_load_idx %arg12[%get3A_421] : memref<1024xf32, #tpu.memory_space<vmem>>[vector<16xi32>], vector<16xf32>,
      %add3A_423 = arith.constant 3 : i32
      %add3A_424 = arith.addi %mul3A_408, %add3A_423 : i32
      %get3A_425 = arith.index_cast %add3A_424 : i32 to index
      %get3A_426 = arith.constant 32 : index
      %get3A_427 = tpu.vector_load %arg10[%get3A_425, %get3A_426] {strides = array<i32>} : memref<200x128xi32, #tpu.memory_space<vmem>>, vector<16xi32>,
      %gather3A_428 = tpu.vector_load_idx %arg12[%get3A_427] : memref<1024xf32, #tpu.memory_space<vmem>>[vector<16xi32>], vector<16xf32>,
      %add3A_429 = arith.addf %scan3A_403, %gather3A : vector<16xf32>
      %add3A_430 = arith.addf %scan3A_404, %gather3A_416 : vector<16xf32>
      %add3A_431 = arith.addf %scan3A_405, %gather3A_422 : vector<16xf32>
      %add3A_432 = arith.addf %scan3A_406, %gather3A_428 : vector<16xf32>
      %scan3A_433 = arith.constant 1 : i32
      %scan3A_434 = arith.addi %scan3A_402, %scan3A_433 : i32
      %mul3A_435 = arith.constant 4 : i32
      %mul3A_436 = arith.muli %scan3A_434, %mul3A_435 : i32
      %get3A_437 = arith.index_cast %mul3A_436 : i32 to index
      %get3A_438 = arith.constant 32 : index
      %get3A_439 = tpu.vector_load %arg10[%get3A_437, %get3A_438] {strides = array<i32>} : memref<200x128xi32, #tpu.memory_space<vmem>>, vector<16xi32>,
      %gather3A_440 = tpu.vector_load_idx %arg12[%get3A_439] : memref<1024xf32, #tpu.memory_space<vmem>>[vector<16xi32>], vector<16xf32>,
      %add3A_441 = arith.constant 1 : i32
      %add3A_442 = arith.addi %mul3A_436, %add3A_441 : i32
      %get3A_443 = arith.index_cast %add3A_442 : i32 to index
      %get3A_444 = arith.constant 32 : index
      %get3A_445 = tpu.vector_load %arg10[%get3A_443, %get3A_444] {strides = array<i32>} : memref<200x128xi32, #tpu.memory_space<vmem>>, vector<16xi32>,
      %gather3A_446 = tpu.vector_load_idx %arg12[%get3A_445] : memref<1024xf32, #tpu.memory_space<vmem>>[vector<16xi32>], vector<16xf32>,
      %add3A_447 = arith.constant 2 : i32
      %add3A_448 = arith.addi %mul3A_436, %add3A_447 : i32
      %get3A_449 = arith.index_cast %add3A_448 : i32 to index
      %get3A_450 = arith.constant 32 : index
      %get3A_451 = tpu.vector_load %arg10[%get3A_449, %get3A_450] {strides = array<i32>} : memref<200x128xi32, #tpu.memory_space<vmem>>, vector<16xi32>,
      %gather3A_452 = tpu.vector_load_idx %arg12[%get3A_451] : memref<1024xf32, #tpu.memory_space<vmem>>[vector<16xi32>], vector<16xf32>,
      %add3A_453 = arith.constant 3 : i32
      %add3A_454 = arith.addi %mul3A_436, %add3A_453 : i32
      %get3A_455 = arith.index_cast %add3A_454 : i32 to index
      %get3A_456 = arith.constant 32 : index
      %get3A_457 = tpu.vector_load %arg10[%get3A_455, %get3A_456] {strides = array<i32>} : memref<200x128xi32, #tpu.memory_space<vmem>>, vector<16xi32>,
      %gather3A_458 = tpu.vector_load_idx %arg12[%get3A_457] : memref<1024xf32, #tpu.memory_space<vmem>>[vector<16xi32>], vector<16xf32>,
      %add3A_459 = arith.addf %add3A_429, %gather3A_440 : vector<16xf32>
      %add3A_460 = arith.addf %add3A_430, %gather3A_446 : vector<16xf32>
      %add3A_461 = arith.addf %add3A_431, %gather3A_452 : vector<16xf32>
      %add3A_462 = arith.addf %add3A_432, %gather3A_458 : vector<16xf32>
      scf.yield %add3A_459, %add3A_460, %add3A_461, %add3A_462 : vector<16xf32>, vector<16xf32>, vector<16xf32>, vector<16xf32>
    }
    %scan3A_237 = arith.constant 50 : i32
    %add3A_238 = arith.addf %scan3A_236#0, %scan3A_236#1 : vector<16xf32>
    %add3A_239 = arith.addf %scan3A_236#2, %scan3A_236#3 : vector<16xf32>
    %add3A_240 = arith.addf %add3A_238, %add3A_239 : vector<16xf32>
    %swap3A_241 = arith.constant 288 : index
    %swap3A_242 = tpu.vector_load %arg16[%swap3A_241] {strides = array<i32>} : memref<512xf32, #tpu.memory_space<vmem>>, vector<16xf32>,
    tpu.vector_store %arg16[%swap3A_241], %add3A_240 {strides = array<i32>} : memref<512xf32, #tpu.memory_space<vmem>>, vector<16xf32>,
    %scan3A_243 = arith.constant 0 : i32
    %scan3A_244 = arith.constant 50 : i32
    %scan3A_245 = arith.addi %scan3A_243, %scan3A_244 : i32
    %scan3A_246 = arith.constant 2 : i32
    %scan3A_247:4 = scf.for %scan3A_402 = %scan3A_243 to %scan3A_245 step %scan3A_246 iter_args(%scan3A_403 = %broadcast_in_dim3A_6, %scan3A_404 = %broadcast_in_dim3A_6, %scan3A_405 = %broadcast_in_dim3A_6, %scan3A_406 = %broadcast_in_dim3A_6) -> (vector<16xf32>, vector<16xf32>, vector<16xf32>, vector<16xf32>)  : i32 {
      %mul3A_407 = arith.constant 4 : i32
      %mul3A_408 = arith.muli %scan3A_402, %mul3A_407 : i32
      %get3A = arith.index_cast %mul3A_408 : i32 to index
      %get3A_409 = arith.constant 48 : index
      %get3A_410 = tpu.vector_load %arg10[%get3A, %get3A_409] {strides = array<i32>} : memref<200x128xi32, #tpu.memory_space<vmem>>, vector<16xi32>,
      %gather3A = tpu.vector_load_idx %arg12[%get3A_410] : memref<1024xf32, #tpu.memory_space<vmem>>[vector<16xi32>], vector<16xf32>,
      %add3A_411 = arith.constant 1 : i32
      %add3A_412 = arith.addi %mul3A_408, %add3A_411 : i32
      %get3A_413 = arith.index_cast %add3A_412 : i32 to index
      %get3A_414 = arith.constant 48 : index
      %get3A_415 = tpu.vector_load %arg10[%get3A_413, %get3A_414] {strides = array<i32>} : memref<200x128xi32, #tpu.memory_space<vmem>>, vector<16xi32>,
      %gather3A_416 = tpu.vector_load_idx %arg12[%get3A_415] : memref<1024xf32, #tpu.memory_space<vmem>>[vector<16xi32>], vector<16xf32>,
      %add3A_417 = arith.constant 2 : i32
      %add3A_418 = arith.addi %mul3A_408, %add3A_417 : i32
      %get3A_419 = arith.index_cast %add3A_418 : i32 to index
      %get3A_420 = arith.constant 48 : index
      %get3A_421 = tpu.vector_load %arg10[%get3A_419, %get3A_420] {strides = array<i32>} : memref<200x128xi32, #tpu.memory_space<vmem>>, vector<16xi32>,
      %gather3A_422 = tpu.vector_load_idx %arg12[%get3A_421] : memref<1024xf32, #tpu.memory_space<vmem>>[vector<16xi32>], vector<16xf32>,
      %add3A_423 = arith.constant 3 : i32
      %add3A_424 = arith.addi %mul3A_408, %add3A_423 : i32
      %get3A_425 = arith.index_cast %add3A_424 : i32 to index
      %get3A_426 = arith.constant 48 : index
      %get3A_427 = tpu.vector_load %arg10[%get3A_425, %get3A_426] {strides = array<i32>} : memref<200x128xi32, #tpu.memory_space<vmem>>, vector<16xi32>,
      %gather3A_428 = tpu.vector_load_idx %arg12[%get3A_427] : memref<1024xf32, #tpu.memory_space<vmem>>[vector<16xi32>], vector<16xf32>,
      %add3A_429 = arith.addf %scan3A_403, %gather3A : vector<16xf32>
      %add3A_430 = arith.addf %scan3A_404, %gather3A_416 : vector<16xf32>
      %add3A_431 = arith.addf %scan3A_405, %gather3A_422 : vector<16xf32>
      %add3A_432 = arith.addf %scan3A_406, %gather3A_428 : vector<16xf32>
      %scan3A_433 = arith.constant 1 : i32
      %scan3A_434 = arith.addi %scan3A_402, %scan3A_433 : i32
      %mul3A_435 = arith.constant 4 : i32
      %mul3A_436 = arith.muli %scan3A_434, %mul3A_435 : i32
      %get3A_437 = arith.index_cast %mul3A_436 : i32 to index
      %get3A_438 = arith.constant 48 : index
      %get3A_439 = tpu.vector_load %arg10[%get3A_437, %get3A_438] {strides = array<i32>} : memref<200x128xi32, #tpu.memory_space<vmem>>, vector<16xi32>,
      %gather3A_440 = tpu.vector_load_idx %arg12[%get3A_439] : memref<1024xf32, #tpu.memory_space<vmem>>[vector<16xi32>], vector<16xf32>,
      %add3A_441 = arith.constant 1 : i32
      %add3A_442 = arith.addi %mul3A_436, %add3A_441 : i32
      %get3A_443 = arith.index_cast %add3A_442 : i32 to index
      %get3A_444 = arith.constant 48 : index
      %get3A_445 = tpu.vector_load %arg10[%get3A_443, %get3A_444] {strides = array<i32>} : memref<200x128xi32, #tpu.memory_space<vmem>>, vector<16xi32>,
      %gather3A_446 = tpu.vector_load_idx %arg12[%get3A_445] : memref<1024xf32, #tpu.memory_space<vmem>>[vector<16xi32>], vector<16xf32>,
      %add3A_447 = arith.constant 2 : i32
      %add3A_448 = arith.addi %mul3A_436, %add3A_447 : i32
      %get3A_449 = arith.index_cast %add3A_448 : i32 to index
      %get3A_450 = arith.constant 48 : index
      %get3A_451 = tpu.vector_load %arg10[%get3A_449, %get3A_450] {strides = array<i32>} : memref<200x128xi32, #tpu.memory_space<vmem>>, vector<16xi32>,
      %gather3A_452 = tpu.vector_load_idx %arg12[%get3A_451] : memref<1024xf32, #tpu.memory_space<vmem>>[vector<16xi32>], vector<16xf32>,
      %add3A_453 = arith.constant 3 : i32
      %add3A_454 = arith.addi %mul3A_436, %add3A_453 : i32
      %get3A_455 = arith.index_cast %add3A_454 : i32 to index
      %get3A_456 = arith.constant 48 : index
      %get3A_457 = tpu.vector_load %arg10[%get3A_455, %get3A_456] {strides = array<i32>} : memref<200x128xi32, #tpu.memory_space<vmem>>, vector<16xi32>,
      %gather3A_458 = tpu.vector_load_idx %arg12[%get3A_457] : memref<1024xf32, #tpu.memory_space<vmem>>[vector<16xi32>], vector<16xf32>,
      %add3A_459 = arith.addf %add3A_429, %gather3A_440 : vector<16xf32>
      %add3A_460 = arith.addf %add3A_430, %gather3A_446 : vector<16xf32>
      %add3A_461 = arith.addf %add3A_431, %gather3A_452 : vector<16xf32>
      %add3A_462 = arith.addf %add3A_432, %gather3A_458 : vector<16xf32>
      scf.yield %add3A_459, %add3A_460, %add3A_461, %add3A_462 : vector<16xf32>, vector<16xf32>, vector<16xf32>, vector<16xf32>
    }
    %scan3A_248 = arith.constant 50 : i32
    %add3A_249 = arith.addf %scan3A_247#0, %scan3A_247#1 : vector<16xf32>
    %add3A_250 = arith.addf %scan3A_247#2, %scan3A_247#3 : vector<16xf32>
    %add3A_251 = arith.addf %add3A_249, %add3A_250 : vector<16xf32>
    %swap3A_252 = arith.constant 304 : index
    %swap3A_253 = tpu.vector_load %arg16[%swap3A_252] {strides = array<i32>} : memref<512xf32, #tpu.memory_space<vmem>>, vector<16xf32>,
    tpu.vector_store %arg16[%swap3A_252], %add3A_251 {strides = array<i32>} : memref<512xf32, #tpu.memory_space<vmem>>, vector<16xf32>,
    %scan3A_254 = arith.constant 0 : i32
    %scan3A_255 = arith.constant 50 : i32
    %scan3A_256 = arith.addi %scan3A_254, %scan3A_255 : i32
    %scan3A_257 = arith.constant 2 : i32
    %scan3A_258:4 = scf.for %scan3A_402 = %scan3A_254 to %scan3A_256 step %scan3A_257 iter_args(%scan3A_403 = %broadcast_in_dim3A_6, %scan3A_404 = %broadcast_in_dim3A_6, %scan3A_405 = %broadcast_in_dim3A_6, %scan3A_406 = %broadcast_in_dim3A_6) -> (vector<16xf32>, vector<16xf32>, vector<16xf32>, vector<16xf32>)  : i32 {
      %mul3A_407 = arith.constant 4 : i32
      %mul3A_408 = arith.muli %scan3A_402, %mul3A_407 : i32
      %get3A = arith.index_cast %mul3A_408 : i32 to index
      %get3A_409 = arith.constant 64 : index
      %get3A_410 = tpu.vector_load %arg10[%get3A, %get3A_409] {strides = array<i32>} : memref<200x128xi32, #tpu.memory_space<vmem>>, vector<16xi32>,
      %gather3A = tpu.vector_load_idx %arg12[%get3A_410] : memref<1024xf32, #tpu.memory_space<vmem>>[vector<16xi32>], vector<16xf32>,
      %add3A_411 = arith.constant 1 : i32
      %add3A_412 = arith.addi %mul3A_408, %add3A_411 : i32
      %get3A_413 = arith.index_cast %add3A_412 : i32 to index
      %get3A_414 = arith.constant 64 : index
      %get3A_415 = tpu.vector_load %arg10[%get3A_413, %get3A_414] {strides = array<i32>} : memref<200x128xi32, #tpu.memory_space<vmem>>, vector<16xi32>,
      %gather3A_416 = tpu.vector_load_idx %arg12[%get3A_415] : memref<1024xf32, #tpu.memory_space<vmem>>[vector<16xi32>], vector<16xf32>,
      %add3A_417 = arith.constant 2 : i32
      %add3A_418 = arith.addi %mul3A_408, %add3A_417 : i32
      %get3A_419 = arith.index_cast %add3A_418 : i32 to index
      %get3A_420 = arith.constant 64 : index
      %get3A_421 = tpu.vector_load %arg10[%get3A_419, %get3A_420] {strides = array<i32>} : memref<200x128xi32, #tpu.memory_space<vmem>>, vector<16xi32>,
      %gather3A_422 = tpu.vector_load_idx %arg12[%get3A_421] : memref<1024xf32, #tpu.memory_space<vmem>>[vector<16xi32>], vector<16xf32>,
      %add3A_423 = arith.constant 3 : i32
      %add3A_424 = arith.addi %mul3A_408, %add3A_423 : i32
      %get3A_425 = arith.index_cast %add3A_424 : i32 to index
      %get3A_426 = arith.constant 64 : index
      %get3A_427 = tpu.vector_load %arg10[%get3A_425, %get3A_426] {strides = array<i32>} : memref<200x128xi32, #tpu.memory_space<vmem>>, vector<16xi32>,
      %gather3A_428 = tpu.vector_load_idx %arg12[%get3A_427] : memref<1024xf32, #tpu.memory_space<vmem>>[vector<16xi32>], vector<16xf32>,
      %add3A_429 = arith.addf %scan3A_403, %gather3A : vector<16xf32>
      %add3A_430 = arith.addf %scan3A_404, %gather3A_416 : vector<16xf32>
      %add3A_431 = arith.addf %scan3A_405, %gather3A_422 : vector<16xf32>
      %add3A_432 = arith.addf %scan3A_406, %gather3A_428 : vector<16xf32>
      %scan3A_433 = arith.constant 1 : i32
      %scan3A_434 = arith.addi %scan3A_402, %scan3A_433 : i32
      %mul3A_435 = arith.constant 4 : i32
      %mul3A_436 = arith.muli %scan3A_434, %mul3A_435 : i32
      %get3A_437 = arith.index_cast %mul3A_436 : i32 to index
      %get3A_438 = arith.constant 64 : index
      %get3A_439 = tpu.vector_load %arg10[%get3A_437, %get3A_438] {strides = array<i32>} : memref<200x128xi32, #tpu.memory_space<vmem>>, vector<16xi32>,
      %gather3A_440 = tpu.vector_load_idx %arg12[%get3A_439] : memref<1024xf32, #tpu.memory_space<vmem>>[vector<16xi32>], vector<16xf32>,
      %add3A_441 = arith.constant 1 : i32
      %add3A_442 = arith.addi %mul3A_436, %add3A_441 : i32
      %get3A_443 = arith.index_cast %add3A_442 : i32 to index
      %get3A_444 = arith.constant 64 : index
      %get3A_445 = tpu.vector_load %arg10[%get3A_443, %get3A_444] {strides = array<i32>} : memref<200x128xi32, #tpu.memory_space<vmem>>, vector<16xi32>,
      %gather3A_446 = tpu.vector_load_idx %arg12[%get3A_445] : memref<1024xf32, #tpu.memory_space<vmem>>[vector<16xi32>], vector<16xf32>,
      %add3A_447 = arith.constant 2 : i32
      %add3A_448 = arith.addi %mul3A_436, %add3A_447 : i32
      %get3A_449 = arith.index_cast %add3A_448 : i32 to index
      %get3A_450 = arith.constant 64 : index
      %get3A_451 = tpu.vector_load %arg10[%get3A_449, %get3A_450] {strides = array<i32>} : memref<200x128xi32, #tpu.memory_space<vmem>>, vector<16xi32>,
      %gather3A_452 = tpu.vector_load_idx %arg12[%get3A_451] : memref<1024xf32, #tpu.memory_space<vmem>>[vector<16xi32>], vector<16xf32>,
      %add3A_453 = arith.constant 3 : i32
      %add3A_454 = arith.addi %mul3A_436, %add3A_453 : i32
      %get3A_455 = arith.index_cast %add3A_454 : i32 to index
      %get3A_456 = arith.constant 64 : index
      %get3A_457 = tpu.vector_load %arg10[%get3A_455, %get3A_456] {strides = array<i32>} : memref<200x128xi32, #tpu.memory_space<vmem>>, vector<16xi32>,
      %gather3A_458 = tpu.vector_load_idx %arg12[%get3A_457] : memref<1024xf32, #tpu.memory_space<vmem>>[vector<16xi32>], vector<16xf32>,
      %add3A_459 = arith.addf %add3A_429, %gather3A_440 : vector<16xf32>
      %add3A_460 = arith.addf %add3A_430, %gather3A_446 : vector<16xf32>
      %add3A_461 = arith.addf %add3A_431, %gather3A_452 : vector<16xf32>
      %add3A_462 = arith.addf %add3A_432, %gather3A_458 : vector<16xf32>
      scf.yield %add3A_459, %add3A_460, %add3A_461, %add3A_462 : vector<16xf32>, vector<16xf32>, vector<16xf32>, vector<16xf32>
    }
    %scan3A_259 = arith.constant 50 : i32
    %add3A_260 = arith.addf %scan3A_258#0, %scan3A_258#1 : vector<16xf32>
    %add3A_261 = arith.addf %scan3A_258#2, %scan3A_258#3 : vector<16xf32>
    %add3A_262 = arith.addf %add3A_260, %add3A_261 : vector<16xf32>
    %swap3A_263 = arith.constant 320 : index
    %swap3A_264 = tpu.vector_load %arg16[%swap3A_263] {strides = array<i32>} : memref<512xf32, #tpu.memory_space<vmem>>, vector<16xf32>,
    tpu.vector_store %arg16[%swap3A_263], %add3A_262 {strides = array<i32>} : memref<512xf32, #tpu.memory_space<vmem>>, vector<16xf32>,
    %scan3A_265 = arith.constant 0 : i32
    %scan3A_266 = arith.constant 50 : i32
    %scan3A_267 = arith.addi %scan3A_265, %scan3A_266 : i32
    %scan3A_268 = arith.constant 2 : i32
    %scan3A_269:4 = scf.for %scan3A_402 = %scan3A_265 to %scan3A_267 step %scan3A_268 iter_args(%scan3A_403 = %broadcast_in_dim3A_6, %scan3A_404 = %broadcast_in_dim3A_6, %scan3A_405 = %broadcast_in_dim3A_6, %scan3A_406 = %broadcast_in_dim3A_6) -> (vector<16xf32>, vector<16xf32>, vector<16xf32>, vector<16xf32>)  : i32 {
      %mul3A_407 = arith.constant 4 : i32
      %mul3A_408 = arith.muli %scan3A_402, %mul3A_407 : i32
      %get3A = arith.index_cast %mul3A_408 : i32 to index
      %get3A_409 = arith.constant 80 : index
      %get3A_410 = tpu.vector_load %arg10[%get3A, %get3A_409] {strides = array<i32>} : memref<200x128xi32, #tpu.memory_space<vmem>>, vector<16xi32>,
      %gather3A = tpu.vector_load_idx %arg12[%get3A_410] : memref<1024xf32, #tpu.memory_space<vmem>>[vector<16xi32>], vector<16xf32>,
      %add3A_411 = arith.constant 1 : i32
      %add3A_412 = arith.addi %mul3A_408, %add3A_411 : i32
      %get3A_413 = arith.index_cast %add3A_412 : i32 to index
      %get3A_414 = arith.constant 80 : index
      %get3A_415 = tpu.vector_load %arg10[%get3A_413, %get3A_414] {strides = array<i32>} : memref<200x128xi32, #tpu.memory_space<vmem>>, vector<16xi32>,
      %gather3A_416 = tpu.vector_load_idx %arg12[%get3A_415] : memref<1024xf32, #tpu.memory_space<vmem>>[vector<16xi32>], vector<16xf32>,
      %add3A_417 = arith.constant 2 : i32
      %add3A_418 = arith.addi %mul3A_408, %add3A_417 : i32
      %get3A_419 = arith.index_cast %add3A_418 : i32 to index
      %get3A_420 = arith.constant 80 : index
      %get3A_421 = tpu.vector_load %arg10[%get3A_419, %get3A_420] {strides = array<i32>} : memref<200x128xi32, #tpu.memory_space<vmem>>, vector<16xi32>,
      %gather3A_422 = tpu.vector_load_idx %arg12[%get3A_421] : memref<1024xf32, #tpu.memory_space<vmem>>[vector<16xi32>], vector<16xf32>,
      %add3A_423 = arith.constant 3 : i32
      %add3A_424 = arith.addi %mul3A_408, %add3A_423 : i32
      %get3A_425 = arith.index_cast %add3A_424 : i32 to index
      %get3A_426 = arith.constant 80 : index
      %get3A_427 = tpu.vector_load %arg10[%get3A_425, %get3A_426] {strides = array<i32>} : memref<200x128xi32, #tpu.memory_space<vmem>>, vector<16xi32>,
      %gather3A_428 = tpu.vector_load_idx %arg12[%get3A_427] : memref<1024xf32, #tpu.memory_space<vmem>>[vector<16xi32>], vector<16xf32>,
      %add3A_429 = arith.addf %scan3A_403, %gather3A : vector<16xf32>
      %add3A_430 = arith.addf %scan3A_404, %gather3A_416 : vector<16xf32>
      %add3A_431 = arith.addf %scan3A_405, %gather3A_422 : vector<16xf32>
      %add3A_432 = arith.addf %scan3A_406, %gather3A_428 : vector<16xf32>
      %scan3A_433 = arith.constant 1 : i32
      %scan3A_434 = arith.addi %scan3A_402, %scan3A_433 : i32
      %mul3A_435 = arith.constant 4 : i32
      %mul3A_436 = arith.muli %scan3A_434, %mul3A_435 : i32
      %get3A_437 = arith.index_cast %mul3A_436 : i32 to index
      %get3A_438 = arith.constant 80 : index
      %get3A_439 = tpu.vector_load %arg10[%get3A_437, %get3A_438] {strides = array<i32>} : memref<200x128xi32, #tpu.memory_space<vmem>>, vector<16xi32>,
      %gather3A_440 = tpu.vector_load_idx %arg12[%get3A_439] : memref<1024xf32, #tpu.memory_space<vmem>>[vector<16xi32>], vector<16xf32>,
      %add3A_441 = arith.constant 1 : i32
      %add3A_442 = arith.addi %mul3A_436, %add3A_441 : i32
      %get3A_443 = arith.index_cast %add3A_442 : i32 to index
      %get3A_444 = arith.constant 80 : index
      %get3A_445 = tpu.vector_load %arg10[%get3A_443, %get3A_444] {strides = array<i32>} : memref<200x128xi32, #tpu.memory_space<vmem>>, vector<16xi32>,
      %gather3A_446 = tpu.vector_load_idx %arg12[%get3A_445] : memref<1024xf32, #tpu.memory_space<vmem>>[vector<16xi32>], vector<16xf32>,
      %add3A_447 = arith.constant 2 : i32
      %add3A_448 = arith.addi %mul3A_436, %add3A_447 : i32
      %get3A_449 = arith.index_cast %add3A_448 : i32 to index
      %get3A_450 = arith.constant 80 : index
      %get3A_451 = tpu.vector_load %arg10[%get3A_449, %get3A_450] {strides = array<i32>} : memref<200x128xi32, #tpu.memory_space<vmem>>, vector<16xi32>,
      %gather3A_452 = tpu.vector_load_idx %arg12[%get3A_451] : memref<1024xf32, #tpu.memory_space<vmem>>[vector<16xi32>], vector<16xf32>,
      %add3A_453 = arith.constant 3 : i32
      %add3A_454 = arith.addi %mul3A_436, %add3A_453 : i32
      %get3A_455 = arith.index_cast %add3A_454 : i32 to index
      %get3A_456 = arith.constant 80 : index
      %get3A_457 = tpu.vector_load %arg10[%get3A_455, %get3A_456] {strides = array<i32>} : memref<200x128xi32, #tpu.memory_space<vmem>>, vector<16xi32>,
      %gather3A_458 = tpu.vector_load_idx %arg12[%get3A_457] : memref<1024xf32, #tpu.memory_space<vmem>>[vector<16xi32>], vector<16xf32>,
      %add3A_459 = arith.addf %add3A_429, %gather3A_440 : vector<16xf32>
      %add3A_460 = arith.addf %add3A_430, %gather3A_446 : vector<16xf32>
      %add3A_461 = arith.addf %add3A_431, %gather3A_452 : vector<16xf32>
      %add3A_462 = arith.addf %add3A_432, %gather3A_458 : vector<16xf32>
      scf.yield %add3A_459, %add3A_460, %add3A_461, %add3A_462 : vector<16xf32>, vector<16xf32>, vector<16xf32>, vector<16xf32>
    }
    %scan3A_270 = arith.constant 50 : i32
    %add3A_271 = arith.addf %scan3A_269#0, %scan3A_269#1 : vector<16xf32>
    %add3A_272 = arith.addf %scan3A_269#2, %scan3A_269#3 : vector<16xf32>
    %add3A_273 = arith.addf %add3A_271, %add3A_272 : vector<16xf32>
    %swap3A_274 = arith.constant 336 : index
    %swap3A_275 = tpu.vector_load %arg16[%swap3A_274] {strides = array<i32>} : memref<512xf32, #tpu.memory_space<vmem>>, vector<16xf32>,
    tpu.vector_store %arg16[%swap3A_274], %add3A_273 {strides = array<i32>} : memref<512xf32, #tpu.memory_space<vmem>>, vector<16xf32>,
    %scan3A_276 = arith.constant 0 : i32
    %scan3A_277 = arith.constant 50 : i32
    %scan3A_278 = arith.addi %scan3A_276, %scan3A_277 : i32
    %scan3A_279 = arith.constant 2 : i32
    %scan3A_280:4 = scf.for %scan3A_402 = %scan3A_276 to %scan3A_278 step %scan3A_279 iter_args(%scan3A_403 = %broadcast_in_dim3A_6, %scan3A_404 = %broadcast_in_dim3A_6, %scan3A_405 = %broadcast_in_dim3A_6, %scan3A_406 = %broadcast_in_dim3A_6) -> (vector<16xf32>, vector<16xf32>, vector<16xf32>, vector<16xf32>)  : i32 {
      %mul3A_407 = arith.constant 4 : i32
      %mul3A_408 = arith.muli %scan3A_402, %mul3A_407 : i32
      %get3A = arith.index_cast %mul3A_408 : i32 to index
      %get3A_409 = arith.constant 96 : index
      %get3A_410 = tpu.vector_load %arg10[%get3A, %get3A_409] {strides = array<i32>} : memref<200x128xi32, #tpu.memory_space<vmem>>, vector<16xi32>,
      %gather3A = tpu.vector_load_idx %arg12[%get3A_410] : memref<1024xf32, #tpu.memory_space<vmem>>[vector<16xi32>], vector<16xf32>,
      %add3A_411 = arith.constant 1 : i32
      %add3A_412 = arith.addi %mul3A_408, %add3A_411 : i32
      %get3A_413 = arith.index_cast %add3A_412 : i32 to index
      %get3A_414 = arith.constant 96 : index
      %get3A_415 = tpu.vector_load %arg10[%get3A_413, %get3A_414] {strides = array<i32>} : memref<200x128xi32, #tpu.memory_space<vmem>>, vector<16xi32>,
      %gather3A_416 = tpu.vector_load_idx %arg12[%get3A_415] : memref<1024xf32, #tpu.memory_space<vmem>>[vector<16xi32>], vector<16xf32>,
      %add3A_417 = arith.constant 2 : i32
      %add3A_418 = arith.addi %mul3A_408, %add3A_417 : i32
      %get3A_419 = arith.index_cast %add3A_418 : i32 to index
      %get3A_420 = arith.constant 96 : index
      %get3A_421 = tpu.vector_load %arg10[%get3A_419, %get3A_420] {strides = array<i32>} : memref<200x128xi32, #tpu.memory_space<vmem>>, vector<16xi32>,
      %gather3A_422 = tpu.vector_load_idx %arg12[%get3A_421] : memref<1024xf32, #tpu.memory_space<vmem>>[vector<16xi32>], vector<16xf32>,
      %add3A_423 = arith.constant 3 : i32
      %add3A_424 = arith.addi %mul3A_408, %add3A_423 : i32
      %get3A_425 = arith.index_cast %add3A_424 : i32 to index
      %get3A_426 = arith.constant 96 : index
      %get3A_427 = tpu.vector_load %arg10[%get3A_425, %get3A_426] {strides = array<i32>} : memref<200x128xi32, #tpu.memory_space<vmem>>, vector<16xi32>,
      %gather3A_428 = tpu.vector_load_idx %arg12[%get3A_427] : memref<1024xf32, #tpu.memory_space<vmem>>[vector<16xi32>], vector<16xf32>,
      %add3A_429 = arith.addf %scan3A_403, %gather3A : vector<16xf32>
      %add3A_430 = arith.addf %scan3A_404, %gather3A_416 : vector<16xf32>
      %add3A_431 = arith.addf %scan3A_405, %gather3A_422 : vector<16xf32>
      %add3A_432 = arith.addf %scan3A_406, %gather3A_428 : vector<16xf32>
      %scan3A_433 = arith.constant 1 : i32
      %scan3A_434 = arith.addi %scan3A_402, %scan3A_433 : i32
      %mul3A_435 = arith.constant 4 : i32
      %mul3A_436 = arith.muli %scan3A_434, %mul3A_435 : i32
      %get3A_437 = arith.index_cast %mul3A_436 : i32 to index
      %get3A_438 = arith.constant 96 : index
      %get3A_439 = tpu.vector_load %arg10[%get3A_437, %get3A_438] {strides = array<i32>} : memref<200x128xi32, #tpu.memory_space<vmem>>, vector<16xi32>,
      %gather3A_440 = tpu.vector_load_idx %arg12[%get3A_439] : memref<1024xf32, #tpu.memory_space<vmem>>[vector<16xi32>], vector<16xf32>,
      %add3A_441 = arith.constant 1 : i32
      %add3A_442 = arith.addi %mul3A_436, %add3A_441 : i32
      %get3A_443 = arith.index_cast %add3A_442 : i32 to index
      %get3A_444 = arith.constant 96 : index
      %get3A_445 = tpu.vector_load %arg10[%get3A_443, %get3A_444] {strides = array<i32>} : memref<200x128xi32, #tpu.memory_space<vmem>>, vector<16xi32>,
      %gather3A_446 = tpu.vector_load_idx %arg12[%get3A_445] : memref<1024xf32, #tpu.memory_space<vmem>>[vector<16xi32>], vector<16xf32>,
      %add3A_447 = arith.constant 2 : i32
      %add3A_448 = arith.addi %mul3A_436, %add3A_447 : i32
      %get3A_449 = arith.index_cast %add3A_448 : i32 to index
      %get3A_450 = arith.constant 96 : index
      %get3A_451 = tpu.vector_load %arg10[%get3A_449, %get3A_450] {strides = array<i32>} : memref<200x128xi32, #tpu.memory_space<vmem>>, vector<16xi32>,
      %gather3A_452 = tpu.vector_load_idx %arg12[%get3A_451] : memref<1024xf32, #tpu.memory_space<vmem>>[vector<16xi32>], vector<16xf32>,
      %add3A_453 = arith.constant 3 : i32
      %add3A_454 = arith.addi %mul3A_436, %add3A_453 : i32
      %get3A_455 = arith.index_cast %add3A_454 : i32 to index
      %get3A_456 = arith.constant 96 : index
      %get3A_457 = tpu.vector_load %arg10[%get3A_455, %get3A_456] {strides = array<i32>} : memref<200x128xi32, #tpu.memory_space<vmem>>, vector<16xi32>,
      %gather3A_458 = tpu.vector_load_idx %arg12[%get3A_457] : memref<1024xf32, #tpu.memory_space<vmem>>[vector<16xi32>], vector<16xf32>,
      %add3A_459 = arith.addf %add3A_429, %gather3A_440 : vector<16xf32>
      %add3A_460 = arith.addf %add3A_430, %gather3A_446 : vector<16xf32>
      %add3A_461 = arith.addf %add3A_431, %gather3A_452 : vector<16xf32>
      %add3A_462 = arith.addf %add3A_432, %gather3A_458 : vector<16xf32>
      scf.yield %add3A_459, %add3A_460, %add3A_461, %add3A_462 : vector<16xf32>, vector<16xf32>, vector<16xf32>, vector<16xf32>
    }
    %scan3A_281 = arith.constant 50 : i32
    %add3A_282 = arith.addf %scan3A_280#0, %scan3A_280#1 : vector<16xf32>
    %add3A_283 = arith.addf %scan3A_280#2, %scan3A_280#3 : vector<16xf32>
    %add3A_284 = arith.addf %add3A_282, %add3A_283 : vector<16xf32>
    %swap3A_285 = arith.constant 352 : index
    %swap3A_286 = tpu.vector_load %arg16[%swap3A_285] {strides = array<i32>} : memref<512xf32, #tpu.memory_space<vmem>>, vector<16xf32>,
    tpu.vector_store %arg16[%swap3A_285], %add3A_284 {strides = array<i32>} : memref<512xf32, #tpu.memory_space<vmem>>, vector<16xf32>,
    %scan3A_287 = arith.constant 0 : i32
    %scan3A_288 = arith.constant 50 : i32
    %scan3A_289 = arith.addi %scan3A_287, %scan3A_288 : i32
    %scan3A_290 = arith.constant 2 : i32
    %scan3A_291:4 = scf.for %scan3A_402 = %scan3A_287 to %scan3A_289 step %scan3A_290 iter_args(%scan3A_403 = %broadcast_in_dim3A_6, %scan3A_404 = %broadcast_in_dim3A_6, %scan3A_405 = %broadcast_in_dim3A_6, %scan3A_406 = %broadcast_in_dim3A_6) -> (vector<16xf32>, vector<16xf32>, vector<16xf32>, vector<16xf32>)  : i32 {
      %mul3A_407 = arith.constant 4 : i32
      %mul3A_408 = arith.muli %scan3A_402, %mul3A_407 : i32
      %get3A = arith.index_cast %mul3A_408 : i32 to index
      %get3A_409 = arith.constant 112 : index
      %get3A_410 = tpu.vector_load %arg10[%get3A, %get3A_409] {strides = array<i32>} : memref<200x128xi32, #tpu.memory_space<vmem>>, vector<16xi32>,
      %gather3A = tpu.vector_load_idx %arg12[%get3A_410] : memref<1024xf32, #tpu.memory_space<vmem>>[vector<16xi32>], vector<16xf32>,
      %add3A_411 = arith.constant 1 : i32
      %add3A_412 = arith.addi %mul3A_408, %add3A_411 : i32
      %get3A_413 = arith.index_cast %add3A_412 : i32 to index
      %get3A_414 = arith.constant 112 : index
      %get3A_415 = tpu.vector_load %arg10[%get3A_413, %get3A_414] {strides = array<i32>} : memref<200x128xi32, #tpu.memory_space<vmem>>, vector<16xi32>,
      %gather3A_416 = tpu.vector_load_idx %arg12[%get3A_415] : memref<1024xf32, #tpu.memory_space<vmem>>[vector<16xi32>], vector<16xf32>,
      %add3A_417 = arith.constant 2 : i32
      %add3A_418 = arith.addi %mul3A_408, %add3A_417 : i32
      %get3A_419 = arith.index_cast %add3A_418 : i32 to index
      %get3A_420 = arith.constant 112 : index
      %get3A_421 = tpu.vector_load %arg10[%get3A_419, %get3A_420] {strides = array<i32>} : memref<200x128xi32, #tpu.memory_space<vmem>>, vector<16xi32>,
      %gather3A_422 = tpu.vector_load_idx %arg12[%get3A_421] : memref<1024xf32, #tpu.memory_space<vmem>>[vector<16xi32>], vector<16xf32>,
      %add3A_423 = arith.constant 3 : i32
      %add3A_424 = arith.addi %mul3A_408, %add3A_423 : i32
      %get3A_425 = arith.index_cast %add3A_424 : i32 to index
      %get3A_426 = arith.constant 112 : index
      %get3A_427 = tpu.vector_load %arg10[%get3A_425, %get3A_426] {strides = array<i32>} : memref<200x128xi32, #tpu.memory_space<vmem>>, vector<16xi32>,
      %gather3A_428 = tpu.vector_load_idx %arg12[%get3A_427] : memref<1024xf32, #tpu.memory_space<vmem>>[vector<16xi32>], vector<16xf32>,
      %add3A_429 = arith.addf %scan3A_403, %gather3A : vector<16xf32>
      %add3A_430 = arith.addf %scan3A_404, %gather3A_416 : vector<16xf32>
      %add3A_431 = arith.addf %scan3A_405, %gather3A_422 : vector<16xf32>
      %add3A_432 = arith.addf %scan3A_406, %gather3A_428 : vector<16xf32>
      %scan3A_433 = arith.constant 1 : i32
      %scan3A_434 = arith.addi %scan3A_402, %scan3A_433 : i32
      %mul3A_435 = arith.constant 4 : i32
      %mul3A_436 = arith.muli %scan3A_434, %mul3A_435 : i32
      %get3A_437 = arith.index_cast %mul3A_436 : i32 to index
      %get3A_438 = arith.constant 112 : index
      %get3A_439 = tpu.vector_load %arg10[%get3A_437, %get3A_438] {strides = array<i32>} : memref<200x128xi32, #tpu.memory_space<vmem>>, vector<16xi32>,
      %gather3A_440 = tpu.vector_load_idx %arg12[%get3A_439] : memref<1024xf32, #tpu.memory_space<vmem>>[vector<16xi32>], vector<16xf32>,
      %add3A_441 = arith.constant 1 : i32
      %add3A_442 = arith.addi %mul3A_436, %add3A_441 : i32
      %get3A_443 = arith.index_cast %add3A_442 : i32 to index
      %get3A_444 = arith.constant 112 : index
      %get3A_445 = tpu.vector_load %arg10[%get3A_443, %get3A_444] {strides = array<i32>} : memref<200x128xi32, #tpu.memory_space<vmem>>, vector<16xi32>,
      %gather3A_446 = tpu.vector_load_idx %arg12[%get3A_445] : memref<1024xf32, #tpu.memory_space<vmem>>[vector<16xi32>], vector<16xf32>,
      %add3A_447 = arith.constant 2 : i32
      %add3A_448 = arith.addi %mul3A_436, %add3A_447 : i32
      %get3A_449 = arith.index_cast %add3A_448 : i32 to index
      %get3A_450 = arith.constant 112 : index
      %get3A_451 = tpu.vector_load %arg10[%get3A_449, %get3A_450] {strides = array<i32>} : memref<200x128xi32, #tpu.memory_space<vmem>>, vector<16xi32>,
      %gather3A_452 = tpu.vector_load_idx %arg12[%get3A_451] : memref<1024xf32, #tpu.memory_space<vmem>>[vector<16xi32>], vector<16xf32>,
      %add3A_453 = arith.constant 3 : i32
      %add3A_454 = arith.addi %mul3A_436, %add3A_453 : i32
      %get3A_455 = arith.index_cast %add3A_454 : i32 to index
      %get3A_456 = arith.constant 112 : index
      %get3A_457 = tpu.vector_load %arg10[%get3A_455, %get3A_456] {strides = array<i32>} : memref<200x128xi32, #tpu.memory_space<vmem>>, vector<16xi32>,
      %gather3A_458 = tpu.vector_load_idx %arg12[%get3A_457] : memref<1024xf32, #tpu.memory_space<vmem>>[vector<16xi32>], vector<16xf32>,
      %add3A_459 = arith.addf %add3A_429, %gather3A_440 : vector<16xf32>
      %add3A_460 = arith.addf %add3A_430, %gather3A_446 : vector<16xf32>
      %add3A_461 = arith.addf %add3A_431, %gather3A_452 : vector<16xf32>
      %add3A_462 = arith.addf %add3A_432, %gather3A_458 : vector<16xf32>
      scf.yield %add3A_459, %add3A_460, %add3A_461, %add3A_462 : vector<16xf32>, vector<16xf32>, vector<16xf32>, vector<16xf32>
    }
    %scan3A_292 = arith.constant 50 : i32
    %add3A_293 = arith.addf %scan3A_291#0, %scan3A_291#1 : vector<16xf32>
    %add3A_294 = arith.addf %scan3A_291#2, %scan3A_291#3 : vector<16xf32>
    %add3A_295 = arith.addf %add3A_293, %add3A_294 : vector<16xf32>
    %swap3A_296 = arith.constant 368 : index
    %swap3A_297 = tpu.vector_load %arg16[%swap3A_296] {strides = array<i32>} : memref<512xf32, #tpu.memory_space<vmem>>, vector<16xf32>,
    tpu.vector_store %arg16[%swap3A_296], %add3A_295 {strides = array<i32>} : memref<512xf32, #tpu.memory_space<vmem>>, vector<16xf32>,
    %dma_wait3A_298 = arith.constant 0 : i32
    %dma_wait3A_299 = tpu.memref_slice %arg2[%dma_wait3A_298, %add3A_205] : memref<200x16384xi32, #tpu.memory_space<hbm>> -> memref<200x128xi32, #tpu.memory_space<hbm>>
    %dma_wait3A_300 = arith.constant 0 : i32
    %dma_wait3A_301 = tpu.memref_slice %arg2[%dma_wait3A_300, %add3A_205] : memref<200x16384xi32, #tpu.memory_space<hbm>> -> memref<200x128xi32, #tpu.memory_space<hbm>>
    tpu.wait_dma2 semaphore(%arg21 : memref<!tpu.dma_semaphore, #tpu.memory_space<semaphore_mem>>) src(%dma_wait3A_301 : memref<200x128xi32, #tpu.memory_space<hbm>>) dst(%arg11 : memref<200x128xi32, #tpu.memory_space<vmem>>)
    %scan3A_302 = arith.constant 0 : i32
    %scan3A_303 = arith.constant 50 : i32
    %scan3A_304 = arith.addi %scan3A_302, %scan3A_303 : i32
    %scan3A_305 = arith.constant 2 : i32
    %scan3A_306:4 = scf.for %scan3A_402 = %scan3A_302 to %scan3A_304 step %scan3A_305 iter_args(%scan3A_403 = %broadcast_in_dim3A_6, %scan3A_404 = %broadcast_in_dim3A_6, %scan3A_405 = %broadcast_in_dim3A_6, %scan3A_406 = %broadcast_in_dim3A_6) -> (vector<16xf32>, vector<16xf32>, vector<16xf32>, vector<16xf32>)  : i32 {
      %mul3A_407 = arith.constant 4 : i32
      %mul3A_408 = arith.muli %scan3A_402, %mul3A_407 : i32
      %get3A = arith.index_cast %mul3A_408 : i32 to index
      %get3A_409 = arith.constant 0 : index
      %get3A_410 = tpu.vector_load %arg11[%get3A, %get3A_409] {strides = array<i32>} : memref<200x128xi32, #tpu.memory_space<vmem>>, vector<16xi32>,
      %gather3A = tpu.vector_load_idx %arg12[%get3A_410] : memref<1024xf32, #tpu.memory_space<vmem>>[vector<16xi32>], vector<16xf32>,
      %add3A_411 = arith.constant 1 : i32
      %add3A_412 = arith.addi %mul3A_408, %add3A_411 : i32
      %get3A_413 = arith.index_cast %add3A_412 : i32 to index
      %get3A_414 = arith.constant 0 : index
      %get3A_415 = tpu.vector_load %arg11[%get3A_413, %get3A_414] {strides = array<i32>} : memref<200x128xi32, #tpu.memory_space<vmem>>, vector<16xi32>,
      %gather3A_416 = tpu.vector_load_idx %arg12[%get3A_415] : memref<1024xf32, #tpu.memory_space<vmem>>[vector<16xi32>], vector<16xf32>,
      %add3A_417 = arith.constant 2 : i32
      %add3A_418 = arith.addi %mul3A_408, %add3A_417 : i32
      %get3A_419 = arith.index_cast %add3A_418 : i32 to index
      %get3A_420 = arith.constant 0 : index
      %get3A_421 = tpu.vector_load %arg11[%get3A_419, %get3A_420] {strides = array<i32>} : memref<200x128xi32, #tpu.memory_space<vmem>>, vector<16xi32>,
      %gather3A_422 = tpu.vector_load_idx %arg12[%get3A_421] : memref<1024xf32, #tpu.memory_space<vmem>>[vector<16xi32>], vector<16xf32>,
      %add3A_423 = arith.constant 3 : i32
      %add3A_424 = arith.addi %mul3A_408, %add3A_423 : i32
      %get3A_425 = arith.index_cast %add3A_424 : i32 to index
      %get3A_426 = arith.constant 0 : index
      %get3A_427 = tpu.vector_load %arg11[%get3A_425, %get3A_426] {strides = array<i32>} : memref<200x128xi32, #tpu.memory_space<vmem>>, vector<16xi32>,
      %gather3A_428 = tpu.vector_load_idx %arg12[%get3A_427] : memref<1024xf32, #tpu.memory_space<vmem>>[vector<16xi32>], vector<16xf32>,
      %add3A_429 = arith.addf %scan3A_403, %gather3A : vector<16xf32>
      %add3A_430 = arith.addf %scan3A_404, %gather3A_416 : vector<16xf32>
      %add3A_431 = arith.addf %scan3A_405, %gather3A_422 : vector<16xf32>
      %add3A_432 = arith.addf %scan3A_406, %gather3A_428 : vector<16xf32>
      %scan3A_433 = arith.constant 1 : i32
      %scan3A_434 = arith.addi %scan3A_402, %scan3A_433 : i32
      %mul3A_435 = arith.constant 4 : i32
      %mul3A_436 = arith.muli %scan3A_434, %mul3A_435 : i32
      %get3A_437 = arith.index_cast %mul3A_436 : i32 to index
      %get3A_438 = arith.constant 0 : index
      %get3A_439 = tpu.vector_load %arg11[%get3A_437, %get3A_438] {strides = array<i32>} : memref<200x128xi32, #tpu.memory_space<vmem>>, vector<16xi32>,
      %gather3A_440 = tpu.vector_load_idx %arg12[%get3A_439] : memref<1024xf32, #tpu.memory_space<vmem>>[vector<16xi32>], vector<16xf32>,
      %add3A_441 = arith.constant 1 : i32
      %add3A_442 = arith.addi %mul3A_436, %add3A_441 : i32
      %get3A_443 = arith.index_cast %add3A_442 : i32 to index
      %get3A_444 = arith.constant 0 : index
      %get3A_445 = tpu.vector_load %arg11[%get3A_443, %get3A_444] {strides = array<i32>} : memref<200x128xi32, #tpu.memory_space<vmem>>, vector<16xi32>,
      %gather3A_446 = tpu.vector_load_idx %arg12[%get3A_445] : memref<1024xf32, #tpu.memory_space<vmem>>[vector<16xi32>], vector<16xf32>,
      %add3A_447 = arith.constant 2 : i32
      %add3A_448 = arith.addi %mul3A_436, %add3A_447 : i32
      %get3A_449 = arith.index_cast %add3A_448 : i32 to index
      %get3A_450 = arith.constant 0 : index
      %get3A_451 = tpu.vector_load %arg11[%get3A_449, %get3A_450] {strides = array<i32>} : memref<200x128xi32, #tpu.memory_space<vmem>>, vector<16xi32>,
      %gather3A_452 = tpu.vector_load_idx %arg12[%get3A_451] : memref<1024xf32, #tpu.memory_space<vmem>>[vector<16xi32>], vector<16xf32>,
      %add3A_453 = arith.constant 3 : i32
      %add3A_454 = arith.addi %mul3A_436, %add3A_453 : i32
      %get3A_455 = arith.index_cast %add3A_454 : i32 to index
      %get3A_456 = arith.constant 0 : index
      %get3A_457 = tpu.vector_load %arg11[%get3A_455, %get3A_456] {strides = array<i32>} : memref<200x128xi32, #tpu.memory_space<vmem>>, vector<16xi32>,
      %gather3A_458 = tpu.vector_load_idx %arg12[%get3A_457] : memref<1024xf32, #tpu.memory_space<vmem>>[vector<16xi32>], vector<16xf32>,
      %add3A_459 = arith.addf %add3A_429, %gather3A_440 : vector<16xf32>
      %add3A_460 = arith.addf %add3A_430, %gather3A_446 : vector<16xf32>
      %add3A_461 = arith.addf %add3A_431, %gather3A_452 : vector<16xf32>
      %add3A_462 = arith.addf %add3A_432, %gather3A_458 : vector<16xf32>
      scf.yield %add3A_459, %add3A_460, %add3A_461, %add3A_462 : vector<16xf32>, vector<16xf32>, vector<16xf32>, vector<16xf32>
    }
    %scan3A_307 = arith.constant 50 : i32
    %add3A_308 = arith.addf %scan3A_306#0, %scan3A_306#1 : vector<16xf32>
    %add3A_309 = arith.addf %scan3A_306#2, %scan3A_306#3 : vector<16xf32>
    %add3A_310 = arith.addf %add3A_308, %add3A_309 : vector<16xf32>
    %swap3A_311 = arith.constant 384 : index
    %swap3A_312 = tpu.vector_load %arg16[%swap3A_311] {strides = array<i32>} : memref<512xf32, #tpu.memory_space<vmem>>, vector<16xf32>,
    tpu.vector_store %arg16[%swap3A_311], %add3A_310 {strides = array<i32>} : memref<512xf32, #tpu.memory_space<vmem>>, vector<16xf32>,
    %scan3A_313 = arith.constant 0 : i32
    %scan3A_314 = arith.constant 50 : i32
    %scan3A_315 = arith.addi %scan3A_313, %scan3A_314 : i32
    %scan3A_316 = arith.constant 2 : i32
    %scan3A_317:4 = scf.for %scan3A_402 = %scan3A_313 to %scan3A_315 step %scan3A_316 iter_args(%scan3A_403 = %broadcast_in_dim3A_6, %scan3A_404 = %broadcast_in_dim3A_6, %scan3A_405 = %broadcast_in_dim3A_6, %scan3A_406 = %broadcast_in_dim3A_6) -> (vector<16xf32>, vector<16xf32>, vector<16xf32>, vector<16xf32>)  : i32 {
      %mul3A_407 = arith.constant 4 : i32
      %mul3A_408 = arith.muli %scan3A_402, %mul3A_407 : i32
      %get3A = arith.index_cast %mul3A_408 : i32 to index
      %get3A_409 = arith.constant 16 : index
      %get3A_410 = tpu.vector_load %arg11[%get3A, %get3A_409] {strides = array<i32>} : memref<200x128xi32, #tpu.memory_space<vmem>>, vector<16xi32>,
      %gather3A = tpu.vector_load_idx %arg12[%get3A_410] : memref<1024xf32, #tpu.memory_space<vmem>>[vector<16xi32>], vector<16xf32>,
      %add3A_411 = arith.constant 1 : i32
      %add3A_412 = arith.addi %mul3A_408, %add3A_411 : i32
      %get3A_413 = arith.index_cast %add3A_412 : i32 to index
      %get3A_414 = arith.constant 16 : index
      %get3A_415 = tpu.vector_load %arg11[%get3A_413, %get3A_414] {strides = array<i32>} : memref<200x128xi32, #tpu.memory_space<vmem>>, vector<16xi32>,
      %gather3A_416 = tpu.vector_load_idx %arg12[%get3A_415] : memref<1024xf32, #tpu.memory_space<vmem>>[vector<16xi32>], vector<16xf32>,
      %add3A_417 = arith.constant 2 : i32
      %add3A_418 = arith.addi %mul3A_408, %add3A_417 : i32
      %get3A_419 = arith.index_cast %add3A_418 : i32 to index
      %get3A_420 = arith.constant 16 : index
      %get3A_421 = tpu.vector_load %arg11[%get3A_419, %get3A_420] {strides = array<i32>} : memref<200x128xi32, #tpu.memory_space<vmem>>, vector<16xi32>,
      %gather3A_422 = tpu.vector_load_idx %arg12[%get3A_421] : memref<1024xf32, #tpu.memory_space<vmem>>[vector<16xi32>], vector<16xf32>,
      %add3A_423 = arith.constant 3 : i32
      %add3A_424 = arith.addi %mul3A_408, %add3A_423 : i32
      %get3A_425 = arith.index_cast %add3A_424 : i32 to index
      %get3A_426 = arith.constant 16 : index
      %get3A_427 = tpu.vector_load %arg11[%get3A_425, %get3A_426] {strides = array<i32>} : memref<200x128xi32, #tpu.memory_space<vmem>>, vector<16xi32>,
      %gather3A_428 = tpu.vector_load_idx %arg12[%get3A_427] : memref<1024xf32, #tpu.memory_space<vmem>>[vector<16xi32>], vector<16xf32>,
      %add3A_429 = arith.addf %scan3A_403, %gather3A : vector<16xf32>
      %add3A_430 = arith.addf %scan3A_404, %gather3A_416 : vector<16xf32>
      %add3A_431 = arith.addf %scan3A_405, %gather3A_422 : vector<16xf32>
      %add3A_432 = arith.addf %scan3A_406, %gather3A_428 : vector<16xf32>
      %scan3A_433 = arith.constant 1 : i32
      %scan3A_434 = arith.addi %scan3A_402, %scan3A_433 : i32
      %mul3A_435 = arith.constant 4 : i32
      %mul3A_436 = arith.muli %scan3A_434, %mul3A_435 : i32
      %get3A_437 = arith.index_cast %mul3A_436 : i32 to index
      %get3A_438 = arith.constant 16 : index
      %get3A_439 = tpu.vector_load %arg11[%get3A_437, %get3A_438] {strides = array<i32>} : memref<200x128xi32, #tpu.memory_space<vmem>>, vector<16xi32>,
      %gather3A_440 = tpu.vector_load_idx %arg12[%get3A_439] : memref<1024xf32, #tpu.memory_space<vmem>>[vector<16xi32>], vector<16xf32>,
      %add3A_441 = arith.constant 1 : i32
      %add3A_442 = arith.addi %mul3A_436, %add3A_441 : i32
      %get3A_443 = arith.index_cast %add3A_442 : i32 to index
      %get3A_444 = arith.constant 16 : index
      %get3A_445 = tpu.vector_load %arg11[%get3A_443, %get3A_444] {strides = array<i32>} : memref<200x128xi32, #tpu.memory_space<vmem>>, vector<16xi32>,
      %gather3A_446 = tpu.vector_load_idx %arg12[%get3A_445] : memref<1024xf32, #tpu.memory_space<vmem>>[vector<16xi32>], vector<16xf32>,
      %add3A_447 = arith.constant 2 : i32
      %add3A_448 = arith.addi %mul3A_436, %add3A_447 : i32
      %get3A_449 = arith.index_cast %add3A_448 : i32 to index
      %get3A_450 = arith.constant 16 : index
      %get3A_451 = tpu.vector_load %arg11[%get3A_449, %get3A_450] {strides = array<i32>} : memref<200x128xi32, #tpu.memory_space<vmem>>, vector<16xi32>,
      %gather3A_452 = tpu.vector_load_idx %arg12[%get3A_451] : memref<1024xf32, #tpu.memory_space<vmem>>[vector<16xi32>], vector<16xf32>,
      %add3A_453 = arith.constant 3 : i32
      %add3A_454 = arith.addi %mul3A_436, %add3A_453 : i32
      %get3A_455 = arith.index_cast %add3A_454 : i32 to index
      %get3A_456 = arith.constant 16 : index
      %get3A_457 = tpu.vector_load %arg11[%get3A_455, %get3A_456] {strides = array<i32>} : memref<200x128xi32, #tpu.memory_space<vmem>>, vector<16xi32>,
      %gather3A_458 = tpu.vector_load_idx %arg12[%get3A_457] : memref<1024xf32, #tpu.memory_space<vmem>>[vector<16xi32>], vector<16xf32>,
      %add3A_459 = arith.addf %add3A_429, %gather3A_440 : vector<16xf32>
      %add3A_460 = arith.addf %add3A_430, %gather3A_446 : vector<16xf32>
      %add3A_461 = arith.addf %add3A_431, %gather3A_452 : vector<16xf32>
      %add3A_462 = arith.addf %add3A_432, %gather3A_458 : vector<16xf32>
      scf.yield %add3A_459, %add3A_460, %add3A_461, %add3A_462 : vector<16xf32>, vector<16xf32>, vector<16xf32>, vector<16xf32>
    }
    %scan3A_318 = arith.constant 50 : i32
    %add3A_319 = arith.addf %scan3A_317#0, %scan3A_317#1 : vector<16xf32>
    %add3A_320 = arith.addf %scan3A_317#2, %scan3A_317#3 : vector<16xf32>
    %add3A_321 = arith.addf %add3A_319, %add3A_320 : vector<16xf32>
    %swap3A_322 = arith.constant 400 : index
    %swap3A_323 = tpu.vector_load %arg16[%swap3A_322] {strides = array<i32>} : memref<512xf32, #tpu.memory_space<vmem>>, vector<16xf32>,
    tpu.vector_store %arg16[%swap3A_322], %add3A_321 {strides = array<i32>} : memref<512xf32, #tpu.memory_space<vmem>>, vector<16xf32>,
    %scan3A_324 = arith.constant 0 : i32
    %scan3A_325 = arith.constant 50 : i32
    %scan3A_326 = arith.addi %scan3A_324, %scan3A_325 : i32
    %scan3A_327 = arith.constant 2 : i32
    %scan3A_328:4 = scf.for %scan3A_402 = %scan3A_324 to %scan3A_326 step %scan3A_327 iter_args(%scan3A_403 = %broadcast_in_dim3A_6, %scan3A_404 = %broadcast_in_dim3A_6, %scan3A_405 = %broadcast_in_dim3A_6, %scan3A_406 = %broadcast_in_dim3A_6) -> (vector<16xf32>, vector<16xf32>, vector<16xf32>, vector<16xf32>)  : i32 {
      %mul3A_407 = arith.constant 4 : i32
      %mul3A_408 = arith.muli %scan3A_402, %mul3A_407 : i32
      %get3A = arith.index_cast %mul3A_408 : i32 to index
      %get3A_409 = arith.constant 32 : index
      %get3A_410 = tpu.vector_load %arg11[%get3A, %get3A_409] {strides = array<i32>} : memref<200x128xi32, #tpu.memory_space<vmem>>, vector<16xi32>,
      %gather3A = tpu.vector_load_idx %arg12[%get3A_410] : memref<1024xf32, #tpu.memory_space<vmem>>[vector<16xi32>], vector<16xf32>,
      %add3A_411 = arith.constant 1 : i32
      %add3A_412 = arith.addi %mul3A_408, %add3A_411 : i32
      %get3A_413 = arith.index_cast %add3A_412 : i32 to index
      %get3A_414 = arith.constant 32 : index
      %get3A_415 = tpu.vector_load %arg11[%get3A_413, %get3A_414] {strides = array<i32>} : memref<200x128xi32, #tpu.memory_space<vmem>>, vector<16xi32>,
      %gather3A_416 = tpu.vector_load_idx %arg12[%get3A_415] : memref<1024xf32, #tpu.memory_space<vmem>>[vector<16xi32>], vector<16xf32>,
      %add3A_417 = arith.constant 2 : i32
      %add3A_418 = arith.addi %mul3A_408, %add3A_417 : i32
      %get3A_419 = arith.index_cast %add3A_418 : i32 to index
      %get3A_420 = arith.constant 32 : index
      %get3A_421 = tpu.vector_load %arg11[%get3A_419, %get3A_420] {strides = array<i32>} : memref<200x128xi32, #tpu.memory_space<vmem>>, vector<16xi32>,
      %gather3A_422 = tpu.vector_load_idx %arg12[%get3A_421] : memref<1024xf32, #tpu.memory_space<vmem>>[vector<16xi32>], vector<16xf32>,
      %add3A_423 = arith.constant 3 : i32
      %add3A_424 = arith.addi %mul3A_408, %add3A_423 : i32
      %get3A_425 = arith.index_cast %add3A_424 : i32 to index
      %get3A_426 = arith.constant 32 : index
      %get3A_427 = tpu.vector_load %arg11[%get3A_425, %get3A_426] {strides = array<i32>} : memref<200x128xi32, #tpu.memory_space<vmem>>, vector<16xi32>,
      %gather3A_428 = tpu.vector_load_idx %arg12[%get3A_427] : memref<1024xf32, #tpu.memory_space<vmem>>[vector<16xi32>], vector<16xf32>,
      %add3A_429 = arith.addf %scan3A_403, %gather3A : vector<16xf32>
      %add3A_430 = arith.addf %scan3A_404, %gather3A_416 : vector<16xf32>
      %add3A_431 = arith.addf %scan3A_405, %gather3A_422 : vector<16xf32>
      %add3A_432 = arith.addf %scan3A_406, %gather3A_428 : vector<16xf32>
      %scan3A_433 = arith.constant 1 : i32
      %scan3A_434 = arith.addi %scan3A_402, %scan3A_433 : i32
      %mul3A_435 = arith.constant 4 : i32
      %mul3A_436 = arith.muli %scan3A_434, %mul3A_435 : i32
      %get3A_437 = arith.index_cast %mul3A_436 : i32 to index
      %get3A_438 = arith.constant 32 : index
      %get3A_439 = tpu.vector_load %arg11[%get3A_437, %get3A_438] {strides = array<i32>} : memref<200x128xi32, #tpu.memory_space<vmem>>, vector<16xi32>,
      %gather3A_440 = tpu.vector_load_idx %arg12[%get3A_439] : memref<1024xf32, #tpu.memory_space<vmem>>[vector<16xi32>], vector<16xf32>,
      %add3A_441 = arith.constant 1 : i32
      %add3A_442 = arith.addi %mul3A_436, %add3A_441 : i32
      %get3A_443 = arith.index_cast %add3A_442 : i32 to index
      %get3A_444 = arith.constant 32 : index
      %get3A_445 = tpu.vector_load %arg11[%get3A_443, %get3A_444] {strides = array<i32>} : memref<200x128xi32, #tpu.memory_space<vmem>>, vector<16xi32>,
      %gather3A_446 = tpu.vector_load_idx %arg12[%get3A_445] : memref<1024xf32, #tpu.memory_space<vmem>>[vector<16xi32>], vector<16xf32>,
      %add3A_447 = arith.constant 2 : i32
      %add3A_448 = arith.addi %mul3A_436, %add3A_447 : i32
      %get3A_449 = arith.index_cast %add3A_448 : i32 to index
      %get3A_450 = arith.constant 32 : index
      %get3A_451 = tpu.vector_load %arg11[%get3A_449, %get3A_450] {strides = array<i32>} : memref<200x128xi32, #tpu.memory_space<vmem>>, vector<16xi32>,
      %gather3A_452 = tpu.vector_load_idx %arg12[%get3A_451] : memref<1024xf32, #tpu.memory_space<vmem>>[vector<16xi32>], vector<16xf32>,
      %add3A_453 = arith.constant 3 : i32
      %add3A_454 = arith.addi %mul3A_436, %add3A_453 : i32
      %get3A_455 = arith.index_cast %add3A_454 : i32 to index
      %get3A_456 = arith.constant 32 : index
      %get3A_457 = tpu.vector_load %arg11[%get3A_455, %get3A_456] {strides = array<i32>} : memref<200x128xi32, #tpu.memory_space<vmem>>, vector<16xi32>,
      %gather3A_458 = tpu.vector_load_idx %arg12[%get3A_457] : memref<1024xf32, #tpu.memory_space<vmem>>[vector<16xi32>], vector<16xf32>,
      %add3A_459 = arith.addf %add3A_429, %gather3A_440 : vector<16xf32>
      %add3A_460 = arith.addf %add3A_430, %gather3A_446 : vector<16xf32>
      %add3A_461 = arith.addf %add3A_431, %gather3A_452 : vector<16xf32>
      %add3A_462 = arith.addf %add3A_432, %gather3A_458 : vector<16xf32>
      scf.yield %add3A_459, %add3A_460, %add3A_461, %add3A_462 : vector<16xf32>, vector<16xf32>, vector<16xf32>, vector<16xf32>
    }
    %scan3A_329 = arith.constant 50 : i32
    %add3A_330 = arith.addf %scan3A_328#0, %scan3A_328#1 : vector<16xf32>
    %add3A_331 = arith.addf %scan3A_328#2, %scan3A_328#3 : vector<16xf32>
    %add3A_332 = arith.addf %add3A_330, %add3A_331 : vector<16xf32>
    %swap3A_333 = arith.constant 416 : index
    %swap3A_334 = tpu.vector_load %arg16[%swap3A_333] {strides = array<i32>} : memref<512xf32, #tpu.memory_space<vmem>>, vector<16xf32>,
    tpu.vector_store %arg16[%swap3A_333], %add3A_332 {strides = array<i32>} : memref<512xf32, #tpu.memory_space<vmem>>, vector<16xf32>,
    %scan3A_335 = arith.constant 0 : i32
    %scan3A_336 = arith.constant 50 : i32
    %scan3A_337 = arith.addi %scan3A_335, %scan3A_336 : i32
    %scan3A_338 = arith.constant 2 : i32
    %scan3A_339:4 = scf.for %scan3A_402 = %scan3A_335 to %scan3A_337 step %scan3A_338 iter_args(%scan3A_403 = %broadcast_in_dim3A_6, %scan3A_404 = %broadcast_in_dim3A_6, %scan3A_405 = %broadcast_in_dim3A_6, %scan3A_406 = %broadcast_in_dim3A_6) -> (vector<16xf32>, vector<16xf32>, vector<16xf32>, vector<16xf32>)  : i32 {
      %mul3A_407 = arith.constant 4 : i32
      %mul3A_408 = arith.muli %scan3A_402, %mul3A_407 : i32
      %get3A = arith.index_cast %mul3A_408 : i32 to index
      %get3A_409 = arith.constant 48 : index
      %get3A_410 = tpu.vector_load %arg11[%get3A, %get3A_409] {strides = array<i32>} : memref<200x128xi32, #tpu.memory_space<vmem>>, vector<16xi32>,
      %gather3A = tpu.vector_load_idx %arg12[%get3A_410] : memref<1024xf32, #tpu.memory_space<vmem>>[vector<16xi32>], vector<16xf32>,
      %add3A_411 = arith.constant 1 : i32
      %add3A_412 = arith.addi %mul3A_408, %add3A_411 : i32
      %get3A_413 = arith.index_cast %add3A_412 : i32 to index
      %get3A_414 = arith.constant 48 : index
      %get3A_415 = tpu.vector_load %arg11[%get3A_413, %get3A_414] {strides = array<i32>} : memref<200x128xi32, #tpu.memory_space<vmem>>, vector<16xi32>,
      %gather3A_416 = tpu.vector_load_idx %arg12[%get3A_415] : memref<1024xf32, #tpu.memory_space<vmem>>[vector<16xi32>], vector<16xf32>,
      %add3A_417 = arith.constant 2 : i32
      %add3A_418 = arith.addi %mul3A_408, %add3A_417 : i32
      %get3A_419 = arith.index_cast %add3A_418 : i32 to index
      %get3A_420 = arith.constant 48 : index
      %get3A_421 = tpu.vector_load %arg11[%get3A_419, %get3A_420] {strides = array<i32>} : memref<200x128xi32, #tpu.memory_space<vmem>>, vector<16xi32>,
      %gather3A_422 = tpu.vector_load_idx %arg12[%get3A_421] : memref<1024xf32, #tpu.memory_space<vmem>>[vector<16xi32>], vector<16xf32>,
      %add3A_423 = arith.constant 3 : i32
      %add3A_424 = arith.addi %mul3A_408, %add3A_423 : i32
      %get3A_425 = arith.index_cast %add3A_424 : i32 to index
      %get3A_426 = arith.constant 48 : index
      %get3A_427 = tpu.vector_load %arg11[%get3A_425, %get3A_426] {strides = array<i32>} : memref<200x128xi32, #tpu.memory_space<vmem>>, vector<16xi32>,
      %gather3A_428 = tpu.vector_load_idx %arg12[%get3A_427] : memref<1024xf32, #tpu.memory_space<vmem>>[vector<16xi32>], vector<16xf32>,
      %add3A_429 = arith.addf %scan3A_403, %gather3A : vector<16xf32>
      %add3A_430 = arith.addf %scan3A_404, %gather3A_416 : vector<16xf32>
      %add3A_431 = arith.addf %scan3A_405, %gather3A_422 : vector<16xf32>
      %add3A_432 = arith.addf %scan3A_406, %gather3A_428 : vector<16xf32>
      %scan3A_433 = arith.constant 1 : i32
      %scan3A_434 = arith.addi %scan3A_402, %scan3A_433 : i32
      %mul3A_435 = arith.constant 4 : i32
      %mul3A_436 = arith.muli %scan3A_434, %mul3A_435 : i32
      %get3A_437 = arith.index_cast %mul3A_436 : i32 to index
      %get3A_438 = arith.constant 48 : index
      %get3A_439 = tpu.vector_load %arg11[%get3A_437, %get3A_438] {strides = array<i32>} : memref<200x128xi32, #tpu.memory_space<vmem>>, vector<16xi32>,
      %gather3A_440 = tpu.vector_load_idx %arg12[%get3A_439] : memref<1024xf32, #tpu.memory_space<vmem>>[vector<16xi32>], vector<16xf32>,
      %add3A_441 = arith.constant 1 : i32
      %add3A_442 = arith.addi %mul3A_436, %add3A_441 : i32
      %get3A_443 = arith.index_cast %add3A_442 : i32 to index
      %get3A_444 = arith.constant 48 : index
      %get3A_445 = tpu.vector_load %arg11[%get3A_443, %get3A_444] {strides = array<i32>} : memref<200x128xi32, #tpu.memory_space<vmem>>, vector<16xi32>,
      %gather3A_446 = tpu.vector_load_idx %arg12[%get3A_445] : memref<1024xf32, #tpu.memory_space<vmem>>[vector<16xi32>], vector<16xf32>,
      %add3A_447 = arith.constant 2 : i32
      %add3A_448 = arith.addi %mul3A_436, %add3A_447 : i32
      %get3A_449 = arith.index_cast %add3A_448 : i32 to index
      %get3A_450 = arith.constant 48 : index
      %get3A_451 = tpu.vector_load %arg11[%get3A_449, %get3A_450] {strides = array<i32>} : memref<200x128xi32, #tpu.memory_space<vmem>>, vector<16xi32>,
      %gather3A_452 = tpu.vector_load_idx %arg12[%get3A_451] : memref<1024xf32, #tpu.memory_space<vmem>>[vector<16xi32>], vector<16xf32>,
      %add3A_453 = arith.constant 3 : i32
      %add3A_454 = arith.addi %mul3A_436, %add3A_453 : i32
      %get3A_455 = arith.index_cast %add3A_454 : i32 to index
      %get3A_456 = arith.constant 48 : index
      %get3A_457 = tpu.vector_load %arg11[%get3A_455, %get3A_456] {strides = array<i32>} : memref<200x128xi32, #tpu.memory_space<vmem>>, vector<16xi32>,
      %gather3A_458 = tpu.vector_load_idx %arg12[%get3A_457] : memref<1024xf32, #tpu.memory_space<vmem>>[vector<16xi32>], vector<16xf32>,
      %add3A_459 = arith.addf %add3A_429, %gather3A_440 : vector<16xf32>
      %add3A_460 = arith.addf %add3A_430, %gather3A_446 : vector<16xf32>
      %add3A_461 = arith.addf %add3A_431, %gather3A_452 : vector<16xf32>
      %add3A_462 = arith.addf %add3A_432, %gather3A_458 : vector<16xf32>
      scf.yield %add3A_459, %add3A_460, %add3A_461, %add3A_462 : vector<16xf32>, vector<16xf32>, vector<16xf32>, vector<16xf32>
    }
    %scan3A_340 = arith.constant 50 : i32
    %add3A_341 = arith.addf %scan3A_339#0, %scan3A_339#1 : vector<16xf32>
    %add3A_342 = arith.addf %scan3A_339#2, %scan3A_339#3 : vector<16xf32>
    %add3A_343 = arith.addf %add3A_341, %add3A_342 : vector<16xf32>
    %swap3A_344 = arith.constant 432 : index
    %swap3A_345 = tpu.vector_load %arg16[%swap3A_344] {strides = array<i32>} : memref<512xf32, #tpu.memory_space<vmem>>, vector<16xf32>,
    tpu.vector_store %arg16[%swap3A_344], %add3A_343 {strides = array<i32>} : memref<512xf32, #tpu.memory_space<vmem>>, vector<16xf32>,
    %scan3A_346 = arith.constant 0 : i32
    %scan3A_347 = arith.constant 50 : i32
    %scan3A_348 = arith.addi %scan3A_346, %scan3A_347 : i32
    %scan3A_349 = arith.constant 2 : i32
    %scan3A_350:4 = scf.for %scan3A_402 = %scan3A_346 to %scan3A_348 step %scan3A_349 iter_args(%scan3A_403 = %broadcast_in_dim3A_6, %scan3A_404 = %broadcast_in_dim3A_6, %scan3A_405 = %broadcast_in_dim3A_6, %scan3A_406 = %broadcast_in_dim3A_6) -> (vector<16xf32>, vector<16xf32>, vector<16xf32>, vector<16xf32>)  : i32 {
      %mul3A_407 = arith.constant 4 : i32
      %mul3A_408 = arith.muli %scan3A_402, %mul3A_407 : i32
      %get3A = arith.index_cast %mul3A_408 : i32 to index
      %get3A_409 = arith.constant 64 : index
      %get3A_410 = tpu.vector_load %arg11[%get3A, %get3A_409] {strides = array<i32>} : memref<200x128xi32, #tpu.memory_space<vmem>>, vector<16xi32>,
      %gather3A = tpu.vector_load_idx %arg12[%get3A_410] : memref<1024xf32, #tpu.memory_space<vmem>>[vector<16xi32>], vector<16xf32>,
      %add3A_411 = arith.constant 1 : i32
      %add3A_412 = arith.addi %mul3A_408, %add3A_411 : i32
      %get3A_413 = arith.index_cast %add3A_412 : i32 to index
      %get3A_414 = arith.constant 64 : index
      %get3A_415 = tpu.vector_load %arg11[%get3A_413, %get3A_414] {strides = array<i32>} : memref<200x128xi32, #tpu.memory_space<vmem>>, vector<16xi32>,
      %gather3A_416 = tpu.vector_load_idx %arg12[%get3A_415] : memref<1024xf32, #tpu.memory_space<vmem>>[vector<16xi32>], vector<16xf32>,
      %add3A_417 = arith.constant 2 : i32
      %add3A_418 = arith.addi %mul3A_408, %add3A_417 : i32
      %get3A_419 = arith.index_cast %add3A_418 : i32 to index
      %get3A_420 = arith.constant 64 : index
      %get3A_421 = tpu.vector_load %arg11[%get3A_419, %get3A_420] {strides = array<i32>} : memref<200x128xi32, #tpu.memory_space<vmem>>, vector<16xi32>,
      %gather3A_422 = tpu.vector_load_idx %arg12[%get3A_421] : memref<1024xf32, #tpu.memory_space<vmem>>[vector<16xi32>], vector<16xf32>,
      %add3A_423 = arith.constant 3 : i32
      %add3A_424 = arith.addi %mul3A_408, %add3A_423 : i32
      %get3A_425 = arith.index_cast %add3A_424 : i32 to index
      %get3A_426 = arith.constant 64 : index
      %get3A_427 = tpu.vector_load %arg11[%get3A_425, %get3A_426] {strides = array<i32>} : memref<200x128xi32, #tpu.memory_space<vmem>>, vector<16xi32>,
      %gather3A_428 = tpu.vector_load_idx %arg12[%get3A_427] : memref<1024xf32, #tpu.memory_space<vmem>>[vector<16xi32>], vector<16xf32>,
      %add3A_429 = arith.addf %scan3A_403, %gather3A : vector<16xf32>
      %add3A_430 = arith.addf %scan3A_404, %gather3A_416 : vector<16xf32>
      %add3A_431 = arith.addf %scan3A_405, %gather3A_422 : vector<16xf32>
      %add3A_432 = arith.addf %scan3A_406, %gather3A_428 : vector<16xf32>
      %scan3A_433 = arith.constant 1 : i32
      %scan3A_434 = arith.addi %scan3A_402, %scan3A_433 : i32
      %mul3A_435 = arith.constant 4 : i32
      %mul3A_436 = arith.muli %scan3A_434, %mul3A_435 : i32
      %get3A_437 = arith.index_cast %mul3A_436 : i32 to index
      %get3A_438 = arith.constant 64 : index
      %get3A_439 = tpu.vector_load %arg11[%get3A_437, %get3A_438] {strides = array<i32>} : memref<200x128xi32, #tpu.memory_space<vmem>>, vector<16xi32>,
      %gather3A_440 = tpu.vector_load_idx %arg12[%get3A_439] : memref<1024xf32, #tpu.memory_space<vmem>>[vector<16xi32>], vector<16xf32>,
      %add3A_441 = arith.constant 1 : i32
      %add3A_442 = arith.addi %mul3A_436, %add3A_441 : i32
      %get3A_443 = arith.index_cast %add3A_442 : i32 to index
      %get3A_444 = arith.constant 64 : index
      %get3A_445 = tpu.vector_load %arg11[%get3A_443, %get3A_444] {strides = array<i32>} : memref<200x128xi32, #tpu.memory_space<vmem>>, vector<16xi32>,
      %gather3A_446 = tpu.vector_load_idx %arg12[%get3A_445] : memref<1024xf32, #tpu.memory_space<vmem>>[vector<16xi32>], vector<16xf32>,
      %add3A_447 = arith.constant 2 : i32
      %add3A_448 = arith.addi %mul3A_436, %add3A_447 : i32
      %get3A_449 = arith.index_cast %add3A_448 : i32 to index
      %get3A_450 = arith.constant 64 : index
      %get3A_451 = tpu.vector_load %arg11[%get3A_449, %get3A_450] {strides = array<i32>} : memref<200x128xi32, #tpu.memory_space<vmem>>, vector<16xi32>,
      %gather3A_452 = tpu.vector_load_idx %arg12[%get3A_451] : memref<1024xf32, #tpu.memory_space<vmem>>[vector<16xi32>], vector<16xf32>,
      %add3A_453 = arith.constant 3 : i32
      %add3A_454 = arith.addi %mul3A_436, %add3A_453 : i32
      %get3A_455 = arith.index_cast %add3A_454 : i32 to index
      %get3A_456 = arith.constant 64 : index
      %get3A_457 = tpu.vector_load %arg11[%get3A_455, %get3A_456] {strides = array<i32>} : memref<200x128xi32, #tpu.memory_space<vmem>>, vector<16xi32>,
      %gather3A_458 = tpu.vector_load_idx %arg12[%get3A_457] : memref<1024xf32, #tpu.memory_space<vmem>>[vector<16xi32>], vector<16xf32>,
      %add3A_459 = arith.addf %add3A_429, %gather3A_440 : vector<16xf32>
      %add3A_460 = arith.addf %add3A_430, %gather3A_446 : vector<16xf32>
      %add3A_461 = arith.addf %add3A_431, %gather3A_452 : vector<16xf32>
      %add3A_462 = arith.addf %add3A_432, %gather3A_458 : vector<16xf32>
      scf.yield %add3A_459, %add3A_460, %add3A_461, %add3A_462 : vector<16xf32>, vector<16xf32>, vector<16xf32>, vector<16xf32>
    }
    %scan3A_351 = arith.constant 50 : i32
    %add3A_352 = arith.addf %scan3A_350#0, %scan3A_350#1 : vector<16xf32>
    %add3A_353 = arith.addf %scan3A_350#2, %scan3A_350#3 : vector<16xf32>
    %add3A_354 = arith.addf %add3A_352, %add3A_353 : vector<16xf32>
    %swap3A_355 = arith.constant 448 : index
    %swap3A_356 = tpu.vector_load %arg16[%swap3A_355] {strides = array<i32>} : memref<512xf32, #tpu.memory_space<vmem>>, vector<16xf32>,
    tpu.vector_store %arg16[%swap3A_355], %add3A_354 {strides = array<i32>} : memref<512xf32, #tpu.memory_space<vmem>>, vector<16xf32>,
    %scan3A_357 = arith.constant 0 : i32
    %scan3A_358 = arith.constant 50 : i32
    %scan3A_359 = arith.addi %scan3A_357, %scan3A_358 : i32
    %scan3A_360 = arith.constant 2 : i32
    %scan3A_361:4 = scf.for %scan3A_402 = %scan3A_357 to %scan3A_359 step %scan3A_360 iter_args(%scan3A_403 = %broadcast_in_dim3A_6, %scan3A_404 = %broadcast_in_dim3A_6, %scan3A_405 = %broadcast_in_dim3A_6, %scan3A_406 = %broadcast_in_dim3A_6) -> (vector<16xf32>, vector<16xf32>, vector<16xf32>, vector<16xf32>)  : i32 {
      %mul3A_407 = arith.constant 4 : i32
      %mul3A_408 = arith.muli %scan3A_402, %mul3A_407 : i32
      %get3A = arith.index_cast %mul3A_408 : i32 to index
      %get3A_409 = arith.constant 80 : index
      %get3A_410 = tpu.vector_load %arg11[%get3A, %get3A_409] {strides = array<i32>} : memref<200x128xi32, #tpu.memory_space<vmem>>, vector<16xi32>,
      %gather3A = tpu.vector_load_idx %arg12[%get3A_410] : memref<1024xf32, #tpu.memory_space<vmem>>[vector<16xi32>], vector<16xf32>,
      %add3A_411 = arith.constant 1 : i32
      %add3A_412 = arith.addi %mul3A_408, %add3A_411 : i32
      %get3A_413 = arith.index_cast %add3A_412 : i32 to index
      %get3A_414 = arith.constant 80 : index
      %get3A_415 = tpu.vector_load %arg11[%get3A_413, %get3A_414] {strides = array<i32>} : memref<200x128xi32, #tpu.memory_space<vmem>>, vector<16xi32>,
      %gather3A_416 = tpu.vector_load_idx %arg12[%get3A_415] : memref<1024xf32, #tpu.memory_space<vmem>>[vector<16xi32>], vector<16xf32>,
      %add3A_417 = arith.constant 2 : i32
      %add3A_418 = arith.addi %mul3A_408, %add3A_417 : i32
      %get3A_419 = arith.index_cast %add3A_418 : i32 to index
      %get3A_420 = arith.constant 80 : index
      %get3A_421 = tpu.vector_load %arg11[%get3A_419, %get3A_420] {strides = array<i32>} : memref<200x128xi32, #tpu.memory_space<vmem>>, vector<16xi32>,
      %gather3A_422 = tpu.vector_load_idx %arg12[%get3A_421] : memref<1024xf32, #tpu.memory_space<vmem>>[vector<16xi32>], vector<16xf32>,
      %add3A_423 = arith.constant 3 : i32
      %add3A_424 = arith.addi %mul3A_408, %add3A_423 : i32
      %get3A_425 = arith.index_cast %add3A_424 : i32 to index
      %get3A_426 = arith.constant 80 : index
      %get3A_427 = tpu.vector_load %arg11[%get3A_425, %get3A_426] {strides = array<i32>} : memref<200x128xi32, #tpu.memory_space<vmem>>, vector<16xi32>,
      %gather3A_428 = tpu.vector_load_idx %arg12[%get3A_427] : memref<1024xf32, #tpu.memory_space<vmem>>[vector<16xi32>], vector<16xf32>,
      %add3A_429 = arith.addf %scan3A_403, %gather3A : vector<16xf32>
      %add3A_430 = arith.addf %scan3A_404, %gather3A_416 : vector<16xf32>
      %add3A_431 = arith.addf %scan3A_405, %gather3A_422 : vector<16xf32>
      %add3A_432 = arith.addf %scan3A_406, %gather3A_428 : vector<16xf32>
      %scan3A_433 = arith.constant 1 : i32
      %scan3A_434 = arith.addi %scan3A_402, %scan3A_433 : i32
      %mul3A_435 = arith.constant 4 : i32
      %mul3A_436 = arith.muli %scan3A_434, %mul3A_435 : i32
      %get3A_437 = arith.index_cast %mul3A_436 : i32 to index
      %get3A_438 = arith.constant 80 : index
      %get3A_439 = tpu.vector_load %arg11[%get3A_437, %get3A_438] {strides = array<i32>} : memref<200x128xi32, #tpu.memory_space<vmem>>, vector<16xi32>,
      %gather3A_440 = tpu.vector_load_idx %arg12[%get3A_439] : memref<1024xf32, #tpu.memory_space<vmem>>[vector<16xi32>], vector<16xf32>,
      %add3A_441 = arith.constant 1 : i32
      %add3A_442 = arith.addi %mul3A_436, %add3A_441 : i32
      %get3A_443 = arith.index_cast %add3A_442 : i32 to index
      %get3A_444 = arith.constant 80 : index
      %get3A_445 = tpu.vector_load %arg11[%get3A_443, %get3A_444] {strides = array<i32>} : memref<200x128xi32, #tpu.memory_space<vmem>>, vector<16xi32>,
      %gather3A_446 = tpu.vector_load_idx %arg12[%get3A_445] : memref<1024xf32, #tpu.memory_space<vmem>>[vector<16xi32>], vector<16xf32>,
      %add3A_447 = arith.constant 2 : i32
      %add3A_448 = arith.addi %mul3A_436, %add3A_447 : i32
      %get3A_449 = arith.index_cast %add3A_448 : i32 to index
      %get3A_450 = arith.constant 80 : index
      %get3A_451 = tpu.vector_load %arg11[%get3A_449, %get3A_450] {strides = array<i32>} : memref<200x128xi32, #tpu.memory_space<vmem>>, vector<16xi32>,
      %gather3A_452 = tpu.vector_load_idx %arg12[%get3A_451] : memref<1024xf32, #tpu.memory_space<vmem>>[vector<16xi32>], vector<16xf32>,
      %add3A_453 = arith.constant 3 : i32
      %add3A_454 = arith.addi %mul3A_436, %add3A_453 : i32
      %get3A_455 = arith.index_cast %add3A_454 : i32 to index
      %get3A_456 = arith.constant 80 : index
      %get3A_457 = tpu.vector_load %arg11[%get3A_455, %get3A_456] {strides = array<i32>} : memref<200x128xi32, #tpu.memory_space<vmem>>, vector<16xi32>,
      %gather3A_458 = tpu.vector_load_idx %arg12[%get3A_457] : memref<1024xf32, #tpu.memory_space<vmem>>[vector<16xi32>], vector<16xf32>,
      %add3A_459 = arith.addf %add3A_429, %gather3A_440 : vector<16xf32>
      %add3A_460 = arith.addf %add3A_430, %gather3A_446 : vector<16xf32>
      %add3A_461 = arith.addf %add3A_431, %gather3A_452 : vector<16xf32>
      %add3A_462 = arith.addf %add3A_432, %gather3A_458 : vector<16xf32>
      scf.yield %add3A_459, %add3A_460, %add3A_461, %add3A_462 : vector<16xf32>, vector<16xf32>, vector<16xf32>, vector<16xf32>
    }
    %scan3A_362 = arith.constant 50 : i32
    %add3A_363 = arith.addf %scan3A_361#0, %scan3A_361#1 : vector<16xf32>
    %add3A_364 = arith.addf %scan3A_361#2, %scan3A_361#3 : vector<16xf32>
    %add3A_365 = arith.addf %add3A_363, %add3A_364 : vector<16xf32>
    %swap3A_366 = arith.constant 464 : index
    %swap3A_367 = tpu.vector_load %arg16[%swap3A_366] {strides = array<i32>} : memref<512xf32, #tpu.memory_space<vmem>>, vector<16xf32>,
    tpu.vector_store %arg16[%swap3A_366], %add3A_365 {strides = array<i32>} : memref<512xf32, #tpu.memory_space<vmem>>, vector<16xf32>,
    %scan3A_368 = arith.constant 0 : i32
    %scan3A_369 = arith.constant 50 : i32
    %scan3A_370 = arith.addi %scan3A_368, %scan3A_369 : i32
    %scan3A_371 = arith.constant 2 : i32
    %scan3A_372:4 = scf.for %scan3A_402 = %scan3A_368 to %scan3A_370 step %scan3A_371 iter_args(%scan3A_403 = %broadcast_in_dim3A_6, %scan3A_404 = %broadcast_in_dim3A_6, %scan3A_405 = %broadcast_in_dim3A_6, %scan3A_406 = %broadcast_in_dim3A_6) -> (vector<16xf32>, vector<16xf32>, vector<16xf32>, vector<16xf32>)  : i32 {
      %mul3A_407 = arith.constant 4 : i32
      %mul3A_408 = arith.muli %scan3A_402, %mul3A_407 : i32
      %get3A = arith.index_cast %mul3A_408 : i32 to index
      %get3A_409 = arith.constant 96 : index
      %get3A_410 = tpu.vector_load %arg11[%get3A, %get3A_409] {strides = array<i32>} : memref<200x128xi32, #tpu.memory_space<vmem>>, vector<16xi32>,
      %gather3A = tpu.vector_load_idx %arg12[%get3A_410] : memref<1024xf32, #tpu.memory_space<vmem>>[vector<16xi32>], vector<16xf32>,
      %add3A_411 = arith.constant 1 : i32
      %add3A_412 = arith.addi %mul3A_408, %add3A_411 : i32
      %get3A_413 = arith.index_cast %add3A_412 : i32 to index
      %get3A_414 = arith.constant 96 : index
      %get3A_415 = tpu.vector_load %arg11[%get3A_413, %get3A_414] {strides = array<i32>} : memref<200x128xi32, #tpu.memory_space<vmem>>, vector<16xi32>,
      %gather3A_416 = tpu.vector_load_idx %arg12[%get3A_415] : memref<1024xf32, #tpu.memory_space<vmem>>[vector<16xi32>], vector<16xf32>,
      %add3A_417 = arith.constant 2 : i32
      %add3A_418 = arith.addi %mul3A_408, %add3A_417 : i32
      %get3A_419 = arith.index_cast %add3A_418 : i32 to index
      %get3A_420 = arith.constant 96 : index
      %get3A_421 = tpu.vector_load %arg11[%get3A_419, %get3A_420] {strides = array<i32>} : memref<200x128xi32, #tpu.memory_space<vmem>>, vector<16xi32>,
      %gather3A_422 = tpu.vector_load_idx %arg12[%get3A_421] : memref<1024xf32, #tpu.memory_space<vmem>>[vector<16xi32>], vector<16xf32>,
      %add3A_423 = arith.constant 3 : i32
      %add3A_424 = arith.addi %mul3A_408, %add3A_423 : i32
      %get3A_425 = arith.index_cast %add3A_424 : i32 to index
      %get3A_426 = arith.constant 96 : index
      %get3A_427 = tpu.vector_load %arg11[%get3A_425, %get3A_426] {strides = array<i32>} : memref<200x128xi32, #tpu.memory_space<vmem>>, vector<16xi32>,
      %gather3A_428 = tpu.vector_load_idx %arg12[%get3A_427] : memref<1024xf32, #tpu.memory_space<vmem>>[vector<16xi32>], vector<16xf32>,
      %add3A_429 = arith.addf %scan3A_403, %gather3A : vector<16xf32>
      %add3A_430 = arith.addf %scan3A_404, %gather3A_416 : vector<16xf32>
      %add3A_431 = arith.addf %scan3A_405, %gather3A_422 : vector<16xf32>
      %add3A_432 = arith.addf %scan3A_406, %gather3A_428 : vector<16xf32>
      %scan3A_433 = arith.constant 1 : i32
      %scan3A_434 = arith.addi %scan3A_402, %scan3A_433 : i32
      %mul3A_435 = arith.constant 4 : i32
      %mul3A_436 = arith.muli %scan3A_434, %mul3A_435 : i32
      %get3A_437 = arith.index_cast %mul3A_436 : i32 to index
      %get3A_438 = arith.constant 96 : index
      %get3A_439 = tpu.vector_load %arg11[%get3A_437, %get3A_438] {strides = array<i32>} : memref<200x128xi32, #tpu.memory_space<vmem>>, vector<16xi32>,
      %gather3A_440 = tpu.vector_load_idx %arg12[%get3A_439] : memref<1024xf32, #tpu.memory_space<vmem>>[vector<16xi32>], vector<16xf32>,
      %add3A_441 = arith.constant 1 : i32
      %add3A_442 = arith.addi %mul3A_436, %add3A_441 : i32
      %get3A_443 = arith.index_cast %add3A_442 : i32 to index
      %get3A_444 = arith.constant 96 : index
      %get3A_445 = tpu.vector_load %arg11[%get3A_443, %get3A_444] {strides = array<i32>} : memref<200x128xi32, #tpu.memory_space<vmem>>, vector<16xi32>,
      %gather3A_446 = tpu.vector_load_idx %arg12[%get3A_445] : memref<1024xf32, #tpu.memory_space<vmem>>[vector<16xi32>], vector<16xf32>,
      %add3A_447 = arith.constant 2 : i32
      %add3A_448 = arith.addi %mul3A_436, %add3A_447 : i32
      %get3A_449 = arith.index_cast %add3A_448 : i32 to index
      %get3A_450 = arith.constant 96 : index
      %get3A_451 = tpu.vector_load %arg11[%get3A_449, %get3A_450] {strides = array<i32>} : memref<200x128xi32, #tpu.memory_space<vmem>>, vector<16xi32>,
      %gather3A_452 = tpu.vector_load_idx %arg12[%get3A_451] : memref<1024xf32, #tpu.memory_space<vmem>>[vector<16xi32>], vector<16xf32>,
      %add3A_453 = arith.constant 3 : i32
      %add3A_454 = arith.addi %mul3A_436, %add3A_453 : i32
      %get3A_455 = arith.index_cast %add3A_454 : i32 to index
      %get3A_456 = arith.constant 96 : index
      %get3A_457 = tpu.vector_load %arg11[%get3A_455, %get3A_456] {strides = array<i32>} : memref<200x128xi32, #tpu.memory_space<vmem>>, vector<16xi32>,
      %gather3A_458 = tpu.vector_load_idx %arg12[%get3A_457] : memref<1024xf32, #tpu.memory_space<vmem>>[vector<16xi32>], vector<16xf32>,
      %add3A_459 = arith.addf %add3A_429, %gather3A_440 : vector<16xf32>
      %add3A_460 = arith.addf %add3A_430, %gather3A_446 : vector<16xf32>
      %add3A_461 = arith.addf %add3A_431, %gather3A_452 : vector<16xf32>
      %add3A_462 = arith.addf %add3A_432, %gather3A_458 : vector<16xf32>
      scf.yield %add3A_459, %add3A_460, %add3A_461, %add3A_462 : vector<16xf32>, vector<16xf32>, vector<16xf32>, vector<16xf32>
    }
    %scan3A_373 = arith.constant 50 : i32
    %add3A_374 = arith.addf %scan3A_372#0, %scan3A_372#1 : vector<16xf32>
    %add3A_375 = arith.addf %scan3A_372#2, %scan3A_372#3 : vector<16xf32>
    %add3A_376 = arith.addf %add3A_374, %add3A_375 : vector<16xf32>
    %swap3A_377 = arith.constant 480 : index
    %swap3A_378 = tpu.vector_load %arg16[%swap3A_377] {strides = array<i32>} : memref<512xf32, #tpu.memory_space<vmem>>, vector<16xf32>,
    tpu.vector_store %arg16[%swap3A_377], %add3A_376 {strides = array<i32>} : memref<512xf32, #tpu.memory_space<vmem>>, vector<16xf32>,
    %scan3A_379 = arith.constant 0 : i32
    %scan3A_380 = arith.constant 50 : i32
    %scan3A_381 = arith.addi %scan3A_379, %scan3A_380 : i32
    %scan3A_382 = arith.constant 2 : i32
    %scan3A_383:4 = scf.for %scan3A_402 = %scan3A_379 to %scan3A_381 step %scan3A_382 iter_args(%scan3A_403 = %broadcast_in_dim3A_6, %scan3A_404 = %broadcast_in_dim3A_6, %scan3A_405 = %broadcast_in_dim3A_6, %scan3A_406 = %broadcast_in_dim3A_6) -> (vector<16xf32>, vector<16xf32>, vector<16xf32>, vector<16xf32>)  : i32 {
      %mul3A_407 = arith.constant 4 : i32
      %mul3A_408 = arith.muli %scan3A_402, %mul3A_407 : i32
      %get3A = arith.index_cast %mul3A_408 : i32 to index
      %get3A_409 = arith.constant 112 : index
      %get3A_410 = tpu.vector_load %arg11[%get3A, %get3A_409] {strides = array<i32>} : memref<200x128xi32, #tpu.memory_space<vmem>>, vector<16xi32>,
      %gather3A = tpu.vector_load_idx %arg12[%get3A_410] : memref<1024xf32, #tpu.memory_space<vmem>>[vector<16xi32>], vector<16xf32>,
      %add3A_411 = arith.constant 1 : i32
      %add3A_412 = arith.addi %mul3A_408, %add3A_411 : i32
      %get3A_413 = arith.index_cast %add3A_412 : i32 to index
      %get3A_414 = arith.constant 112 : index
      %get3A_415 = tpu.vector_load %arg11[%get3A_413, %get3A_414] {strides = array<i32>} : memref<200x128xi32, #tpu.memory_space<vmem>>, vector<16xi32>,
      %gather3A_416 = tpu.vector_load_idx %arg12[%get3A_415] : memref<1024xf32, #tpu.memory_space<vmem>>[vector<16xi32>], vector<16xf32>,
      %add3A_417 = arith.constant 2 : i32
      %add3A_418 = arith.addi %mul3A_408, %add3A_417 : i32
      %get3A_419 = arith.index_cast %add3A_418 : i32 to index
      %get3A_420 = arith.constant 112 : index
      %get3A_421 = tpu.vector_load %arg11[%get3A_419, %get3A_420] {strides = array<i32>} : memref<200x128xi32, #tpu.memory_space<vmem>>, vector<16xi32>,
      %gather3A_422 = tpu.vector_load_idx %arg12[%get3A_421] : memref<1024xf32, #tpu.memory_space<vmem>>[vector<16xi32>], vector<16xf32>,
      %add3A_423 = arith.constant 3 : i32
      %add3A_424 = arith.addi %mul3A_408, %add3A_423 : i32
      %get3A_425 = arith.index_cast %add3A_424 : i32 to index
      %get3A_426 = arith.constant 112 : index
      %get3A_427 = tpu.vector_load %arg11[%get3A_425, %get3A_426] {strides = array<i32>} : memref<200x128xi32, #tpu.memory_space<vmem>>, vector<16xi32>,
      %gather3A_428 = tpu.vector_load_idx %arg12[%get3A_427] : memref<1024xf32, #tpu.memory_space<vmem>>[vector<16xi32>], vector<16xf32>,
      %add3A_429 = arith.addf %scan3A_403, %gather3A : vector<16xf32>
      %add3A_430 = arith.addf %scan3A_404, %gather3A_416 : vector<16xf32>
      %add3A_431 = arith.addf %scan3A_405, %gather3A_422 : vector<16xf32>
      %add3A_432 = arith.addf %scan3A_406, %gather3A_428 : vector<16xf32>
      %scan3A_433 = arith.constant 1 : i32
      %scan3A_434 = arith.addi %scan3A_402, %scan3A_433 : i32
      %mul3A_435 = arith.constant 4 : i32
      %mul3A_436 = arith.muli %scan3A_434, %mul3A_435 : i32
      %get3A_437 = arith.index_cast %mul3A_436 : i32 to index
      %get3A_438 = arith.constant 112 : index
      %get3A_439 = tpu.vector_load %arg11[%get3A_437, %get3A_438] {strides = array<i32>} : memref<200x128xi32, #tpu.memory_space<vmem>>, vector<16xi32>,
      %gather3A_440 = tpu.vector_load_idx %arg12[%get3A_439] : memref<1024xf32, #tpu.memory_space<vmem>>[vector<16xi32>], vector<16xf32>,
      %add3A_441 = arith.constant 1 : i32
      %add3A_442 = arith.addi %mul3A_436, %add3A_441 : i32
      %get3A_443 = arith.index_cast %add3A_442 : i32 to index
      %get3A_444 = arith.constant 112 : index
      %get3A_445 = tpu.vector_load %arg11[%get3A_443, %get3A_444] {strides = array<i32>} : memref<200x128xi32, #tpu.memory_space<vmem>>, vector<16xi32>,
      %gather3A_446 = tpu.vector_load_idx %arg12[%get3A_445] : memref<1024xf32, #tpu.memory_space<vmem>>[vector<16xi32>], vector<16xf32>,
      %add3A_447 = arith.constant 2 : i32
      %add3A_448 = arith.addi %mul3A_436, %add3A_447 : i32
      %get3A_449 = arith.index_cast %add3A_448 : i32 to index
      %get3A_450 = arith.constant 112 : index
      %get3A_451 = tpu.vector_load %arg11[%get3A_449, %get3A_450] {strides = array<i32>} : memref<200x128xi32, #tpu.memory_space<vmem>>, vector<16xi32>,
      %gather3A_452 = tpu.vector_load_idx %arg12[%get3A_451] : memref<1024xf32, #tpu.memory_space<vmem>>[vector<16xi32>], vector<16xf32>,
      %add3A_453 = arith.constant 3 : i32
      %add3A_454 = arith.addi %mul3A_436, %add3A_453 : i32
      %get3A_455 = arith.index_cast %add3A_454 : i32 to index
      %get3A_456 = arith.constant 112 : index
      %get3A_457 = tpu.vector_load %arg11[%get3A_455, %get3A_456] {strides = array<i32>} : memref<200x128xi32, #tpu.memory_space<vmem>>, vector<16xi32>,
      %gather3A_458 = tpu.vector_load_idx %arg12[%get3A_457] : memref<1024xf32, #tpu.memory_space<vmem>>[vector<16xi32>], vector<16xf32>,
      %add3A_459 = arith.addf %add3A_429, %gather3A_440 : vector<16xf32>
      %add3A_460 = arith.addf %add3A_430, %gather3A_446 : vector<16xf32>
      %add3A_461 = arith.addf %add3A_431, %gather3A_452 : vector<16xf32>
      %add3A_462 = arith.addf %add3A_432, %gather3A_458 : vector<16xf32>
      scf.yield %add3A_459, %add3A_460, %add3A_461, %add3A_462 : vector<16xf32>, vector<16xf32>, vector<16xf32>, vector<16xf32>
    }
    %scan3A_384 = arith.constant 50 : i32
    %add3A_385 = arith.addf %scan3A_383#0, %scan3A_383#1 : vector<16xf32>
    %add3A_386 = arith.addf %scan3A_383#2, %scan3A_383#3 : vector<16xf32>
    %add3A_387 = arith.addf %add3A_385, %add3A_386 : vector<16xf32>
    %swap3A_388 = arith.constant 496 : index
    %swap3A_389 = tpu.vector_load %arg16[%swap3A_388] {strides = array<i32>} : memref<512xf32, #tpu.memory_space<vmem>>, vector<16xf32>,
    tpu.vector_store %arg16[%swap3A_388], %add3A_387 {strides = array<i32>} : memref<512xf32, #tpu.memory_space<vmem>>, vector<16xf32>,
    %scan3A_390 = arith.constant 0 : i32
    %scan3A_391 = arith.constant 32 : i32
    %scan3A_392 = arith.addi %scan3A_390, %scan3A_391 : i32
    %scan3A_393 = arith.constant 1 : i32
    %scan3A_394:2 = scf.for %scan3A_402 = %scan3A_390 to %scan3A_392 step %scan3A_393 iter_args(%scan3A_403 = %broadcast_in_dim3A_6, %scan3A_404 = %broadcast_in_dim3A_6) -> (vector<16xf32>, vector<16xf32>)  : i32 {
      %mul3A_405 = arith.constant 16 : i32
      %mul3A_406 = arith.muli %scan3A_402, %mul3A_405 : i32
      %get3A = arith.index_cast %mul3A_406 : i32 to index
      %get3A_407 = tpu.vector_load %arg16[%get3A] {strides = array<i32>} : memref<512xf32, #tpu.memory_space<vmem>>, vector<16xf32>,
      %mul3A_408 = arith.constant 16 : i32
      %mul3A_409 = arith.muli %scan3A_402, %mul3A_408 : i32
      %get3A_410 = arith.index_cast %mul3A_409 : i32 to index
      %get3A_411 = tpu.vector_load %arg14[%get3A_410] {strides = array<i32>} : memref<512xi32, #tpu.memory_space<vmem>>, vector<16xi32>,
      %mul3A_412 = arith.constant 16 : i32
      %mul3A_413 = arith.muli %scan3A_402, %mul3A_412 : i32
      %get3A_414 = arith.index_cast %mul3A_413 : i32 to index
      %get3A_415 = tpu.vector_load %arg15[%get3A_414] {strides = array<i32>} : memref<512xf32, #tpu.memory_space<vmem>>, vector<16xf32>,
      %gather3A = tpu.vector_load_idx %arg13[%get3A_411] : memref<256xf32, #tpu.memory_space<vmem>>[vector<16xi32>], vector<16xf32>,
      %add3A_416 = arith.constant 128 : i32
      %add3A_417 = vector.broadcast %add3A_416 : i32 to vector<16xi32>
      %add3A_418 = arith.addi %get3A_411, %add3A_417 : vector<16xi32>
      %gather3A_419 = tpu.vector_load_idx %arg13[%add3A_418] : memref<256xf32, #tpu.memory_space<vmem>>[vector<16xi32>], vector<16xf32>,
      %add3A_420 = arith.addf %get3A_407, %gather3A_419 : vector<16xf32>
      %mul3A_421 = arith.constant 16 : i32
      %mul3A_422 = arith.muli %scan3A_402, %mul3A_421 : i32
      %swap3A_423 = arith.index_cast %mul3A_422 : i32 to index
      %swap3A_424 = tpu.vector_load %arg17[%swap3A_423] {strides = array<i32>} : memref<512xf32, #tpu.memory_space<vmem>>, vector<16xf32>,
      tpu.vector_store %arg17[%swap3A_423], %gather3A {strides = array<i32>} : memref<512xf32, #tpu.memory_space<vmem>>, vector<16xf32>,
      %mul3A_425 = arith.constant 16 : i32
      %mul3A_426 = arith.muli %scan3A_402, %mul3A_425 : i32
      %swap3A_427 = arith.index_cast %mul3A_426 : i32 to index
      %swap3A_428 = tpu.vector_load %arg18[%swap3A_427] {strides = array<i32>} : memref<512xf32, #tpu.memory_space<vmem>>, vector<16xf32>,
      tpu.vector_store %arg18[%swap3A_427], %add3A_420 {strides = array<i32>} : memref<512xf32, #tpu.memory_space<vmem>>, vector<16xf32>,
      %sub3A = arith.subf %gather3A, %get3A_415 : vector<16xf32>
      %sub3A_429 = arith.subf %add3A_420, %get3A_415 : vector<16xf32>
      %mul3A_430 = arith.mulf %sub3A, %sub3A : vector<16xf32>
      %add3A_431 = arith.addf %scan3A_403, %mul3A_430 : vector<16xf32>
      %mul3A_432 = arith.mulf %sub3A_429, %sub3A_429 : vector<16xf32>
      %add3A_433 = arith.addf %scan3A_404, %mul3A_432 : vector<16xf32>
      scf.yield %add3A_431, %add3A_433 : vector<16xf32>, vector<16xf32>
    }
    %scan3A_395 = arith.constant 32 : i32
    %swap3A_396 = arith.constant 0 : index
    %swap3A_397 = tpu.vector_load %arg19[%swap3A_396] {strides = array<i32>} : memref<32xf32, #tpu.memory_space<vmem>>, vector<16xf32>,
    tpu.vector_store %arg19[%swap3A_396], %scan3A_394#0 {strides = array<i32>} : memref<32xf32, #tpu.memory_space<vmem>>, vector<16xf32>,
    %swap3A_398 = arith.constant 16 : index
    %swap3A_399 = tpu.vector_load %arg19[%swap3A_398] {strides = array<i32>} : memref<32xf32, #tpu.memory_space<vmem>>, vector<16xf32>,
    tpu.vector_store %arg19[%swap3A_398], %scan3A_394#1 {strides = array<i32>} : memref<32xf32, #tpu.memory_space<vmem>>, vector<16xf32>,
    "tpu.region"() ({
      %run_scoped3A = tpu.sem_alloc : memref<!tpu.dma_semaphore, #tpu.memory_space<semaphore_mem>>
      %dma_start3A_402 = tpu.memref_slice %arg7[%mul3A_2] : memref<16384xf32, #tpu.memory_space<hbm>> -> memref<512xf32, #tpu.memory_space<hbm>>
      %dma_start3A_403 = tpu.memref_slice %arg7[%mul3A_2] : memref<16384xf32, #tpu.memory_space<hbm>> -> memref<512xf32, #tpu.memory_space<hbm>>
      tpu.enqueue_dma source(%arg17 : memref<512xf32, #tpu.memory_space<vmem>>) target(%dma_start3A_403 : memref<512xf32, #tpu.memory_space<hbm>>) target_semaphore(%run_scoped3A : memref<!tpu.dma_semaphore, #tpu.memory_space<semaphore_mem>>)
      %dma_wait3A_404 = tpu.memref_slice %arg7[%mul3A_2] : memref<16384xf32, #tpu.memory_space<hbm>> -> memref<512xf32, #tpu.memory_space<hbm>>
      %dma_wait3A_405 = tpu.memref_slice %arg7[%mul3A_2] : memref<16384xf32, #tpu.memory_space<hbm>> -> memref<512xf32, #tpu.memory_space<hbm>>
      tpu.wait_dma2 semaphore(%run_scoped3A : memref<!tpu.dma_semaphore, #tpu.memory_space<semaphore_mem>>) src(%arg17 : memref<512xf32, #tpu.memory_space<vmem>>) dst(%dma_wait3A_405 : memref<512xf32, #tpu.memory_space<hbm>>)
      tpu.yield
    }) : () -> ()
    "tpu.region"() ({
      %run_scoped3A = tpu.sem_alloc : memref<!tpu.dma_semaphore, #tpu.memory_space<semaphore_mem>>
      %dma_start3A_402 = tpu.memref_slice %arg8[%mul3A_2] : memref<16384xf32, #tpu.memory_space<hbm>> -> memref<512xf32, #tpu.memory_space<hbm>>
      %dma_start3A_403 = tpu.memref_slice %arg8[%mul3A_2] : memref<16384xf32, #tpu.memory_space<hbm>> -> memref<512xf32, #tpu.memory_space<hbm>>
      tpu.enqueue_dma source(%arg18 : memref<512xf32, #tpu.memory_space<vmem>>) target(%dma_start3A_403 : memref<512xf32, #tpu.memory_space<hbm>>) target_semaphore(%run_scoped3A : memref<!tpu.dma_semaphore, #tpu.memory_space<semaphore_mem>>)
      %dma_wait3A_404 = tpu.memref_slice %arg8[%mul3A_2] : memref<16384xf32, #tpu.memory_space<hbm>> -> memref<512xf32, #tpu.memory_space<hbm>>
      %dma_wait3A_405 = tpu.memref_slice %arg8[%mul3A_2] : memref<16384xf32, #tpu.memory_space<hbm>> -> memref<512xf32, #tpu.memory_space<hbm>>
      tpu.wait_dma2 semaphore(%run_scoped3A : memref<!tpu.dma_semaphore, #tpu.memory_space<semaphore_mem>>) src(%arg18 : memref<512xf32, #tpu.memory_space<vmem>>) dst(%dma_wait3A_405 : memref<512xf32, #tpu.memory_space<hbm>>)
      tpu.yield
    }) : () -> ()
    %mul3A_400 = arith.constant 32 : i32
    %mul3A_401 = arith.muli %add3A, %mul3A_400 : i32
    "tpu.region"() ({
      %run_scoped3A = tpu.sem_alloc : memref<!tpu.dma_semaphore, #tpu.memory_space<semaphore_mem>>
      %dma_start3A_402 = tpu.memref_slice %arg9[%mul3A_401] : memref<1024xf32, #tpu.memory_space<hbm>> -> memref<32xf32, #tpu.memory_space<hbm>>
      %dma_start3A_403 = tpu.memref_slice %arg9[%mul3A_401] : memref<1024xf32, #tpu.memory_space<hbm>> -> memref<32xf32, #tpu.memory_space<hbm>>
      tpu.enqueue_dma source(%arg19 : memref<32xf32, #tpu.memory_space<vmem>>) target(%dma_start3A_403 : memref<32xf32, #tpu.memory_space<hbm>>) target_semaphore(%run_scoped3A : memref<!tpu.dma_semaphore, #tpu.memory_space<semaphore_mem>>)
      %dma_wait3A_404 = tpu.memref_slice %arg9[%mul3A_401] : memref<1024xf32, #tpu.memory_space<hbm>> -> memref<32xf32, #tpu.memory_space<hbm>>
      %dma_wait3A_405 = tpu.memref_slice %arg9[%mul3A_401] : memref<1024xf32, #tpu.memory_space<hbm>> -> memref<32xf32, #tpu.memory_space<hbm>>
      tpu.wait_dma2 semaphore(%run_scoped3A : memref<!tpu.dma_semaphore, #tpu.memory_space<semaphore_mem>>) src(%arg19 : memref<32xf32, #tpu.memory_space<vmem>>) dst(%dma_wait3A_405 : memref<32xf32, #tpu.memory_space<hbm>>)
      tpu.yield
    }) : () -> ()
    return
  }
}

module attributes {stable_mosaic.version = 14 : i64} {
  func.func @_prep_body(%arg0: memref<1x129xf32, #tpu.memory_space<vmem>>, %arg1: memref<1000x128xf32, #tpu.memory_space<vmem>>, %arg2: memref<10x128xf32, #tpu.memory_space<vmem>>, %arg3: memref<1x128xf32, #tpu.memory_space<vmem>>, %arg4: memref<1x1024xf32, #tpu.memory_space<vmem>>, %arg5: memref<2x128xf32, #tpu.memory_space<vmem>>) attributes {dimension_semantics = [], scalar_prefetch = 0 : i64, scratch_operands = 0 : i64, tpu.core_type = #tpu.core_type<tc>} {
    %get3A = arith.constant 0 : index
    %get3A_0 = arith.constant 0 : index
    %get3A_1 = vector.load %arg0[%get3A, %get3A_0] : memref<1x129xf32, #tpu.memory_space<vmem>>, vector<1x128xf32>
    %get3A_2 = arith.constant 0 : index
    %get3A_3 = arith.constant 0 : index
    %get3A_4 = vector.load %arg1[%get3A_2, %get3A_3] : memref<1000x128xf32, #tpu.memory_space<vmem>>, vector<1000x128xf32>
    %dot_general3A = arith.constant dense<0.000000e+00> : vector<1x1000xf32>
    %dot_general3A_5 = tpu.matmul %get3A_1, %get3A_4, %dot_general3A {dimension_numbers = #tpu.dot_dimension_numbers<[1], [1], [0], [0], [0, 0, 1, 0], [], []>, precision = #tpu.contract_precision<fp32>, transpose_lhs_hint = false} : vector<1x128xf32>, vector<1000x128xf32>, vector<1x1000xf32> -> vector<1x1000xf32>
    %broadcast_in_dim3A = arith.constant 0.000000e+00 : f32
    %broadcast_in_dim3A_6 = vector.broadcast %broadcast_in_dim3A : f32 to vector<1x24xf32>
    %concatenate3A = tpu.concatenate %dot_general3A_5, %broadcast_in_dim3A_6 in 1 : vector<1x1000xf32>, vector<1x24xf32> -> vector<1x1024xf32>
    %iota3A = tpu.iota {dimensions = array<i32: 1>} : vector<1x1024xi32>
    %eq3A = arith.constant 1 : i32
    %eq3A_7 = vector.broadcast %eq3A : i32 to vector<1x1024xi32>
    %eq3A_8 = arith.cmpi eq, %iota3A, %eq3A_7 : vector<1x1024xi32>
    %jit3A = arith.constant 0.000000e+00 : f32
    %broadcast_in_dim3A_9 = vector.broadcast %jit3A : f32 to vector<1x1024xf32>
    %select_n3A = arith.select %eq3A_8, %broadcast_in_dim3A_9, %concatenate3A : vector<1x1024xi1>, vector<1x1024xf32>
    %swap3A = arith.constant 0 : index
    %swap3A_10 = arith.constant 0 : index
    %swap3A_11 = vector.load %arg4[%swap3A, %swap3A_10] : memref<1x1024xf32, #tpu.memory_space<vmem>>, vector<1x1024xf32>
    tpu.vector_store %arg4[%swap3A, %swap3A_10], %select_n3A {strides = array<i32>} : memref<1x1024xf32, #tpu.memory_space<vmem>>, vector<1x1024xf32>,
    %get3A_12 = arith.constant 0 : index
    %get3A_13 = arith.constant 0 : index
    %get3A_14 = vector.load %arg3[%get3A_12, %get3A_13] : memref<1x128xf32, #tpu.memory_space<vmem>>, vector<1x128xf32>
    %get3A_15 = arith.constant 0 : index
    %get3A_16 = arith.constant 0 : index
    %get3A_17 = vector.load %arg2[%get3A_15, %get3A_16] : memref<10x128xf32, #tpu.memory_space<vmem>>, vector<10x128xf32>
    %dot_general3A_18 = arith.constant dense<0.000000e+00> : vector<1x10xf32>
    %dot_general3A_19 = tpu.matmul %get3A_14, %get3A_17, %dot_general3A_18 {dimension_numbers = #tpu.dot_dimension_numbers<[1], [1], [0], [0], [0, 0, 1, 0], [], []>, precision = #tpu.contract_precision<fp32>, transpose_lhs_hint = false} : vector<1x128xf32>, vector<10x128xf32>, vector<1x10xf32> -> vector<1x10xf32>
    %broadcast_in_dim3A_20 = arith.constant 0.000000e+00 : f32
    %broadcast_in_dim3A_21 = vector.broadcast %broadcast_in_dim3A_20 : f32 to vector<1x118xf32>
    %concatenate3A_22 = tpu.concatenate %dot_general3A_19, %broadcast_in_dim3A_21 in 1 : vector<1x10xf32>, vector<1x118xf32> -> vector<1x128xf32>
    %iota3A_23 = tpu.iota {dimensions = array<i32: 1>} : vector<1x128xi32>
    %eq3A_24 = arith.constant 1 : i32
    %eq3A_25 = vector.broadcast %eq3A_24 : i32 to vector<1x128xi32>
    %eq3A_26 = arith.cmpi eq, %iota3A_23, %eq3A_25 : vector<1x128xi32>
    %jit3A_27 = arith.constant 0.000000e+00 : f32
    %broadcast_in_dim3A_28 = vector.broadcast %jit3A_27 : f32 to vector<1x128xf32>
    %select_n3A_29 = arith.select %eq3A_26, %broadcast_in_dim3A_28, %concatenate3A_22 : vector<1x128xi1>, vector<1x128xf32>
    %get3A_30 = arith.constant 0 : index
    %get3A_31 = arith.constant 128 : index
    %get3A_32 = vector.load %arg0[%get3A_30, %get3A_31] : memref<1x129xf32, #tpu.memory_space<vmem>>, vector<1x1xf32>
    %mul3A = vector.broadcast %get3A_32 : vector<1x1xf32> to vector<1x128xf32>
    %mul3A_33 = arith.mulf %select_n3A_29, %mul3A : vector<1x128xf32>
    %concatenate3A_34 = tpu.concatenate %select_n3A_29, %mul3A_33 in 0 : vector<1x128xf32>, vector<1x128xf32> -> vector<2x128xf32>
    %swap3A_35 = arith.constant 0 : index
    %swap3A_36 = arith.constant 0 : index
    %swap3A_37 = vector.load %arg5[%swap3A_35, %swap3A_36] : memref<2x128xf32, #tpu.memory_space<vmem>>, vector<2x128xf32>
    tpu.vector_store %arg5[%swap3A_35, %swap3A_36], %concatenate3A_34 {strides = array<i32>} : memref<2x128xf32, #tpu.memory_space<vmem>>, vector<2x128xf32>,
    return
  }
}

</mosaic_0001>

<sc_bundles>
// kernel: kernel.4.cloned.1.call-start
scs
__scs_entry_jumppad:
0x0: {  	(pc) =	sbr.rel $0x88, $3  }
0x1: {  	(tag) =	ssettag $0x0;
	lr =	simm.s32 $0x1  }
0x2: {  	[smem:$0x3F9A] =	sst lr;
	_ =	strace $0xD0000000  }
0x3: {  	_ = 	snop  }
0x4: {  	_ = 	snop  }
0x5: {  	_ = 	snop  }
0x6: {  	_ = 	snop  }
0x7: {  	_ = 	snop  }
__scs_overlays_trampoline_lowered:
0x8: {  	[smem:$0x3FA9] =	sst s0  }
0x9: {  	[smem:$0x3FAA] =	sst s1  }
0xa: {  	[smem:$0x3FAB] =	sst s2  }
0xb: {  	[smem:$0x3FAC] =	sst s3  }
0xc: {  	[smem:$0x3FAD] =	sst s4  }
0xd: {  	[smem:$0x3FAE] =	sst s5  }
0xe: {  	[smem:$0x3FAF] =	sst s6  }
0xf: {  	[smem:$0x3FB0] =	sst s7  }
0x10: {  	[smem:$0x3FB1] =	sst s8  }
0x11: {  	[smem:$0x3FB2] =	sst s9;
	s0 =	simm.s32 @!p0 $0x0  }
0x12: {  	s1 =	sld [smem:$0x3F98];
	s0 =	simm.s32 @p0 $0x1  }
0x13: {  	[smem:$0x3FB3] =	sst s0;
	s0 =	simm.s32 @!p1 $0x0  }
0x14: {  	s2 =	sld [smem:$0x3F97];
	s0 =	simm.s32 @p1 $0x1  }
0x15: {  	[smem:$0x3FB4] =	sst s0;
	s0 =	simm.s32 @!p2 $0x0  }
0x16: {  	s3 =	sld [smem:$0x3FDB];
	s0 =	simm.s32 @p2 $0x1  }
0x17: {  	s4 =	simm.s32 $0x1BF5;
	[smem:$0x3FB6] =	sst s0  }
0x18: {  	s0 =	sld [smem:$0x3F99];
	_ =	swait.ge [sflag:s4], $0x0  }
0x19: {  	s7 =	sld [smem:$0x3F9A]  }
0x1a: {  	s8 =	sadd.s32 $0xFFFFE003, lr  }
0x1b: {  	s9 =	sadd.s32 $0xFFFFFEF7, lr;
	s5 =	simm.s32 $0xFFFFFFFF;
	p2 =	slt.u32 s8, $0xFFFFF086  }
0x1c: {  	p1 =	slt.u32 s9, $0xF7A;
	s5 =	simm.s32 @!p2 $0x0  }
0x1d: {  	s5 =	simm.s32 @p1 $0x1;
	p0 =	seq.s32 s7, s2  }
0x1e: {  	s7 =	smul.u32 @!p0 $0xF7A, s2;
	p2 =	seq.s32 @!p0 s5, $0x0  }
0x1f: {  	s9 =	smul.u32 $0xF7A, s1;
	s8 =	simm.s32 @!p0 $0x1BF5;
	p2 =	por !p2, p0  }
0x20: {  	[sflag:s8] =	ssyncset.s32 @!p0 $0xFFFFF086;
	s6 =	sadd.s32 @!p0 s3, s7;
	s7 =	simm.s32 @!p0 $0x108  }
0x21: {  	s3 =	sadd.s32 s3, s9;
	s6 =	sadd.s32 @!p0 $0x88, s6;
	s7 =	simm.s32 @p2 $0x1082  }
0x22: {  	[simem:s7], [sflag:s8] =	dma.local @!p0 [hbm:s6], $0xF7A  }
0x23: {  	s9 =	sor.u32 $0xD0000000, s2;
	s6 =	simm.s32 $0x108;
	_ =	swait.ge @!p0 [sflag:s8], $0x0  }
0x24: {  	s3 =	sadd.s32 $0x88, s3;
	s6 =	simm.s32 @!p1 $0x1082;
	[sflag:s4] =	ssyncset.s32 $0xFFFFF086  }
0x25: {  	[simem:s6], [sflag:s4] =	dma.local [hbm:s3], $0xF7A  }
0x26: {  	[smem:$0x3F9A] =	sst s1;
	(tag) =	ssettag s2;
	_ =	strace s9  }
0x27: {  	s1 =	sld [smem:$0x3FAA]  }
0x28: {  	s2 =	sld [smem:$0x3FAB]  }
0x29: {  	s4 =	sld [smem:$0x3FAD]  }
0x2a: {  	p0 =	seq.s32 s5, $0x0;
	s5 =	sld [smem:$0x3FAE]  }
0x2b: {  	s6 =	sld [smem:$0x3FAF]  }
0x2c: {  	s7 =	sld [smem:$0x3FB0]  }
0x2d: {  	s3 =	simm.s32 $0x108;
	s8 =	sld [smem:$0x3FB1]  }
0x2e: {  	s3 =	simm.s32 @!p0 $0x1082;
	s9 =	sld [smem:$0x3FB2]  }
0x2f: {  	lr =	sadd.s32 s0, s3;
	s0 =	sld [smem:$0x3FA9]  }
0x30: {  	s3 =	sld [smem:$0x3FAC]  }
0x31: {  	[smem:$0x3FB5] =	sst s10  }
0x32: {  	s10 =	sld [smem:$0x3FB3];
	_ =	sdelay $0x3  }
0x33: {  	p0 =	seq.s32 s10, $0x1;
	s10 =	sld [smem:$0x3FB5];
	_ =	sdelay $0x3  }
0x34: {  	[smem:$0x3FB5] =	sst s10  }
0x35: {  	s10 =	sld [smem:$0x3FB4];
	_ =	sdelay $0x3  }
0x36: {  	p1 =	seq.s32 s10, $0x1;
	s10 =	sld [smem:$0x3FB5];
	_ =	sdelay $0x3  }
0x37: {  	[smem:$0x3FB5] =	sst s10  }
0x38: {  	s10 =	sld [smem:$0x3FB6]  }
0x39: {  	_ = 	snop;
	(pc) =	sbr.ind lr, $3  }
0x3a: {  	_ = 	snop  }
0x3b: {  	_ = 	snop  }
0x3c: {  	p2 =	seq.s32 s10, $0x1;
	s10 =	sld [smem:$0x3FB5]  }
0x3d: {  	_ =	shalt  }
0x3e: {  	_ =	shalt  }
0x3f: {  	_ =	shalt  }
0x40: {  	_ =	shalt  }
0x41: {  	_ =	shalt  }
0x42: {  	_ =	shalt  }
0x43: {  	_ =	shalt  }
0x44: {  	_ =	shalt  }
0x45: {  	_ =	shalt  }
0x46: {  	_ =	shalt  }
0x47: {  	_ =	shalt  }
0x48: {  	_ =	shalt  }
0x49: {  	_ =	shalt  }
0x4a: {  	_ =	shalt  }
0x4b: {  	_ =	shalt  }
0x4c: {  	_ =	shalt  }
0x4d: {  	_ =	shalt  }
0x4e: {  	_ =	shalt  }
0x4f: {  	_ =	shalt  }
0x50: {  	_ =	shalt  }
0x51: {  	_ =	shalt  }
0x52: {  	_ =	shalt  }
0x53: {  	_ =	shalt  }
0x54: {  	_ =	shalt  }
0x55: {  	_ =	shalt  }
0x56: {  	_ =	shalt  }
0x57: {  	_ =	shalt  }
0x58: {  	_ =	shalt  }
0x59: {  	_ =	shalt  }
0x5a: {  	_ =	shalt  }
0x5b: {  	_ =	shalt  }
0x5c: {  	_ =	shalt  }
0x5d: {  	_ =	shalt  }
0x5e: {  	_ =	shalt  }
0x5f: {  	_ =	shalt  }
0x60: {  	_ =	shalt  }
0x61: {  	_ =	shalt  }
0x62: {  	_ =	shalt  }
0x63: {  	_ =	shalt  }
0x64: {  	_ =	shalt  }
0x65: {  	_ =	shalt  }
0x66: {  	_ =	shalt  }
0x67: {  	_ =	shalt  }
0x68: {  	_ =	shalt  }
0x69: {  	_ =	shalt  }
0x6a: {  	_ =	shalt  }
0x6b: {  	_ =	shalt  }
0x6c: {  	_ =	shalt  }
0x6d: {  	_ =	shalt  }
0x6e: {  	_ =	shalt  }
0x6f: {  	_ =	shalt  }
0x70: {  	_ =	shalt  }
0x71: {  	_ =	shalt  }
0x72: {  	_ =	shalt  }
0x73: {  	_ =	shalt  }
0x74: {  	_ =	shalt  }
0x75: {  	_ =	shalt  }
0x76: {  	_ =	shalt  }
0x77: {  	_ =	shalt  }
0x78: {  	_ =	shalt  }
0x79: {  	_ =	shalt  }
0x7a: {  	_ =	shalt  }
0x7b: {  	_ =	shalt  }
0x7c: {  	_ =	shalt  }
0x7d: {  	_ =	shalt  }
0x7e: {  	_ =	shalt  }
0x7f: {  	_ =	shalt  }
0x80: {  	_ =	shalt  }
0x81: {  	_ =	shalt  }
0x82: {  	_ =	shalt  }
0x83: {  	_ =	shalt  }
0x84: {  	_ =	shalt  }
0x85: {  	_ =	shalt  }
0x86: {  	_ =	shalt  }
0x87: {  	_ =	shalt  }
.Lfunc_end0:
.L_simem_size_0:
called_computation_lowered:
.L_overlay_start_0:
0x88: {  	s2 =	sld [smem:$0x3FD9]  }
0x89: {  	s3 =	sld [smem:$0x3FFE];
	_ =	sdelay $0x1  }
0x8a: {  	s1 =	srdreg.scid  }
0x8b: {  	s0 =	sand.u32 $0x1, s1  }
0x8c: {  	s14 =	sshll.u32 s0, $0xA;
	s2 =	sadd.s32 s3, s2  }
0x8d: {  	s2 =	sadd.s32 s2, s14  }
0x8e: {  	[smem:$0x3FC1] =	sst s2  }
0x8f: {  	_ = 	snop  }
0x90: {  	s2 =	sld [smem:$0x3FD0]  }
0x91: {  	s15 =	sld [smem:$0x3FC9]  }
0x92: {  	s4 =	sld [smem:$0x3FC8]  }
0x93: {  	s6 =	simm.s32 $0xA;
	s7 =	simm.s32 $0x10;
	s5 =	sld [smem:$0x3FC7]  }
0x94: {  	[smem:s7], [sflag:s6] =	dma.local [hbm:s2], $0x1  }
0x95: {  	_ =	swait.eq [sflag:s6], $0x1  }
0x96: {  	[sflag:s6] =	ssyncset.done $0x0  }
0x97: {  	s16 =	sld [smem:$0x10];
	[sflag:s6] =	ssyncadd.s32 $0xFFFFFFFF  }
0x98: {  	s17 =	sld [smem:$0x12];
	(tm) =	ssettm $0x1  }
0x99: {  	s18 =	sld [smem:$0x3FFB];
	_ =	sdelay $0x3  }
0x9a: {  	_ =	strace s18  }
0x9b: {  	s7 =	sld [smem:$0x3FFC];
	_ =	sdelay $0x3  }
0x9c: {  	_ =	strace s7  }
0x9d: {  	s7 =	sld [smem:$0x3FFD];
	_ =	sdelay $0x3  }
0x9e: {  	_ =	strace s7  }
0x9f: {  	_ =	strace $0x8FFFFFFF  }
0xa0: {  	s19 =	sld [smem:$0x3FDB];
	_ =	sdelay $0x1  }
0xa1: {  	s8 =	simm.s32 $_scs_section_size  }
0xa2: {  	s9 =	simm.s32 $_size__tile_overlayer_lowered;
	s10 =	simm.s32 $_tile_overlayer_lowered  }
0xa3: {  	s22 =	simm.s32 $0x1BFF;
	s21 =	sshll.u32 s10, $0x1;
	s7 =	sadd.s32 s8, s19  }
0xa4: {  	s11 =	simm.s32 $0x0;
	s20 =	sshll.u32 s9, $0x1;
	s9 =	sadd.s32 s21, s7  }
0xa5: {  	[timem:s11], [sflag:s22] =	dma.local [hbm:s9], s20  }
0xa6: {  	_ =	swait.ge [sflag:s22], s20  }
0xa7: {  	s8 =	ssub.s32 $0x0, s20;
	[sflag:s22] =	ssyncset.done $0x0  }
0xa8: {  	[sflag:s22] =	ssyncadd.s32 s8;
	_ =	sdelay $0x1  }
0xa9: {  	s23 =	simm.s32 $0x1B8B  }
0xaa: {  	_ =	swait.ge [sflag:s23], $0x1  }
0xab: {  	[sflag:s23] =	ssyncset.done $0x0  }
0xac: {  	s25 =	simm.s32 $0x1B8E;
	s24 =	sld [smem:$0x3FFE];
	[sflag:s23] =	ssyncadd.s32 $0xFFFFFFFF  }
0xad: {  	s26 =	simm.s32 $execute0_lowered;
	[smem:$0x3FD2] =	sst s25  }
0xae: {  	s9 =	sshll.u32 s26, $0x1;
	_ =	strace $0x80000046;
	[dreg:$0x1] =	wrdreg $0xFFFFFFFF  }
0xaf: {  	s28 =	simm.s32 $_size_execute0_lowered;
	s7 =	sadd.s32 s7, s9;
	[dreg:$0x0] =	wrdreg $0x0  }
0xb0: {  	s9 =	sshll.u32 s28, $0x1;
	[dreg:$0x2] =	wrdreg s7  }
0xb1: {  	[dreg:$0x3] =	wrdreg s9  }
0xb2: {  	[dreg:$0x4] =	wrdreg $0xC0  }
0xb3: {  	_ =	task [dreg:s11], $0x5FFFF  }
0xb4: {  	[dreg:$0x1] =	wrdreg $0xFFFFFFFF  }
0xb5: {  	[dreg:$0x0] =	wrdreg $0x60  }
0xb6: {  	[dreg:$0x2] =	wrdreg s15  }
0xb7: {  	[dreg:$0x3] =	wrdreg s4  }
0xb8: {  	[dreg:$0x4] =	wrdreg s5  }
0xb9: {  	[dreg:$0x5] =	wrdreg s24  }
0xba: {  	[dreg:$0x6] =	wrdreg s16  }
0xbb: {  	[dreg:$0x7] =	wrdreg s17  }
0xbc: {  	[dreg:$0x8] =	wrdreg $0x9  }
0xbd: {  	_ =	task.clear_ibuf [dreg:s11], $0x9FFFF;
	_ =	strace $0x90000046  }
0xbe: {  	s29 =	simm.s32 $0x9;
	_ =	strace $0x80000048  }
0xbf: {  	_ =	swait.ge [sflag:s29], $0x1  }
0xc0: {  	[sflag:s29] =	ssyncadd.s32 $0xFFFFFFFF  }
0xc1: {  	_ =	strace $0x90000048  }
0xc2: {  	_ =	sfence  }
0xc3: {  	s30 =	sld [smem:$0x0];
	_ =	sdelay $0x2  }
0xc4: {  	s31 =	sshll.u32 s1, $0xD;
	s1 =	sshrl.u32 s1, $0x2  }
0xc5: {  	s3 =	sand.u32 $0x4000, s31;
	s1 =	sadd.s32 s1, s30  }
0xc6: {  	s0 =	sor.u32 s3, s0;
	s1 =	sshll.u32 s1, $0x11  }
0xc7: {  	s0 =	sor.u32 s1, s0  }
0xc8: {  	s0 =	sadd.s32 $0x8F2B, s0  }
0xc9: {  	[sflag:s0] =	ssyncadd.remote.s32 $0x1  }
0xca: {  	_ =	sfence.sel $0xFFFF  }
0xcb: {  	[dreg:$0x0] =	wrdreg $0xFFFFFFFF;
	(pc) =	sbr.abs _section_cstart, $3  }
0xcc: {  	[dreg:$0x1] =	wrdreg $0xFFFFFFFF  }
0xcd: {  	_ =	task.clear_ibuf [dreg:s11], $0x2FFFF;
	_ =	strace $0x9FFFFFFF  }
0xce: {  	(tm) =	ssettm $0x7FFFFFFF  }
0xcf: {  	_ =	shalt  }
tec
execute0_lowered:
.L_overlay_start_1:
0x0: {  	(tag) =	ssettag $0x1  }
0x1: {  	s0 =	rddreg [dreg:$0x0]  }
0x2: {  	s6 =	rddreg [dreg:$0x1]  }
0x3: {  	s7 =	rddreg [dreg:$0x2]  }
0x4: {  	s5 =	rddreg [dreg:$0x3]  }
0x5: {  	s11 =	rddreg [dreg:$0x4]  }
0x6: {  	s12 =	rddreg [dreg:$0x5];
	s2 =	simm.s32 $0x0;
	s3 =	srdreg.scid  }
0x7: {  	s1 =	stileid.u32;
	s16 =	simm.s32 $0x20000;
	s17 =	simm.s32 $0xC800  }
0x8: {  	s18 =	simm.s32 $0x3;
	s19 =	simm.s32 $0xCC00;
	s20 =	simm.s32 $0xCD00  }
0x9: {  	s21 =	simm.s32 $0xCF00;
	s22 =	simm.s32 $0x1;
	s23 =	simm.s32 $0x6400  }
0xa: {  	s24 =	simm.s32 $0x2;
	s25 =	simm.s32 $0xD300;
	s28 =	simm.s32 $0xD700  }
0xb: {  	s29 =	simm.s32 $0x0;
	[smem:$0x7FF] =	sst s2;
	s4 =	sand.u32 $0x1, s3  }
0xc: {  	s26 =	sshll.u32 s1, $0x1;
	s3 =	sadd.s32 $0xE00, s5;
	_ =	strace $0x80000047  }
0xd: {  	s8 =	sor.u32 s4, s26;
	s10 =	ssub.s32 $0x2, s4;
	s4 =	sadd.s32 $0x1000, s5  }
0xe: {  	s26 =	simm.s32 $0xD500;
	s9 =	sshll.u32 s8, $0x2;
	s30 =	sshrl.u32 s10, $0x1  }
0xf: {  	s31 =	sshll.u32 s8, $0x9;
	s15 =	sshll.u32 s8, $0x6;
	s13 =	sadd.s32 s9, s5  }
0x10: {  	s14 =	ssub.s32 s10, s30;
	s5 =	sadd.s32 s0, s31;
	s6 =	sadd.s32 s6, s15  }
0x11: {  	s7 =	sadd.s32 s7, s15;
	s11 =	sadd.s32 s11, s15;
	s12 =	sadd.s32 s12, s15  }
0x12: {  	s15 =	simm.s32 $0x400;
	s8 =	sadd.s32 $0x80, s5;
	s9 =	sadd.s32 $0x100, s5  }
0x13: {  	s10 =	sadd.s32 $0x180, s5;
	s13 =	sadd.s32 $0x1200, s13;
	s14 =	smax.u32 s14, $0x1  }
.LBB2_1:
0x14: {  	[tilespmem:s2], [sflag:$0x1] =	stream.strided.gather [hbm4b:s5+s15], $0x6400, s16, s15, $0x38;
	[tilespmem:$0xD780] =	vst v63  }
0x15: {  	_ = 	snop  }
0x16: {  	[tilespmem:s17], [sflag:$0x3] =	stream.linear.gather [hbm4b:s3+s2], $0x400, $0x38;
	[tilespmem:$0xD780] =	vst v63  }
0x17: {  	_ =	swait.ge [sflag:s18], $0x400  }
0x18: {  	[sflag:s18] =	ssyncset.done $0x0  }
0x19: {  	[sflag:s18] =	ssyncadd.s32 $0xFFFFFC00  }
0x1a: {  	[tilespmem:s19], [sflag:$0x3] =	stream.linear.gather [hbm4b:s4+s2], $0x100, $0x38;
	[tilespmem:$0xD780] =	vst v63  }
0x1b: {  	_ =	swait.ge [sflag:s18], $0x100  }
0x1c: {  	[sflag:s18] =	ssyncset.done $0x0  }
0x1d: {  	[sflag:s18] =	ssyncadd.s32 $0xFFFFFF00  }
0x1e: {  	[tilespmem:s20], [sflag:$0x3] =	stream.linear.gather [hbm4b:s6+s2], $0x200, $0x38;
	[tilespmem:$0xD780] =	vst v63  }
0x1f: {  	_ =	swait.ge [sflag:s18], $0x200  }
0x20: {  	[sflag:s18] =	ssyncset.done $0x0  }
0x21: {  	[sflag:s18] =	ssyncadd.s32 $0xFFFFFE00  }
0x22: {  	[tilespmem:s21], [sflag:$0x3] =	stream.linear.gather [hbm4b:s7+s2], $0x200, $0x38;
	[tilespmem:$0xD780] =	vst v63  }
0x23: {  	_ =	swait.ge [sflag:s18], $0x200  }
0x24: {  	[sflag:s18] =	ssyncset.done $0x0  }
0x25: {  	[sflag:s18] =	ssyncadd.s32 $0xFFFFFE00  }
0x26: {  	_ =	swait.ge [sflag:s22], $0x6400  }
0x27: {  	[sflag:s22] =	ssyncset.done $0x0  }
0x28: {  	s0 =	simm.s32 $0x200;
	[sflag:s22] =	ssyncadd.s32 $0xFFFF9C00  }
0x29: {  	[tilespmem:s23], [sflag:$0x2] =	stream.strided.gather [hbm4b:s8+s15], $0x6400, s16, s15, $0x38;
	[tilespmem:$0xD780] =	vst v63  }
0x2a: {  	v0 =	vld [tilespmem:s0+$0x0]  }
0x2b: {  	v1 =	vld [tilespmem:s0+$0x80]  }
0x2c: {  	v2 =	vld [tilespmem:s0+$0xFFFFFE00]  }
0x2d: {  	v3 =	vld [tilespmem:s0+$0xFFFFFE80]  }
0x2e: {  	v4 =	vld [tilespmem:s0+$0xFFFFFF00]  }
0x2f: {  	v5 =	vld [tilespmem:s0+$0xFFFFFF80]  }
0x30: {  	v6 =	vld [tilespmem:s0+$0x100]  }
0x31: {  	v7 =	vld [tilespmem:s0+$0x180]  }
0x32: {  	v0 =	vld.idx.msk [tilespmem:v0+s17+$0x0], $0xffff  }
0x33: {  	v1 =	vld.idx.msk [tilespmem:v1+s17+$0x0], $0xffff  }
0x34: {  	v8 =	vld.idx.msk [tilespmem:v2+s17+$0x0], $0xffff  }
0x35: {  	v10 =	vld.idx.msk [tilespmem:v3+s17+$0x0], $0xffff  }
0x36: {  	v9 =	vld.idx.msk [tilespmem:v4+s17+$0x0], $0xffff  }
0x37: {  	v11 =	vld.idx.msk [tilespmem:v5+s17+$0x0], $0xffff  }
0x38: {  	v2 =	vimm.f32 $0.0e+00;
	v6 =	vld.idx.msk [tilespmem:v6+s17+$0x0], $0xffff  }
0x39: {  	s30 =	simm.s32 $0x0;
	s31 =	simm.s32 $0x600;
	v7 =	vld.idx.msk [tilespmem:v7+s17+$0x0], $0xffff;
	v3 =	vimm.f32 $0.0e+00;
	v4 =	vimm.f32 $0.0e+00;
	v5 =	vimm.f32 $0.0e+00  }
.LBB2_2:
0x3a: {  	v12 =	vld [tilespmem:s31+$0x0]  }
0x3b: {  	v13 =	vld [tilespmem:s31+$0x80]  }
0x3c: {  	v2 =	vadd.f32 v8, v2;
	v3 =	vadd.f32 v10, v3;
	v14 =	vld [tilespmem:s31+$0xFFFFFE00]  }
0x3d: {  	v4 =	vadd.f32 v9, v4;
	v5 =	vadd.f32 v11, v5;
	v10 =	vld [tilespmem:s31+$0xFFFFFE80]  }
0x3e: {  	v2 =	vadd.f32 v0, v2;
	v3 =	vadd.f32 v1, v3;
	v9 =	vld [tilespmem:s31+$0xFFFFFF00]  }
0x3f: {  	s30 =	sadd.s32 $0x2, s30;
	v4 =	vadd.f32 v6, v4;
	v5 =	vadd.f32 v7, v5;
	v11 =	vld [tilespmem:s31+$0xFFFFFF80]  }
0x40: {  	p0 =	slt.u32 s30, $0x30;
	v6 =	vld [tilespmem:s31+$0x100]  }
0x41: {  	v7 =	vld [tilespmem:s31+$0x180]  }
0x42: {  	v0 =	vld.idx.msk [tilespmem:v12+s17+$0x0], $0xffff  }
0x43: {  	v1 =	vld.idx.msk [tilespmem:v13+s17+$0x0], $0xffff  }
0x44: {  	v8 =	vld.idx.msk [tilespmem:v14+s17+$0x0], $0xffff  }
.Ltmp0:
0x45: {  	v10 =	vld.idx.msk [tilespmem:v10+s17+$0x0], $0xffff;
	(pc) =	sbr.rel @p0 .LBB2_2-.Ltmp0, $4  }
0x46: {  	v9 =	vld.idx.msk [tilespmem:v9+s17+$0x0], $0xffff  }
0x47: {  	v11 =	vld.idx.msk [tilespmem:v11+s17+$0x0], $0xffff  }
0x48: {  	v6 =	vld.idx.msk [tilespmem:v6+s17+$0x0], $0xffff  }
0x49: {  	s31 =	sadd.s32 $0x400, s31;
	v7 =	vld.idx.msk [tilespmem:v7+s17+$0x0], $0xffff  }
0x4a: {  	_ = 	snop  }
0x4b: {  	v2 =	vadd.f32 v8, v2;
	v3 =	vadd.f32 v10, v3  }
0x4c: {  	v4 =	vadd.f32 v9, v4;
	v5 =	vadd.f32 v11, v5  }
0x4d: {  	v0 =	vadd.f32 v0, v2;
	v1 =	vadd.f32 v1, v3  }
0x4e: {  	v2 =	vadd.f32 v6, v4;
	v3 =	vadd.f32 v7, v5;
	_ =	sdelay $0x1  }
0x4f: {  	v0 =	vadd.f32 v1, v0;
	v1 =	vadd.f32 v3, v2;
	_ =	sdelay $0x1  }
0x50: {  	v0 =	vadd.f32 v1, v0;
	_ =	sdelay $0x1  }
0x51: {  	s0 =	simm.s32 $0x210;
	[tilespmem:$0xD100] =	vst v0  }
0x52: {  	v0 =	vld [tilespmem:s0+$0x0]  }
0x53: {  	v1 =	vld [tilespmem:s0+$0x80]  }
0x54: {  	v2 =	vld [tilespmem:s0+$0xFFFFFE00]  }
0x55: {  	v3 =	vld [tilespmem:s0+$0xFFFFFE80]  }
0x56: {  	v4 =	vld [tilespmem:s0+$0xFFFFFF00]  }
0x57: {  	v5 =	vld [tilespmem:s0+$0xFFFFFF80]  }
0x58: {  	v6 =	vld [tilespmem:s0+$0x100]  }
0x59: {  	v7 =	vld [tilespmem:s0+$0x180]  }
0x5a: {  	v0 =	vld.idx.msk [tilespmem:v0+s17+$0x0], $0xffff  }
0x5b: {  	v1 =	vld.idx.msk [tilespmem:v1+s17+$0x0], $0xffff  }
0x5c: {  	v8 =	vld.idx.msk [tilespmem:v2+s17+$0x0], $0xffff  }
0x5d: {  	v10 =	vld.idx.msk [tilespmem:v3+s17+$0x0], $0xffff  }
0x5e: {  	v9 =	vld.idx.msk [tilespmem:v4+s17+$0x0], $0xffff  }
0x5f: {  	v11 =	vld.idx.msk [tilespmem:v5+s17+$0x0], $0xffff  }
0x60: {  	v2 =	vimm.f32 $0.0e+00;
	v6 =	vld.idx.msk [tilespmem:v6+s17+$0x0], $0xffff  }
0x61: {  	s30 =	simm.s32 $0x0;
	s31 =	simm.s32 $0x610;
	v7 =	vld.idx.msk [tilespmem:v7+s17+$0x0], $0xffff;
	v3 =	vimm.f32 $0.0e+00;
	v4 =	vimm.f32 $0.0e+00;
	v5 =	vimm.f32 $0.0e+00  }
.LBB2_4:
0x62: {  	v12 =	vld [tilespmem:s31+$0x0]  }
0x63: {  	v13 =	vld [tilespmem:s31+$0x80]  }
0x64: {  	v2 =	vadd.f32 v8, v2;
	v3 =	vadd.f32 v10, v3;
	v14 =	vld [tilespmem:s31+$0xFFFFFE00]  }
0x65: {  	v4 =	vadd.f32 v9, v4;
	v5 =	vadd.f32 v11, v5;
	v10 =	vld [tilespmem:s31+$0xFFFFFE80]  }
0x66: {  	v2 =	vadd.f32 v0, v2;
	v3 =	vadd.f32 v1, v3;
	v9 =	vld [tilespmem:s31+$0xFFFFFF00]  }
0x67: {  	s30 =	sadd.s32 $0x2, s30;
	v4 =	vadd.f32 v6, v4;
	v5 =	vadd.f32 v7, v5;
	v11 =	vld [tilespmem:s31+$0xFFFFFF80]  }
0x68: {  	p0 =	slt.u32 s30, $0x30;
	v6 =	vld [tilespmem:s31+$0x100]  }
0x69: {  	v7 =	vld [tilespmem:s31+$0x180]  }
0x6a: {  	v0 =	vld.idx.msk [tilespmem:v12+s17+$0x0], $0xffff  }
0x6b: {  	v1 =	vld.idx.msk [tilespmem:v13+s17+$0x0], $0xffff  }
0x6c: {  	v8 =	vld.idx.msk [tilespmem:v14+s17+$0x0], $0xffff  }
.Ltmp1:
0x6d: {  	v10 =	vld.idx.msk [tilespmem:v10+s17+$0x0], $0xffff;
	(pc) =	sbr.rel @p0 .LBB2_4-.Ltmp1, $4  }
0x6e: {  	v9 =	vld.idx.msk [tilespmem:v9+s17+$0x0], $0xffff  }
0x6f: {  	v11 =	vld.idx.msk [tilespmem:v11+s17+$0x0], $0xffff  }
0x70: {  	v6 =	vld.idx.msk [tilespmem:v6+s17+$0x0], $0xffff  }
0x71: {  	s31 =	sadd.s32 $0x400, s31;
	v7 =	vld.idx.msk [tilespmem:v7+s17+$0x0], $0xffff  }
0x72: {  	_ = 	snop  }
0x73: {  	v2 =	vadd.f32 v8, v2;
	v3 =	vadd.f32 v10, v3  }
0x74: {  	v4 =	vadd.f32 v9, v4;
	v5 =	vadd.f32 v11, v5  }
0x75: {  	v0 =	vadd.f32 v0, v2;
	v1 =	vadd.f32 v1, v3  }
0x76: {  	v2 =	vadd.f32 v6, v4;
	v3 =	vadd.f32 v7, v5;
	_ =	sdelay $0x1  }
0x77: {  	v0 =	vadd.f32 v1, v0;
	v1 =	vadd.f32 v3, v2;
	_ =	sdelay $0x1  }
0x78: {  	v0 =	vadd.f32 v1, v0;
	_ =	sdelay $0x1  }
0x79: {  	s0 =	simm.s32 $0x220;
	[tilespmem:$0xD110] =	vst v0  }
0x7a: {  	v0 =	vld [tilespmem:s0+$0x0]  }
0x7b: {  	v1 =	vld [tilespmem:s0+$0x80]  }
0x7c: {  	v2 =	vld [tilespmem:s0+$0xFFFFFE00]  }
0x7d: {  	v3 =	vld [tilespmem:s0+$0xFFFFFE80]  }
0x7e: {  	v4 =	vld [tilespmem:s0+$0xFFFFFF00]  }
0x7f: {  	v5 =	vld [tilespmem:s0+$0xFFFFFF80]  }
0x80: {  	v6 =	vld [tilespmem:s0+$0x100]  }
0x81: {  	v7 =	vld [tilespmem:s0+$0x180]  }
0x82: {  	v0 =	vld.idx.msk [tilespmem:v0+s17+$0x0], $0xffff  }
0x83: {  	v1 =	vld.idx.msk [tilespmem:v1+s17+$0x0], $0xffff  }
0x84: {  	v8 =	vld.idx.msk [tilespmem:v2+s17+$0x0], $0xffff  }
0x85: {  	v10 =	vld.idx.msk [tilespmem:v3+s17+$0x0], $0xffff  }
0x86: {  	v9 =	vld.idx.msk [tilespmem:v4+s17+$0x0], $0xffff  }
0x87: {  	v11 =	vld.idx.msk [tilespmem:v5+s17+$0x0], $0xffff  }
0x88: {  	v2 =	vimm.f32 $0.0e+00;
	v6 =	vld.idx.msk [tilespmem:v6+s17+$0x0], $0xffff  }
0x89: {  	s30 =	simm.s32 $0x0;
	s31 =	simm.s32 $0x620;
	v7 =	vld.idx.msk [tilespmem:v7+s17+$0x0], $0xffff;
	v3 =	vimm.f32 $0.0e+00;
	v4 =	vimm.f32 $0.0e+00;
	v5 =	vimm.f32 $0.0e+00  }
.LBB2_6:
0x8a: {  	v12 =	vld [tilespmem:s31+$0x0]  }
0x8b: {  	v13 =	vld [tilespmem:s31+$0x80]  }
0x8c: {  	v2 =	vadd.f32 v8, v2;
	v3 =	vadd.f32 v10, v3;
	v14 =	vld [tilespmem:s31+$0xFFFFFE00]  }
0x8d: {  	v4 =	vadd.f32 v9, v4;
	v5 =	vadd.f32 v11, v5;
	v10 =	vld [tilespmem:s31+$0xFFFFFE80]  }
0x8e: {  	v2 =	vadd.f32 v0, v2;
	v3 =	vadd.f32 v1, v3;
	v9 =	vld [tilespmem:s31+$0xFFFFFF00]  }
0x8f: {  	s30 =	sadd.s32 $0x2, s30;
	v4 =	vadd.f32 v6, v4;
	v5 =	vadd.f32 v7, v5;
	v11 =	vld [tilespmem:s31+$0xFFFFFF80]  }
0x90: {  	p0 =	slt.u32 s30, $0x30;
	v6 =	vld [tilespmem:s31+$0x100]  }
0x91: {  	v7 =	vld [tilespmem:s31+$0x180]  }
0x92: {  	v0 =	vld.idx.msk [tilespmem:v12+s17+$0x0], $0xffff  }
0x93: {  	v1 =	vld.idx.msk [tilespmem:v13+s17+$0x0], $0xffff  }
0x94: {  	v8 =	vld.idx.msk [tilespmem:v14+s17+$0x0], $0xffff  }
.Ltmp2:
0x95: {  	v10 =	vld.idx.msk [tilespmem:v10+s17+$0x0], $0xffff;
	(pc) =	sbr.rel @p0 .LBB2_6-.Ltmp2, $4  }
0x96: {  	v9 =	vld.idx.msk [tilespmem:v9+s17+$0x0], $0xffff  }
0x97: {  	v11 =	vld.idx.msk [tilespmem:v11+s17+$0x0], $0xffff  }
0x98: {  	v6 =	vld.idx.msk [tilespmem:v6+s17+$0x0], $0xffff  }
0x99: {  	s31 =	sadd.s32 $0x400, s31;
	v7 =	vld.idx.msk [tilespmem:v7+s17+$0x0], $0xffff  }
0x9a: {  	_ = 	snop  }
0x9b: {  	v2 =	vadd.f32 v8, v2;
	v3 =	vadd.f32 v10, v3  }
0x9c: {  	v4 =	vadd.f32 v9, v4;
	v5 =	vadd.f32 v11, v5  }
0x9d: {  	v0 =	vadd.f32 v0, v2;
	v1 =	vadd.f32 v1, v3  }
0x9e: {  	v2 =	vadd.f32 v6, v4;
	v3 =	vadd.f32 v7, v5;
	_ =	sdelay $0x1  }
0x9f: {  	v0 =	vadd.f32 v1, v0;
	v1 =	vadd.f32 v3, v2;
	_ =	sdelay $0x1  }
0xa0: {  	v0 =	vadd.f32 v1, v0;
	_ =	sdelay $0x1  }
0xa1: {  	s0 =	simm.s32 $0x230;
	[tilespmem:$0xD120] =	vst v0  }
0xa2: {  	v0 =	vld [tilespmem:s0+$0x0]  }
0xa3: {  	v1 =	vld [tilespmem:s0+$0x80]  }
0xa4: {  	v2 =	vld [tilespmem:s0+$0xFFFFFE00]  }
0xa5: {  	v3 =	vld [tilespmem:s0+$0xFFFFFE80]  }
0xa6: {  	v4 =	vld [tilespmem:s0+$0xFFFFFF00]  }
0xa7: {  	v5 =	vld [tilespmem:s0+$0xFFFFFF80]  }
0xa8: {  	v6 =	vld [tilespmem:s0+$0x100]  }
0xa9: {  	v7 =	vld [tilespmem:s0+$0x180]  }
0xaa: {  	v0 =	vld.idx.msk [tilespmem:v0+s17+$0x0], $0xffff  }
0xab: {  	v1 =	vld.idx.msk [tilespmem:v1+s17+$0x0], $0xffff  }
0xac: {  	v8 =	vld.idx.msk [tilespmem:v2+s17+$0x0], $0xffff  }
0xad: {  	v10 =	vld.idx.msk [tilespmem:v3+s17+$0x0], $0xffff  }
0xae: {  	v9 =	vld.idx.msk [tilespmem:v4+s17+$0x0], $0xffff  }
0xaf: {  	v11 =	vld.idx.msk [tilespmem:v5+s17+$0x0], $0xffff  }
0xb0: {  	v2 =	vimm.f32 $0.0e+00;
	v6 =	vld.idx.msk [tilespmem:v6+s17+$0x0], $0xffff  }
0xb1: {  	s30 =	simm.s32 $0x0;
	s31 =	simm.s32 $0x630;
	v7 =	vld.idx.msk [tilespmem:v7+s17+$0x0], $0xffff;
	v3 =	vimm.f32 $0.0e+00;
	v4 =	vimm.f32 $0.0e+00;
	v5 =	vimm.f32 $0.0e+00  }
.LBB2_8:
0xb2: {  	v12 =	vld [tilespmem:s31+$0x0]  }
0xb3: {  	v13 =	vld [tilespmem:s31+$0x80]  }
0xb4: {  	v2 =	vadd.f32 v8, v2;
	v3 =	vadd.f32 v10, v3;
	v14 =	vld [tilespmem:s31+$0xFFFFFE00]  }
0xb5: {  	v4 =	vadd.f32 v9, v4;
	v5 =	vadd.f32 v11, v5;
	v10 =	vld [tilespmem:s31+$0xFFFFFE80]  }
0xb6: {  	v2 =	vadd.f32 v0, v2;
	v3 =	vadd.f32 v1, v3;
	v9 =	vld [tilespmem:s31+$0xFFFFFF00]  }
0xb7: {  	s30 =	sadd.s32 $0x2, s30;
	v4 =	vadd.f32 v6, v4;
	v5 =	vadd.f32 v7, v5;
	v11 =	vld [tilespmem:s31+$0xFFFFFF80]  }
0xb8: {  	p0 =	slt.u32 s30, $0x30;
	v6 =	vld [tilespmem:s31+$0x100]  }
0xb9: {  	v7 =	vld [tilespmem:s31+$0x180]  }
0xba: {  	v0 =	vld.idx.msk [tilespmem:v12+s17+$0x0], $0xffff  }
0xbb: {  	v1 =	vld.idx.msk [tilespmem:v13+s17+$0x0], $0xffff  }
0xbc: {  	v8 =	vld.idx.msk [tilespmem:v14+s17+$0x0], $0xffff  }
.Ltmp3:
0xbd: {  	v10 =	vld.idx.msk [tilespmem:v10+s17+$0x0], $0xffff;
	(pc) =	sbr.rel @p0 .LBB2_8-.Ltmp3, $4  }
0xbe: {  	v9 =	vld.idx.msk [tilespmem:v9+s17+$0x0], $0xffff  }
0xbf: {  	v11 =	vld.idx.msk [tilespmem:v11+s17+$0x0], $0xffff  }
0xc0: {  	v6 =	vld.idx.msk [tilespmem:v6+s17+$0x0], $0xffff  }
0xc1: {  	s31 =	sadd.s32 $0x400, s31;
	v7 =	vld.idx.msk [tilespmem:v7+s17+$0x0], $0xffff  }
0xc2: {  	_ = 	snop  }
0xc3: {  	v2 =	vadd.f32 v8, v2;
	v3 =	vadd.f32 v10, v3  }
0xc4: {  	v4 =	vadd.f32 v9, v4;
	v5 =	vadd.f32 v11, v5  }
0xc5: {  	v0 =	vadd.f32 v0, v2;
	v1 =	vadd.f32 v1, v3  }
0xc6: {  	v2 =	vadd.f32 v6, v4;
	v3 =	vadd.f32 v7, v5;
	_ =	sdelay $0x1  }
0xc7: {  	v0 =	vadd.f32 v1, v0;
	v1 =	vadd.f32 v3, v2;
	_ =	sdelay $0x1  }
0xc8: {  	v0 =	vadd.f32 v1, v0;
	_ =	sdelay $0x1  }
0xc9: {  	s0 =	simm.s32 $0x240;
	[tilespmem:$0xD130] =	vst v0  }
0xca: {  	v0 =	vld [tilespmem:s0+$0x0]  }
0xcb: {  	v1 =	vld [tilespmem:s0+$0x80]  }
0xcc: {  	v2 =	vld [tilespmem:s0+$0xFFFFFE00]  }
0xcd: {  	v3 =	vld [tilespmem:s0+$0xFFFFFE80]  }
0xce: {  	v4 =	vld [tilespmem:s0+$0xFFFFFF00]  }
0xcf: {  	v5 =	vld [tilespmem:s0+$0xFFFFFF80]  }
0xd0: {  	v6 =	vld [tilespmem:s0+$0x100]  }
0xd1: {  	v7 =	vld [tilespmem:s0+$0x180]  }
0xd2: {  	v0 =	vld.idx.msk [tilespmem:v0+s17+$0x0], $0xffff  }
0xd3: {  	v1 =	vld.idx.msk [tilespmem:v1+s17+$0x0], $0xffff  }
0xd4: {  	v8 =	vld.idx.msk [tilespmem:v2+s17+$0x0], $0xffff  }
0xd5: {  	v10 =	vld.idx.msk [tilespmem:v3+s17+$0x0], $0xffff  }
0xd6: {  	v9 =	vld.idx.msk [tilespmem:v4+s17+$0x0], $0xffff  }
0xd7: {  	v11 =	vld.idx.msk [tilespmem:v5+s17+$0x0], $0xffff  }
0xd8: {  	v2 =	vimm.f32 $0.0e+00;
	v6 =	vld.idx.msk [tilespmem:v6+s17+$0x0], $0xffff  }
0xd9: {  	s30 =	simm.s32 $0x0;
	s31 =	simm.s32 $0x640;
	v7 =	vld.idx.msk [tilespmem:v7+s17+$0x0], $0xffff;
	v3 =	vimm.f32 $0.0e+00;
	v4 =	vimm.f32 $0.0e+00;
	v5 =	vimm.f32 $0.0e+00  }
.LBB2_10:
0xda: {  	v12 =	vld [tilespmem:s31+$0x0]  }
0xdb: {  	v13 =	vld [tilespmem:s31+$0x80]  }
0xdc: {  	v2 =	vadd.f32 v8, v2;
	v3 =	vadd.f32 v10, v3;
	v14 =	vld [tilespmem:s31+$0xFFFFFE00]  }
0xdd: {  	v4 =	vadd.f32 v9, v4;
	v5 =	vadd.f32 v11, v5;
	v10 =	vld [tilespmem:s31+$0xFFFFFE80]  }
0xde: {  	v2 =	vadd.f32 v0, v2;
	v3 =	vadd.f32 v1, v3;
	v9 =	vld [tilespmem:s31+$0xFFFFFF00]  }
0xdf: {  	s30 =	sadd.s32 $0x2, s30;
	v4 =	vadd.f32 v6, v4;
	v5 =	vadd.f32 v7, v5;
	v11 =	vld [tilespmem:s31+$0xFFFFFF80]  }
0xe0: {  	p0 =	slt.u32 s30, $0x30;
	v6 =	vld [tilespmem:s31+$0x100]  }
0xe1: {  	v7 =	vld [tilespmem:s31+$0x180]  }
0xe2: {  	v0 =	vld.idx.msk [tilespmem:v12+s17+$0x0], $0xffff  }
0xe3: {  	v1 =	vld.idx.msk [tilespmem:v13+s17+$0x0], $0xffff  }
0xe4: {  	v8 =	vld.idx.msk [tilespmem:v14+s17+$0x0], $0xffff  }
.Ltmp4:
0xe5: {  	v10 =	vld.idx.msk [tilespmem:v10+s17+$0x0], $0xffff;
	(pc) =	sbr.rel @p0 .LBB2_10-.Ltmp4, $4  }
0xe6: {  	v9 =	vld.idx.msk [tilespmem:v9+s17+$0x0], $0xffff  }
0xe7: {  	v11 =	vld.idx.msk [tilespmem:v11+s17+$0x0], $0xffff  }
0xe8: {  	v6 =	vld.idx.msk [tilespmem:v6+s17+$0x0], $0xffff  }
0xe9: {  	s31 =	sadd.s32 $0x400, s31;
	v7 =	vld.idx.msk [tilespmem:v7+s17+$0x0], $0xffff  }
0xea: {  	_ = 	snop  }
0xeb: {  	v2 =	vadd.f32 v8, v2;
	v3 =	vadd.f32 v10, v3  }
0xec: {  	v4 =	vadd.f32 v9, v4;
	v5 =	vadd.f32 v11, v5  }
0xed: {  	v0 =	vadd.f32 v0, v2;
	v1 =	vadd.f32 v1, v3  }
0xee: {  	v2 =	vadd.f32 v6, v4;
	v3 =	vadd.f32 v7, v5;
	_ =	sdelay $0x1  }
0xef: {  	v0 =	vadd.f32 v1, v0;
	v1 =	vadd.f32 v3, v2;
	_ =	sdelay $0x1  }
0xf0: {  	v0 =	vadd.f32 v1, v0;
	_ =	sdelay $0x1  }
0xf1: {  	s0 =	simm.s32 $0x250;
	[tilespmem:$0xD140] =	vst v0  }
0xf2: {  	v0 =	vld [tilespmem:s0+$0x0]  }
0xf3: {  	v1 =	vld [tilespmem:s0+$0x80]  }
0xf4: {  	v2 =	vld [tilespmem:s0+$0xFFFFFE00]  }
0xf5: {  	v3 =	vld [tilespmem:s0+$0xFFFFFE80]  }
0xf6: {  	v4 =	vld [tilespmem:s0+$0xFFFFFF00]  }
0xf7: {  	v5 =	vld [tilespmem:s0+$0xFFFFFF80]  }
0xf8: {  	v6 =	vld [tilespmem:s0+$0x100]  }
0xf9: {  	v7 =	vld [tilespmem:s0+$0x180]  }
0xfa: {  	v0 =	vld.idx.msk [tilespmem:v0+s17+$0x0], $0xffff  }
0xfb: {  	v1 =	vld.idx.msk [tilespmem:v1+s17+$0x0], $0xffff  }
0xfc: {  	v8 =	vld.idx.msk [tilespmem:v2+s17+$0x0], $0xffff  }
0xfd: {  	v10 =	vld.idx.msk [tilespmem:v3+s17+$0x0], $0xffff  }
0xfe: {  	v9 =	vld.idx.msk [tilespmem:v4+s17+$0x0], $0xffff  }
0xff: {  	v11 =	vld.idx.msk [tilespmem:v5+s17+$0x0], $0xffff  }
0x100: {  	v2 =	vimm.f32 $0.0e+00;
	v6 =	vld.idx.msk [tilespmem:v6+s17+$0x0], $0xffff  }
0x101: {  	s30 =	simm.s32 $0x0;
	s31 =	simm.s32 $0x650;
	v7 =	vld.idx.msk [tilespmem:v7+s17+$0x0], $0xffff;
	v3 =	vimm.f32 $0.0e+00;
	v4 =	vimm.f32 $0.0e+00;
	v5 =	vimm.f32 $0.0e+00  }
.LBB2_12:
0x102: {  	v12 =	vld [tilespmem:s31+$0x0]  }
0x103: {  	v13 =	vld [tilespmem:s31+$0x80]  }
0x104: {  	v2 =	vadd.f32 v8, v2;
	v3 =	vadd.f32 v10, v3;
	v14 =	vld [tilespmem:s31+$0xFFFFFE00]  }
0x105: {  	v4 =	vadd.f32 v9, v4;
	v5 =	vadd.f32 v11, v5;
	v10 =	vld [tilespmem:s31+$0xFFFFFE80]  }
0x106: {  	v2 =	vadd.f32 v0, v2;
	v3 =	vadd.f32 v1, v3;
	v9 =	vld [tilespmem:s31+$0xFFFFFF00]  }
0x107: {  	s30 =	sadd.s32 $0x2, s30;
	v4 =	vadd.f32 v6, v4;
	v5 =	vadd.f32 v7, v5;
	v11 =	vld [tilespmem:s31+$0xFFFFFF80]  }
0x108: {  	p0 =	slt.u32 s30, $0x30;
	v6 =	vld [tilespmem:s31+$0x100]  }
0x109: {  	v7 =	vld [tilespmem:s31+$0x180]  }
0x10a: {  	v0 =	vld.idx.msk [tilespmem:v12+s17+$0x0], $0xffff  }
0x10b: {  	v1 =	vld.idx.msk [tilespmem:v13+s17+$0x0], $0xffff  }
0x10c: {  	v8 =	vld.idx.msk [tilespmem:v14+s17+$0x0], $0xffff  }
.Ltmp5:
0x10d: {  	v10 =	vld.idx.msk [tilespmem:v10+s17+$0x0], $0xffff;
	(pc) =	sbr.rel @p0 .LBB2_12-.Ltmp5, $4  }
0x10e: {  	v9 =	vld.idx.msk [tilespmem:v9+s17+$0x0], $0xffff  }
0x10f: {  	v11 =	vld.idx.msk [tilespmem:v11+s17+$0x0], $0xffff  }
0x110: {  	v6 =	vld.idx.msk [tilespmem:v6+s17+$0x0], $0xffff  }
0x111: {  	s31 =	sadd.s32 $0x400, s31;
	v7 =	vld.idx.msk [tilespmem:v7+s17+$0x0], $0xffff  }
0x112: {  	_ = 	snop  }
0x113: {  	v2 =	vadd.f32 v8, v2;
	v3 =	vadd.f32 v10, v3  }
0x114: {  	v4 =	vadd.f32 v9, v4;
	v5 =	vadd.f32 v11, v5  }
0x115: {  	v0 =	vadd.f32 v0, v2;
	v1 =	vadd.f32 v1, v3  }
0x116: {  	v2 =	vadd.f32 v6, v4;
	v3 =	vadd.f32 v7, v5;
	_ =	sdelay $0x1  }
0x117: {  	v0 =	vadd.f32 v1, v0;
	v1 =	vadd.f32 v3, v2;
	_ =	sdelay $0x1  }
0x118: {  	v0 =	vadd.f32 v1, v0;
	_ =	sdelay $0x1  }
0x119: {  	s0 =	simm.s32 $0x260;
	[tilespmem:$0xD150] =	vst v0  }
0x11a: {  	v0 =	vld [tilespmem:s0+$0x0]  }
0x11b: {  	v1 =	vld [tilespmem:s0+$0x80]  }
0x11c: {  	v2 =	vld [tilespmem:s0+$0xFFFFFE00]  }
0x11d: {  	v3 =	vld [tilespmem:s0+$0xFFFFFE80]  }
0x11e: {  	v4 =	vld [tilespmem:s0+$0xFFFFFF00]  }
0x11f: {  	v5 =	vld [tilespmem:s0+$0xFFFFFF80]  }
0x120: {  	v6 =	vld [tilespmem:s0+$0x100]  }
0x121: {  	v7 =	vld [tilespmem:s0+$0x180]  }
0x122: {  	v0 =	vld.idx.msk [tilespmem:v0+s17+$0x0], $0xffff  }
0x123: {  	v1 =	vld.idx.msk [tilespmem:v1+s17+$0x0], $0xffff  }
0x124: {  	v8 =	vld.idx.msk [tilespmem:v2+s17+$0x0], $0xffff  }
0x125: {  	v10 =	vld.idx.msk [tilespmem:v3+s17+$0x0], $0xffff  }
0x126: {  	v9 =	vld.idx.msk [tilespmem:v4+s17+$0x0], $0xffff  }
0x127: {  	v11 =	vld.idx.msk [tilespmem:v5+s17+$0x0], $0xffff  }
0x128: {  	v2 =	vimm.f32 $0.0e+00;
	v6 =	vld.idx.msk [tilespmem:v6+s17+$0x0], $0xffff  }
0x129: {  	s30 =	simm.s32 $0x0;
	s31 =	simm.s32 $0x660;
	v7 =	vld.idx.msk [tilespmem:v7+s17+$0x0], $0xffff;
	v3 =	vimm.f32 $0.0e+00;
	v4 =	vimm.f32 $0.0e+00;
	v5 =	vimm.f32 $0.0e+00  }
.LBB2_14:
0x12a: {  	v12 =	vld [tilespmem:s31+$0x0]  }
0x12b: {  	v13 =	vld [tilespmem:s31+$0x80]  }
0x12c: {  	v2 =	vadd.f32 v8, v2;
	v3 =	vadd.f32 v10, v3;
	v14 =	vld [tilespmem:s31+$0xFFFFFE00]  }
0x12d: {  	v4 =	vadd.f32 v9, v4;
	v5 =	vadd.f32 v11, v5;
	v10 =	vld [tilespmem:s31+$0xFFFFFE80]  }
0x12e: {  	v2 =	vadd.f32 v0, v2;
	v3 =	vadd.f32 v1, v3;
	v9 =	vld [tilespmem:s31+$0xFFFFFF00]  }
0x12f: {  	s30 =	sadd.s32 $0x2, s30;
	v4 =	vadd.f32 v6, v4;
	v5 =	vadd.f32 v7, v5;
	v11 =	vld [tilespmem:s31+$0xFFFFFF80]  }
0x130: {  	p0 =	slt.u32 s30, $0x30;
	v6 =	vld [tilespmem:s31+$0x100]  }
0x131: {  	v7 =	vld [tilespmem:s31+$0x180]  }
0x132: {  	v0 =	vld.idx.msk [tilespmem:v12+s17+$0x0], $0xffff  }
0x133: {  	v1 =	vld.idx.msk [tilespmem:v13+s17+$0x0], $0xffff  }
0x134: {  	v8 =	vld.idx.msk [tilespmem:v14+s17+$0x0], $0xffff  }
.Ltmp6:
0x135: {  	v10 =	vld.idx.msk [tilespmem:v10+s17+$0x0], $0xffff;
	(pc) =	sbr.rel @p0 .LBB2_14-.Ltmp6, $4  }
0x136: {  	v9 =	vld.idx.msk [tilespmem:v9+s17+$0x0], $0xffff  }
0x137: {  	v11 =	vld.idx.msk [tilespmem:v11+s17+$0x0], $0xffff  }
0x138: {  	v6 =	vld.idx.msk [tilespmem:v6+s17+$0x0], $0xffff  }
0x139: {  	s31 =	sadd.s32 $0x400, s31;
	v7 =	vld.idx.msk [tilespmem:v7+s17+$0x0], $0xffff  }
0x13a: {  	_ = 	snop  }
0x13b: {  	v2 =	vadd.f32 v8, v2;
	v3 =	vadd.f32 v10, v3  }
0x13c: {  	v4 =	vadd.f32 v9, v4;
	v5 =	vadd.f32 v11, v5  }
0x13d: {  	v0 =	vadd.f32 v0, v2;
	v1 =	vadd.f32 v1, v3  }
0x13e: {  	v2 =	vadd.f32 v6, v4;
	v3 =	vadd.f32 v7, v5;
	_ =	sdelay $0x1  }
0x13f: {  	v0 =	vadd.f32 v1, v0;
	v1 =	vadd.f32 v3, v2;
	_ =	sdelay $0x1  }
0x140: {  	v0 =	vadd.f32 v1, v0;
	_ =	sdelay $0x1  }
0x141: {  	s0 =	simm.s32 $0x270;
	[tilespmem:$0xD160] =	vst v0  }
0x142: {  	v0 =	vld [tilespmem:s0+$0x0]  }
0x143: {  	v1 =	vld [tilespmem:s0+$0x80]  }
0x144: {  	v2 =	vld [tilespmem:s0+$0xFFFFFE00]  }
0x145: {  	v3 =	vld [tilespmem:s0+$0xFFFFFE80]  }
0x146: {  	v4 =	vld [tilespmem:s0+$0xFFFFFF00]  }
0x147: {  	v5 =	vld [tilespmem:s0+$0xFFFFFF80]  }
0x148: {  	v6 =	vld [tilespmem:s0+$0x100]  }
0x149: {  	v7 =	vld [tilespmem:s0+$0x180]  }
0x14a: {  	v0 =	vld.idx.msk [tilespmem:v0+s17+$0x0], $0xffff  }
0x14b: {  	v1 =	vld.idx.msk [tilespmem:v1+s17+$0x0], $0xffff  }
0x14c: {  	v8 =	vld.idx.msk [tilespmem:v2+s17+$0x0], $0xffff  }
0x14d: {  	v10 =	vld.idx.msk [tilespmem:v3+s17+$0x0], $0xffff  }
0x14e: {  	v9 =	vld.idx.msk [tilespmem:v4+s17+$0x0], $0xffff  }
0x14f: {  	v11 =	vld.idx.msk [tilespmem:v5+s17+$0x0], $0xffff  }
0x150: {  	v2 =	vimm.f32 $0.0e+00;
	v6 =	vld.idx.msk [tilespmem:v6+s17+$0x0], $0xffff  }
0x151: {  	s30 =	simm.s32 $0x0;
	s31 =	simm.s32 $0x670;
	v7 =	vld.idx.msk [tilespmem:v7+s17+$0x0], $0xffff;
	v3 =	vimm.f32 $0.0e+00;
	v4 =	vimm.f32 $0.0e+00;
	v5 =	vimm.f32 $0.0e+00  }
.LBB2_16:
0x152: {  	v12 =	vld [tilespmem:s31+$0x0]  }
0x153: {  	v13 =	vld [tilespmem:s31+$0x80]  }
0x154: {  	v2 =	vadd.f32 v8, v2;
	v3 =	vadd.f32 v10, v3;
	v14 =	vld [tilespmem:s31+$0xFFFFFE00]  }
0x155: {  	v4 =	vadd.f32 v9, v4;
	v5 =	vadd.f32 v11, v5;
	v10 =	vld [tilespmem:s31+$0xFFFFFE80]  }
0x156: {  	v2 =	vadd.f32 v0, v2;
	v3 =	vadd.f32 v1, v3;
	v9 =	vld [tilespmem:s31+$0xFFFFFF00]  }
0x157: {  	s30 =	sadd.s32 $0x2, s30;
	v4 =	vadd.f32 v6, v4;
	v5 =	vadd.f32 v7, v5;
	v11 =	vld [tilespmem:s31+$0xFFFFFF80]  }
0x158: {  	p0 =	slt.u32 s30, $0x30;
	v6 =	vld [tilespmem:s31+$0x100]  }
0x159: {  	v7 =	vld [tilespmem:s31+$0x180]  }
0x15a: {  	v0 =	vld.idx.msk [tilespmem:v12+s17+$0x0], $0xffff  }
0x15b: {  	v1 =	vld.idx.msk [tilespmem:v13+s17+$0x0], $0xffff  }
0x15c: {  	v8 =	vld.idx.msk [tilespmem:v14+s17+$0x0], $0xffff  }
.Ltmp7:
0x15d: {  	v10 =	vld.idx.msk [tilespmem:v10+s17+$0x0], $0xffff;
	(pc) =	sbr.rel @p0 .LBB2_16-.Ltmp7, $4  }
0x15e: {  	v9 =	vld.idx.msk [tilespmem:v9+s17+$0x0], $0xffff  }
0x15f: {  	v11 =	vld.idx.msk [tilespmem:v11+s17+$0x0], $0xffff  }
0x160: {  	v6 =	vld.idx.msk [tilespmem:v6+s17+$0x0], $0xffff  }
0x161: {  	s31 =	sadd.s32 $0x400, s31;
	v7 =	vld.idx.msk [tilespmem:v7+s17+$0x0], $0xffff  }
0x162: {  	_ = 	snop  }
0x163: {  	v2 =	vadd.f32 v8, v2;
	v3 =	vadd.f32 v10, v3  }
0x164: {  	v4 =	vadd.f32 v9, v4;
	v5 =	vadd.f32 v11, v5  }
0x165: {  	v0 =	vadd.f32 v0, v2;
	v1 =	vadd.f32 v1, v3  }
0x166: {  	v2 =	vadd.f32 v6, v4;
	v3 =	vadd.f32 v7, v5;
	_ =	sdelay $0x1  }
0x167: {  	v0 =	vadd.f32 v1, v0;
	v1 =	vadd.f32 v3, v2;
	_ =	sdelay $0x1  }
0x168: {  	v0 =	vadd.f32 v1, v0;
	_ =	sdelay $0x1  }
0x169: {  	[tilespmem:$0xD170] =	vst v0  }
0x16a: {  	_ =	swait.ge [sflag:s24], $0x6400  }
0x16b: {  	[sflag:s24] =	ssyncset.done $0x0  }
0x16c: {  	s0 =	simm.s32 $0x6600;
	[sflag:s24] =	ssyncadd.s32 $0xFFFF9C00  }
0x16d: {  	[tilespmem:s2], [sflag:$0x1] =	stream.strided.gather [hbm4b:s9+s15], $0x6400, s16, s15, $0x38;
	[tilespmem:$0xD780] =	vst v63  }
0x16e: {  	v0 =	vld [tilespmem:s0+$0x0]  }
0x16f: {  	v1 =	vld [tilespmem:s0+$0x80]  }
0x170: {  	v2 =	vld [tilespmem:s0+$0xFFFFFE00]  }
0x171: {  	v3 =	vld [tilespmem:s0+$0xFFFFFE80]  }
0x172: {  	v4 =	vld [tilespmem:s0+$0xFFFFFF00]  }
0x173: {  	v5 =	vld [tilespmem:s0+$0xFFFFFF80]  }
0x174: {  	v6 =	vld [tilespmem:s0+$0x100]  }
0x175: {  	v7 =	vld [tilespmem:s0+$0x180]  }
0x176: {  	v0 =	vld.idx.msk [tilespmem:v0+s17+$0x0], $0xffff  }
0x177: {  	v1 =	vld.idx.msk [tilespmem:v1+s17+$0x0], $0xffff  }
0x178: {  	v8 =	vld.idx.msk [tilespmem:v2+s17+$0x0], $0xffff  }
0x179: {  	v10 =	vld.idx.msk [tilespmem:v3+s17+$0x0], $0xffff  }
0x17a: {  	v9 =	vld.idx.msk [tilespmem:v4+s17+$0x0], $0xffff  }
0x17b: {  	v11 =	vld.idx.msk [tilespmem:v5+s17+$0x0], $0xffff  }
0x17c: {  	v2 =	vimm.f32 $0.0e+00;
	v6 =	vld.idx.msk [tilespmem:v6+s17+$0x0], $0xffff  }
0x17d: {  	s30 =	simm.s32 $0x0;
	s31 =	simm.s32 $0x6A00;
	v7 =	vld.idx.msk [tilespmem:v7+s17+$0x0], $0xffff;
	v3 =	vimm.f32 $0.0e+00;
	v4 =	vimm.f32 $0.0e+00;
	v5 =	vimm.f32 $0.0e+00  }
.LBB2_18:
0x17e: {  	v12 =	vld [tilespmem:s31+$0x0]  }
0x17f: {  	v13 =	vld [tilespmem:s31+$0x80]  }
0x180: {  	v2 =	vadd.f32 v8, v2;
	v3 =	vadd.f32 v10, v3;
	v14 =	vld [tilespmem:s31+$0xFFFFFE00]  }
0x181: {  	v4 =	vadd.f32 v9, v4;
	v5 =	vadd.f32 v11, v5;
	v10 =	vld [tilespmem:s31+$0xFFFFFE80]  }
0x182: {  	v2 =	vadd.f32 v0, v2;
	v3 =	vadd.f32 v1, v3;
	v9 =	vld [tilespmem:s31+$0xFFFFFF00]  }
0x183: {  	s30 =	sadd.s32 $0x2, s30;
	v4 =	vadd.f32 v6, v4;
	v5 =	vadd.f32 v7, v5;
	v11 =	vld [tilespmem:s31+$0xFFFFFF80]  }
0x184: {  	p0 =	slt.u32 s30, $0x30;
	v6 =	vld [tilespmem:s31+$0x100]  }
0x185: {  	v7 =	vld [tilespmem:s31+$0x180]  }
0x186: {  	v0 =	vld.idx.msk [tilespmem:v12+s17+$0x0], $0xffff  }
0x187: {  	v1 =	vld.idx.msk [tilespmem:v13+s17+$0x0], $0xffff  }
0x188: {  	v8 =	vld.idx.msk [tilespmem:v14+s17+$0x0], $0xffff  }
.Ltmp8:
0x189: {  	v10 =	vld.idx.msk [tilespmem:v10+s17+$0x0], $0xffff;
	(pc) =	sbr.rel @p0 .LBB2_18-.Ltmp8, $4  }
0x18a: {  	v9 =	vld.idx.msk [tilespmem:v9+s17+$0x0], $0xffff  }
0x18b: {  	v11 =	vld.idx.msk [tilespmem:v11+s17+$0x0], $0xffff  }
0x18c: {  	v6 =	vld.idx.msk [tilespmem:v6+s17+$0x0], $0xffff  }
0x18d: {  	s31 =	sadd.s32 $0x400, s31;
	v7 =	vld.idx.msk [tilespmem:v7+s17+$0x0], $0xffff  }
0x18e: {  	_ = 	snop  }
0x18f: {  	v2 =	vadd.f32 v8, v2;
	v3 =	vadd.f32 v10, v3  }
0x190: {  	v4 =	vadd.f32 v9, v4;
	v5 =	vadd.f32 v11, v5  }
0x191: {  	v0 =	vadd.f32 v0, v2;
	v1 =	vadd.f32 v1, v3  }
0x192: {  	v2 =	vadd.f32 v6, v4;
	v3 =	vadd.f32 v7, v5;
	_ =	sdelay $0x1  }
0x193: {  	v0 =	vadd.f32 v1, v0;
	v1 =	vadd.f32 v3, v2;
	_ =	sdelay $0x1  }
0x194: {  	v0 =	vadd.f32 v1, v0;
	_ =	sdelay $0x1  }
0x195: {  	s0 =	simm.s32 $0x6610;
	[tilespmem:$0xD180] =	vst v0  }
0x196: {  	v0 =	vld [tilespmem:s0+$0x0]  }
0x197: {  	v1 =	vld [tilespmem:s0+$0x80]  }
0x198: {  	v2 =	vld [tilespmem:s0+$0xFFFFFE00]  }
0x199: {  	v3 =	vld [tilespmem:s0+$0xFFFFFE80]  }
0x19a: {  	v4 =	vld [tilespmem:s0+$0xFFFFFF00]  }
0x19b: {  	v5 =	vld [tilespmem:s0+$0xFFFFFF80]  }
0x19c: {  	v6 =	vld [tilespmem:s0+$0x100]  }
0x19d: {  	v7 =	vld [tilespmem:s0+$0x180]  }
0x19e: {  	v0 =	vld.idx.msk [tilespmem:v0+s17+$0x0], $0xffff  }
0x19f: {  	v1 =	vld.idx.msk [tilespmem:v1+s17+$0x0], $0xffff  }
0x1a0: {  	v8 =	vld.idx.msk [tilespmem:v2+s17+$0x0], $0xffff  }
0x1a1: {  	v10 =	vld.idx.msk [tilespmem:v3+s17+$0x0], $0xffff  }
0x1a2: {  	v9 =	vld.idx.msk [tilespmem:v4+s17+$0x0], $0xffff  }
0x1a3: {  	v11 =	vld.idx.msk [tilespmem:v5+s17+$0x0], $0xffff  }
0x1a4: {  	v2 =	vimm.f32 $0.0e+00;
	v6 =	vld.idx.msk [tilespmem:v6+s17+$0x0], $0xffff  }
0x1a5: {  	s30 =	simm.s32 $0x0;
	s31 =	simm.s32 $0x6A10;
	v7 =	vld.idx.msk [tilespmem:v7+s17+$0x0], $0xffff;
	v3 =	vimm.f32 $0.0e+00;
	v4 =	vimm.f32 $0.0e+00;
	v5 =	vimm.f32 $0.0e+00  }
.LBB2_20:
0x1a6: {  	v12 =	vld [tilespmem:s31+$0x0]  }
0x1a7: {  	v13 =	vld [tilespmem:s31+$0x80]  }
0x1a8: {  	v2 =	vadd.f32 v8, v2;
	v3 =	vadd.f32 v10, v3;
	v14 =	vld [tilespmem:s31+$0xFFFFFE00]  }
0x1a9: {  	v4 =	vadd.f32 v9, v4;
	v5 =	vadd.f32 v11, v5;
	v10 =	vld [tilespmem:s31+$0xFFFFFE80]  }
0x1aa: {  	v2 =	vadd.f32 v0, v2;
	v3 =	vadd.f32 v1, v3;
	v9 =	vld [tilespmem:s31+$0xFFFFFF00]  }
0x1ab: {  	s30 =	sadd.s32 $0x2, s30;
	v4 =	vadd.f32 v6, v4;
	v5 =	vadd.f32 v7, v5;
	v11 =	vld [tilespmem:s31+$0xFFFFFF80]  }
0x1ac: {  	p0 =	slt.u32 s30, $0x30;
	v6 =	vld [tilespmem:s31+$0x100]  }
0x1ad: {  	v7 =	vld [tilespmem:s31+$0x180]  }
0x1ae: {  	v0 =	vld.idx.msk [tilespmem:v12+s17+$0x0], $0xffff  }
0x1af: {  	v1 =	vld.idx.msk [tilespmem:v13+s17+$0x0], $0xffff  }
0x1b0: {  	v8 =	vld.idx.msk [tilespmem:v14+s17+$0x0], $0xffff  }
.Ltmp9:
0x1b1: {  	v10 =	vld.idx.msk [tilespmem:v10+s17+$0x0], $0xffff;
	(pc) =	sbr.rel @p0 .LBB2_20-.Ltmp9, $4  }
0x1b2: {  	v9 =	vld.idx.msk [tilespmem:v9+s17+$0x0], $0xffff  }
0x1b3: {  	v11 =	vld.idx.msk [tilespmem:v11+s17+$0x0], $0xffff  }
0x1b4: {  	v6 =	vld.idx.msk [tilespmem:v6+s17+$0x0], $0xffff  }
0x1b5: {  	s31 =	sadd.s32 $0x400, s31;
	v7 =	vld.idx.msk [tilespmem:v7+s17+$0x0], $0xffff  }
0x1b6: {  	_ = 	snop  }
0x1b7: {  	v2 =	vadd.f32 v8, v2;
	v3 =	vadd.f32 v10, v3  }
0x1b8: {  	v4 =	vadd.f32 v9, v4;
	v5 =	vadd.f32 v11, v5  }
0x1b9: {  	v0 =	vadd.f32 v0, v2;
	v1 =	vadd.f32 v1, v3  }
0x1ba: {  	v2 =	vadd.f32 v6, v4;
	v3 =	vadd.f32 v7, v5;
	_ =	sdelay $0x1  }
0x1bb: {  	v0 =	vadd.f32 v1, v0;
	v1 =	vadd.f32 v3, v2;
	_ =	sdelay $0x1  }
0x1bc: {  	v0 =	vadd.f32 v1, v0;
	_ =	sdelay $0x1  }
0x1bd: {  	s0 =	simm.s32 $0x6620;
	[tilespmem:$0xD190] =	vst v0  }
0x1be: {  	v0 =	vld [tilespmem:s0+$0x0]  }
0x1bf: {  	v1 =	vld [tilespmem:s0+$0x80]  }
0x1c0: {  	v2 =	vld [tilespmem:s0+$0xFFFFFE00]  }
0x1c1: {  	v3 =	vld [tilespmem:s0+$0xFFFFFE80]  }
0x1c2: {  	v4 =	vld [tilespmem:s0+$0xFFFFFF00]  }
0x1c3: {  	v5 =	vld [tilespmem:s0+$0xFFFFFF80]  }
0x1c4: {  	v6 =	vld [tilespmem:s0+$0x100]  }
0x1c5: {  	v7 =	vld [tilespmem:s0+$0x180]  }
0x1c6: {  	v0 =	vld.idx.msk [tilespmem:v0+s17+$0x0], $0xffff  }
0x1c7: {  	v1 =	vld.idx.msk [tilespmem:v1+s17+$0x0], $0xffff  }
0x1c8: {  	v8 =	vld.idx.msk [tilespmem:v2+s17+$0x0], $0xffff  }
0x1c9: {  	v10 =	vld.idx.msk [tilespmem:v3+s17+$0x0], $0xffff  }
0x1ca: {  	v9 =	vld.idx.msk [tilespmem:v4+s17+$0x0], $0xffff  }
0x1cb: {  	v11 =	vld.idx.msk [tilespmem:v5+s17+$0x0], $0xffff  }
0x1cc: {  	v2 =	vimm.f32 $0.0e+00;
	v6 =	vld.idx.msk [tilespmem:v6+s17+$0x0], $0xffff  }
0x1cd: {  	s30 =	simm.s32 $0x0;
	s31 =	simm.s32 $0x6A20;
	v7 =	vld.idx.msk [tilespmem:v7+s17+$0x0], $0xffff;
	v3 =	vimm.f32 $0.0e+00;
	v4 =	vimm.f32 $0.0e+00;
	v5 =	vimm.f32 $0.0e+00  }
.LBB2_22:
0x1ce: {  	v12 =	vld [tilespmem:s31+$0x0]  }
0x1cf: {  	v13 =	vld [tilespmem:s31+$0x80]  }
0x1d0: {  	v2 =	vadd.f32 v8, v2;
	v3 =	vadd.f32 v10, v3;
	v14 =	vld [tilespmem:s31+$0xFFFFFE00]  }
0x1d1: {  	v4 =	vadd.f32 v9, v4;
	v5 =	vadd.f32 v11, v5;
	v10 =	vld [tilespmem:s31+$0xFFFFFE80]  }
0x1d2: {  	v2 =	vadd.f32 v0, v2;
	v3 =	vadd.f32 v1, v3;
	v9 =	vld [tilespmem:s31+$0xFFFFFF00]  }
0x1d3: {  	s30 =	sadd.s32 $0x2, s30;
	v4 =	vadd.f32 v6, v4;
	v5 =	vadd.f32 v7, v5;
	v11 =	vld [tilespmem:s31+$0xFFFFFF80]  }
0x1d4: {  	p0 =	slt.u32 s30, $0x30;
	v6 =	vld [tilespmem:s31+$0x100]  }
0x1d5: {  	v7 =	vld [tilespmem:s31+$0x180]  }
0x1d6: {  	v0 =	vld.idx.msk [tilespmem:v12+s17+$0x0], $0xffff  }
0x1d7: {  	v1 =	vld.idx.msk [tilespmem:v13+s17+$0x0], $0xffff  }
0x1d8: {  	v8 =	vld.idx.msk [tilespmem:v14+s17+$0x0], $0xffff  }
.Ltmp10:
0x1d9: {  	v10 =	vld.idx.msk [tilespmem:v10+s17+$0x0], $0xffff;
	(pc) =	sbr.rel @p0 .LBB2_22-.Ltmp10, $4  }
0x1da: {  	v9 =	vld.idx.msk [tilespmem:v9+s17+$0x0], $0xffff  }
0x1db: {  	v11 =	vld.idx.msk [tilespmem:v11+s17+$0x0], $0xffff  }
0x1dc: {  	v6 =	vld.idx.msk [tilespmem:v6+s17+$0x0], $0xffff  }
0x1dd: {  	s31 =	sadd.s32 $0x400, s31;
	v7 =	vld.idx.msk [tilespmem:v7+s17+$0x0], $0xffff  }
0x1de: {  	_ = 	snop  }
0x1df: {  	v2 =	vadd.f32 v8, v2;
	v3 =	vadd.f32 v10, v3  }
0x1e0: {  	v4 =	vadd.f32 v9, v4;
	v5 =	vadd.f32 v11, v5  }
0x1e1: {  	v0 =	vadd.f32 v0, v2;
	v1 =	vadd.f32 v1, v3  }
0x1e2: {  	v2 =	vadd.f32 v6, v4;
	v3 =	vadd.f32 v7, v5;
	_ =	sdelay $0x1  }
0x1e3: {  	v0 =	vadd.f32 v1, v0;
	v1 =	vadd.f32 v3, v2;
	_ =	sdelay $0x1  }
0x1e4: {  	v0 =	vadd.f32 v1, v0;
	_ =	sdelay $0x1  }
0x1e5: {  	s0 =	simm.s32 $0x6630;
	[tilespmem:$0xD1A0] =	vst v0  }
0x1e6: {  	v0 =	vld [tilespmem:s0+$0x0]  }
0x1e7: {  	v1 =	vld [tilespmem:s0+$0x80]  }
0x1e8: {  	v2 =	vld [tilespmem:s0+$0xFFFFFE00]  }
0x1e9: {  	v3 =	vld [tilespmem:s0+$0xFFFFFE80]  }
0x1ea: {  	v4 =	vld [tilespmem:s0+$0xFFFFFF00]  }
0x1eb: {  	v5 =	vld [tilespmem:s0+$0xFFFFFF80]  }
0x1ec: {  	v6 =	vld [tilespmem:s0+$0x100]  }
0x1ed: {  	v7 =	vld [tilespmem:s0+$0x180]  }
0x1ee: {  	v0 =	vld.idx.msk [tilespmem:v0+s17+$0x0], $0xffff  }
0x1ef: {  	v1 =	vld.idx.msk [tilespmem:v1+s17+$0x0], $0xffff  }
0x1f0: {  	v8 =	vld.idx.msk [tilespmem:v2+s17+$0x0], $0xffff  }
0x1f1: {  	v10 =	vld.idx.msk [tilespmem:v3+s17+$0x0], $0xffff  }
0x1f2: {  	v9 =	vld.idx.msk [tilespmem:v4+s17+$0x0], $0xffff  }
0x1f3: {  	v11 =	vld.idx.msk [tilespmem:v5+s17+$0x0], $0xffff  }
0x1f4: {  	v2 =	vimm.f32 $0.0e+00;
	v6 =	vld.idx.msk [tilespmem:v6+s17+$0x0], $0xffff  }
0x1f5: {  	s30 =	simm.s32 $0x0;
	s31 =	simm.s32 $0x6A30;
	v7 =	vld.idx.msk [tilespmem:v7+s17+$0x0], $0xffff;
	v3 =	vimm.f32 $0.0e+00;
	v4 =	vimm.f32 $0.0e+00;
	v5 =	vimm.f32 $0.0e+00  }
.LBB2_24:
0x1f6: {  	v12 =	vld [tilespmem:s31+$0x0]  }
0x1f7: {  	v13 =	vld [tilespmem:s31+$0x80]  }
0x1f8: {  	v2 =	vadd.f32 v8, v2;
	v3 =	vadd.f32 v10, v3;
	v14 =	vld [tilespmem:s31+$0xFFFFFE00]  }
0x1f9: {  	v4 =	vadd.f32 v9, v4;
	v5 =	vadd.f32 v11, v5;
	v10 =	vld [tilespmem:s31+$0xFFFFFE80]  }
0x1fa: {  	v2 =	vadd.f32 v0, v2;
	v3 =	vadd.f32 v1, v3;
	v9 =	vld [tilespmem:s31+$0xFFFFFF00]  }
0x1fb: {  	s30 =	sadd.s32 $0x2, s30;
	v4 =	vadd.f32 v6, v4;
	v5 =	vadd.f32 v7, v5;
	v11 =	vld [tilespmem:s31+$0xFFFFFF80]  }
0x1fc: {  	p0 =	slt.u32 s30, $0x30;
	v6 =	vld [tilespmem:s31+$0x100]  }
0x1fd: {  	v7 =	vld [tilespmem:s31+$0x180]  }
0x1fe: {  	v0 =	vld.idx.msk [tilespmem:v12+s17+$0x0], $0xffff  }
0x1ff: {  	v1 =	vld.idx.msk [tilespmem:v13+s17+$0x0], $0xffff  }
0x200: {  	v8 =	vld.idx.msk [tilespmem:v14+s17+$0x0], $0xffff  }
.Ltmp11:
0x201: {  	v10 =	vld.idx.msk [tilespmem:v10+s17+$0x0], $0xffff;
	(pc) =	sbr.rel @p0 .LBB2_24-.Ltmp11, $4  }
0x202: {  	v9 =	vld.idx.msk [tilespmem:v9+s17+$0x0], $0xffff  }
0x203: {  	v11 =	vld.idx.msk [tilespmem:v11+s17+$0x0], $0xffff  }
0x204: {  	v6 =	vld.idx.msk [tilespmem:v6+s17+$0x0], $0xffff  }
0x205: {  	s31 =	sadd.s32 $0x400, s31;
	v7 =	vld.idx.msk [tilespmem:v7+s17+$0x0], $0xffff  }
0x206: {  	_ = 	snop  }
0x207: {  	v2 =	vadd.f32 v8, v2;
	v3 =	vadd.f32 v10, v3  }
0x208: {  	v4 =	vadd.f32 v9, v4;
	v5 =	vadd.f32 v11, v5  }
0x209: {  	v0 =	vadd.f32 v0, v2;
	v1 =	vadd.f32 v1, v3  }
0x20a: {  	v2 =	vadd.f32 v6, v4;
	v3 =	vadd.f32 v7, v5;
	_ =	sdelay $0x1  }
0x20b: {  	v0 =	vadd.f32 v1, v0;
	v1 =	vadd.f32 v3, v2;
	_ =	sdelay $0x1  }
0x20c: {  	v0 =	vadd.f32 v1, v0;
	_ =	sdelay $0x1  }
0x20d: {  	s0 =	simm.s32 $0x6640;
	[tilespmem:$0xD1B0] =	vst v0  }
0x20e: {  	v0 =	vld [tilespmem:s0+$0x0]  }
0x20f: {  	v1 =	vld [tilespmem:s0+$0x80]  }
0x210: {  	v2 =	vld [tilespmem:s0+$0xFFFFFE00]  }
0x211: {  	v3 =	vld [tilespmem:s0+$0xFFFFFE80]  }
0x212: {  	v4 =	vld [tilespmem:s0+$0xFFFFFF00]  }
0x213: {  	v5 =	vld [tilespmem:s0+$0xFFFFFF80]  }
0x214: {  	v6 =	vld [tilespmem:s0+$0x100]  }
0x215: {  	v7 =	vld [tilespmem:s0+$0x180]  }
0x216: {  	v0 =	vld.idx.msk [tilespmem:v0+s17+$0x0], $0xffff  }
0x217: {  	v1 =	vld.idx.msk [tilespmem:v1+s17+$0x0], $0xffff  }
0x218: {  	v8 =	vld.idx.msk [tilespmem:v2+s17+$0x0], $0xffff  }
0x219: {  	v10 =	vld.idx.msk [tilespmem:v3+s17+$0x0], $0xffff  }
0x21a: {  	v9 =	vld.idx.msk [tilespmem:v4+s17+$0x0], $0xffff  }
0x21b: {  	v11 =	vld.idx.msk [tilespmem:v5+s17+$0x0], $0xffff  }
0x21c: {  	v2 =	vimm.f32 $0.0e+00;
	v6 =	vld.idx.msk [tilespmem:v6+s17+$0x0], $0xffff  }
0x21d: {  	s30 =	simm.s32 $0x0;
	s31 =	simm.s32 $0x6A40;
	v7 =	vld.idx.msk [tilespmem:v7+s17+$0x0], $0xffff;
	v3 =	vimm.f32 $0.0e+00;
	v4 =	vimm.f32 $0.0e+00;
	v5 =	vimm.f32 $0.0e+00  }
.LBB2_26:
0x21e: {  	v12 =	vld [tilespmem:s31+$0x0]  }
0x21f: {  	v13 =	vld [tilespmem:s31+$0x80]  }
0x220: {  	v2 =	vadd.f32 v8, v2;
	v3 =	vadd.f32 v10, v3;
	v14 =	vld [tilespmem:s31+$0xFFFFFE00]  }
0x221: {  	v4 =	vadd.f32 v9, v4;
	v5 =	vadd.f32 v11, v5;
	v10 =	vld [tilespmem:s31+$0xFFFFFE80]  }
0x222: {  	v2 =	vadd.f32 v0, v2;
	v3 =	vadd.f32 v1, v3;
	v9 =	vld [tilespmem:s31+$0xFFFFFF00]  }
0x223: {  	s30 =	sadd.s32 $0x2, s30;
	v4 =	vadd.f32 v6, v4;
	v5 =	vadd.f32 v7, v5;
	v11 =	vld [tilespmem:s31+$0xFFFFFF80]  }
0x224: {  	p0 =	slt.u32 s30, $0x30;
	v6 =	vld [tilespmem:s31+$0x100]  }
0x225: {  	v7 =	vld [tilespmem:s31+$0x180]  }
0x226: {  	v0 =	vld.idx.msk [tilespmem:v12+s17+$0x0], $0xffff  }
0x227: {  	v1 =	vld.idx.msk [tilespmem:v13+s17+$0x0], $0xffff  }
0x228: {  	v8 =	vld.idx.msk [tilespmem:v14+s17+$0x0], $0xffff  }
.Ltmp12:
0x229: {  	v10 =	vld.idx.msk [tilespmem:v10+s17+$0x0], $0xffff;
	(pc) =	sbr.rel @p0 .LBB2_26-.Ltmp12, $4  }
0x22a: {  	v9 =	vld.idx.msk [tilespmem:v9+s17+$0x0], $0xffff  }
0x22b: {  	v11 =	vld.idx.msk [tilespmem:v11+s17+$0x0], $0xffff  }
0x22c: {  	v6 =	vld.idx.msk [tilespmem:v6+s17+$0x0], $0xffff  }
0x22d: {  	s31 =	sadd.s32 $0x400, s31;
	v7 =	vld.idx.msk [tilespmem:v7+s17+$0x0], $0xffff  }
0x22e: {  	_ = 	snop  }
0x22f: {  	v2 =	vadd.f32 v8, v2;
	v3 =	vadd.f32 v10, v3  }
0x230: {  	v4 =	vadd.f32 v9, v4;
	v5 =	vadd.f32 v11, v5  }
0x231: {  	v0 =	vadd.f32 v0, v2;
	v1 =	vadd.f32 v1, v3  }
0x232: {  	v2 =	vadd.f32 v6, v4;
	v3 =	vadd.f32 v7, v5;
	_ =	sdelay $0x1  }
0x233: {  	v0 =	vadd.f32 v1, v0;
	v1 =	vadd.f32 v3, v2;
	_ =	sdelay $0x1  }
0x234: {  	v0 =	vadd.f32 v1, v0;
	_ =	sdelay $0x1  }
0x235: {  	s0 =	simm.s32 $0x6650;
	[tilespmem:$0xD1C0] =	vst v0  }
0x236: {  	v0 =	vld [tilespmem:s0+$0x0]  }
0x237: {  	v1 =	vld [tilespmem:s0+$0x80]  }
0x238: {  	v2 =	vld [tilespmem:s0+$0xFFFFFE00]  }
0x239: {  	v3 =	vld [tilespmem:s0+$0xFFFFFE80]  }
0x23a: {  	v4 =	vld [tilespmem:s0+$0xFFFFFF00]  }
0x23b: {  	v5 =	vld [tilespmem:s0+$0xFFFFFF80]  }
0x23c: {  	v6 =	vld [tilespmem:s0+$0x100]  }
0x23d: {  	v7 =	vld [tilespmem:s0+$0x180]  }
0x23e: {  	v0 =	vld.idx.msk [tilespmem:v0+s17+$0x0], $0xffff  }
0x23f: {  	v1 =	vld.idx.msk [tilespmem:v1+s17+$0x0], $0xffff  }
0x240: {  	v8 =	vld.idx.msk [tilespmem:v2+s17+$0x0], $0xffff  }
0x241: {  	v10 =	vld.idx.msk [tilespmem:v3+s17+$0x0], $0xffff  }
0x242: {  	v9 =	vld.idx.msk [tilespmem:v4+s17+$0x0], $0xffff  }
0x243: {  	v11 =	vld.idx.msk [tilespmem:v5+s17+$0x0], $0xffff  }
0x244: {  	v2 =	vimm.f32 $0.0e+00;
	v6 =	vld.idx.msk [tilespmem:v6+s17+$0x0], $0xffff  }
0x245: {  	s30 =	simm.s32 $0x0;
	s31 =	simm.s32 $0x6A50;
	v7 =	vld.idx.msk [tilespmem:v7+s17+$0x0], $0xffff;
	v3 =	vimm.f32 $0.0e+00;
	v4 =	vimm.f32 $0.0e+00;
	v5 =	vimm.f32 $0.0e+00  }
.LBB2_28:
0x246: {  	v12 =	vld [tilespmem:s31+$0x0]  }
0x247: {  	v13 =	vld [tilespmem:s31+$0x80]  }
0x248: {  	v2 =	vadd.f32 v8, v2;
	v3 =	vadd.f32 v10, v3;
	v14 =	vld [tilespmem:s31+$0xFFFFFE00]  }
0x249: {  	v4 =	vadd.f32 v9, v4;
	v5 =	vadd.f32 v11, v5;
	v10 =	vld [tilespmem:s31+$0xFFFFFE80]  }
0x24a: {  	v2 =	vadd.f32 v0, v2;
	v3 =	vadd.f32 v1, v3;
	v9 =	vld [tilespmem:s31+$0xFFFFFF00]  }
0x24b: {  	s30 =	sadd.s32 $0x2, s30;
	v4 =	vadd.f32 v6, v4;
	v5 =	vadd.f32 v7, v5;
	v11 =	vld [tilespmem:s31+$0xFFFFFF80]  }
0x24c: {  	p0 =	slt.u32 s30, $0x30;
	v6 =	vld [tilespmem:s31+$0x100]  }
0x24d: {  	v7 =	vld [tilespmem:s31+$0x180]  }
0x24e: {  	v0 =	vld.idx.msk [tilespmem:v12+s17+$0x0], $0xffff  }
0x24f: {  	v1 =	vld.idx.msk [tilespmem:v13+s17+$0x0], $0xffff  }
0x250: {  	v8 =	vld.idx.msk [tilespmem:v14+s17+$0x0], $0xffff  }
.Ltmp13:
0x251: {  	v10 =	vld.idx.msk [tilespmem:v10+s17+$0x0], $0xffff;
	(pc) =	sbr.rel @p0 .LBB2_28-.Ltmp13, $4  }
0x252: {  	v9 =	vld.idx.msk [tilespmem:v9+s17+$0x0], $0xffff  }
0x253: {  	v11 =	vld.idx.msk [tilespmem:v11+s17+$0x0], $0xffff  }
0x254: {  	v6 =	vld.idx.msk [tilespmem:v6+s17+$0x0], $0xffff  }
0x255: {  	s31 =	sadd.s32 $0x400, s31;
	v7 =	vld.idx.msk [tilespmem:v7+s17+$0x0], $0xffff  }
0x256: {  	_ = 	snop  }
0x257: {  	v2 =	vadd.f32 v8, v2;
	v3 =	vadd.f32 v10, v3  }
0x258: {  	v4 =	vadd.f32 v9, v4;
	v5 =	vadd.f32 v11, v5  }
0x259: {  	v0 =	vadd.f32 v0, v2;
	v1 =	vadd.f32 v1, v3  }
0x25a: {  	v2 =	vadd.f32 v6, v4;
	v3 =	vadd.f32 v7, v5;
	_ =	sdelay $0x1  }
0x25b: {  	v0 =	vadd.f32 v1, v0;
	v1 =	vadd.f32 v3, v2;
	_ =	sdelay $0x1  }
0x25c: {  	v0 =	vadd.f32 v1, v0;
	_ =	sdelay $0x1  }
0x25d: {  	s0 =	simm.s32 $0x6660;
	[tilespmem:$0xD1D0] =	vst v0  }
0x25e: {  	v0 =	vld [tilespmem:s0+$0x0]  }
0x25f: {  	v1 =	vld [tilespmem:s0+$0x80]  }
0x260: {  	v2 =	vld [tilespmem:s0+$0xFFFFFE00]  }
0x261: {  	v3 =	vld [tilespmem:s0+$0xFFFFFE80]  }
0x262: {  	v4 =	vld [tilespmem:s0+$0xFFFFFF00]  }
0x263: {  	v5 =	vld [tilespmem:s0+$0xFFFFFF80]  }
0x264: {  	v6 =	vld [tilespmem:s0+$0x100]  }
0x265: {  	v7 =	vld [tilespmem:s0+$0x180]  }
0x266: {  	v0 =	vld.idx.msk [tilespmem:v0+s17+$0x0], $0xffff  }
0x267: {  	v1 =	vld.idx.msk [tilespmem:v1+s17+$0x0], $0xffff  }
0x268: {  	v8 =	vld.idx.msk [tilespmem:v2+s17+$0x0], $0xffff  }
0x269: {  	v10 =	vld.idx.msk [tilespmem:v3+s17+$0x0], $0xffff  }
0x26a: {  	v9 =	vld.idx.msk [tilespmem:v4+s17+$0x0], $0xffff  }
0x26b: {  	v11 =	vld.idx.msk [tilespmem:v5+s17+$0x0], $0xffff  }
0x26c: {  	v2 =	vimm.f32 $0.0e+00;
	v6 =	vld.idx.msk [tilespmem:v6+s17+$0x0], $0xffff  }
0x26d: {  	s30 =	simm.s32 $0x0;
	s31 =	simm.s32 $0x6A60;
	v7 =	vld.idx.msk [tilespmem:v7+s17+$0x0], $0xffff;
	v3 =	vimm.f32 $0.0e+00;
	v4 =	vimm.f32 $0.0e+00;
	v5 =	vimm.f32 $0.0e+00  }
.LBB2_30:
0x26e: {  	v12 =	vld [tilespmem:s31+$0x0]  }
0x26f: {  	v13 =	vld [tilespmem:s31+$0x80]  }
0x270: {  	v2 =	vadd.f32 v8, v2;
	v3 =	vadd.f32 v10, v3;
	v14 =	vld [tilespmem:s31+$0xFFFFFE00]  }
0x271: {  	v4 =	vadd.f32 v9, v4;
	v5 =	vadd.f32 v11, v5;
	v10 =	vld [tilespmem:s31+$0xFFFFFE80]  }
0x272: {  	v2 =	vadd.f32 v0, v2;
	v3 =	vadd.f32 v1, v3;
	v9 =	vld [tilespmem:s31+$0xFFFFFF00]  }
0x273: {  	s30 =	sadd.s32 $0x2, s30;
	v4 =	vadd.f32 v6, v4;
	v5 =	vadd.f32 v7, v5;
	v11 =	vld [tilespmem:s31+$0xFFFFFF80]  }
0x274: {  	p0 =	slt.u32 s30, $0x30;
	v6 =	vld [tilespmem:s31+$0x100]  }
0x275: {  	v7 =	vld [tilespmem:s31+$0x180]  }
0x276: {  	v0 =	vld.idx.msk [tilespmem:v12+s17+$0x0], $0xffff  }
0x277: {  	v1 =	vld.idx.msk [tilespmem:v13+s17+$0x0], $0xffff  }
0x278: {  	v8 =	vld.idx.msk [tilespmem:v14+s17+$0x0], $0xffff  }
.Ltmp14:
0x279: {  	v10 =	vld.idx.msk [tilespmem:v10+s17+$0x0], $0xffff;
	(pc) =	sbr.rel @p0 .LBB2_30-.Ltmp14, $4  }
0x27a: {  	v9 =	vld.idx.msk [tilespmem:v9+s17+$0x0], $0xffff  }
0x27b: {  	v11 =	vld.idx.msk [tilespmem:v11+s17+$0x0], $0xffff  }
0x27c: {  	v6 =	vld.idx.msk [tilespmem:v6+s17+$0x0], $0xffff  }
0x27d: {  	s31 =	sadd.s32 $0x400, s31;
	v7 =	vld.idx.msk [tilespmem:v7+s17+$0x0], $0xffff  }
0x27e: {  	_ = 	snop  }
0x27f: {  	v2 =	vadd.f32 v8, v2;
	v3 =	vadd.f32 v10, v3  }
0x280: {  	v4 =	vadd.f32 v9, v4;
	v5 =	vadd.f32 v11, v5  }
0x281: {  	v0 =	vadd.f32 v0, v2;
	v1 =	vadd.f32 v1, v3  }
0x282: {  	v2 =	vadd.f32 v6, v4;
	v3 =	vadd.f32 v7, v5;
	_ =	sdelay $0x1  }
0x283: {  	v0 =	vadd.f32 v1, v0;
	v1 =	vadd.f32 v3, v2;
	_ =	sdelay $0x1  }
0x284: {  	v0 =	vadd.f32 v1, v0;
	_ =	sdelay $0x1  }
0x285: {  	s0 =	simm.s32 $0x6670;
	[tilespmem:$0xD1E0] =	vst v0  }
0x286: {  	v0 =	vld [tilespmem:s0+$0x0]  }
0x287: {  	v1 =	vld [tilespmem:s0+$0x80]  }
0x288: {  	v2 =	vld [tilespmem:s0+$0xFFFFFE00]  }
0x289: {  	v3 =	vld [tilespmem:s0+$0xFFFFFE80]  }
0x28a: {  	v4 =	vld [tilespmem:s0+$0xFFFFFF00]  }
0x28b: {  	v5 =	vld [tilespmem:s0+$0xFFFFFF80]  }
0x28c: {  	v6 =	vld [tilespmem:s0+$0x100]  }
0x28d: {  	v7 =	vld [tilespmem:s0+$0x180]  }
0x28e: {  	v0 =	vld.idx.msk [tilespmem:v0+s17+$0x0], $0xffff  }
0x28f: {  	v1 =	vld.idx.msk [tilespmem:v1+s17+$0x0], $0xffff  }
0x290: {  	v8 =	vld.idx.msk [tilespmem:v2+s17+$0x0], $0xffff  }
0x291: {  	v10 =	vld.idx.msk [tilespmem:v3+s17+$0x0], $0xffff  }
0x292: {  	v9 =	vld.idx.msk [tilespmem:v4+s17+$0x0], $0xffff  }
0x293: {  	v11 =	vld.idx.msk [tilespmem:v5+s17+$0x0], $0xffff  }
0x294: {  	v2 =	vimm.f32 $0.0e+00;
	v6 =	vld.idx.msk [tilespmem:v6+s17+$0x0], $0xffff  }
0x295: {  	s30 =	simm.s32 $0x0;
	s31 =	simm.s32 $0x6A70;
	v7 =	vld.idx.msk [tilespmem:v7+s17+$0x0], $0xffff;
	v3 =	vimm.f32 $0.0e+00;
	v4 =	vimm.f32 $0.0e+00;
	v5 =	vimm.f32 $0.0e+00  }
.LBB2_32:
0x296: {  	v12 =	vld [tilespmem:s31+$0x0]  }
0x297: {  	v13 =	vld [tilespmem:s31+$0x80]  }
0x298: {  	v2 =	vadd.f32 v8, v2;
	v3 =	vadd.f32 v10, v3;
	v14 =	vld [tilespmem:s31+$0xFFFFFE00]  }
0x299: {  	v4 =	vadd.f32 v9, v4;
	v5 =	vadd.f32 v11, v5;
	v10 =	vld [tilespmem:s31+$0xFFFFFE80]  }
0x29a: {  	v2 =	vadd.f32 v0, v2;
	v3 =	vadd.f32 v1, v3;
	v9 =	vld [tilespmem:s31+$0xFFFFFF00]  }
0x29b: {  	s30 =	sadd.s32 $0x2, s30;
	v4 =	vadd.f32 v6, v4;
	v5 =	vadd.f32 v7, v5;
	v11 =	vld [tilespmem:s31+$0xFFFFFF80]  }
0x29c: {  	p0 =	slt.u32 s30, $0x30;
	v6 =	vld [tilespmem:s31+$0x100]  }
0x29d: {  	v7 =	vld [tilespmem:s31+$0x180]  }
0x29e: {  	v0 =	vld.idx.msk [tilespmem:v12+s17+$0x0], $0xffff  }
0x29f: {  	v1 =	vld.idx.msk [tilespmem:v13+s17+$0x0], $0xffff  }
0x2a0: {  	v8 =	vld.idx.msk [tilespmem:v14+s17+$0x0], $0xffff  }
.Ltmp15:
0x2a1: {  	v10 =	vld.idx.msk [tilespmem:v10+s17+$0x0], $0xffff;
	(pc) =	sbr.rel @p0 .LBB2_32-.Ltmp15, $4  }
0x2a2: {  	v9 =	vld.idx.msk [tilespmem:v9+s17+$0x0], $0xffff  }
0x2a3: {  	v11 =	vld.idx.msk [tilespmem:v11+s17+$0x0], $0xffff  }
0x2a4: {  	v6 =	vld.idx.msk [tilespmem:v6+s17+$0x0], $0xffff  }
0x2a5: {  	s31 =	sadd.s32 $0x400, s31;
	v7 =	vld.idx.msk [tilespmem:v7+s17+$0x0], $0xffff  }
0x2a6: {  	_ = 	snop  }
0x2a7: {  	v2 =	vadd.f32 v8, v2;
	v3 =	vadd.f32 v10, v3  }
0x2a8: {  	v4 =	vadd.f32 v9, v4;
	v5 =	vadd.f32 v11, v5  }
0x2a9: {  	v0 =	vadd.f32 v0, v2;
	v1 =	vadd.f32 v1, v3  }
0x2aa: {  	v2 =	vadd.f32 v6, v4;
	v3 =	vadd.f32 v7, v5;
	_ =	sdelay $0x1  }
0x2ab: {  	v0 =	vadd.f32 v1, v0;
	v1 =	vadd.f32 v3, v2;
	_ =	sdelay $0x1  }
0x2ac: {  	v0 =	vadd.f32 v1, v0;
	_ =	sdelay $0x1  }
0x2ad: {  	[tilespmem:$0xD1F0] =	vst v0  }
0x2ae: {  	_ =	swait.ge [sflag:s22], $0x6400  }
0x2af: {  	[sflag:s22] =	ssyncset.done $0x0  }
0x2b0: {  	s0 =	simm.s32 $0x200;
	[sflag:s22] =	ssyncadd.s32 $0xFFFF9C00  }
0x2b1: {  	[tilespmem:s23], [sflag:$0x2] =	stream.strided.gather [hbm4b:s10+s15], $0x6400, s16, s15, $0x38;
	[tilespmem:$0xD780] =	vst v63  }
0x2b2: {  	v0 =	vld [tilespmem:s0+$0x0]  }
0x2b3: {  	v1 =	vld [tilespmem:s0+$0x80]  }
0x2b4: {  	v2 =	vld [tilespmem:s0+$0xFFFFFE00]  }
0x2b5: {  	v3 =	vld [tilespmem:s0+$0xFFFFFE80]  }
0x2b6: {  	v4 =	vld [tilespmem:s0+$0xFFFFFF00]  }
0x2b7: {  	v5 =	vld [tilespmem:s0+$0xFFFFFF80]  }
0x2b8: {  	v6 =	vld [tilespmem:s0+$0x100]  }
0x2b9: {  	v7 =	vld [tilespmem:s0+$0x180]  }
0x2ba: {  	v0 =	vld.idx.msk [tilespmem:v0+s17+$0x0], $0xffff  }
0x2bb: {  	v1 =	vld.idx.msk [tilespmem:v1+s17+$0x0], $0xffff  }
0x2bc: {  	v8 =	vld.idx.msk [tilespmem:v2+s17+$0x0], $0xffff  }
0x2bd: {  	v10 =	vld.idx.msk [tilespmem:v3+s17+$0x0], $0xffff  }
0x2be: {  	v9 =	vld.idx.msk [tilespmem:v4+s17+$0x0], $0xffff  }
0x2bf: {  	v11 =	vld.idx.msk [tilespmem:v5+s17+$0x0], $0xffff  }
0x2c0: {  	v2 =	vimm.f32 $0.0e+00;
	v6 =	vld.idx.msk [tilespmem:v6+s17+$0x0], $0xffff  }
0x2c1: {  	s30 =	simm.s32 $0x0;
	s31 =	simm.s32 $0x600;
	v7 =	vld.idx.msk [tilespmem:v7+s17+$0x0], $0xffff;
	v3 =	vimm.f32 $0.0e+00;
	v4 =	vimm.f32 $0.0e+00;
	v5 =	vimm.f32 $0.0e+00  }
.LBB2_34:
0x2c2: {  	v12 =	vld [tilespmem:s31+$0x0]  }
0x2c3: {  	v13 =	vld [tilespmem:s31+$0x80]  }
0x2c4: {  	v2 =	vadd.f32 v8, v2;
	v3 =	vadd.f32 v10, v3;
	v14 =	vld [tilespmem:s31+$0xFFFFFE00]  }
0x2c5: {  	v4 =	vadd.f32 v9, v4;
	v5 =	vadd.f32 v11, v5;
	v10 =	vld [tilespmem:s31+$0xFFFFFE80]  }
0x2c6: {  	v2 =	vadd.f32 v0, v2;
	v3 =	vadd.f32 v1, v3;
	v9 =	vld [tilespmem:s31+$0xFFFFFF00]  }
0x2c7: {  	s30 =	sadd.s32 $0x2, s30;
	v4 =	vadd.f32 v6, v4;
	v5 =	vadd.f32 v7, v5;
	v11 =	vld [tilespmem:s31+$0xFFFFFF80]  }
0x2c8: {  	p0 =	slt.u32 s30, $0x30;
	v6 =	vld [tilespmem:s31+$0x100]  }
0x2c9: {  	v7 =	vld [tilespmem:s31+$0x180]  }
0x2ca: {  	v0 =	vld.idx.msk [tilespmem:v12+s17+$0x0], $0xffff  }
0x2cb: {  	v1 =	vld.idx.msk [tilespmem:v13+s17+$0x0], $0xffff  }
0x2cc: {  	v8 =	vld.idx.msk [tilespmem:v14+s17+$0x0], $0xffff  }
.Ltmp16:
0x2cd: {  	v10 =	vld.idx.msk [tilespmem:v10+s17+$0x0], $0xffff;
	(pc) =	sbr.rel @p0 .LBB2_34-.Ltmp16, $4  }
0x2ce: {  	v9 =	vld.idx.msk [tilespmem:v9+s17+$0x0], $0xffff  }
0x2cf: {  	v11 =	vld.idx.msk [tilespmem:v11+s17+$0x0], $0xffff  }
0x2d0: {  	v6 =	vld.idx.msk [tilespmem:v6+s17+$0x0], $0xffff  }
0x2d1: {  	s31 =	sadd.s32 $0x400, s31;
	v7 =	vld.idx.msk [tilespmem:v7+s17+$0x0], $0xffff  }
0x2d2: {  	_ = 	snop  }
0x2d3: {  	v2 =	vadd.f32 v8, v2;
	v3 =	vadd.f32 v10, v3  }
0x2d4: {  	v4 =	vadd.f32 v9, v4;
	v5 =	vadd.f32 v11, v5  }
0x2d5: {  	v0 =	vadd.f32 v0, v2;
	v1 =	vadd.f32 v1, v3  }
0x2d6: {  	v2 =	vadd.f32 v6, v4;
	v3 =	vadd.f32 v7, v5;
	_ =	sdelay $0x1  }
0x2d7: {  	v0 =	vadd.f32 v1, v0;
	v1 =	vadd.f32 v3, v2;
	_ =	sdelay $0x1  }
0x2d8: {  	v0 =	vadd.f32 v1, v0;
	_ =	sdelay $0x1  }
0x2d9: {  	s0 =	simm.s32 $0x210;
	[tilespmem:$0xD200] =	vst v0  }
0x2da: {  	v0 =	vld [tilespmem:s0+$0x0]  }
0x2db: {  	v1 =	vld [tilespmem:s0+$0x80]  }
0x2dc: {  	v2 =	vld [tilespmem:s0+$0xFFFFFE00]  }
0x2dd: {  	v3 =	vld [tilespmem:s0+$0xFFFFFE80]  }
0x2de: {  	v4 =	vld [tilespmem:s0+$0xFFFFFF00]  }
0x2df: {  	v5 =	vld [tilespmem:s0+$0xFFFFFF80]  }
0x2e0: {  	v6 =	vld [tilespmem:s0+$0x100]  }
0x2e1: {  	v7 =	vld [tilespmem:s0+$0x180]  }
0x2e2: {  	v0 =	vld.idx.msk [tilespmem:v0+s17+$0x0], $0xffff  }
0x2e3: {  	v1 =	vld.idx.msk [tilespmem:v1+s17+$0x0], $0xffff  }
0x2e4: {  	v8 =	vld.idx.msk [tilespmem:v2+s17+$0x0], $0xffff  }
0x2e5: {  	v10 =	vld.idx.msk [tilespmem:v3+s17+$0x0], $0xffff  }
0x2e6: {  	v9 =	vld.idx.msk [tilespmem:v4+s17+$0x0], $0xffff  }
0x2e7: {  	v11 =	vld.idx.msk [tilespmem:v5+s17+$0x0], $0xffff  }
0x2e8: {  	v2 =	vimm.f32 $0.0e+00;
	v6 =	vld.idx.msk [tilespmem:v6+s17+$0x0], $0xffff  }
0x2e9: {  	s30 =	simm.s32 $0x0;
	s31 =	simm.s32 $0x610;
	v7 =	vld.idx.msk [tilespmem:v7+s17+$0x0], $0xffff;
	v3 =	vimm.f32 $0.0e+00;
	v4 =	vimm.f32 $0.0e+00;
	v5 =	vimm.f32 $0.0e+00  }
.LBB2_36:
0x2ea: {  	v12 =	vld [tilespmem:s31+$0x0]  }
0x2eb: {  	v13 =	vld [tilespmem:s31+$0x80]  }
0x2ec: {  	v2 =	vadd.f32 v8, v2;
	v3 =	vadd.f32 v10, v3;
	v14 =	vld [tilespmem:s31+$0xFFFFFE00]  }
0x2ed: {  	v4 =	vadd.f32 v9, v4;
	v5 =	vadd.f32 v11, v5;
	v10 =	vld [tilespmem:s31+$0xFFFFFE80]  }
0x2ee: {  	v2 =	vadd.f32 v0, v2;
	v3 =	vadd.f32 v1, v3;
	v9 =	vld [tilespmem:s31+$0xFFFFFF00]  }
0x2ef: {  	s30 =	sadd.s32 $0x2, s30;
	v4 =	vadd.f32 v6, v4;
	v5 =	vadd.f32 v7, v5;
	v11 =	vld [tilespmem:s31+$0xFFFFFF80]  }
0x2f0: {  	p0 =	slt.u32 s30, $0x30;
	v6 =	vld [tilespmem:s31+$0x100]  }
0x2f1: {  	v7 =	vld [tilespmem:s31+$0x180]  }
0x2f2: {  	v0 =	vld.idx.msk [tilespmem:v12+s17+$0x0], $0xffff  }
0x2f3: {  	v1 =	vld.idx.msk [tilespmem:v13+s17+$0x0], $0xffff  }
0x2f4: {  	v8 =	vld.idx.msk [tilespmem:v14+s17+$0x0], $0xffff  }
.Ltmp17:
0x2f5: {  	v10 =	vld.idx.msk [tilespmem:v10+s17+$0x0], $0xffff;
	(pc) =	sbr.rel @p0 .LBB2_36-.Ltmp17, $4  }
0x2f6: {  	v9 =	vld.idx.msk [tilespmem:v9+s17+$0x0], $0xffff  }
0x2f7: {  	v11 =	vld.idx.msk [tilespmem:v11+s17+$0x0], $0xffff  }
0x2f8: {  	v6 =	vld.idx.msk [tilespmem:v6+s17+$0x0], $0xffff  }
0x2f9: {  	s31 =	sadd.s32 $0x400, s31;
	v7 =	vld.idx.msk [tilespmem:v7+s17+$0x0], $0xffff  }
0x2fa: {  	_ = 	snop  }
0x2fb: {  	v2 =	vadd.f32 v8, v2;
	v3 =	vadd.f32 v10, v3  }
0x2fc: {  	v4 =	vadd.f32 v9, v4;
	v5 =	vadd.f32 v11, v5  }
0x2fd: {  	v0 =	vadd.f32 v0, v2;
	v1 =	vadd.f32 v1, v3  }
0x2fe: {  	v2 =	vadd.f32 v6, v4;
	v3 =	vadd.f32 v7, v5;
	_ =	sdelay $0x1  }
0x2ff: {  	v0 =	vadd.f32 v1, v0;
	v1 =	vadd.f32 v3, v2;
	_ =	sdelay $0x1  }
0x300: {  	v0 =	vadd.f32 v1, v0;
	_ =	sdelay $0x1  }
0x301: {  	s0 =	simm.s32 $0x220;
	[tilespmem:$0xD210] =	vst v0  }
0x302: {  	v0 =	vld [tilespmem:s0+$0x0]  }
0x303: {  	v1 =	vld [tilespmem:s0+$0x80]  }
0x304: {  	v2 =	vld [tilespmem:s0+$0xFFFFFE00]  }
0x305: {  	v3 =	vld [tilespmem:s0+$0xFFFFFE80]  }
0x306: {  	v4 =	vld [tilespmem:s0+$0xFFFFFF00]  }
0x307: {  	v5 =	vld [tilespmem:s0+$0xFFFFFF80]  }
0x308: {  	v6 =	vld [tilespmem:s0+$0x100]  }
0x309: {  	v7 =	vld [tilespmem:s0+$0x180]  }
0x30a: {  	v0 =	vld.idx.msk [tilespmem:v0+s17+$0x0], $0xffff  }
0x30b: {  	v1 =	vld.idx.msk [tilespmem:v1+s17+$0x0], $0xffff  }
0x30c: {  	v8 =	vld.idx.msk [tilespmem:v2+s17+$0x0], $0xffff  }
0x30d: {  	v10 =	vld.idx.msk [tilespmem:v3+s17+$0x0], $0xffff  }
0x30e: {  	v9 =	vld.idx.msk [tilespmem:v4+s17+$0x0], $0xffff  }
0x30f: {  	v11 =	vld.idx.msk [tilespmem:v5+s17+$0x0], $0xffff  }
0x310: {  	v2 =	vimm.f32 $0.0e+00;
	v6 =	vld.idx.msk [tilespmem:v6+s17+$0x0], $0xffff  }
0x311: {  	s30 =	simm.s32 $0x0;
	s31 =	simm.s32 $0x620;
	v7 =	vld.idx.msk [tilespmem:v7+s17+$0x0], $0xffff;
	v3 =	vimm.f32 $0.0e+00;
	v4 =	vimm.f32 $0.0e+00;
	v5 =	vimm.f32 $0.0e+00  }
.LBB2_38:
0x312: {  	v12 =	vld [tilespmem:s31+$0x0]  }
0x313: {  	v13 =	vld [tilespmem:s31+$0x80]  }
0x314: {  	v2 =	vadd.f32 v8, v2;
	v3 =	vadd.f32 v10, v3;
	v14 =	vld [tilespmem:s31+$0xFFFFFE00]  }
0x315: {  	v4 =	vadd.f32 v9, v4;
	v5 =	vadd.f32 v11, v5;
	v10 =	vld [tilespmem:s31+$0xFFFFFE80]  }
0x316: {  	v2 =	vadd.f32 v0, v2;
	v3 =	vadd.f32 v1, v3;
	v9 =	vld [tilespmem:s31+$0xFFFFFF00]  }
0x317: {  	s30 =	sadd.s32 $0x2, s30;
	v4 =	vadd.f32 v6, v4;
	v5 =	vadd.f32 v7, v5;
	v11 =	vld [tilespmem:s31+$0xFFFFFF80]  }
0x318: {  	p0 =	slt.u32 s30, $0x30;
	v6 =	vld [tilespmem:s31+$0x100]  }
0x319: {  	v7 =	vld [tilespmem:s31+$0x180]  }
0x31a: {  	v0 =	vld.idx.msk [tilespmem:v12+s17+$0x0], $0xffff  }
0x31b: {  	v1 =	vld.idx.msk [tilespmem:v13+s17+$0x0], $0xffff  }
0x31c: {  	v8 =	vld.idx.msk [tilespmem:v14+s17+$0x0], $0xffff  }
.Ltmp18:
0x31d: {  	v10 =	vld.idx.msk [tilespmem:v10+s17+$0x0], $0xffff;
	(pc) =	sbr.rel @p0 .LBB2_38-.Ltmp18, $4  }
0x31e: {  	v9 =	vld.idx.msk [tilespmem:v9+s17+$0x0], $0xffff  }
0x31f: {  	v11 =	vld.idx.msk [tilespmem:v11+s17+$0x0], $0xffff  }
0x320: {  	v6 =	vld.idx.msk [tilespmem:v6+s17+$0x0], $0xffff  }
0x321: {  	s31 =	sadd.s32 $0x400, s31;
	v7 =	vld.idx.msk [tilespmem:v7+s17+$0x0], $0xffff  }
0x322: {  	_ = 	snop  }
0x323: {  	v2 =	vadd.f32 v8, v2;
	v3 =	vadd.f32 v10, v3  }
0x324: {  	v4 =	vadd.f32 v9, v4;
	v5 =	vadd.f32 v11, v5  }
0x325: {  	v0 =	vadd.f32 v0, v2;
	v1 =	vadd.f32 v1, v3  }
0x326: {  	v2 =	vadd.f32 v6, v4;
	v3 =	vadd.f32 v7, v5;
	_ =	sdelay $0x1  }
0x327: {  	v0 =	vadd.f32 v1, v0;
	v1 =	vadd.f32 v3, v2;
	_ =	sdelay $0x1  }
0x328: {  	v0 =	vadd.f32 v1, v0;
	_ =	sdelay $0x1  }
0x329: {  	s0 =	simm.s32 $0x230;
	[tilespmem:$0xD220] =	vst v0  }
0x32a: {  	v0 =	vld [tilespmem:s0+$0x0]  }
0x32b: {  	v1 =	vld [tilespmem:s0+$0x80]  }
0x32c: {  	v2 =	vld [tilespmem:s0+$0xFFFFFE00]  }
0x32d: {  	v3 =	vld [tilespmem:s0+$0xFFFFFE80]  }
0x32e: {  	v4 =	vld [tilespmem:s0+$0xFFFFFF00]  }
0x32f: {  	v5 =	vld [tilespmem:s0+$0xFFFFFF80]  }
0x330: {  	v6 =	vld [tilespmem:s0+$0x100]  }
0x331: {  	v7 =	vld [tilespmem:s0+$0x180]  }
0x332: {  	v0 =	vld.idx.msk [tilespmem:v0+s17+$0x0], $0xffff  }
0x333: {  	v1 =	vld.idx.msk [tilespmem:v1+s17+$0x0], $0xffff  }
0x334: {  	v8 =	vld.idx.msk [tilespmem:v2+s17+$0x0], $0xffff  }
0x335: {  	v10 =	vld.idx.msk [tilespmem:v3+s17+$0x0], $0xffff  }
0x336: {  	v9 =	vld.idx.msk [tilespmem:v4+s17+$0x0], $0xffff  }
0x337: {  	v11 =	vld.idx.msk [tilespmem:v5+s17+$0x0], $0xffff  }
0x338: {  	v2 =	vimm.f32 $0.0e+00;
	v6 =	vld.idx.msk [tilespmem:v6+s17+$0x0], $0xffff  }
0x339: {  	s30 =	simm.s32 $0x0;
	s31 =	simm.s32 $0x630;
	v7 =	vld.idx.msk [tilespmem:v7+s17+$0x0], $0xffff;
	v3 =	vimm.f32 $0.0e+00;
	v4 =	vimm.f32 $0.0e+00;
	v5 =	vimm.f32 $0.0e+00  }
.LBB2_40:
0x33a: {  	v12 =	vld [tilespmem:s31+$0x0]  }
0x33b: {  	v13 =	vld [tilespmem:s31+$0x80]  }
0x33c: {  	v2 =	vadd.f32 v8, v2;
	v3 =	vadd.f32 v10, v3;
	v14 =	vld [tilespmem:s31+$0xFFFFFE00]  }
0x33d: {  	v4 =	vadd.f32 v9, v4;
	v5 =	vadd.f32 v11, v5;
	v10 =	vld [tilespmem:s31+$0xFFFFFE80]  }
0x33e: {  	v2 =	vadd.f32 v0, v2;
	v3 =	vadd.f32 v1, v3;
	v9 =	vld [tilespmem:s31+$0xFFFFFF00]  }
0x33f: {  	s30 =	sadd.s32 $0x2, s30;
	v4 =	vadd.f32 v6, v4;
	v5 =	vadd.f32 v7, v5;
	v11 =	vld [tilespmem:s31+$0xFFFFFF80]  }
0x340: {  	p0 =	slt.u32 s30, $0x30;
	v6 =	vld [tilespmem:s31+$0x100]  }
0x341: {  	v7 =	vld [tilespmem:s31+$0x180]  }
0x342: {  	v0 =	vld.idx.msk [tilespmem:v12+s17+$0x0], $0xffff  }
0x343: {  	v1 =	vld.idx.msk [tilespmem:v13+s17+$0x0], $0xffff  }
0x344: {  	v8 =	vld.idx.msk [tilespmem:v14+s17+$0x0], $0xffff  }
.Ltmp19:
0x345: {  	v10 =	vld.idx.msk [tilespmem:v10+s17+$0x0], $0xffff;
	(pc) =	sbr.rel @p0 .LBB2_40-.Ltmp19, $4  }
0x346: {  	v9 =	vld.idx.msk [tilespmem:v9+s17+$0x0], $0xffff  }
0x347: {  	v11 =	vld.idx.msk [tilespmem:v11+s17+$0x0], $0xffff  }
0x348: {  	v6 =	vld.idx.msk [tilespmem:v6+s17+$0x0], $0xffff  }
0x349: {  	s31 =	sadd.s32 $0x400, s31;
	v7 =	vld.idx.msk [tilespmem:v7+s17+$0x0], $0xffff  }
0x34a: {  	_ = 	snop  }
0x34b: {  	v2 =	vadd.f32 v8, v2;
	v3 =	vadd.f32 v10, v3  }
0x34c: {  	v4 =	vadd.f32 v9, v4;
	v5 =	vadd.f32 v11, v5  }
0x34d: {  	v0 =	vadd.f32 v0, v2;
	v1 =	vadd.f32 v1, v3  }
0x34e: {  	v2 =	vadd.f32 v6, v4;
	v3 =	vadd.f32 v7, v5;
	_ =	sdelay $0x1  }
0x34f: {  	v0 =	vadd.f32 v1, v0;
	v1 =	vadd.f32 v3, v2;
	_ =	sdelay $0x1  }
0x350: {  	v0 =	vadd.f32 v1, v0;
	_ =	sdelay $0x1  }
0x351: {  	s0 =	simm.s32 $0x240;
	[tilespmem:$0xD230] =	vst v0  }
0x352: {  	v0 =	vld [tilespmem:s0+$0x0]  }
0x353: {  	v1 =	vld [tilespmem:s0+$0x80]  }
0x354: {  	v2 =	vld [tilespmem:s0+$0xFFFFFE00]  }
0x355: {  	v3 =	vld [tilespmem:s0+$0xFFFFFE80]  }
0x356: {  	v4 =	vld [tilespmem:s0+$0xFFFFFF00]  }
0x357: {  	v5 =	vld [tilespmem:s0+$0xFFFFFF80]  }
0x358: {  	v6 =	vld [tilespmem:s0+$0x100]  }
0x359: {  	v7 =	vld [tilespmem:s0+$0x180]  }
0x35a: {  	v0 =	vld.idx.msk [tilespmem:v0+s17+$0x0], $0xffff  }
0x35b: {  	v1 =	vld.idx.msk [tilespmem:v1+s17+$0x0], $0xffff  }
0x35c: {  	v8 =	vld.idx.msk [tilespmem:v2+s17+$0x0], $0xffff  }
0x35d: {  	v10 =	vld.idx.msk [tilespmem:v3+s17+$0x0], $0xffff  }
0x35e: {  	v9 =	vld.idx.msk [tilespmem:v4+s17+$0x0], $0xffff  }
0x35f: {  	v11 =	vld.idx.msk [tilespmem:v5+s17+$0x0], $0xffff  }
0x360: {  	v2 =	vimm.f32 $0.0e+00;
	v6 =	vld.idx.msk [tilespmem:v6+s17+$0x0], $0xffff  }
0x361: {  	s30 =	simm.s32 $0x0;
	s31 =	simm.s32 $0x640;
	v7 =	vld.idx.msk [tilespmem:v7+s17+$0x0], $0xffff;
	v3 =	vimm.f32 $0.0e+00;
	v4 =	vimm.f32 $0.0e+00;
	v5 =	vimm.f32 $0.0e+00  }
.LBB2_42:
0x362: {  	v12 =	vld [tilespmem:s31+$0x0]  }
0x363: {  	v13 =	vld [tilespmem:s31+$0x80]  }
0x364: {  	v2 =	vadd.f32 v8, v2;
	v3 =	vadd.f32 v10, v3;
	v14 =	vld [tilespmem:s31+$0xFFFFFE00]  }
0x365: {  	v4 =	vadd.f32 v9, v4;
	v5 =	vadd.f32 v11, v5;
	v10 =	vld [tilespmem:s31+$0xFFFFFE80]  }
0x366: {  	v2 =	vadd.f32 v0, v2;
	v3 =	vadd.f32 v1, v3;
	v9 =	vld [tilespmem:s31+$0xFFFFFF00]  }
0x367: {  	s30 =	sadd.s32 $0x2, s30;
	v4 =	vadd.f32 v6, v4;
	v5 =	vadd.f32 v7, v5;
	v11 =	vld [tilespmem:s31+$0xFFFFFF80]  }
0x368: {  	p0 =	slt.u32 s30, $0x30;
	v6 =	vld [tilespmem:s31+$0x100]  }
0x369: {  	v7 =	vld [tilespmem:s31+$0x180]  }
0x36a: {  	v0 =	vld.idx.msk [tilespmem:v12+s17+$0x0], $0xffff  }
0x36b: {  	v1 =	vld.idx.msk [tilespmem:v13+s17+$0x0], $0xffff  }
0x36c: {  	v8 =	vld.idx.msk [tilespmem:v14+s17+$0x0], $0xffff  }
.Ltmp20:
0x36d: {  	v10 =	vld.idx.msk [tilespmem:v10+s17+$0x0], $0xffff;
	(pc) =	sbr.rel @p0 .LBB2_42-.Ltmp20, $4  }
0x36e: {  	v9 =	vld.idx.msk [tilespmem:v9+s17+$0x0], $0xffff  }
0x36f: {  	v11 =	vld.idx.msk [tilespmem:v11+s17+$0x0], $0xffff  }
0x370: {  	v6 =	vld.idx.msk [tilespmem:v6+s17+$0x0], $0xffff  }
0x371: {  	s31 =	sadd.s32 $0x400, s31;
	v7 =	vld.idx.msk [tilespmem:v7+s17+$0x0], $0xffff  }
0x372: {  	_ = 	snop  }
0x373: {  	v2 =	vadd.f32 v8, v2;
	v3 =	vadd.f32 v10, v3  }
0x374: {  	v4 =	vadd.f32 v9, v4;
	v5 =	vadd.f32 v11, v5  }
0x375: {  	v0 =	vadd.f32 v0, v2;
	v1 =	vadd.f32 v1, v3  }
0x376: {  	v2 =	vadd.f32 v6, v4;
	v3 =	vadd.f32 v7, v5;
	_ =	sdelay $0x1  }
0x377: {  	v0 =	vadd.f32 v1, v0;
	v1 =	vadd.f32 v3, v2;
	_ =	sdelay $0x1  }
0x378: {  	v0 =	vadd.f32 v1, v0;
	_ =	sdelay $0x1  }
0x379: {  	s0 =	simm.s32 $0x250;
	[tilespmem:$0xD240] =	vst v0  }
0x37a: {  	v0 =	vld [tilespmem:s0+$0x0]  }
0x37b: {  	v1 =	vld [tilespmem:s0+$0x80]  }
0x37c: {  	v2 =	vld [tilespmem:s0+$0xFFFFFE00]  }
0x37d: {  	v3 =	vld [tilespmem:s0+$0xFFFFFE80]  }
0x37e: {  	v4 =	vld [tilespmem:s0+$0xFFFFFF00]  }
0x37f: {  	v5 =	vld [tilespmem:s0+$0xFFFFFF80]  }
0x380: {  	v6 =	vld [tilespmem:s0+$0x100]  }
0x381: {  	v7 =	vld [tilespmem:s0+$0x180]  }
0x382: {  	v0 =	vld.idx.msk [tilespmem:v0+s17+$0x0], $0xffff  }
0x383: {  	v1 =	vld.idx.msk [tilespmem:v1+s17+$0x0], $0xffff  }
0x384: {  	v8 =	vld.idx.msk [tilespmem:v2+s17+$0x0], $0xffff  }
0x385: {  	v10 =	vld.idx.msk [tilespmem:v3+s17+$0x0], $0xffff  }
0x386: {  	v9 =	vld.idx.msk [tilespmem:v4+s17+$0x0], $0xffff  }
0x387: {  	v11 =	vld.idx.msk [tilespmem:v5+s17+$0x0], $0xffff  }
0x388: {  	v2 =	vimm.f32 $0.0e+00;
	v6 =	vld.idx.msk [tilespmem:v6+s17+$0x0], $0xffff  }
0x389: {  	s30 =	simm.s32 $0x0;
	s31 =	simm.s32 $0x650;
	v7 =	vld.idx.msk [tilespmem:v7+s17+$0x0], $0xffff;
	v3 =	vimm.f32 $0.0e+00;
	v4 =	vimm.f32 $0.0e+00;
	v5 =	vimm.f32 $0.0e+00  }
.LBB2_44:
0x38a: {  	v12 =	vld [tilespmem:s31+$0x0]  }
0x38b: {  	v13 =	vld [tilespmem:s31+$0x80]  }
0x38c: {  	v2 =	vadd.f32 v8, v2;
	v3 =	vadd.f32 v10, v3;
	v14 =	vld [tilespmem:s31+$0xFFFFFE00]  }
0x38d: {  	v4 =	vadd.f32 v9, v4;
	v5 =	vadd.f32 v11, v5;
	v10 =	vld [tilespmem:s31+$0xFFFFFE80]  }
0x38e: {  	v2 =	vadd.f32 v0, v2;
	v3 =	vadd.f32 v1, v3;
	v9 =	vld [tilespmem:s31+$0xFFFFFF00]  }
0x38f: {  	s30 =	sadd.s32 $0x2, s30;
	v4 =	vadd.f32 v6, v4;
	v5 =	vadd.f32 v7, v5;
	v11 =	vld [tilespmem:s31+$0xFFFFFF80]  }
0x390: {  	p0 =	slt.u32 s30, $0x30;
	v6 =	vld [tilespmem:s31+$0x100]  }
0x391: {  	v7 =	vld [tilespmem:s31+$0x180]  }
0x392: {  	v0 =	vld.idx.msk [tilespmem:v12+s17+$0x0], $0xffff  }
0x393: {  	v1 =	vld.idx.msk [tilespmem:v13+s17+$0x0], $0xffff  }
0x394: {  	v8 =	vld.idx.msk [tilespmem:v14+s17+$0x0], $0xffff  }
.Ltmp21:
0x395: {  	v10 =	vld.idx.msk [tilespmem:v10+s17+$0x0], $0xffff;
	(pc) =	sbr.rel @p0 .LBB2_44-.Ltmp21, $4  }
0x396: {  	v9 =	vld.idx.msk [tilespmem:v9+s17+$0x0], $0xffff  }
0x397: {  	v11 =	vld.idx.msk [tilespmem:v11+s17+$0x0], $0xffff  }
0x398: {  	v6 =	vld.idx.msk [tilespmem:v6+s17+$0x0], $0xffff  }
0x399: {  	s31 =	sadd.s32 $0x400, s31;
	v7 =	vld.idx.msk [tilespmem:v7+s17+$0x0], $0xffff  }
0x39a: {  	_ = 	snop  }
0x39b: {  	v2 =	vadd.f32 v8, v2;
	v3 =	vadd.f32 v10, v3  }
0x39c: {  	v4 =	vadd.f32 v9, v4;
	v5 =	vadd.f32 v11, v5  }
0x39d: {  	v0 =	vadd.f32 v0, v2;
	v1 =	vadd.f32 v1, v3  }
0x39e: {  	v2 =	vadd.f32 v6, v4;
	v3 =	vadd.f32 v7, v5;
	_ =	sdelay $0x1  }
0x39f: {  	v0 =	vadd.f32 v1, v0;
	v1 =	vadd.f32 v3, v2;
	_ =	sdelay $0x1  }
0x3a0: {  	v0 =	vadd.f32 v1, v0;
	_ =	sdelay $0x1  }
0x3a1: {  	s0 =	simm.s32 $0x260;
	[tilespmem:$0xD250] =	vst v0  }
0x3a2: {  	v0 =	vld [tilespmem:s0+$0x0]  }
0x3a3: {  	v1 =	vld [tilespmem:s0+$0x80]  }
0x3a4: {  	v2 =	vld [tilespmem:s0+$0xFFFFFE00]  }
0x3a5: {  	v3 =	vld [tilespmem:s0+$0xFFFFFE80]  }
0x3a6: {  	v4 =	vld [tilespmem:s0+$0xFFFFFF00]  }
0x3a7: {  	v5 =	vld [tilespmem:s0+$0xFFFFFF80]  }
0x3a8: {  	v6 =	vld [tilespmem:s0+$0x100]  }
0x3a9: {  	v7 =	vld [tilespmem:s0+$0x180]  }
0x3aa: {  	v0 =	vld.idx.msk [tilespmem:v0+s17+$0x0], $0xffff  }
0x3ab: {  	v1 =	vld.idx.msk [tilespmem:v1+s17+$0x0], $0xffff  }
0x3ac: {  	v8 =	vld.idx.msk [tilespmem:v2+s17+$0x0], $0xffff  }
0x3ad: {  	v10 =	vld.idx.msk [tilespmem:v3+s17+$0x0], $0xffff  }
0x3ae: {  	v9 =	vld.idx.msk [tilespmem:v4+s17+$0x0], $0xffff  }
0x3af: {  	v11 =	vld.idx.msk [tilespmem:v5+s17+$0x0], $0xffff  }
0x3b0: {  	v2 =	vimm.f32 $0.0e+00;
	v6 =	vld.idx.msk [tilespmem:v6+s17+$0x0], $0xffff  }
0x3b1: {  	s30 =	simm.s32 $0x0;
	s31 =	simm.s32 $0x660;
	v7 =	vld.idx.msk [tilespmem:v7+s17+$0x0], $0xffff;
	v3 =	vimm.f32 $0.0e+00;
	v4 =	vimm.f32 $0.0e+00;
	v5 =	vimm.f32 $0.0e+00  }
.LBB2_46:
0x3b2: {  	v12 =	vld [tilespmem:s31+$0x0]  }
0x3b3: {  	v13 =	vld [tilespmem:s31+$0x80]  }
0x3b4: {  	v2 =	vadd.f32 v8, v2;
	v3 =	vadd.f32 v10, v3;
	v14 =	vld [tilespmem:s31+$0xFFFFFE00]  }
0x3b5: {  	v4 =	vadd.f32 v9, v4;
	v5 =	vadd.f32 v11, v5;
	v10 =	vld [tilespmem:s31+$0xFFFFFE80]  }
0x3b6: {  	v2 =	vadd.f32 v0, v2;
	v3 =	vadd.f32 v1, v3;
	v9 =	vld [tilespmem:s31+$0xFFFFFF00]  }
0x3b7: {  	s30 =	sadd.s32 $0x2, s30;
	v4 =	vadd.f32 v6, v4;
	v5 =	vadd.f32 v7, v5;
	v11 =	vld [tilespmem:s31+$0xFFFFFF80]  }
0x3b8: {  	p0 =	slt.u32 s30, $0x30;
	v6 =	vld [tilespmem:s31+$0x100]  }
0x3b9: {  	v7 =	vld [tilespmem:s31+$0x180]  }
0x3ba: {  	v0 =	vld.idx.msk [tilespmem:v12+s17+$0x0], $0xffff  }
0x3bb: {  	v1 =	vld.idx.msk [tilespmem:v13+s17+$0x0], $0xffff  }
0x3bc: {  	v8 =	vld.idx.msk [tilespmem:v14+s17+$0x0], $0xffff  }
.Ltmp22:
0x3bd: {  	v10 =	vld.idx.msk [tilespmem:v10+s17+$0x0], $0xffff;
	(pc) =	sbr.rel @p0 .LBB2_46-.Ltmp22, $4  }
0x3be: {  	v9 =	vld.idx.msk [tilespmem:v9+s17+$0x0], $0xffff  }
0x3bf: {  	v11 =	vld.idx.msk [tilespmem:v11+s17+$0x0], $0xffff  }
0x3c0: {  	v6 =	vld.idx.msk [tilespmem:v6+s17+$0x0], $0xffff  }
0x3c1: {  	s31 =	sadd.s32 $0x400, s31;
	v7 =	vld.idx.msk [tilespmem:v7+s17+$0x0], $0xffff  }
0x3c2: {  	_ = 	snop  }
0x3c3: {  	v2 =	vadd.f32 v8, v2;
	v3 =	vadd.f32 v10, v3  }
0x3c4: {  	v4 =	vadd.f32 v9, v4;
	v5 =	vadd.f32 v11, v5  }
0x3c5: {  	v0 =	vadd.f32 v0, v2;
	v1 =	vadd.f32 v1, v3  }
0x3c6: {  	v2 =	vadd.f32 v6, v4;
	v3 =	vadd.f32 v7, v5;
	_ =	sdelay $0x1  }
0x3c7: {  	v0 =	vadd.f32 v1, v0;
	v1 =	vadd.f32 v3, v2;
	_ =	sdelay $0x1  }
0x3c8: {  	v0 =	vadd.f32 v1, v0;
	_ =	sdelay $0x1  }
0x3c9: {  	s0 =	simm.s32 $0x270;
	[tilespmem:$0xD260] =	vst v0  }
0x3ca: {  	v0 =	vld [tilespmem:s0+$0x0]  }
0x3cb: {  	v1 =	vld [tilespmem:s0+$0x80]  }
0x3cc: {  	v2 =	vld [tilespmem:s0+$0xFFFFFE00]  }
0x3cd: {  	v3 =	vld [tilespmem:s0+$0xFFFFFE80]  }
0x3ce: {  	v4 =	vld [tilespmem:s0+$0xFFFFFF00]  }
0x3cf: {  	v5 =	vld [tilespmem:s0+$0xFFFFFF80]  }
0x3d0: {  	v6 =	vld [tilespmem:s0+$0x100]  }
0x3d1: {  	v7 =	vld [tilespmem:s0+$0x180]  }
0x3d2: {  	v0 =	vld.idx.msk [tilespmem:v0+s17+$0x0], $0xffff  }
0x3d3: {  	v1 =	vld.idx.msk [tilespmem:v1+s17+$0x0], $0xffff  }
0x3d4: {  	v8 =	vld.idx.msk [tilespmem:v2+s17+$0x0], $0xffff  }
0x3d5: {  	v10 =	vld.idx.msk [tilespmem:v3+s17+$0x0], $0xffff  }
0x3d6: {  	v9 =	vld.idx.msk [tilespmem:v4+s17+$0x0], $0xffff  }
0x3d7: {  	v11 =	vld.idx.msk [tilespmem:v5+s17+$0x0], $0xffff  }
0x3d8: {  	v2 =	vimm.f32 $0.0e+00;
	v6 =	vld.idx.msk [tilespmem:v6+s17+$0x0], $0xffff  }
0x3d9: {  	s30 =	simm.s32 $0x0;
	s31 =	simm.s32 $0x670;
	v7 =	vld.idx.msk [tilespmem:v7+s17+$0x0], $0xffff;
	v3 =	vimm.f32 $0.0e+00;
	v4 =	vimm.f32 $0.0e+00;
	v5 =	vimm.f32 $0.0e+00  }
.LBB2_48:
0x3da: {  	v12 =	vld [tilespmem:s31+$0x0]  }
0x3db: {  	v13 =	vld [tilespmem:s31+$0x80]  }
0x3dc: {  	v2 =	vadd.f32 v8, v2;
	v3 =	vadd.f32 v10, v3;
	v14 =	vld [tilespmem:s31+$0xFFFFFE00]  }
0x3dd: {  	v4 =	vadd.f32 v9, v4;
	v5 =	vadd.f32 v11, v5;
	v10 =	vld [tilespmem:s31+$0xFFFFFE80]  }
0x3de: {  	v2 =	vadd.f32 v0, v2;
	v3 =	vadd.f32 v1, v3;
	v9 =	vld [tilespmem:s31+$0xFFFFFF00]  }
0x3df: {  	s30 =	sadd.s32 $0x2, s30;
	v4 =	vadd.f32 v6, v4;
	v5 =	vadd.f32 v7, v5;
	v11 =	vld [tilespmem:s31+$0xFFFFFF80]  }
0x3e0: {  	p0 =	slt.u32 s30, $0x30;
	v6 =	vld [tilespmem:s31+$0x100]  }
0x3e1: {  	v7 =	vld [tilespmem:s31+$0x180]  }
0x3e2: {  	v0 =	vld.idx.msk [tilespmem:v12+s17+$0x0], $0xffff  }
0x3e3: {  	v1 =	vld.idx.msk [tilespmem:v13+s17+$0x0], $0xffff  }
0x3e4: {  	v8 =	vld.idx.msk [tilespmem:v14+s17+$0x0], $0xffff  }
.Ltmp23:
0x3e5: {  	v10 =	vld.idx.msk [tilespmem:v10+s17+$0x0], $0xffff;
	(pc) =	sbr.rel @p0 .LBB2_48-.Ltmp23, $4  }
0x3e6: {  	v9 =	vld.idx.msk [tilespmem:v9+s17+$0x0], $0xffff  }
0x3e7: {  	v11 =	vld.idx.msk [tilespmem:v11+s17+$0x0], $0xffff  }
0x3e8: {  	v6 =	vld.idx.msk [tilespmem:v6+s17+$0x0], $0xffff  }
0x3e9: {  	s31 =	sadd.s32 $0x400, s31;
	v7 =	vld.idx.msk [tilespmem:v7+s17+$0x0], $0xffff  }
0x3ea: {  	_ = 	snop  }
0x3eb: {  	v2 =	vadd.f32 v8, v2;
	v3 =	vadd.f32 v10, v3  }
0x3ec: {  	v4 =	vadd.f32 v9, v4;
	v5 =	vadd.f32 v11, v5  }
0x3ed: {  	v0 =	vadd.f32 v0, v2;
	v1 =	vadd.f32 v1, v3  }
0x3ee: {  	v2 =	vadd.f32 v6, v4;
	v3 =	vadd.f32 v7, v5;
	_ =	sdelay $0x1  }
0x3ef: {  	v0 =	vadd.f32 v1, v0;
	v1 =	vadd.f32 v3, v2;
	_ =	sdelay $0x1  }
0x3f0: {  	v0 =	vadd.f32 v1, v0;
	_ =	sdelay $0x1  }
0x3f1: {  	[tilespmem:$0xD270] =	vst v0  }
0x3f2: {  	_ =	swait.ge [sflag:s24], $0x6400  }
0x3f3: {  	[sflag:s24] =	ssyncset.done $0x0  }
0x3f4: {  	s0 =	simm.s32 $0x6600;
	[sflag:s24] =	ssyncadd.s32 $0xFFFF9C00  }
0x3f5: {  	v0 =	vld [tilespmem:s0+$0x0]  }
0x3f6: {  	v1 =	vld [tilespmem:s0+$0x80]  }
0x3f7: {  	v2 =	vld [tilespmem:s0+$0xFFFFFE00]  }
0x3f8: {  	v3 =	vld [tilespmem:s0+$0xFFFFFE80]  }
0x3f9: {  	v4 =	vld [tilespmem:s0+$0xFFFFFF00]  }
0x3fa: {  	v5 =	vld [tilespmem:s0+$0xFFFFFF80]  }
0x3fb: {  	v6 =	vld [tilespmem:s0+$0x100]  }
0x3fc: {  	v7 =	vld [tilespmem:s0+$0x180]  }
0x3fd: {  	v0 =	vld.idx.msk [tilespmem:v0+s17+$0x0], $0xffff  }
0x3fe: {  	v1 =	vld.idx.msk [tilespmem:v1+s17+$0x0], $0xffff  }
0x3ff: {  	v8 =	vld.idx.msk [tilespmem:v2+s17+$0x0], $0xffff  }
0x400: {  	v10 =	vld.idx.msk [tilespmem:v3+s17+$0x0], $0xffff  }
0x401: {  	v9 =	vld.idx.msk [tilespmem:v4+s17+$0x0], $0xffff  }
0x402: {  	v11 =	vld.idx.msk [tilespmem:v5+s17+$0x0], $0xffff  }
0x403: {  	v2 =	vimm.f32 $0.0e+00;
	v6 =	vld.idx.msk [tilespmem:v6+s17+$0x0], $0xffff  }
0x404: {  	s30 =	simm.s32 $0x0;
	s31 =	simm.s32 $0x6A00;
	v7 =	vld.idx.msk [tilespmem:v7+s17+$0x0], $0xffff;
	v3 =	vimm.f32 $0.0e+00;
	v4 =	vimm.f32 $0.0e+00;
	v5 =	vimm.f32 $0.0e+00  }
.LBB2_50:
0x405: {  	v12 =	vld [tilespmem:s31+$0x0]  }
0x406: {  	v13 =	vld [tilespmem:s31+$0x80]  }
0x407: {  	v2 =	vadd.f32 v8, v2;
	v3 =	vadd.f32 v10, v3;
	v14 =	vld [tilespmem:s31+$0xFFFFFE00]  }
0x408: {  	v4 =	vadd.f32 v9, v4;
	v5 =	vadd.f32 v11, v5;
	v10 =	vld [tilespmem:s31+$0xFFFFFE80]  }
0x409: {  	v2 =	vadd.f32 v0, v2;
	v3 =	vadd.f32 v1, v3;
	v9 =	vld [tilespmem:s31+$0xFFFFFF00]  }
0x40a: {  	s30 =	sadd.s32 $0x2, s30;
	v4 =	vadd.f32 v6, v4;
	v5 =	vadd.f32 v7, v5;
	v11 =	vld [tilespmem:s31+$0xFFFFFF80]  }
0x40b: {  	p0 =	slt.u32 s30, $0x30;
	v6 =	vld [tilespmem:s31+$0x100]  }
0x40c: {  	v7 =	vld [tilespmem:s31+$0x180]  }
0x40d: {  	v0 =	vld.idx.msk [tilespmem:v12+s17+$0x0], $0xffff  }
0x40e: {  	v1 =	vld.idx.msk [tilespmem:v13+s17+$0x0], $0xffff  }
0x40f: {  	v8 =	vld.idx.msk [tilespmem:v14+s17+$0x0], $0xffff  }
.Ltmp24:
0x410: {  	v10 =	vld.idx.msk [tilespmem:v10+s17+$0x0], $0xffff;
	(pc) =	sbr.rel @p0 .LBB2_50-.Ltmp24, $4  }
0x411: {  	v9 =	vld.idx.msk [tilespmem:v9+s17+$0x0], $0xffff  }
0x412: {  	v11 =	vld.idx.msk [tilespmem:v11+s17+$0x0], $0xffff  }
0x413: {  	v6 =	vld.idx.msk [tilespmem:v6+s17+$0x0], $0xffff  }
0x414: {  	s31 =	sadd.s32 $0x400, s31;
	v7 =	vld.idx.msk [tilespmem:v7+s17+$0x0], $0xffff  }
0x415: {  	_ = 	snop  }
0x416: {  	v2 =	vadd.f32 v8, v2;
	v3 =	vadd.f32 v10, v3  }
0x417: {  	v4 =	vadd.f32 v9, v4;
	v5 =	vadd.f32 v11, v5  }
0x418: {  	v0 =	vadd.f32 v0, v2;
	v1 =	vadd.f32 v1, v3  }
0x419: {  	v2 =	vadd.f32 v6, v4;
	v3 =	vadd.f32 v7, v5;
	_ =	sdelay $0x1  }
0x41a: {  	v0 =	vadd.f32 v1, v0;
	v1 =	vadd.f32 v3, v2;
	_ =	sdelay $0x1  }
0x41b: {  	v0 =	vadd.f32 v1, v0;
	_ =	sdelay $0x1  }
0x41c: {  	s0 =	simm.s32 $0x6610;
	[tilespmem:$0xD280] =	vst v0  }
0x41d: {  	v0 =	vld [tilespmem:s0+$0x0]  }
0x41e: {  	v1 =	vld [tilespmem:s0+$0x80]  }
0x41f: {  	v2 =	vld [tilespmem:s0+$0xFFFFFE00]  }
0x420: {  	v3 =	vld [tilespmem:s0+$0xFFFFFE80]  }
0x421: {  	v4 =	vld [tilespmem:s0+$0xFFFFFF00]  }
0x422: {  	v5 =	vld [tilespmem:s0+$0xFFFFFF80]  }
0x423: {  	v6 =	vld [tilespmem:s0+$0x100]  }
0x424: {  	v7 =	vld [tilespmem:s0+$0x180]  }
0x425: {  	v0 =	vld.idx.msk [tilespmem:v0+s17+$0x0], $0xffff  }
0x426: {  	v1 =	vld.idx.msk [tilespmem:v1+s17+$0x0], $0xffff  }
0x427: {  	v8 =	vld.idx.msk [tilespmem:v2+s17+$0x0], $0xffff  }
0x428: {  	v10 =	vld.idx.msk [tilespmem:v3+s17+$0x0], $0xffff  }
0x429: {  	v9 =	vld.idx.msk [tilespmem:v4+s17+$0x0], $0xffff  }
0x42a: {  	v11 =	vld.idx.msk [tilespmem:v5+s17+$0x0], $0xffff  }
0x42b: {  	v2 =	vimm.f32 $0.0e+00;
	v6 =	vld.idx.msk [tilespmem:v6+s17+$0x0], $0xffff  }
0x42c: {  	s30 =	simm.s32 $0x0;
	s31 =	simm.s32 $0x6A10;
	v7 =	vld.idx.msk [tilespmem:v7+s17+$0x0], $0xffff;
	v3 =	vimm.f32 $0.0e+00;
	v4 =	vimm.f32 $0.0e+00;
	v5 =	vimm.f32 $0.0e+00  }
.LBB2_52:
0x42d: {  	v12 =	vld [tilespmem:s31+$0x0]  }
0x42e: {  	v13 =	vld [tilespmem:s31+$0x80]  }
0x42f: {  	v2 =	vadd.f32 v8, v2;
	v3 =	vadd.f32 v10, v3;
	v14 =	vld [tilespmem:s31+$0xFFFFFE00]  }
0x430: {  	v4 =	vadd.f32 v9, v4;
	v5 =	vadd.f32 v11, v5;
	v10 =	vld [tilespmem:s31+$0xFFFFFE80]  }
0x431: {  	v2 =	vadd.f32 v0, v2;
	v3 =	vadd.f32 v1, v3;
	v9 =	vld [tilespmem:s31+$0xFFFFFF00]  }
0x432: {  	s30 =	sadd.s32 $0x2, s30;
	v4 =	vadd.f32 v6, v4;
	v5 =	vadd.f32 v7, v5;
	v11 =	vld [tilespmem:s31+$0xFFFFFF80]  }
0x433: {  	p0 =	slt.u32 s30, $0x30;
	v6 =	vld [tilespmem:s31+$0x100]  }
0x434: {  	v7 =	vld [tilespmem:s31+$0x180]  }
0x435: {  	v0 =	vld.idx.msk [tilespmem:v12+s17+$0x0], $0xffff  }
0x436: {  	v1 =	vld.idx.msk [tilespmem:v13+s17+$0x0], $0xffff  }
0x437: {  	v8 =	vld.idx.msk [tilespmem:v14+s17+$0x0], $0xffff  }
.Ltmp25:
0x438: {  	v10 =	vld.idx.msk [tilespmem:v10+s17+$0x0], $0xffff;
	(pc) =	sbr.rel @p0 .LBB2_52-.Ltmp25, $4  }
0x439: {  	v9 =	vld.idx.msk [tilespmem:v9+s17+$0x0], $0xffff  }
0x43a: {  	v11 =	vld.idx.msk [tilespmem:v11+s17+$0x0], $0xffff  }
0x43b: {  	v6 =	vld.idx.msk [tilespmem:v6+s17+$0x0], $0xffff  }
0x43c: {  	s31 =	sadd.s32 $0x400, s31;
	v7 =	vld.idx.msk [tilespmem:v7+s17+$0x0], $0xffff  }
0x43d: {  	_ = 	snop  }
0x43e: {  	v2 =	vadd.f32 v8, v2;
	v3 =	vadd.f32 v10, v3  }
0x43f: {  	v4 =	vadd.f32 v9, v4;
	v5 =	vadd.f32 v11, v5  }
0x440: {  	v0 =	vadd.f32 v0, v2;
	v1 =	vadd.f32 v1, v3  }
0x441: {  	v2 =	vadd.f32 v6, v4;
	v3 =	vadd.f32 v7, v5;
	_ =	sdelay $0x1  }
0x442: {  	v0 =	vadd.f32 v1, v0;
	v1 =	vadd.f32 v3, v2;
	_ =	sdelay $0x1  }
0x443: {  	v0 =	vadd.f32 v1, v0;
	_ =	sdelay $0x1  }
0x444: {  	s0 =	simm.s32 $0x6620;
	[tilespmem:$0xD290] =	vst v0  }
0x445: {  	v0 =	vld [tilespmem:s0+$0x0]  }
0x446: {  	v1 =	vld [tilespmem:s0+$0x80]  }
0x447: {  	v2 =	vld [tilespmem:s0+$0xFFFFFE00]  }
0x448: {  	v3 =	vld [tilespmem:s0+$0xFFFFFE80]  }
0x449: {  	v4 =	vld [tilespmem:s0+$0xFFFFFF00]  }
0x44a: {  	v5 =	vld [tilespmem:s0+$0xFFFFFF80]  }
0x44b: {  	v6 =	vld [tilespmem:s0+$0x100]  }
0x44c: {  	v7 =	vld [tilespmem:s0+$0x180]  }
0x44d: {  	v0 =	vld.idx.msk [tilespmem:v0+s17+$0x0], $0xffff  }
0x44e: {  	v1 =	vld.idx.msk [tilespmem:v1+s17+$0x0], $0xffff  }
0x44f: {  	v8 =	vld.idx.msk [tilespmem:v2+s17+$0x0], $0xffff  }
0x450: {  	v10 =	vld.idx.msk [tilespmem:v3+s17+$0x0], $0xffff  }
0x451: {  	v9 =	vld.idx.msk [tilespmem:v4+s17+$0x0], $0xffff  }
0x452: {  	v11 =	vld.idx.msk [tilespmem:v5+s17+$0x0], $0xffff  }
0x453: {  	v2 =	vimm.f32 $0.0e+00;
	v6 =	vld.idx.msk [tilespmem:v6+s17+$0x0], $0xffff  }
0x454: {  	s30 =	simm.s32 $0x0;
	s31 =	simm.s32 $0x6A20;
	v7 =	vld.idx.msk [tilespmem:v7+s17+$0x0], $0xffff;
	v3 =	vimm.f32 $0.0e+00;
	v4 =	vimm.f32 $0.0e+00;
	v5 =	vimm.f32 $0.0e+00  }
.LBB2_54:
0x455: {  	v12 =	vld [tilespmem:s31+$0x0]  }
0x456: {  	v13 =	vld [tilespmem:s31+$0x80]  }
0x457: {  	v2 =	vadd.f32 v8, v2;
	v3 =	vadd.f32 v10, v3;
	v14 =	vld [tilespmem:s31+$0xFFFFFE00]  }
0x458: {  	v4 =	vadd.f32 v9, v4;
	v5 =	vadd.f32 v11, v5;
	v10 =	vld [tilespmem:s31+$0xFFFFFE80]  }
0x459: {  	v2 =	vadd.f32 v0, v2;
	v3 =	vadd.f32 v1, v3;
	v9 =	vld [tilespmem:s31+$0xFFFFFF00]  }
0x45a: {  	s30 =	sadd.s32 $0x2, s30;
	v4 =	vadd.f32 v6, v4;
	v5 =	vadd.f32 v7, v5;
	v11 =	vld [tilespmem:s31+$0xFFFFFF80]  }
0x45b: {  	p0 =	slt.u32 s30, $0x30;
	v6 =	vld [tilespmem:s31+$0x100]  }
0x45c: {  	v7 =	vld [tilespmem:s31+$0x180]  }
0x45d: {  	v0 =	vld.idx.msk [tilespmem:v12+s17+$0x0], $0xffff  }
0x45e: {  	v1 =	vld.idx.msk [tilespmem:v13+s17+$0x0], $0xffff  }
0x45f: {  	v8 =	vld.idx.msk [tilespmem:v14+s17+$0x0], $0xffff  }
.Ltmp26:
0x460: {  	v10 =	vld.idx.msk [tilespmem:v10+s17+$0x0], $0xffff;
	(pc) =	sbr.rel @p0 .LBB2_54-.Ltmp26, $4  }
0x461: {  	v9 =	vld.idx.msk [tilespmem:v9+s17+$0x0], $0xffff  }
0x462: {  	v11 =	vld.idx.msk [tilespmem:v11+s17+$0x0], $0xffff  }
0x463: {  	v6 =	vld.idx.msk [tilespmem:v6+s17+$0x0], $0xffff  }
0x464: {  	s31 =	sadd.s32 $0x400, s31;
	v7 =	vld.idx.msk [tilespmem:v7+s17+$0x0], $0xffff  }
0x465: {  	_ = 	snop  }
0x466: {  	v2 =	vadd.f32 v8, v2;
	v3 =	vadd.f32 v10, v3  }
0x467: {  	v4 =	vadd.f32 v9, v4;
	v5 =	vadd.f32 v11, v5  }
0x468: {  	v0 =	vadd.f32 v0, v2;
	v1 =	vadd.f32 v1, v3  }
0x469: {  	v2 =	vadd.f32 v6, v4;
	v3 =	vadd.f32 v7, v5;
	_ =	sdelay $0x1  }
0x46a: {  	v0 =	vadd.f32 v1, v0;
	v1 =	vadd.f32 v3, v2;
	_ =	sdelay $0x1  }
0x46b: {  	v0 =	vadd.f32 v1, v0;
	_ =	sdelay $0x1  }
0x46c: {  	s0 =	simm.s32 $0x6630;
	[tilespmem:$0xD2A0] =	vst v0  }
0x46d: {  	v0 =	vld [tilespmem:s0+$0x0]  }
0x46e: {  	v1 =	vld [tilespmem:s0+$0x80]  }
0x46f: {  	v2 =	vld [tilespmem:s0+$0xFFFFFE00]  }
0x470: {  	v3 =	vld [tilespmem:s0+$0xFFFFFE80]  }
0x471: {  	v4 =	vld [tilespmem:s0+$0xFFFFFF00]  }
0x472: {  	v5 =	vld [tilespmem:s0+$0xFFFFFF80]  }
0x473: {  	v6 =	vld [tilespmem:s0+$0x100]  }
0x474: {  	v7 =	vld [tilespmem:s0+$0x180]  }
0x475: {  	v0 =	vld.idx.msk [tilespmem:v0+s17+$0x0], $0xffff  }
0x476: {  	v1 =	vld.idx.msk [tilespmem:v1+s17+$0x0], $0xffff  }
0x477: {  	v8 =	vld.idx.msk [tilespmem:v2+s17+$0x0], $0xffff  }
0x478: {  	v10 =	vld.idx.msk [tilespmem:v3+s17+$0x0], $0xffff  }
0x479: {  	v9 =	vld.idx.msk [tilespmem:v4+s17+$0x0], $0xffff  }
0x47a: {  	v11 =	vld.idx.msk [tilespmem:v5+s17+$0x0], $0xffff  }
0x47b: {  	v2 =	vimm.f32 $0.0e+00;
	v6 =	vld.idx.msk [tilespmem:v6+s17+$0x0], $0xffff  }
0x47c: {  	s30 =	simm.s32 $0x0;
	s31 =	simm.s32 $0x6A30;
	v7 =	vld.idx.msk [tilespmem:v7+s17+$0x0], $0xffff;
	v3 =	vimm.f32 $0.0e+00;
	v4 =	vimm.f32 $0.0e+00;
	v5 =	vimm.f32 $0.0e+00  }
.LBB2_56:
0x47d: {  	v12 =	vld [tilespmem:s31+$0x0]  }
0x47e: {  	v13 =	vld [tilespmem:s31+$0x80]  }
0x47f: {  	v2 =	vadd.f32 v8, v2;
	v3 =	vadd.f32 v10, v3;
	v14 =	vld [tilespmem:s31+$0xFFFFFE00]  }
0x480: {  	v4 =	vadd.f32 v9, v4;
	v5 =	vadd.f32 v11, v5;
	v10 =	vld [tilespmem:s31+$0xFFFFFE80]  }
0x481: {  	v2 =	vadd.f32 v0, v2;
	v3 =	vadd.f32 v1, v3;
	v9 =	vld [tilespmem:s31+$0xFFFFFF00]  }
0x482: {  	s30 =	sadd.s32 $0x2, s30;
	v4 =	vadd.f32 v6, v4;
	v5 =	vadd.f32 v7, v5;
	v11 =	vld [tilespmem:s31+$0xFFFFFF80]  }
0x483: {  	p0 =	slt.u32 s30, $0x30;
	v6 =	vld [tilespmem:s31+$0x100]  }
0x484: {  	v7 =	vld [tilespmem:s31+$0x180]  }
0x485: {  	v0 =	vld.idx.msk [tilespmem:v12+s17+$0x0], $0xffff  }
0x486: {  	v1 =	vld.idx.msk [tilespmem:v13+s17+$0x0], $0xffff  }
0x487: {  	v8 =	vld.idx.msk [tilespmem:v14+s17+$0x0], $0xffff  }
.Ltmp27:
0x488: {  	v10 =	vld.idx.msk [tilespmem:v10+s17+$0x0], $0xffff;
	(pc) =	sbr.rel @p0 .LBB2_56-.Ltmp27, $4  }
0x489: {  	v9 =	vld.idx.msk [tilespmem:v9+s17+$0x0], $0xffff  }
0x48a: {  	v11 =	vld.idx.msk [tilespmem:v11+s17+$0x0], $0xffff  }
0x48b: {  	v6 =	vld.idx.msk [tilespmem:v6+s17+$0x0], $0xffff  }
0x48c: {  	s31 =	sadd.s32 $0x400, s31;
	v7 =	vld.idx.msk [tilespmem:v7+s17+$0x0], $0xffff  }
0x48d: {  	_ = 	snop  }
0x48e: {  	v2 =	vadd.f32 v8, v2;
	v3 =	vadd.f32 v10, v3  }
0x48f: {  	v4 =	vadd.f32 v9, v4;
	v5 =	vadd.f32 v11, v5  }
0x490: {  	v0 =	vadd.f32 v0, v2;
	v1 =	vadd.f32 v1, v3  }
0x491: {  	v2 =	vadd.f32 v6, v4;
	v3 =	vadd.f32 v7, v5;
	_ =	sdelay $0x1  }
0x492: {  	v0 =	vadd.f32 v1, v0;
	v1 =	vadd.f32 v3, v2;
	_ =	sdelay $0x1  }
0x493: {  	v0 =	vadd.f32 v1, v0;
	_ =	sdelay $0x1  }
0x494: {  	s0 =	simm.s32 $0x6640;
	[tilespmem:$0xD2B0] =	vst v0  }
0x495: {  	v0 =	vld [tilespmem:s0+$0x0]  }
0x496: {  	v1 =	vld [tilespmem:s0+$0x80]  }
0x497: {  	v2 =	vld [tilespmem:s0+$0xFFFFFE00]  }
0x498: {  	v3 =	vld [tilespmem:s0+$0xFFFFFE80]  }
0x499: {  	v4 =	vld [tilespmem:s0+$0xFFFFFF00]  }
0x49a: {  	v5 =	vld [tilespmem:s0+$0xFFFFFF80]  }
0x49b: {  	v6 =	vld [tilespmem:s0+$0x100]  }
0x49c: {  	v7 =	vld [tilespmem:s0+$0x180]  }
0x49d: {  	v0 =	vld.idx.msk [tilespmem:v0+s17+$0x0], $0xffff  }
0x49e: {  	v1 =	vld.idx.msk [tilespmem:v1+s17+$0x0], $0xffff  }
0x49f: {  	v8 =	vld.idx.msk [tilespmem:v2+s17+$0x0], $0xffff  }
0x4a0: {  	v10 =	vld.idx.msk [tilespmem:v3+s17+$0x0], $0xffff  }
0x4a1: {  	v9 =	vld.idx.msk [tilespmem:v4+s17+$0x0], $0xffff  }
0x4a2: {  	v11 =	vld.idx.msk [tilespmem:v5+s17+$0x0], $0xffff  }
0x4a3: {  	v2 =	vimm.f32 $0.0e+00;
	v6 =	vld.idx.msk [tilespmem:v6+s17+$0x0], $0xffff  }
0x4a4: {  	s30 =	simm.s32 $0x0;
	s31 =	simm.s32 $0x6A40;
	v7 =	vld.idx.msk [tilespmem:v7+s17+$0x0], $0xffff;
	v3 =	vimm.f32 $0.0e+00;
	v4 =	vimm.f32 $0.0e+00;
	v5 =	vimm.f32 $0.0e+00  }
.LBB2_58:
0x4a5: {  	v12 =	vld [tilespmem:s31+$0x0]  }
0x4a6: {  	v13 =	vld [tilespmem:s31+$0x80]  }
0x4a7: {  	v2 =	vadd.f32 v8, v2;
	v3 =	vadd.f32 v10, v3;
	v14 =	vld [tilespmem:s31+$0xFFFFFE00]  }
0x4a8: {  	v4 =	vadd.f32 v9, v4;
	v5 =	vadd.f32 v11, v5;
	v10 =	vld [tilespmem:s31+$0xFFFFFE80]  }
0x4a9: {  	v2 =	vadd.f32 v0, v2;
	v3 =	vadd.f32 v1, v3;
	v9 =	vld [tilespmem:s31+$0xFFFFFF00]  }
0x4aa: {  	s30 =	sadd.s32 $0x2, s30;
	v4 =	vadd.f32 v6, v4;
	v5 =	vadd.f32 v7, v5;
	v11 =	vld [tilespmem:s31+$0xFFFFFF80]  }
0x4ab: {  	p0 =	slt.u32 s30, $0x30;
	v6 =	vld [tilespmem:s31+$0x100]  }
0x4ac: {  	v7 =	vld [tilespmem:s31+$0x180]  }
0x4ad: {  	v0 =	vld.idx.msk [tilespmem:v12+s17+$0x0], $0xffff  }
0x4ae: {  	v1 =	vld.idx.msk [tilespmem:v13+s17+$0x0], $0xffff  }
0x4af: {  	v8 =	vld.idx.msk [tilespmem:v14+s17+$0x0], $0xffff  }
.Ltmp28:
0x4b0: {  	v10 =	vld.idx.msk [tilespmem:v10+s17+$0x0], $0xffff;
	(pc) =	sbr.rel @p0 .LBB2_58-.Ltmp28, $4  }
0x4b1: {  	v9 =	vld.idx.msk [tilespmem:v9+s17+$0x0], $0xffff  }
0x4b2: {  	v11 =	vld.idx.msk [tilespmem:v11+s17+$0x0], $0xffff  }
0x4b3: {  	v6 =	vld.idx.msk [tilespmem:v6+s17+$0x0], $0xffff  }
0x4b4: {  	s31 =	sadd.s32 $0x400, s31;
	v7 =	vld.idx.msk [tilespmem:v7+s17+$0x0], $0xffff  }
0x4b5: {  	_ = 	snop  }
0x4b6: {  	v2 =	vadd.f32 v8, v2;
	v3 =	vadd.f32 v10, v3  }
0x4b7: {  	v4 =	vadd.f32 v9, v4;
	v5 =	vadd.f32 v11, v5  }
0x4b8: {  	v0 =	vadd.f32 v0, v2;
	v1 =	vadd.f32 v1, v3  }
0x4b9: {  	v2 =	vadd.f32 v6, v4;
	v3 =	vadd.f32 v7, v5;
	_ =	sdelay $0x1  }
0x4ba: {  	v0 =	vadd.f32 v1, v0;
	v1 =	vadd.f32 v3, v2;
	_ =	sdelay $0x1  }
0x4bb: {  	v0 =	vadd.f32 v1, v0;
	_ =	sdelay $0x1  }
0x4bc: {  	s0 =	simm.s32 $0x6650;
	[tilespmem:$0xD2C0] =	vst v0  }
0x4bd: {  	v0 =	vld [tilespmem:s0+$0x0]  }
0x4be: {  	v1 =	vld [tilespmem:s0+$0x80]  }
0x4bf: {  	v2 =	vld [tilespmem:s0+$0xFFFFFE00]  }
0x4c0: {  	v3 =	vld [tilespmem:s0+$0xFFFFFE80]  }
0x4c1: {  	v4 =	vld [tilespmem:s0+$0xFFFFFF00]  }
0x4c2: {  	v5 =	vld [tilespmem:s0+$0xFFFFFF80]  }
0x4c3: {  	v6 =	vld [tilespmem:s0+$0x100]  }
0x4c4: {  	v7 =	vld [tilespmem:s0+$0x180]  }
0x4c5: {  	v0 =	vld.idx.msk [tilespmem:v0+s17+$0x0], $0xffff  }
0x4c6: {  	v1 =	vld.idx.msk [tilespmem:v1+s17+$0x0], $0xffff  }
0x4c7: {  	v8 =	vld.idx.msk [tilespmem:v2+s17+$0x0], $0xffff  }
0x4c8: {  	v10 =	vld.idx.msk [tilespmem:v3+s17+$0x0], $0xffff  }
0x4c9: {  	v9 =	vld.idx.msk [tilespmem:v4+s17+$0x0], $0xffff  }
0x4ca: {  	v11 =	vld.idx.msk [tilespmem:v5+s17+$0x0], $0xffff  }
0x4cb: {  	v2 =	vimm.f32 $0.0e+00;
	v6 =	vld.idx.msk [tilespmem:v6+s17+$0x0], $0xffff  }
0x4cc: {  	s30 =	simm.s32 $0x0;
	s31 =	simm.s32 $0x6A50;
	v7 =	vld.idx.msk [tilespmem:v7+s17+$0x0], $0xffff;
	v3 =	vimm.f32 $0.0e+00;
	v4 =	vimm.f32 $0.0e+00;
	v5 =	vimm.f32 $0.0e+00  }
.LBB2_60:
0x4cd: {  	v12 =	vld [tilespmem:s31+$0x0]  }
0x4ce: {  	v13 =	vld [tilespmem:s31+$0x80]  }
0x4cf: {  	v2 =	vadd.f32 v8, v2;
	v3 =	vadd.f32 v10, v3;
	v14 =	vld [tilespmem:s31+$0xFFFFFE00]  }
0x4d0: {  	v4 =	vadd.f32 v9, v4;
	v5 =	vadd.f32 v11, v5;
	v10 =	vld [tilespmem:s31+$0xFFFFFE80]  }
0x4d1: {  	v2 =	vadd.f32 v0, v2;
	v3 =	vadd.f32 v1, v3;
	v9 =	vld [tilespmem:s31+$0xFFFFFF00]  }
0x4d2: {  	s30 =	sadd.s32 $0x2, s30;
	v4 =	vadd.f32 v6, v4;
	v5 =	vadd.f32 v7, v5;
	v11 =	vld [tilespmem:s31+$0xFFFFFF80]  }
0x4d3: {  	p0 =	slt.u32 s30, $0x30;
	v6 =	vld [tilespmem:s31+$0x100]  }
0x4d4: {  	v7 =	vld [tilespmem:s31+$0x180]  }
0x4d5: {  	v0 =	vld.idx.msk [tilespmem:v12+s17+$0x0], $0xffff  }
0x4d6: {  	v1 =	vld.idx.msk [tilespmem:v13+s17+$0x0], $0xffff  }
0x4d7: {  	v8 =	vld.idx.msk [tilespmem:v14+s17+$0x0], $0xffff  }
.Ltmp29:
0x4d8: {  	v10 =	vld.idx.msk [tilespmem:v10+s17+$0x0], $0xffff;
	(pc) =	sbr.rel @p0 .LBB2_60-.Ltmp29, $4  }
0x4d9: {  	v9 =	vld.idx.msk [tilespmem:v9+s17+$0x0], $0xffff  }
0x4da: {  	v11 =	vld.idx.msk [tilespmem:v11+s17+$0x0], $0xffff  }
0x4db: {  	v6 =	vld.idx.msk [tilespmem:v6+s17+$0x0], $0xffff  }
0x4dc: {  	s31 =	sadd.s32 $0x400, s31;
	v7 =	vld.idx.msk [tilespmem:v7+s17+$0x0], $0xffff  }
0x4dd: {  	_ = 	snop  }
0x4de: {  	v2 =	vadd.f32 v8, v2;
	v3 =	vadd.f32 v10, v3  }
0x4df: {  	v4 =	vadd.f32 v9, v4;
	v5 =	vadd.f32 v11, v5  }
0x4e0: {  	v0 =	vadd.f32 v0, v2;
	v1 =	vadd.f32 v1, v3  }
0x4e1: {  	v2 =	vadd.f32 v6, v4;
	v3 =	vadd.f32 v7, v5;
	_ =	sdelay $0x1  }
0x4e2: {  	v0 =	vadd.f32 v1, v0;
	v1 =	vadd.f32 v3, v2;
	_ =	sdelay $0x1  }
0x4e3: {  	v0 =	vadd.f32 v1, v0;
	_ =	sdelay $0x1  }
0x4e4: {  	s0 =	simm.s32 $0x6660;
	[tilespmem:$0xD2D0] =	vst v0  }
0x4e5: {  	v0 =	vld [tilespmem:s0+$0x0]  }
0x4e6: {  	v1 =	vld [tilespmem:s0+$0x80]  }
0x4e7: {  	v2 =	vld [tilespmem:s0+$0xFFFFFE00]  }
0x4e8: {  	v3 =	vld [tilespmem:s0+$0xFFFFFE80]  }
0x4e9: {  	v4 =	vld [tilespmem:s0+$0xFFFFFF00]  }
0x4ea: {  	v5 =	vld [tilespmem:s0+$0xFFFFFF80]  }
0x4eb: {  	v6 =	vld [tilespmem:s0+$0x100]  }
0x4ec: {  	v7 =	vld [tilespmem:s0+$0x180]  }
0x4ed: {  	v0 =	vld.idx.msk [tilespmem:v0+s17+$0x0], $0xffff  }
0x4ee: {  	v1 =	vld.idx.msk [tilespmem:v1+s17+$0x0], $0xffff  }
0x4ef: {  	v8 =	vld.idx.msk [tilespmem:v2+s17+$0x0], $0xffff  }
0x4f0: {  	v10 =	vld.idx.msk [tilespmem:v3+s17+$0x0], $0xffff  }
0x4f1: {  	v9 =	vld.idx.msk [tilespmem:v4+s17+$0x0], $0xffff  }
0x4f2: {  	v11 =	vld.idx.msk [tilespmem:v5+s17+$0x0], $0xffff  }
0x4f3: {  	v2 =	vimm.f32 $0.0e+00;
	v6 =	vld.idx.msk [tilespmem:v6+s17+$0x0], $0xffff  }
0x4f4: {  	s30 =	simm.s32 $0x0;
	s31 =	simm.s32 $0x6A60;
	v7 =	vld.idx.msk [tilespmem:v7+s17+$0x0], $0xffff;
	v3 =	vimm.f32 $0.0e+00;
	v4 =	vimm.f32 $0.0e+00;
	v5 =	vimm.f32 $0.0e+00  }
.LBB2_62:
0x4f5: {  	v12 =	vld [tilespmem:s31+$0x0]  }
0x4f6: {  	v13 =	vld [tilespmem:s31+$0x80]  }
0x4f7: {  	v2 =	vadd.f32 v8, v2;
	v3 =	vadd.f32 v10, v3;
	v14 =	vld [tilespmem:s31+$0xFFFFFE00]  }
0x4f8: {  	v4 =	vadd.f32 v9, v4;
	v5 =	vadd.f32 v11, v5;
	v10 =	vld [tilespmem:s31+$0xFFFFFE80]  }
0x4f9: {  	v2 =	vadd.f32 v0, v2;
	v3 =	vadd.f32 v1, v3;
	v9 =	vld [tilespmem:s31+$0xFFFFFF00]  }
0x4fa: {  	s30 =	sadd.s32 $0x2, s30;
	v4 =	vadd.f32 v6, v4;
	v5 =	vadd.f32 v7, v5;
	v11 =	vld [tilespmem:s31+$0xFFFFFF80]  }
0x4fb: {  	p0 =	slt.u32 s30, $0x30;
	v6 =	vld [tilespmem:s31+$0x100]  }
0x4fc: {  	v7 =	vld [tilespmem:s31+$0x180]  }
0x4fd: {  	v0 =	vld.idx.msk [tilespmem:v12+s17+$0x0], $0xffff  }
0x4fe: {  	v1 =	vld.idx.msk [tilespmem:v13+s17+$0x0], $0xffff  }
0x4ff: {  	v8 =	vld.idx.msk [tilespmem:v14+s17+$0x0], $0xffff  }
.Ltmp30:
0x500: {  	v10 =	vld.idx.msk [tilespmem:v10+s17+$0x0], $0xffff;
	(pc) =	sbr.rel @p0 .LBB2_62-.Ltmp30, $4  }
0x501: {  	v9 =	vld.idx.msk [tilespmem:v9+s17+$0x0], $0xffff  }
0x502: {  	v11 =	vld.idx.msk [tilespmem:v11+s17+$0x0], $0xffff  }
0x503: {  	v6 =	vld.idx.msk [tilespmem:v6+s17+$0x0], $0xffff  }
0x504: {  	s31 =	sadd.s32 $0x400, s31;
	v7 =	vld.idx.msk [tilespmem:v7+s17+$0x0], $0xffff  }
0x505: {  	_ = 	snop  }
0x506: {  	v2 =	vadd.f32 v8, v2;
	v3 =	vadd.f32 v10, v3  }
0x507: {  	v4 =	vadd.f32 v9, v4;
	v5 =	vadd.f32 v11, v5  }
0x508: {  	v0 =	vadd.f32 v0, v2;
	v1 =	vadd.f32 v1, v3  }
0x509: {  	v2 =	vadd.f32 v6, v4;
	v3 =	vadd.f32 v7, v5;
	_ =	sdelay $0x1  }
0x50a: {  	v0 =	vadd.f32 v1, v0;
	v1 =	vadd.f32 v3, v2;
	_ =	sdelay $0x1  }
0x50b: {  	v0 =	vadd.f32 v1, v0;
	_ =	sdelay $0x1  }
0x50c: {  	s0 =	simm.s32 $0x6670;
	[tilespmem:$0xD2E0] =	vst v0  }
0x50d: {  	v0 =	vld [tilespmem:s0+$0x0]  }
0x50e: {  	v1 =	vld [tilespmem:s0+$0x80]  }
0x50f: {  	v2 =	vld [tilespmem:s0+$0xFFFFFE00]  }
0x510: {  	v3 =	vld [tilespmem:s0+$0xFFFFFE80]  }
0x511: {  	v4 =	vld [tilespmem:s0+$0xFFFFFF00]  }
0x512: {  	v5 =	vld [tilespmem:s0+$0xFFFFFF80]  }
0x513: {  	v6 =	vld [tilespmem:s0+$0x100]  }
0x514: {  	v7 =	vld [tilespmem:s0+$0x180]  }
0x515: {  	v0 =	vld.idx.msk [tilespmem:v0+s17+$0x0], $0xffff  }
0x516: {  	v1 =	vld.idx.msk [tilespmem:v1+s17+$0x0], $0xffff  }
0x517: {  	v8 =	vld.idx.msk [tilespmem:v2+s17+$0x0], $0xffff  }
0x518: {  	v10 =	vld.idx.msk [tilespmem:v3+s17+$0x0], $0xffff  }
0x519: {  	v9 =	vld.idx.msk [tilespmem:v4+s17+$0x0], $0xffff  }
0x51a: {  	v11 =	vld.idx.msk [tilespmem:v5+s17+$0x0], $0xffff  }
0x51b: {  	v2 =	vimm.f32 $0.0e+00;
	v6 =	vld.idx.msk [tilespmem:v6+s17+$0x0], $0xffff  }
0x51c: {  	s30 =	simm.s32 $0x0;
	s31 =	simm.s32 $0x6A70;
	v7 =	vld.idx.msk [tilespmem:v7+s17+$0x0], $0xffff;
	v3 =	vimm.f32 $0.0e+00;
	v4 =	vimm.f32 $0.0e+00;
	v5 =	vimm.f32 $0.0e+00  }
.LBB2_64:
0x51d: {  	v12 =	vld [tilespmem:s31+$0x0]  }
0x51e: {  	v13 =	vld [tilespmem:s31+$0x80]  }
0x51f: {  	v2 =	vadd.f32 v8, v2;
	v3 =	vadd.f32 v10, v3;
	v14 =	vld [tilespmem:s31+$0xFFFFFE00]  }
0x520: {  	v4 =	vadd.f32 v9, v4;
	v5 =	vadd.f32 v11, v5;
	v10 =	vld [tilespmem:s31+$0xFFFFFE80]  }
0x521: {  	v2 =	vadd.f32 v0, v2;
	v3 =	vadd.f32 v1, v3;
	v9 =	vld [tilespmem:s31+$0xFFFFFF00]  }
0x522: {  	s30 =	sadd.s32 $0x2, s30;
	v4 =	vadd.f32 v6, v4;
	v5 =	vadd.f32 v7, v5;
	v11 =	vld [tilespmem:s31+$0xFFFFFF80]  }
0x523: {  	p0 =	slt.u32 s30, $0x30;
	v6 =	vld [tilespmem:s31+$0x100]  }
0x524: {  	v7 =	vld [tilespmem:s31+$0x180]  }
0x525: {  	v0 =	vld.idx.msk [tilespmem:v12+s17+$0x0], $0xffff  }
0x526: {  	v1 =	vld.idx.msk [tilespmem:v13+s17+$0x0], $0xffff  }
0x527: {  	v8 =	vld.idx.msk [tilespmem:v14+s17+$0x0], $0xffff  }
.Ltmp31:
0x528: {  	v10 =	vld.idx.msk [tilespmem:v10+s17+$0x0], $0xffff;
	(pc) =	sbr.rel @p0 .LBB2_64-.Ltmp31, $4  }
0x529: {  	v9 =	vld.idx.msk [tilespmem:v9+s17+$0x0], $0xffff  }
0x52a: {  	v11 =	vld.idx.msk [tilespmem:v11+s17+$0x0], $0xffff  }
0x52b: {  	v6 =	vld.idx.msk [tilespmem:v6+s17+$0x0], $0xffff  }
0x52c: {  	s31 =	sadd.s32 $0x400, s31;
	v7 =	vld.idx.msk [tilespmem:v7+s17+$0x0], $0xffff  }
0x52d: {  	_ = 	snop  }
0x52e: {  	v2 =	vadd.f32 v8, v2;
	v3 =	vadd.f32 v10, v3  }
0x52f: {  	v4 =	vadd.f32 v9, v4;
	v5 =	vadd.f32 v11, v5  }
0x530: {  	v0 =	vadd.f32 v0, v2;
	v1 =	vadd.f32 v1, v3  }
0x531: {  	v2 =	vadd.f32 v6, v4;
	v3 =	vadd.f32 v7, v5;
	_ =	sdelay $0x1  }
0x532: {  	v0 =	vadd.f32 v1, v0;
	v1 =	vadd.f32 v3, v2;
	_ =	sdelay $0x1  }
0x533: {  	v0 =	vadd.f32 v1, v0;
	_ =	sdelay $0x1  }
0x534: {  	s0 =	simm.s32 $0x0;
	[tilespmem:$0xD2F0] =	vst v0  }
0x535: {  	v0 =	vld [tilespmem:s0+$0xCD00];
	_ =	sdelay $0x4  }
0x536: {  	v1 =	vadd.s32 $0x80, v0  }
0x537: {  	s31 =	simm.s32 $0x10  }
0x538: {  	v2 =	vld [tilespmem:s31+$0xCD00]  }
0x539: {  	v4 =	vld [tilespmem:s0+$0xD100]  }
0x53a: {  	v6 =	vld [tilespmem:s0+$0xCF00]  }
0x53b: {  	v1 =	vld.idx.msk [tilespmem:v1+s19+$0x0], $0xffff  }
0x53c: {  	v5 =	vld.idx.msk [tilespmem:v0+s19+$0x0], $0xffff;
	_ =	sdelay $0x1  }
0x53d: {  	v7 =	vadd.s32 $0x80, v2  }
0x53e: {  	s30 =	simm.s32 $0x20  }
0x53f: {  	v3 =	vld [tilespmem:s30+$0xCD00];
	v1 =	vadd.f32 v1, v4  }
0x540: {  	v0 =	vld [tilespmem:s31+$0xCF00];
	[tilespmem:s0+$0xD300] =	vst v5;
	v5 =	vsub.f32 v5, v6  }
0x541: {  	v4 =	vld [tilespmem:s31+$0xD100];
	[tilespmem:s0+$0xD500] =	vst v1;
	v9 =	vsub.f32 v1, v6  }
0x542: {  	v8 =	vmul.f32 v5, v5;
	v6 =	vld.idx.msk [tilespmem:v7+s19+$0x0], $0xffff  }
0x543: {  	v1 =	vimm.f32 $0.0e+00;
	s0 =	simm.s32 $0xC0;
	v5 =	vld.idx.msk [tilespmem:v2+s19+$0x0], $0xffff;
	v2 =	vimm.f32 $0.0e+00;
	v7 =	vmul.f32 v9, v9  }
.LBB2_66:
0x544: {  	p0 =	sne.s32 s0, $0x7C0;
	v9 =	vld [tilespmem:s30+$0xCF00];
	v1 =	vadd.f32 v8, v1;
	s1 =	smov.u32 s0;
	s0 =	sadd.s32 $0x40, s0  }
0x545: {  	v8 =	vadd.s32 $0x80, v3;
	v2 =	vadd.f32 v7, v2;
	v7 =	vmov v3;
	_ =	sdelay $0x2  }
.Ltmp32:
0x546: {  	s1 =	sshra.s32 s1, $0x2;
	v6 =	vadd.f32 v6, v4;
	(pc) =	sbr.rel @p0 .LBB2_66-.Ltmp32, $4  }
0x547: {  	v3 =	vld [tilespmem:s1+$0xCD00];
	[tilespmem:s31+$0xD300] =	vst v5;
	v5 =	vsub.f32 v5, v0  }
0x548: {  	v10 =	vsub.f32 v6, v0;
	v0 =	vmov v9;
	v4 =	vld [tilespmem:s30+$0xD100];
	[tilespmem:s31+$0xD500] =	vst v6;
	s31 =	smov.u32 s30;
	s30 =	smov.u32 s1  }
0x549: {  	v6 =	vld.idx.msk [tilespmem:v8+s19+$0x0], $0xffff;
	v8 =	vmul.f32 v5, v5  }
0x54a: {  	v5 =	vld.idx.msk [tilespmem:v7+s19+$0x0], $0xffff;
	v7 =	vmul.f32 v10, v10  }
0x54b: {  	_ = 	snop  }
0x54c: {  	v9 =	vadd.s32 $0x80, v3;
	_ =	sdelay $0x1  }
0x54d: {  	v4 =	vadd.f32 v6, v4  }
0x54e: {  	v10 =	vld [tilespmem:s30+$0xCF00];
	[tilespmem:s31+$0xD300] =	vst v5  }
0x54f: {  	v55 =	vld [tilespmem:s30+$0xD100];
	[tilespmem:s31+$0xD500] =	vst v4  }
0x550: {  	v9 =	vld.idx.msk [tilespmem:v9+s19+$0x0], $0xffff  }
0x551: {  	v56 =	vld.idx.msk [tilespmem:v3+s19+$0x0], $0xffff;
	_ =	sdelay $0x2  }
0x552: {  	v57 =	vsub.f32 v5, v0  }
0x553: {  	v58 =	vsub.f32 v4, v0;
	v59 =	vadd.f32 v9, v55  }
0x554: {  	v1 =	vadd.f32 v8, v1;
	v5 =	vmul.f32 v57, v57;
	v60 =	vsub.f32 v56, v10  }
0x555: {  	v2 =	vadd.f32 v7, v2;
	v0 =	vmul.f32 v58, v58;
	v61 =	vsub.f32 v59, v10  }
0x556: {  	v1 =	vadd.f32 v5, v1;
	v62 =	vmul.f32 v60, v60  }
0x557: {  	v0 =	vadd.f32 v0, v2;
	v63 =	vmul.f32 v61, v61  }
0x558: {  	[tilespmem:s30+$0xD300] =	vst v56;
	v1 =	vadd.f32 v62, v1  }
0x559: {  	[tilespmem:s30+$0xD500] =	vst v59;
	v0 =	vadd.f32 v63, v0  }
0x55a: {  	[tilespmem:$0xD700] =	vst v1  }
0x55b: {  	[tilespmem:$0xD710] =	vst v0  }
0x55c: {  	[hbm4b:s11+s2] =	stream.linear.scatter [tilespmem:s25], [sflag:$0x3], $0x200, $0x38;
	[tilespmem:$0xD780] =	vst v63  }
0x55d: {  	_ =	swait.ge [sflag:s18], $0x200  }
0x55e: {  	[sflag:s18] =	ssyncset.done $0x0  }
0x55f: {  	[sflag:s18] =	ssyncadd.s32 $0xFFFFFE00  }
0x560: {  	[hbm4b:s12+s2] =	stream.linear.scatter [tilespmem:s26], [sflag:$0x3], $0x200, $0x38;
	[tilespmem:$0xD780] =	vst v63  }
0x561: {  	s29 =	sadd.s32 $0x1, s29;
	_ =	swait.ge [sflag:s18], $0x200  }
0x562: {  	p0 =	sne.s32 s29, s14;
	[sflag:s18] =	ssyncset.done $0x0  }
.Ltmp33:
0x563: {  	[sflag:s18] =	ssyncadd.s32 $0xFFFFFE00;
	(pc) =	sbr.rel @p0 .LBB2_1-.Ltmp33, $4  }
0x564: {  	[hbm4b:s13+s2] =	stream.linear.scatter [tilespmem:s28], [sflag:$0x3], $0x20, $0x38;
	[tilespmem:$0xD780] =	vst v63  }
0x565: {  	_ =	swait.ge [sflag:s18], $0x20  }
0x566: {  	[sflag:s18] =	ssyncset.done $0x0  }
0x567: {  	[sflag:s18] =	ssyncadd.s32 $0xFFFFFFE0  }
0x568: {  	_ =	sfence.sel $0x180000  }
0x569: {  	[bflag:$0x0] =	sbarrier.arrive $0xFFFF  }
0x56a: {  	_ =	strace $0x90000047  }
0x56b: {  	s0 =	stileid.u32;
	[bflag:$0x2] =	sbarrier.arrive $0xFFFF  }
0x56c: {  	p0 =	sne.s32 s0, $0x0;
	s0 =	rddreg [dreg:$0x6]  }
0x56d: {  	s0 =	sadd.s32 @!p0 $0x100000, s0  }
0x56e: {  	[sflag:s0] =	ssyncadd.tile.s32 @!p0 $0x1;
	_ =	shalt  }
.Lfunc_end2:
_tile_overlayer_lowered:
.L_overlay_start_2:
0x56f: {  	(tag) =	ssettag $0x2  }
0x570: {  	s0 =	rddreg [dreg:$0x0];
	s2 =	stileid.u32  }
0x571: {  	s1 =	rddreg [dreg:$0x1];
	p0 =	sne.s32 s2, $0x0  }
0x572: {  	s3 =	rddreg [dreg:$0x2];
	[bflag:$0x3] =	sbarrier.arrive $0xFFFF;
	s2 =	simm.s32 @!p0 $0x1C03  }
0x573: {  	[timem:s3], [sflag:s2] =	dma.local @!p0 [hbm:s0], s1  }
0x574: {  	s0 =	simm.s32 @!p0 $0x3  }
0x575: {  	_ =	swait.ge @!p0 [sflag:s0], s1  }
0x576: {  	s1 =	ssub.s32 @!p0 $0x0, s1;
	[sflag:s0] =	ssyncset.done @!p0 $0x0  }
0x577: {  	[sflag:s0] =	ssyncadd.s32 @!p0 s1  }
0x578: {  	[bflag:$0x3] =	sbarrier.arrive $0xFFFF  }
0x579: {  	_ =	shalt  }

</sc_bundles>
